<compile_context>
chip_gen: v7x
topology: tpu7x:2x2x1
jax: 0.10.2.dev20260603
libtpu: 0.0.44.dev20260713+nightly
codegen_flags: <defaults>
</compile_context>

<pallas_src>
import functools

import jax
import jax.numpy as jnp
from jax import lax
from jax.experimental import pallas as pl
from jax.experimental.pallas import tpu as pltpu
from jax.experimental.pallas import tpu_sc as plsc

P = 7
PQ = P * P
SS = 1.0 / 16.0
H = 50
W = 50
C = 256
NROI = 1000

_info = plsc.get_sparse_core_info()
_NC, _NS = _info.num_cores, _info.num_subcores
NW = _NC * _NS
ROIS_PER_W = (NROI + NW - 1) // NW


def _coords(s, y1v, x1v, bh, bw):
    p = lax.shift_right_logical(s * 9363, 16)
    q = s - p * P
    cy = y1v + (p.astype(jnp.float32) + 0.5) * bh
    cx = x1v + (q.astype(jnp.float32) + 0.5) * bw
    cy = jnp.clip(cy, 0.0, H - 1.0)
    cx = jnp.clip(cx, 0.0, W - 1.0)
    y0 = cy.astype(jnp.int32)
    x0 = cx.astype(jnp.int32)
    wy = cy - y0.astype(jnp.float32)
    wx = cx - x0.astype(jnp.float32)
    yb = jnp.minimum(y0 + 1, H - 1)
    xb = jnp.minimum(x0 + 1, W - 1)
    return y0, x0, yb, xb, wy, wx


def _roi_body(xf_hbm, rois_hbm, out_hbm, rois_v, idx_lo, idx_hi, buf_lo,
              buf_hi, wy_nx, wx_nx, wy_cu, wx_cu, out_v, sem_lo, sem_hi):
    wid = lax.axis_index("s") * _NC + lax.axis_index("c")
    base = wid * ROIS_PER_W
    pltpu.sync_copy(rois_hbm.at[pl.ds(base * 16, ROIS_PER_W * 16)], rois_v)
    iota = lax.iota(jnp.int32, 16)

    def roi_params(i):
        ri = jnp.minimum(i, ROIS_PER_W - 1)
        rr = jnp.minimum(base + ri, NROI - 1) - base
        roi = rois_v[pl.ds(rr * 16, 16)]
        y1v = jnp.full((16,), roi[0]) * SS
        x1v = jnp.full((16,), roi[1]) * SS
        y2v = jnp.full((16,), roi[2]) * SS
        x2v = jnp.full((16,), roi[3]) * SS
        bh = (y2v - y1v) * (1.0 / P)
        bw = (x2v - x1v) * (1.0 / P)
        return y1v, x1v, bh, bw

    def build_lo(i):
        y1v, x1v, bh, bw = roi_params(i)
        for grp in range(4):
            s = iota + grp * 16
            y0, x0, yb, xb, wy, wx = _coords(s, y1v, x1v, bh, bw)
            idx_lo[pl.ds(grp * 16, 16)] = y0 * W + x0
            idx_lo[pl.ds(64 + grp * 16, 16)] = y0 * W + xb
            wy_nx[pl.ds(grp * 16, 16)] = wy
            wx_nx[pl.ds(grp * 16, 16)] = wx
        pltpu.async_copy(xf_hbm.at[idx_lo], buf_lo, sem_lo)

    def build_hi(i):
        y1v, x1v, bh, bw = roi_params(i)
        for grp in range(4):
            s = iota + grp * 16
            y0, x0, yb, xb, wy, wx = _coords(s, y1v, x1v, bh, bw)
            idx_hi[pl.ds(grp * 16, 16)] = yb * W + x0
            idx_hi[pl.ds(64 + grp * 16, 16)] = yb * W + xb
        pltpu.async_copy(xf_hbm.at[idx_hi], buf_hi, sem_hi)

    def wait_lo():
        pltpu.make_async_copy(xf_hbm.at[idx_lo], buf_lo, sem_lo).wait()

    def wait_hi():
        pltpu.make_async_copy(xf_hbm.at[idx_hi], buf_hi, sem_hi).wait()

    build_lo(0)
    build_hi(0)

    def roi_step(i, carry):
        for grp in range(4):
            wy_cu[pl.ds(grp * 16, 16)] = wy_nx[pl.ds(grp * 16, 16)]
            wx_cu[pl.ds(grp * 16, 16)] = wx_nx[pl.ds(grp * 16, 16)]

        wait_lo()

        @plsc.parallel_loop(0, PQ, unroll=2)
        def pass1(pq):
            wxv = jnp.full((16,), wx_cu[pl.ds(pq, 16)][0])
            for g in range(C // 16):
                g00 = buf_lo[pq, pl.ds(g * 16, 16)]
                g01 = buf_lo[pq + 64, pl.ds(g * 16, 16)]
                out_v[pl.ds(pq * C + g * 16, 16)] = g00 + wxv * (g01 - g00)
        build_lo(i + 1)
        wait_hi()

        @plsc.parallel_loop(0, PQ, unroll=2)
        def pass2(pq):
            wxv = jnp.full((16,), wx_cu[pl.ds(pq, 16)][0])
            wyv = jnp.full((16,), wy_cu[pl.ds(pq, 16)][0])
            for g in range(C // 16):
                g10 = buf_hi[pq, pl.ds(g * 16, 16)]
                g11 = buf_hi[pq + 64, pl.ds(g * 16, 16)]
                a1 = g10 + wxv * (g11 - g10)
                a0 = out_v[pl.ds(pq * C + g * 16, 16)]
                out_v[pl.ds(pq * C + g * 16, 16)] = a0 + wyv * (a1 - a0)
        build_hi(i + 1)
        r = jnp.minimum(base + i, NROI - 1)
        pltpu.sync_copy(out_v, out_hbm.at[r])
        return carry

    lax.fori_loop(0, ROIS_PER_W, roi_step, 0)
    wait_lo()
    wait_hi()


@functools.partial(
    pl.kernel,
    out_type=jax.ShapeDtypeStruct((NROI, PQ * C), jnp.float32),
    mesh=plsc.VectorSubcoreMesh(core_axis_name="c", subcore_axis_name="s"),
    scratch_types=[
        pltpu.VMEM((16 * ROIS_PER_W,), jnp.float32),
        pltpu.VMEM((128,), jnp.int32),
        pltpu.VMEM((128,), jnp.int32),
        pltpu.VMEM((128, C), jnp.float32),
        pltpu.VMEM((128, C), jnp.float32),
        pltpu.VMEM((64,), jnp.float32),
        pltpu.VMEM((64,), jnp.float32),
        pltpu.VMEM((64,), jnp.float32),
        pltpu.VMEM((64,), jnp.float32),
        pltpu.VMEM((PQ * C,), jnp.float32),
        pltpu.SemaphoreType.DMA,
        pltpu.SemaphoreType.DMA,
    ],
)
def _roi_pool_sc(xf_hbm, rois_hbm, out_hbm, *rest):
    _roi_body(xf_hbm, rois_hbm, out_hbm, *rest)


TR_BLK = 40
TR_CB = 128


def _tr_body(in_ref, out_ref):
    t = jnp.swapaxes(in_ref[...], 1, 2)
    out_ref[...] = t.reshape(TR_BLK, TR_CB * PQ)


_transpose_tc = pl.pallas_call(
    _tr_body,
    grid=(NROI // TR_BLK, C // TR_CB),
    in_specs=[pl.BlockSpec((TR_BLK, PQ, TR_CB), lambda i, j: (i, 0, j))],
    out_specs=pl.BlockSpec((TR_BLK, TR_CB * PQ), lambda i, j: (i, j)),
    out_shape=jax.ShapeDtypeStruct((NROI, C * PQ), jnp.float32),
)


def kernel(x, rois, roi_indices):
    b, c, h, w = x.shape
    xf = jnp.transpose(x, (0, 2, 3, 1)).reshape(b * h * w, c)
    rois16 = jnp.pad(rois.astype(jnp.float32), ((0, NW * ROIS_PER_W - NROI),
                                                (0, 12))).reshape(-1)
    pooled = _roi_pool_sc(xf, rois16)
    return _transpose_tc(pooled.reshape(NROI, PQ, C))

# --- scband reference (transcript-rebuilt; emitter-appended) ---
"""Pipeline reference for scband-roi-61564061221098 (READ-ONLY COPY).

The authoritative reference and input builder live on the scoring server;
editing this copy changes nothing except your own understanding.
"""

import jax, jax.numpy as jnp
import numpy as np

OUTPUT_SIZE = 7
SPATIAL_SCALE = 1.0 / 16.0


def setup_inputs(seed: int = 0):
    key = jax.random.key(seed)
    k1, k2, k3, k4, k5 = jax.random.split(key, 5)
    B, C, H, W = 1, 256, 50, 50
    N = 1000
    x = jax.random.normal(k1, (B, C, H, W), dtype=jnp.float32)
    # rois in (y1, x1, y2, x2) image coordinates (image size 800x800, stride 16)
    y1 = jax.random.uniform(k2, (N,), minval=0.0, maxval=700.0)
    x1 = jax.random.uniform(k3, (N,), minval=0.0, maxval=700.0)
    h = jax.random.uniform(k4, (N,), minval=32.0, maxval=100.0)
    w = jax.random.uniform(k5, (N,), minval=32.0, maxval=100.0)
    y2 = jnp.clip(y1 + h, 0.0, 799.0)
    x2 = jnp.clip(x1 + w, 0.0, 799.0)
    rois = jnp.stack([y1, x1, y2, x2], axis=1).astype(jnp.float32)
    roi_indices = jnp.zeros((N,), dtype=jnp.int32)  # single image in batch
    return {"x": x, "rois": rois, "roi_indices": roi_indices}


def _roi_pool(x, indices_and_rois):
    # indices_and_rois: [N, 5] = (batch_idx, x1, y1, x2, y2) in image coords
    B, C, H, W = x.shape
    N = indices_and_rois.shape[0]
    P = OUTPUT_SIZE
    b = indices_and_rois[:, 0].astype(jnp.int32)
    x1 = indices_and_rois[:, 1] * SPATIAL_SCALE
    y1 = indices_and_rois[:, 2] * SPATIAL_SCALE
    x2 = indices_and_rois[:, 3] * SPATIAL_SCALE
    y2 = indices_and_rois[:, 4] * SPATIAL_SCALE
    bw = (x2 - x1) / P
    bh = (y2 - y1) / P
    j = jnp.arange(P, dtype=jnp.float32)
    cx = x1[:, None] + (j[None, :] + 0.5) * bw[:, None]  # [N, P]
    cy = y1[:, None] + (j[None, :] + 0.5) * bh[:, None]  # [N, P]
    cyg = jnp.broadcast_to(cy[:, :, None], (N, P, P)).reshape(N, P * P)
    cxg = jnp.broadcast_to(cx[:, None, :], (N, P, P)).reshape(N, P * P)
    cyg = jnp.clip(cyg, 0.0, H - 1.0)
    cxg = jnp.clip(cxg, 0.0, W - 1.0)
    y0f = jnp.floor(cyg)
    x0f = jnp.floor(cxg)
    y0 = jnp.clip(y0f.astype(jnp.int32), 0, H - 1)
    x0 = jnp.clip(x0f.astype(jnp.int32), 0, W - 1)
    y1i = jnp.clip(y0 + 1, 0, H - 1)
    x1i = jnp.clip(x0 + 1, 0, W - 1)
    wy = (cyg - y0f)[:, :, None]
    wx = (cxg - x0f)[:, :, None]
    xf = jnp.transpose(x, (0, 2, 3, 1)).reshape(B * H * W, C)

    def gather(yi, xi):
        flat = (b[:, None] * H + yi) * W + xi  # [N, P*P]
        return jnp.take(xf, flat.reshape(-1), axis=0).reshape(N, P * P, C)

    g00 = gather(y0, x0)
    g01 = gather(y0, x1i)
    g10 = gather(y1i, x0)
    g11 = gather(y1i, x1i)
    v = ((1.0 - wy) * (1.0 - wx) * g00 + (1.0 - wy) * wx * g01
         + wy * (1.0 - wx) * g10 + wy * wx * g11)  # [N, P*P, C]
    pool = jnp.transpose(v, (0, 2, 1)).reshape(N, C * P * P)  # matches [N, C, 7, 7].view(N, -1)
    return pool


def reference(x, rois, roi_indices):
    roi_indices_f = roi_indices.astype(jnp.float32)
    rois_f = rois.astype(jnp.float32)
    indices_and_rois = jnp.concatenate([roi_indices_f[:, None], rois_f], axis=1)
    xy_indices_and_rois = indices_and_rois[:, jnp.array([0, 2, 1, 4, 3])]
    pool = _roi_pool(x, xy_indices_and_rois)
    return pool

if __name__ == "__main__":
    import jax
    _d = setup_inputs()
    print(jax.jit(kernel)(*tuple(_d.values())))

</pallas_src>

<mosaic_0001>
#map = affine_map<(d0, d1) -> (0, 0)>
#map1 = affine_map<(d0, d1) -> (0)>
module attributes {stable_mosaic.version = 14 : i64} {
  func.func @_roi_pool_sc(%arg0: i32, %arg1: i32, %arg2: memref<2500x256xf32, #tpu.memory_space<hbm>>, %arg3: memref<16384xf32, #tpu.memory_space<hbm>>, %arg4: memref<1000x12544xf32, #tpu.memory_space<hbm>>, %arg5: memref<512xf32, #tpu.memory_space<vmem>>, %arg6: memref<128xi32, #tpu.memory_space<vmem>>, %arg7: memref<128xi32, #tpu.memory_space<vmem>>, %arg8: memref<128x256xf32, #tpu.memory_space<vmem>>, %arg9: memref<128x256xf32, #tpu.memory_space<vmem>>, %arg10: memref<64xf32, #tpu.memory_space<vmem>>, %arg11: memref<64xf32, #tpu.memory_space<vmem>>, %arg12: memref<64xf32, #tpu.memory_space<vmem>>, %arg13: memref<64xf32, #tpu.memory_space<vmem>>, %arg14: memref<12544xf32, #tpu.memory_space<vmem>>, %arg15: memref<!tpu.dma_semaphore, #tpu.memory_space<semaphore_mem>>, %arg16: memref<!tpu.dma_semaphore, #tpu.memory_space<semaphore_mem>>) attributes {dimension_semantics = [#tpu.dimension_semantics<core_parallel>, #tpu.dimension_semantics<subcore_parallel>], iteration_bounds = array<i64: 2, 16>, scalar_prefetch = 0 : i64, scratch_operands = 12 : i64, tpu.core_type = #tpu.core_type<sc_vector_subcore>, window_params = [{transform_indices = #map}, {transform_indices = #map1}, {transform_indices = #map}]} {
    %mul3A = arith.constant 2 : i32
    %mul3A_0 = arith.muli %arg1, %mul3A : i32
    %add3A = arith.addi %mul3A_0, %arg0 : i32
    %mul3A_1 = arith.constant 32 : i32
    %mul3A_2 = arith.muli %add3A, %mul3A_1 : i32
    %mul3A_3 = arith.constant 16 : i32
    %mul3A_4 = arith.muli %mul3A_2, %mul3A_3 : i32
    "tpu.region"() ({
      %run_scoped3A = tpu.sem_alloc : memref<!tpu.dma_semaphore, #tpu.memory_space<semaphore_mem>>
      %dma_start3A_697 = tpu.memref_slice %arg3[%mul3A_4] : memref<16384xf32, #tpu.memory_space<hbm>> -> memref<512xf32, #tpu.memory_space<hbm>>
      %dma_start3A_698 = tpu.memref_slice %arg3[%mul3A_4] : memref<16384xf32, #tpu.memory_space<hbm>> -> memref<512xf32, #tpu.memory_space<hbm>>
      tpu.enqueue_dma source(%dma_start3A_698 : memref<512xf32, #tpu.memory_space<hbm>>) target(%arg5 : memref<512xf32, #tpu.memory_space<vmem>>) target_semaphore(%run_scoped3A : memref<!tpu.dma_semaphore, #tpu.memory_space<semaphore_mem>>)
      %dma_wait3A_699 = tpu.memref_slice %arg3[%mul3A_4] : memref<16384xf32, #tpu.memory_space<hbm>> -> memref<512xf32, #tpu.memory_space<hbm>>
      %dma_wait3A_700 = tpu.memref_slice %arg3[%mul3A_4] : memref<16384xf32, #tpu.memory_space<hbm>> -> memref<512xf32, #tpu.memory_space<hbm>>
      tpu.wait_dma2 semaphore(%run_scoped3A : memref<!tpu.dma_semaphore, #tpu.memory_space<semaphore_mem>>) src(%dma_wait3A_700 : memref<512xf32, #tpu.memory_space<hbm>>) dst(%arg5 : memref<512xf32, #tpu.memory_space<vmem>>)
      tpu.yield
    }) : () -> ()
    %iota3A = tpu.iota {dimensions = array<i32: 0>} : vector<16xi32>
    %min3A = arith.constant 0 : i32
    %min3A_5 = arith.constant 31 : i32
    %min3A_6 = arith.minsi %min3A, %min3A_5 : i32
    %add3A_7 = arith.addi %mul3A_2, %min3A_6 : i32
    %min3A_8 = arith.constant 999 : i32
    %min3A_9 = arith.minsi %add3A_7, %min3A_8 : i32
    %sub3A = arith.subi %min3A_9, %mul3A_2 : i32
    %mul3A_10 = arith.constant 16 : i32
    %mul3A_11 = arith.muli %sub3A, %mul3A_10 : i32
    %get3A = arith.index_cast %mul3A_11 : i32 to index
    %get3A_12 = tpu.vector_load %arg5[%get3A] {strides = array<i32>} : memref<512xf32, #tpu.memory_space<vmem>>, vector<16xf32>,
    %get3A_13 = vector.shape_cast %get3A_12 : vector<16xf32> to vector<16xf32>
    %slice3A = vector.extract_strided_slice %get3A_13 {offsets = [0], sizes = [1], strides = [1]} : vector<16xf32> to vector<1xf32>
    %squeeze3A = vector.extract %slice3A[0] : f32 from vector<1xf32>
    %broadcast_in_dim3A = vector.broadcast %squeeze3A : f32 to vector<16xf32>
    %mul3A_14 = arith.constant 6.250000e-02 : f32
    %mul3A_15 = vector.broadcast %mul3A_14 : f32 to vector<16xf32>
    %mul3A_16 = arith.mulf %broadcast_in_dim3A, %mul3A_15 : vector<16xf32>
    %slice3A_17 = vector.extract_strided_slice %get3A_13 {offsets = [1], sizes = [1], strides = [1]} : vector<16xf32> to vector<1xf32>
    %squeeze3A_18 = vector.extract %slice3A_17[0] : f32 from vector<1xf32>
    %broadcast_in_dim3A_19 = vector.broadcast %squeeze3A_18 : f32 to vector<16xf32>
    %mul3A_20 = arith.constant 6.250000e-02 : f32
    %mul3A_21 = vector.broadcast %mul3A_20 : f32 to vector<16xf32>
    %mul3A_22 = arith.mulf %broadcast_in_dim3A_19, %mul3A_21 : vector<16xf32>
    %slice3A_23 = vector.extract_strided_slice %get3A_13 {offsets = [2], sizes = [1], strides = [1]} : vector<16xf32> to vector<1xf32>
    %squeeze3A_24 = vector.extract %slice3A_23[0] : f32 from vector<1xf32>
    %broadcast_in_dim3A_25 = vector.broadcast %squeeze3A_24 : f32 to vector<16xf32>
    %mul3A_26 = arith.constant 6.250000e-02 : f32
    %mul3A_27 = vector.broadcast %mul3A_26 : f32 to vector<16xf32>
    %mul3A_28 = arith.mulf %broadcast_in_dim3A_25, %mul3A_27 : vector<16xf32>
    %slice3A_29 = vector.extract_strided_slice %get3A_13 {offsets = [3], sizes = [1], strides = [1]} : vector<16xf32> to vector<1xf32>
    %squeeze3A_30 = vector.extract %slice3A_29[0] : f32 from vector<1xf32>
    %broadcast_in_dim3A_31 = vector.broadcast %squeeze3A_30 : f32 to vector<16xf32>
    %mul3A_32 = arith.constant 6.250000e-02 : f32
    %mul3A_33 = vector.broadcast %mul3A_32 : f32 to vector<16xf32>
    %mul3A_34 = arith.mulf %broadcast_in_dim3A_31, %mul3A_33 : vector<16xf32>
    %sub3A_35 = arith.subf %mul3A_28, %mul3A_16 : vector<16xf32>
    %mul3A_36 = arith.constant 0.142857149 : f32
    %mul3A_37 = vector.broadcast %mul3A_36 : f32 to vector<16xf32>
    %mul3A_38 = arith.mulf %sub3A_35, %mul3A_37 : vector<16xf32>
    %sub3A_39 = arith.subf %mul3A_34, %mul3A_22 : vector<16xf32>
    %mul3A_40 = arith.constant 0.142857149 : f32
    %mul3A_41 = vector.broadcast %mul3A_40 : f32 to vector<16xf32>
    %mul3A_42 = arith.mulf %sub3A_39, %mul3A_41 : vector<16xf32>
    %add3A_43 = arith.constant 0 : i32
    %add3A_44 = vector.broadcast %add3A_43 : i32 to vector<16xi32>
    %add3A_45 = arith.addi %iota3A, %add3A_44 : vector<16xi32>
    %mul3A_46 = arith.constant 9363 : i32
    %mul3A_47 = vector.broadcast %mul3A_46 : i32 to vector<16xi32>
    %mul3A_48 = arith.muli %add3A_45, %mul3A_47 : vector<16xi32>
    %shift_right_logical3A = arith.constant 16 : i32
    %shift_right_logical3A_49 = vector.broadcast %shift_right_logical3A : i32 to vector<16xi32>
    %shift_right_logical3A_50 = arith.shrui %mul3A_48, %shift_right_logical3A_49 : vector<16xi32>
    %mul3A_51 = arith.constant 7 : i32
    %mul3A_52 = vector.broadcast %mul3A_51 : i32 to vector<16xi32>
    %mul3A_53 = arith.muli %shift_right_logical3A_50, %mul3A_52 : vector<16xi32>
    %sub3A_54 = arith.subi %add3A_45, %mul3A_53 : vector<16xi32>
    %convert_element_type3A = arith.sitofp %shift_right_logical3A_50 : vector<16xi32> to vector<16xf32>
    %add3A_55 = arith.constant 5.000000e-01 : f32
    %add3A_56 = vector.broadcast %add3A_55 : f32 to vector<16xf32>
    %add3A_57 = arith.addf %convert_element_type3A, %add3A_56 : vector<16xf32>
    %mul3A_58 = arith.mulf %add3A_57, %mul3A_38 : vector<16xf32>
    %add3A_59 = arith.addf %mul3A_16, %mul3A_58 : vector<16xf32>
    %convert_element_type3A_60 = arith.sitofp %sub3A_54 : vector<16xi32> to vector<16xf32>
    %add3A_61 = arith.constant 5.000000e-01 : f32
    %add3A_62 = vector.broadcast %add3A_61 : f32 to vector<16xf32>
    %add3A_63 = arith.addf %convert_element_type3A_60, %add3A_62 : vector<16xf32>
    %mul3A_64 = arith.mulf %add3A_63, %mul3A_42 : vector<16xf32>
    %add3A_65 = arith.addf %mul3A_22, %mul3A_64 : vector<16xf32>
    %jit3A = arith.constant 0.000000e+00 : f32
    %jit3A_66 = arith.constant 4.900000e+01 : f32
    %max3A = vector.broadcast %jit3A : f32 to vector<16xf32>
    %max3A_67 = arith.maximumf %max3A, %add3A_59 : vector<16xf32>
    %min3A_68 = vector.broadcast %jit3A_66 : f32 to vector<16xf32>
    %min3A_69 = arith.minimumf %min3A_68, %max3A_67 : vector<16xf32>
    %jit3A_70 = arith.constant 0.000000e+00 : f32
    %jit3A_71 = arith.constant 4.900000e+01 : f32
    %max3A_72 = vector.broadcast %jit3A_70 : f32 to vector<16xf32>
    %max3A_73 = arith.maximumf %max3A_72, %add3A_65 : vector<16xf32>
    %min3A_74 = vector.broadcast %jit3A_71 : f32 to vector<16xf32>
    %min3A_75 = arith.minimumf %min3A_74, %max3A_73 : vector<16xf32>
    %convert_element_type3A_76 = arith.fptosi %min3A_69 : vector<16xf32> to vector<16xi32>
    %convert_element_type3A_77 = arith.fptosi %min3A_75 : vector<16xf32> to vector<16xi32>
    %convert_element_type3A_78 = arith.sitofp %convert_element_type3A_76 : vector<16xi32> to vector<16xf32>
    %sub3A_79 = arith.subf %min3A_69, %convert_element_type3A_78 : vector<16xf32>
    %convert_element_type3A_80 = arith.sitofp %convert_element_type3A_77 : vector<16xi32> to vector<16xf32>
    %sub3A_81 = arith.subf %min3A_75, %convert_element_type3A_80 : vector<16xf32>
    %add3A_82 = arith.constant 1 : i32
    %add3A_83 = vector.broadcast %add3A_82 : i32 to vector<16xi32>
    %add3A_84 = arith.addi %convert_element_type3A_76, %add3A_83 : vector<16xi32>
    %min3A_85 = arith.constant 49 : i32
    %min3A_86 = vector.broadcast %min3A_85 : i32 to vector<16xi32>
    %min3A_87 = arith.minsi %add3A_84, %min3A_86 : vector<16xi32>
    %add3A_88 = arith.constant 1 : i32
    %add3A_89 = vector.broadcast %add3A_88 : i32 to vector<16xi32>
    %add3A_90 = arith.addi %convert_element_type3A_77, %add3A_89 : vector<16xi32>
    %min3A_91 = arith.constant 49 : i32
    %min3A_92 = vector.broadcast %min3A_91 : i32 to vector<16xi32>
    %min3A_93 = arith.minsi %add3A_90, %min3A_92 : vector<16xi32>
    %mul3A_94 = arith.constant 50 : i32
    %mul3A_95 = vector.broadcast %mul3A_94 : i32 to vector<16xi32>
    %mul3A_96 = arith.muli %convert_element_type3A_76, %mul3A_95 : vector<16xi32>
    %add3A_97 = arith.addi %mul3A_96, %convert_element_type3A_77 : vector<16xi32>
    %swap3A = arith.constant 0 : index
    %swap3A_98 = tpu.vector_load %arg6[%swap3A] {strides = array<i32>} : memref<128xi32, #tpu.memory_space<vmem>>, vector<16xi32>,
    %swap3A_99 = vector.shape_cast %swap3A_98 : vector<16xi32> to vector<16xi32>
    %swap3A_100 = vector.shape_cast %add3A_97 : vector<16xi32> to vector<16xi32>
    tpu.vector_store %arg6[%swap3A], %swap3A_100 {strides = array<i32>} : memref<128xi32, #tpu.memory_space<vmem>>, vector<16xi32>,
    %mul3A_101 = arith.constant 50 : i32
    %mul3A_102 = vector.broadcast %mul3A_101 : i32 to vector<16xi32>
    %mul3A_103 = arith.muli %convert_element_type3A_76, %mul3A_102 : vector<16xi32>
    %add3A_104 = arith.addi %mul3A_103, %min3A_93 : vector<16xi32>
    %swap3A_105 = arith.constant 64 : index
    %swap3A_106 = tpu.vector_load %arg6[%swap3A_105] {strides = array<i32>} : memref<128xi32, #tpu.memory_space<vmem>>, vector<16xi32>,
    %swap3A_107 = vector.shape_cast %swap3A_106 : vector<16xi32> to vector<16xi32>
    %swap3A_108 = vector.shape_cast %add3A_104 : vector<16xi32> to vector<16xi32>
    tpu.vector_store %arg6[%swap3A_105], %swap3A_108 {strides = array<i32>} : memref<128xi32, #tpu.memory_space<vmem>>, vector<16xi32>,
    %swap3A_109 = arith.constant 0 : index
    %swap3A_110 = tpu.vector_load %arg10[%swap3A_109] {strides = array<i32>} : memref<64xf32, #tpu.memory_space<vmem>>, vector<16xf32>,
    %swap3A_111 = vector.shape_cast %swap3A_110 : vector<16xf32> to vector<16xf32>
    %swap3A_112 = vector.shape_cast %sub3A_79 : vector<16xf32> to vector<16xf32>
    tpu.vector_store %arg10[%swap3A_109], %swap3A_112 {strides = array<i32>} : memref<64xf32, #tpu.memory_space<vmem>>, vector<16xf32>,
    %swap3A_113 = arith.constant 0 : index
    %swap3A_114 = tpu.vector_load %arg11[%swap3A_113] {strides = array<i32>} : memref<64xf32, #tpu.memory_space<vmem>>, vector<16xf32>,
    %swap3A_115 = vector.shape_cast %swap3A_114 : vector<16xf32> to vector<16xf32>
    %swap3A_116 = vector.shape_cast %sub3A_81 : vector<16xf32> to vector<16xf32>
    tpu.vector_store %arg11[%swap3A_113], %swap3A_116 {strides = array<i32>} : memref<64xf32, #tpu.memory_space<vmem>>, vector<16xf32>,
    %add3A_117 = arith.constant 16 : i32
    %add3A_118 = vector.broadcast %add3A_117 : i32 to vector<16xi32>
    %add3A_119 = arith.addi %iota3A, %add3A_118 : vector<16xi32>
    %mul3A_120 = arith.constant 9363 : i32
    %mul3A_121 = vector.broadcast %mul3A_120 : i32 to vector<16xi32>
    %mul3A_122 = arith.muli %add3A_119, %mul3A_121 : vector<16xi32>
    %shift_right_logical3A_123 = arith.constant 16 : i32
    %shift_right_logical3A_124 = vector.broadcast %shift_right_logical3A_123 : i32 to vector<16xi32>
    %shift_right_logical3A_125 = arith.shrui %mul3A_122, %shift_right_logical3A_124 : vector<16xi32>
    %mul3A_126 = arith.constant 7 : i32
    %mul3A_127 = vector.broadcast %mul3A_126 : i32 to vector<16xi32>
    %mul3A_128 = arith.muli %shift_right_logical3A_125, %mul3A_127 : vector<16xi32>
    %sub3A_129 = arith.subi %add3A_119, %mul3A_128 : vector<16xi32>
    %convert_element_type3A_130 = arith.sitofp %shift_right_logical3A_125 : vector<16xi32> to vector<16xf32>
    %add3A_131 = arith.constant 5.000000e-01 : f32
    %add3A_132 = vector.broadcast %add3A_131 : f32 to vector<16xf32>
    %add3A_133 = arith.addf %convert_element_type3A_130, %add3A_132 : vector<16xf32>
    %mul3A_134 = arith.mulf %add3A_133, %mul3A_38 : vector<16xf32>
    %add3A_135 = arith.addf %mul3A_16, %mul3A_134 : vector<16xf32>
    %convert_element_type3A_136 = arith.sitofp %sub3A_129 : vector<16xi32> to vector<16xf32>
    %add3A_137 = arith.constant 5.000000e-01 : f32
    %add3A_138 = vector.broadcast %add3A_137 : f32 to vector<16xf32>
    %add3A_139 = arith.addf %convert_element_type3A_136, %add3A_138 : vector<16xf32>
    %mul3A_140 = arith.mulf %add3A_139, %mul3A_42 : vector<16xf32>
    %add3A_141 = arith.addf %mul3A_22, %mul3A_140 : vector<16xf32>
    %jit3A_142 = arith.constant 0.000000e+00 : f32
    %jit3A_143 = arith.constant 4.900000e+01 : f32
    %max3A_144 = vector.broadcast %jit3A_142 : f32 to vector<16xf32>
    %max3A_145 = arith.maximumf %max3A_144, %add3A_135 : vector<16xf32>
    %min3A_146 = vector.broadcast %jit3A_143 : f32 to vector<16xf32>
    %min3A_147 = arith.minimumf %min3A_146, %max3A_145 : vector<16xf32>
    %jit3A_148 = arith.constant 0.000000e+00 : f32
    %jit3A_149 = arith.constant 4.900000e+01 : f32
    %max3A_150 = vector.broadcast %jit3A_148 : f32 to vector<16xf32>
    %max3A_151 = arith.maximumf %max3A_150, %add3A_141 : vector<16xf32>
    %min3A_152 = vector.broadcast %jit3A_149 : f32 to vector<16xf32>
    %min3A_153 = arith.minimumf %min3A_152, %max3A_151 : vector<16xf32>
    %convert_element_type3A_154 = arith.fptosi %min3A_147 : vector<16xf32> to vector<16xi32>
    %convert_element_type3A_155 = arith.fptosi %min3A_153 : vector<16xf32> to vector<16xi32>
    %convert_element_type3A_156 = arith.sitofp %convert_element_type3A_154 : vector<16xi32> to vector<16xf32>
    %sub3A_157 = arith.subf %min3A_147, %convert_element_type3A_156 : vector<16xf32>
    %convert_element_type3A_158 = arith.sitofp %convert_element_type3A_155 : vector<16xi32> to vector<16xf32>
    %sub3A_159 = arith.subf %min3A_153, %convert_element_type3A_158 : vector<16xf32>
    %add3A_160 = arith.constant 1 : i32
    %add3A_161 = vector.broadcast %add3A_160 : i32 to vector<16xi32>
    %add3A_162 = arith.addi %convert_element_type3A_154, %add3A_161 : vector<16xi32>
    %min3A_163 = arith.constant 49 : i32
    %min3A_164 = vector.broadcast %min3A_163 : i32 to vector<16xi32>
    %min3A_165 = arith.minsi %add3A_162, %min3A_164 : vector<16xi32>
    %add3A_166 = arith.constant 1 : i32
    %add3A_167 = vector.broadcast %add3A_166 : i32 to vector<16xi32>
    %add3A_168 = arith.addi %convert_element_type3A_155, %add3A_167 : vector<16xi32>
    %min3A_169 = arith.constant 49 : i32
    %min3A_170 = vector.broadcast %min3A_169 : i32 to vector<16xi32>
    %min3A_171 = arith.minsi %add3A_168, %min3A_170 : vector<16xi32>
    %mul3A_172 = arith.constant 50 : i32
    %mul3A_173 = vector.broadcast %mul3A_172 : i32 to vector<16xi32>
    %mul3A_174 = arith.muli %convert_element_type3A_154, %mul3A_173 : vector<16xi32>
    %add3A_175 = arith.addi %mul3A_174, %convert_element_type3A_155 : vector<16xi32>
    %swap3A_176 = arith.constant 16 : index
    %swap3A_177 = tpu.vector_load %arg6[%swap3A_176] {strides = array<i32>} : memref<128xi32, #tpu.memory_space<vmem>>, vector<16xi32>,
    %swap3A_178 = vector.shape_cast %swap3A_177 : vector<16xi32> to vector<16xi32>
    %swap3A_179 = vector.shape_cast %add3A_175 : vector<16xi32> to vector<16xi32>
    tpu.vector_store %arg6[%swap3A_176], %swap3A_179 {strides = array<i32>} : memref<128xi32, #tpu.memory_space<vmem>>, vector<16xi32>,
    %mul3A_180 = arith.constant 50 : i32
    %mul3A_181 = vector.broadcast %mul3A_180 : i32 to vector<16xi32>
    %mul3A_182 = arith.muli %convert_element_type3A_154, %mul3A_181 : vector<16xi32>
    %add3A_183 = arith.addi %mul3A_182, %min3A_171 : vector<16xi32>
    %swap3A_184 = arith.constant 80 : index
    %swap3A_185 = tpu.vector_load %arg6[%swap3A_184] {strides = array<i32>} : memref<128xi32, #tpu.memory_space<vmem>>, vector<16xi32>,
    %swap3A_186 = vector.shape_cast %swap3A_185 : vector<16xi32> to vector<16xi32>
    %swap3A_187 = vector.shape_cast %add3A_183 : vector<16xi32> to vector<16xi32>
    tpu.vector_store %arg6[%swap3A_184], %swap3A_187 {strides = array<i32>} : memref<128xi32, #tpu.memory_space<vmem>>, vector<16xi32>,
    %swap3A_188 = arith.constant 16 : index
    %swap3A_189 = tpu.vector_load %arg10[%swap3A_188] {strides = array<i32>} : memref<64xf32, #tpu.memory_space<vmem>>, vector<16xf32>,
    %swap3A_190 = vector.shape_cast %swap3A_189 : vector<16xf32> to vector<16xf32>
    %swap3A_191 = vector.shape_cast %sub3A_157 : vector<16xf32> to vector<16xf32>
    tpu.vector_store %arg10[%swap3A_188], %swap3A_191 {strides = array<i32>} : memref<64xf32, #tpu.memory_space<vmem>>, vector<16xf32>,
    %swap3A_192 = arith.constant 16 : index
    %swap3A_193 = tpu.vector_load %arg11[%swap3A_192] {strides = array<i32>} : memref<64xf32, #tpu.memory_space<vmem>>, vector<16xf32>,
    %swap3A_194 = vector.shape_cast %swap3A_193 : vector<16xf32> to vector<16xf32>
    %swap3A_195 = vector.shape_cast %sub3A_159 : vector<16xf32> to vector<16xf32>
    tpu.vector_store %arg11[%swap3A_192], %swap3A_195 {strides = array<i32>} : memref<64xf32, #tpu.memory_space<vmem>>, vector<16xf32>,
    %add3A_196 = arith.constant 32 : i32
    %add3A_197 = vector.broadcast %add3A_196 : i32 to vector<16xi32>
    %add3A_198 = arith.addi %iota3A, %add3A_197 : vector<16xi32>
    %mul3A_199 = arith.constant 9363 : i32
    %mul3A_200 = vector.broadcast %mul3A_199 : i32 to vector<16xi32>
    %mul3A_201 = arith.muli %add3A_198, %mul3A_200 : vector<16xi32>
    %shift_right_logical3A_202 = arith.constant 16 : i32
    %shift_right_logical3A_203 = vector.broadcast %shift_right_logical3A_202 : i32 to vector<16xi32>
    %shift_right_logical3A_204 = arith.shrui %mul3A_201, %shift_right_logical3A_203 : vector<16xi32>
    %mul3A_205 = arith.constant 7 : i32
    %mul3A_206 = vector.broadcast %mul3A_205 : i32 to vector<16xi32>
    %mul3A_207 = arith.muli %shift_right_logical3A_204, %mul3A_206 : vector<16xi32>
    %sub3A_208 = arith.subi %add3A_198, %mul3A_207 : vector<16xi32>
    %convert_element_type3A_209 = arith.sitofp %shift_right_logical3A_204 : vector<16xi32> to vector<16xf32>
    %add3A_210 = arith.constant 5.000000e-01 : f32
    %add3A_211 = vector.broadcast %add3A_210 : f32 to vector<16xf32>
    %add3A_212 = arith.addf %convert_element_type3A_209, %add3A_211 : vector<16xf32>
    %mul3A_213 = arith.mulf %add3A_212, %mul3A_38 : vector<16xf32>
    %add3A_214 = arith.addf %mul3A_16, %mul3A_213 : vector<16xf32>
    %convert_element_type3A_215 = arith.sitofp %sub3A_208 : vector<16xi32> to vector<16xf32>
    %add3A_216 = arith.constant 5.000000e-01 : f32
    %add3A_217 = vector.broadcast %add3A_216 : f32 to vector<16xf32>
    %add3A_218 = arith.addf %convert_element_type3A_215, %add3A_217 : vector<16xf32>
    %mul3A_219 = arith.mulf %add3A_218, %mul3A_42 : vector<16xf32>
    %add3A_220 = arith.addf %mul3A_22, %mul3A_219 : vector<16xf32>
    %jit3A_221 = arith.constant 0.000000e+00 : f32
    %jit3A_222 = arith.constant 4.900000e+01 : f32
    %max3A_223 = vector.broadcast %jit3A_221 : f32 to vector<16xf32>
    %max3A_224 = arith.maximumf %max3A_223, %add3A_214 : vector<16xf32>
    %min3A_225 = vector.broadcast %jit3A_222 : f32 to vector<16xf32>
    %min3A_226 = arith.minimumf %min3A_225, %max3A_224 : vector<16xf32>
    %jit3A_227 = arith.constant 0.000000e+00 : f32
    %jit3A_228 = arith.constant 4.900000e+01 : f32
    %max3A_229 = vector.broadcast %jit3A_227 : f32 to vector<16xf32>
    %max3A_230 = arith.maximumf %max3A_229, %add3A_220 : vector<16xf32>
    %min3A_231 = vector.broadcast %jit3A_228 : f32 to vector<16xf32>
    %min3A_232 = arith.minimumf %min3A_231, %max3A_230 : vector<16xf32>
    %convert_element_type3A_233 = arith.fptosi %min3A_226 : vector<16xf32> to vector<16xi32>
    %convert_element_type3A_234 = arith.fptosi %min3A_232 : vector<16xf32> to vector<16xi32>
    %convert_element_type3A_235 = arith.sitofp %convert_element_type3A_233 : vector<16xi32> to vector<16xf32>
    %sub3A_236 = arith.subf %min3A_226, %convert_element_type3A_235 : vector<16xf32>
    %convert_element_type3A_237 = arith.sitofp %convert_element_type3A_234 : vector<16xi32> to vector<16xf32>
    %sub3A_238 = arith.subf %min3A_232, %convert_element_type3A_237 : vector<16xf32>
    %add3A_239 = arith.constant 1 : i32
    %add3A_240 = vector.broadcast %add3A_239 : i32 to vector<16xi32>
    %add3A_241 = arith.addi %convert_element_type3A_233, %add3A_240 : vector<16xi32>
    %min3A_242 = arith.constant 49 : i32
    %min3A_243 = vector.broadcast %min3A_242 : i32 to vector<16xi32>
    %min3A_244 = arith.minsi %add3A_241, %min3A_243 : vector<16xi32>
    %add3A_245 = arith.constant 1 : i32
    %add3A_246 = vector.broadcast %add3A_245 : i32 to vector<16xi32>
    %add3A_247 = arith.addi %convert_element_type3A_234, %add3A_246 : vector<16xi32>
    %min3A_248 = arith.constant 49 : i32
    %min3A_249 = vector.broadcast %min3A_248 : i32 to vector<16xi32>
    %min3A_250 = arith.minsi %add3A_247, %min3A_249 : vector<16xi32>
    %mul3A_251 = arith.constant 50 : i32
    %mul3A_252 = vector.broadcast %mul3A_251 : i32 to vector<16xi32>
    %mul3A_253 = arith.muli %convert_element_type3A_233, %mul3A_252 : vector<16xi32>
    %add3A_254 = arith.addi %mul3A_253, %convert_element_type3A_234 : vector<16xi32>
    %swap3A_255 = arith.constant 32 : index
    %swap3A_256 = tpu.vector_load %arg6[%swap3A_255] {strides = array<i32>} : memref<128xi32, #tpu.memory_space<vmem>>, vector<16xi32>,
    %swap3A_257 = vector.shape_cast %swap3A_256 : vector<16xi32> to vector<16xi32>
    %swap3A_258 = vector.shape_cast %add3A_254 : vector<16xi32> to vector<16xi32>
    tpu.vector_store %arg6[%swap3A_255], %swap3A_258 {strides = array<i32>} : memref<128xi32, #tpu.memory_space<vmem>>, vector<16xi32>,
    %mul3A_259 = arith.constant 50 : i32
    %mul3A_260 = vector.broadcast %mul3A_259 : i32 to vector<16xi32>
    %mul3A_261 = arith.muli %convert_element_type3A_233, %mul3A_260 : vector<16xi32>
    %add3A_262 = arith.addi %mul3A_261, %min3A_250 : vector<16xi32>
    %swap3A_263 = arith.constant 96 : index
    %swap3A_264 = tpu.vector_load %arg6[%swap3A_263] {strides = array<i32>} : memref<128xi32, #tpu.memory_space<vmem>>, vector<16xi32>,
    %swap3A_265 = vector.shape_cast %swap3A_264 : vector<16xi32> to vector<16xi32>
    %swap3A_266 = vector.shape_cast %add3A_262 : vector<16xi32> to vector<16xi32>
    tpu.vector_store %arg6[%swap3A_263], %swap3A_266 {strides = array<i32>} : memref<128xi32, #tpu.memory_space<vmem>>, vector<16xi32>,
    %swap3A_267 = arith.constant 32 : index
    %swap3A_268 = tpu.vector_load %arg10[%swap3A_267] {strides = array<i32>} : memref<64xf32, #tpu.memory_space<vmem>>, vector<16xf32>,
    %swap3A_269 = vector.shape_cast %swap3A_268 : vector<16xf32> to vector<16xf32>
    %swap3A_270 = vector.shape_cast %sub3A_236 : vector<16xf32> to vector<16xf32>
    tpu.vector_store %arg10[%swap3A_267], %swap3A_270 {strides = array<i32>} : memref<64xf32, #tpu.memory_space<vmem>>, vector<16xf32>,
    %swap3A_271 = arith.constant 32 : index
    %swap3A_272 = tpu.vector_load %arg11[%swap3A_271] {strides = array<i32>} : memref<64xf32, #tpu.memory_space<vmem>>, vector<16xf32>,
    %swap3A_273 = vector.shape_cast %swap3A_272 : vector<16xf32> to vector<16xf32>
    %swap3A_274 = vector.shape_cast %sub3A_238 : vector<16xf32> to vector<16xf32>
    tpu.vector_store %arg11[%swap3A_271], %swap3A_274 {strides = array<i32>} : memref<64xf32, #tpu.memory_space<vmem>>, vector<16xf32>,
    %add3A_275 = arith.constant 48 : i32
    %add3A_276 = vector.broadcast %add3A_275 : i32 to vector<16xi32>
    %add3A_277 = arith.addi %iota3A, %add3A_276 : vector<16xi32>
    %mul3A_278 = arith.constant 9363 : i32
    %mul3A_279 = vector.broadcast %mul3A_278 : i32 to vector<16xi32>
    %mul3A_280 = arith.muli %add3A_277, %mul3A_279 : vector<16xi32>
    %shift_right_logical3A_281 = arith.constant 16 : i32
    %shift_right_logical3A_282 = vector.broadcast %shift_right_logical3A_281 : i32 to vector<16xi32>
    %shift_right_logical3A_283 = arith.shrui %mul3A_280, %shift_right_logical3A_282 : vector<16xi32>
    %mul3A_284 = arith.constant 7 : i32
    %mul3A_285 = vector.broadcast %mul3A_284 : i32 to vector<16xi32>
    %mul3A_286 = arith.muli %shift_right_logical3A_283, %mul3A_285 : vector<16xi32>
    %sub3A_287 = arith.subi %add3A_277, %mul3A_286 : vector<16xi32>
    %convert_element_type3A_288 = arith.sitofp %shift_right_logical3A_283 : vector<16xi32> to vector<16xf32>
    %add3A_289 = arith.constant 5.000000e-01 : f32
    %add3A_290 = vector.broadcast %add3A_289 : f32 to vector<16xf32>
    %add3A_291 = arith.addf %convert_element_type3A_288, %add3A_290 : vector<16xf32>
    %mul3A_292 = arith.mulf %add3A_291, %mul3A_38 : vector<16xf32>
    %add3A_293 = arith.addf %mul3A_16, %mul3A_292 : vector<16xf32>
    %convert_element_type3A_294 = arith.sitofp %sub3A_287 : vector<16xi32> to vector<16xf32>
    %add3A_295 = arith.constant 5.000000e-01 : f32
    %add3A_296 = vector.broadcast %add3A_295 : f32 to vector<16xf32>
    %add3A_297 = arith.addf %convert_element_type3A_294, %add3A_296 : vector<16xf32>
    %mul3A_298 = arith.mulf %add3A_297, %mul3A_42 : vector<16xf32>
    %add3A_299 = arith.addf %mul3A_22, %mul3A_298 : vector<16xf32>
    %jit3A_300 = arith.constant 0.000000e+00 : f32
    %jit3A_301 = arith.constant 4.900000e+01 : f32
    %max3A_302 = vector.broadcast %jit3A_300 : f32 to vector<16xf32>
    %max3A_303 = arith.maximumf %max3A_302, %add3A_293 : vector<16xf32>
    %min3A_304 = vector.broadcast %jit3A_301 : f32 to vector<16xf32>
    %min3A_305 = arith.minimumf %min3A_304, %max3A_303 : vector<16xf32>
    %jit3A_306 = arith.constant 0.000000e+00 : f32
    %jit3A_307 = arith.constant 4.900000e+01 : f32
    %max3A_308 = vector.broadcast %jit3A_306 : f32 to vector<16xf32>
    %max3A_309 = arith.maximumf %max3A_308, %add3A_299 : vector<16xf32>
    %min3A_310 = vector.broadcast %jit3A_307 : f32 to vector<16xf32>
    %min3A_311 = arith.minimumf %min3A_310, %max3A_309 : vector<16xf32>
    %convert_element_type3A_312 = arith.fptosi %min3A_305 : vector<16xf32> to vector<16xi32>
    %convert_element_type3A_313 = arith.fptosi %min3A_311 : vector<16xf32> to vector<16xi32>
    %convert_element_type3A_314 = arith.sitofp %convert_element_type3A_312 : vector<16xi32> to vector<16xf32>
    %sub3A_315 = arith.subf %min3A_305, %convert_element_type3A_314 : vector<16xf32>
    %convert_element_type3A_316 = arith.sitofp %convert_element_type3A_313 : vector<16xi32> to vector<16xf32>
    %sub3A_317 = arith.subf %min3A_311, %convert_element_type3A_316 : vector<16xf32>
    %add3A_318 = arith.constant 1 : i32
    %add3A_319 = vector.broadcast %add3A_318 : i32 to vector<16xi32>
    %add3A_320 = arith.addi %convert_element_type3A_312, %add3A_319 : vector<16xi32>
    %min3A_321 = arith.constant 49 : i32
    %min3A_322 = vector.broadcast %min3A_321 : i32 to vector<16xi32>
    %min3A_323 = arith.minsi %add3A_320, %min3A_322 : vector<16xi32>
    %add3A_324 = arith.constant 1 : i32
    %add3A_325 = vector.broadcast %add3A_324 : i32 to vector<16xi32>
    %add3A_326 = arith.addi %convert_element_type3A_313, %add3A_325 : vector<16xi32>
    %min3A_327 = arith.constant 49 : i32
    %min3A_328 = vector.broadcast %min3A_327 : i32 to vector<16xi32>
    %min3A_329 = arith.minsi %add3A_326, %min3A_328 : vector<16xi32>
    %mul3A_330 = arith.constant 50 : i32
    %mul3A_331 = vector.broadcast %mul3A_330 : i32 to vector<16xi32>
    %mul3A_332 = arith.muli %convert_element_type3A_312, %mul3A_331 : vector<16xi32>
    %add3A_333 = arith.addi %mul3A_332, %convert_element_type3A_313 : vector<16xi32>
    %swap3A_334 = arith.constant 48 : index
    %swap3A_335 = tpu.vector_load %arg6[%swap3A_334] {strides = array<i32>} : memref<128xi32, #tpu.memory_space<vmem>>, vector<16xi32>,
    %swap3A_336 = vector.shape_cast %swap3A_335 : vector<16xi32> to vector<16xi32>
    %swap3A_337 = vector.shape_cast %add3A_333 : vector<16xi32> to vector<16xi32>
    tpu.vector_store %arg6[%swap3A_334], %swap3A_337 {strides = array<i32>} : memref<128xi32, #tpu.memory_space<vmem>>, vector<16xi32>,
    %mul3A_338 = arith.constant 50 : i32
    %mul3A_339 = vector.broadcast %mul3A_338 : i32 to vector<16xi32>
    %mul3A_340 = arith.muli %convert_element_type3A_312, %mul3A_339 : vector<16xi32>
    %add3A_341 = arith.addi %mul3A_340, %min3A_329 : vector<16xi32>
    %swap3A_342 = arith.constant 112 : index
    %swap3A_343 = tpu.vector_load %arg6[%swap3A_342] {strides = array<i32>} : memref<128xi32, #tpu.memory_space<vmem>>, vector<16xi32>,
    %swap3A_344 = vector.shape_cast %swap3A_343 : vector<16xi32> to vector<16xi32>
    %swap3A_345 = vector.shape_cast %add3A_341 : vector<16xi32> to vector<16xi32>
    tpu.vector_store %arg6[%swap3A_342], %swap3A_345 {strides = array<i32>} : memref<128xi32, #tpu.memory_space<vmem>>, vector<16xi32>,
    %swap3A_346 = arith.constant 48 : index
    %swap3A_347 = tpu.vector_load %arg10[%swap3A_346] {strides = array<i32>} : memref<64xf32, #tpu.memory_space<vmem>>, vector<16xf32>,
    %swap3A_348 = vector.shape_cast %swap3A_347 : vector<16xf32> to vector<16xf32>
    %swap3A_349 = vector.shape_cast %sub3A_315 : vector<16xf32> to vector<16xf32>
    tpu.vector_store %arg10[%swap3A_346], %swap3A_349 {strides = array<i32>} : memref<64xf32, #tpu.memory_space<vmem>>, vector<16xf32>,
    %swap3A_350 = arith.constant 48 : index
    %swap3A_351 = tpu.vector_load %arg11[%swap3A_350] {strides = array<i32>} : memref<64xf32, #tpu.memory_space<vmem>>, vector<16xf32>,
    %swap3A_352 = vector.shape_cast %swap3A_351 : vector<16xf32> to vector<16xf32>
    %swap3A_353 = vector.shape_cast %sub3A_317 : vector<16xf32> to vector<16xf32>
    tpu.vector_store %arg11[%swap3A_350], %swap3A_353 {strides = array<i32>} : memref<64xf32, #tpu.memory_space<vmem>>, vector<16xf32>,
    %dma_start3A = arith.constant 0 : i32
    %dma_start3A_354 = arith.constant 0 : i32
    %dma_start3A_355 = tpu.memref_slice %arg2[%dma_start3A, %dma_start3A_354] : memref<2500x256xf32, #tpu.memory_space<hbm>> -> memref<2500x256xf32, #tpu.memory_space<hbm>>
    tpu.enqueue_indirect_dma source(%dma_start3A_355 : memref<2500x256xf32, #tpu.memory_space<hbm>>) target(%arg8 : memref<128x256xf32, #tpu.memory_space<vmem>>) offsets(%arg6 : memref<128xi32, #tpu.memory_space<vmem>>) semaphore(%arg15 : memref<!tpu.dma_semaphore, #tpu.memory_space<semaphore_mem>>)
    %min3A_356 = arith.constant 0 : i32
    %min3A_357 = arith.constant 31 : i32
    %min3A_358 = arith.minsi %min3A_356, %min3A_357 : i32
    %add3A_359 = arith.addi %mul3A_2, %min3A_358 : i32
    %min3A_360 = arith.constant 999 : i32
    %min3A_361 = arith.minsi %add3A_359, %min3A_360 : i32
    %sub3A_362 = arith.subi %min3A_361, %mul3A_2 : i32
    %mul3A_363 = arith.constant 16 : i32
    %mul3A_364 = arith.muli %sub3A_362, %mul3A_363 : i32
    %get3A_365 = arith.index_cast %mul3A_364 : i32 to index
    %get3A_366 = tpu.vector_load %arg5[%get3A_365] {strides = array<i32>} : memref<512xf32, #tpu.memory_space<vmem>>, vector<16xf32>,
    %get3A_367 = vector.shape_cast %get3A_366 : vector<16xf32> to vector<16xf32>
    %slice3A_368 = vector.extract_strided_slice %get3A_367 {offsets = [0], sizes = [1], strides = [1]} : vector<16xf32> to vector<1xf32>
    %squeeze3A_369 = vector.extract %slice3A_368[0] : f32 from vector<1xf32>
    %broadcast_in_dim3A_370 = vector.broadcast %squeeze3A_369 : f32 to vector<16xf32>
    %mul3A_371 = arith.constant 6.250000e-02 : f32
    %mul3A_372 = vector.broadcast %mul3A_371 : f32 to vector<16xf32>
    %mul3A_373 = arith.mulf %broadcast_in_dim3A_370, %mul3A_372 : vector<16xf32>
    %slice3A_374 = vector.extract_strided_slice %get3A_367 {offsets = [1], sizes = [1], strides = [1]} : vector<16xf32> to vector<1xf32>
    %squeeze3A_375 = vector.extract %slice3A_374[0] : f32 from vector<1xf32>
    %broadcast_in_dim3A_376 = vector.broadcast %squeeze3A_375 : f32 to vector<16xf32>
    %mul3A_377 = arith.constant 6.250000e-02 : f32
    %mul3A_378 = vector.broadcast %mul3A_377 : f32 to vector<16xf32>
    %mul3A_379 = arith.mulf %broadcast_in_dim3A_376, %mul3A_378 : vector<16xf32>
    %slice3A_380 = vector.extract_strided_slice %get3A_367 {offsets = [2], sizes = [1], strides = [1]} : vector<16xf32> to vector<1xf32>
    %squeeze3A_381 = vector.extract %slice3A_380[0] : f32 from vector<1xf32>
    %broadcast_in_dim3A_382 = vector.broadcast %squeeze3A_381 : f32 to vector<16xf32>
    %mul3A_383 = arith.constant 6.250000e-02 : f32
    %mul3A_384 = vector.broadcast %mul3A_383 : f32 to vector<16xf32>
    %mul3A_385 = arith.mulf %broadcast_in_dim3A_382, %mul3A_384 : vector<16xf32>
    %slice3A_386 = vector.extract_strided_slice %get3A_367 {offsets = [3], sizes = [1], strides = [1]} : vector<16xf32> to vector<1xf32>
    %squeeze3A_387 = vector.extract %slice3A_386[0] : f32 from vector<1xf32>
    %broadcast_in_dim3A_388 = vector.broadcast %squeeze3A_387 : f32 to vector<16xf32>
    %mul3A_389 = arith.constant 6.250000e-02 : f32
    %mul3A_390 = vector.broadcast %mul3A_389 : f32 to vector<16xf32>
    %mul3A_391 = arith.mulf %broadcast_in_dim3A_388, %mul3A_390 : vector<16xf32>
    %sub3A_392 = arith.subf %mul3A_385, %mul3A_373 : vector<16xf32>
    %mul3A_393 = arith.constant 0.142857149 : f32
    %mul3A_394 = vector.broadcast %mul3A_393 : f32 to vector<16xf32>
    %mul3A_395 = arith.mulf %sub3A_392, %mul3A_394 : vector<16xf32>
    %sub3A_396 = arith.subf %mul3A_391, %mul3A_379 : vector<16xf32>
    %mul3A_397 = arith.constant 0.142857149 : f32
    %mul3A_398 = vector.broadcast %mul3A_397 : f32 to vector<16xf32>
    %mul3A_399 = arith.mulf %sub3A_396, %mul3A_398 : vector<16xf32>
    %add3A_400 = arith.constant 0 : i32
    %add3A_401 = vector.broadcast %add3A_400 : i32 to vector<16xi32>
    %add3A_402 = arith.addi %iota3A, %add3A_401 : vector<16xi32>
    %mul3A_403 = arith.constant 9363 : i32
    %mul3A_404 = vector.broadcast %mul3A_403 : i32 to vector<16xi32>
    %mul3A_405 = arith.muli %add3A_402, %mul3A_404 : vector<16xi32>
    %shift_right_logical3A_406 = arith.constant 16 : i32
    %shift_right_logical3A_407 = vector.broadcast %shift_right_logical3A_406 : i32 to vector<16xi32>
    %shift_right_logical3A_408 = arith.shrui %mul3A_405, %shift_right_logical3A_407 : vector<16xi32>
    %mul3A_409 = arith.constant 7 : i32
    %mul3A_410 = vector.broadcast %mul3A_409 : i32 to vector<16xi32>
    %mul3A_411 = arith.muli %shift_right_logical3A_408, %mul3A_410 : vector<16xi32>
    %sub3A_412 = arith.subi %add3A_402, %mul3A_411 : vector<16xi32>
    %convert_element_type3A_413 = arith.sitofp %shift_right_logical3A_408 : vector<16xi32> to vector<16xf32>
    %add3A_414 = arith.constant 5.000000e-01 : f32
    %add3A_415 = vector.broadcast %add3A_414 : f32 to vector<16xf32>
    %add3A_416 = arith.addf %convert_element_type3A_413, %add3A_415 : vector<16xf32>
    %mul3A_417 = arith.mulf %add3A_416, %mul3A_395 : vector<16xf32>
    %add3A_418 = arith.addf %mul3A_373, %mul3A_417 : vector<16xf32>
    %convert_element_type3A_419 = arith.sitofp %sub3A_412 : vector<16xi32> to vector<16xf32>
    %add3A_420 = arith.constant 5.000000e-01 : f32
    %add3A_421 = vector.broadcast %add3A_420 : f32 to vector<16xf32>
    %add3A_422 = arith.addf %convert_element_type3A_419, %add3A_421 : vector<16xf32>
    %mul3A_423 = arith.mulf %add3A_422, %mul3A_399 : vector<16xf32>
    %add3A_424 = arith.addf %mul3A_379, %mul3A_423 : vector<16xf32>
    %jit3A_425 = arith.constant 0.000000e+00 : f32
    %jit3A_426 = arith.constant 4.900000e+01 : f32
    %max3A_427 = vector.broadcast %jit3A_425 : f32 to vector<16xf32>
    %max3A_428 = arith.maximumf %max3A_427, %add3A_418 : vector<16xf32>
    %min3A_429 = vector.broadcast %jit3A_426 : f32 to vector<16xf32>
    %min3A_430 = arith.minimumf %min3A_429, %max3A_428 : vector<16xf32>
    %jit3A_431 = arith.constant 0.000000e+00 : f32
    %jit3A_432 = arith.constant 4.900000e+01 : f32
    %max3A_433 = vector.broadcast %jit3A_431 : f32 to vector<16xf32>
    %max3A_434 = arith.maximumf %max3A_433, %add3A_424 : vector<16xf32>
    %min3A_435 = vector.broadcast %jit3A_432 : f32 to vector<16xf32>
    %min3A_436 = arith.minimumf %min3A_435, %max3A_434 : vector<16xf32>
    %convert_element_type3A_437 = arith.fptosi %min3A_430 : vector<16xf32> to vector<16xi32>
    %convert_element_type3A_438 = arith.fptosi %min3A_436 : vector<16xf32> to vector<16xi32>
    %convert_element_type3A_439 = arith.sitofp %convert_element_type3A_437 : vector<16xi32> to vector<16xf32>
    %sub3A_440 = arith.subf %min3A_430, %convert_element_type3A_439 : vector<16xf32>
    %convert_element_type3A_441 = arith.sitofp %convert_element_type3A_438 : vector<16xi32> to vector<16xf32>
    %sub3A_442 = arith.subf %min3A_436, %convert_element_type3A_441 : vector<16xf32>
    %add3A_443 = arith.constant 1 : i32
    %add3A_444 = vector.broadcast %add3A_443 : i32 to vector<16xi32>
    %add3A_445 = arith.addi %convert_element_type3A_437, %add3A_444 : vector<16xi32>
    %min3A_446 = arith.constant 49 : i32
    %min3A_447 = vector.broadcast %min3A_446 : i32 to vector<16xi32>
    %min3A_448 = arith.minsi %add3A_445, %min3A_447 : vector<16xi32>
    %add3A_449 = arith.constant 1 : i32
    %add3A_450 = vector.broadcast %add3A_449 : i32 to vector<16xi32>
    %add3A_451 = arith.addi %convert_element_type3A_438, %add3A_450 : vector<16xi32>
    %min3A_452 = arith.constant 49 : i32
    %min3A_453 = vector.broadcast %min3A_452 : i32 to vector<16xi32>
    %min3A_454 = arith.minsi %add3A_451, %min3A_453 : vector<16xi32>
    %mul3A_455 = arith.constant 50 : i32
    %mul3A_456 = vector.broadcast %mul3A_455 : i32 to vector<16xi32>
    %mul3A_457 = arith.muli %min3A_448, %mul3A_456 : vector<16xi32>
    %add3A_458 = arith.addi %mul3A_457, %convert_element_type3A_438 : vector<16xi32>
    %swap3A_459 = arith.constant 0 : index
    %swap3A_460 = tpu.vector_load %arg7[%swap3A_459] {strides = array<i32>} : memref<128xi32, #tpu.memory_space<vmem>>, vector<16xi32>,
    %swap3A_461 = vector.shape_cast %swap3A_460 : vector<16xi32> to vector<16xi32>
    %swap3A_462 = vector.shape_cast %add3A_458 : vector<16xi32> to vector<16xi32>
    tpu.vector_store %arg7[%swap3A_459], %swap3A_462 {strides = array<i32>} : memref<128xi32, #tpu.memory_space<vmem>>, vector<16xi32>,
    %mul3A_463 = arith.constant 50 : i32
    %mul3A_464 = vector.broadcast %mul3A_463 : i32 to vector<16xi32>
    %mul3A_465 = arith.muli %min3A_448, %mul3A_464 : vector<16xi32>
    %add3A_466 = arith.addi %mul3A_465, %min3A_454 : vector<16xi32>
    %swap3A_467 = arith.constant 64 : index
    %swap3A_468 = tpu.vector_load %arg7[%swap3A_467] {strides = array<i32>} : memref<128xi32, #tpu.memory_space<vmem>>, vector<16xi32>,
    %swap3A_469 = vector.shape_cast %swap3A_468 : vector<16xi32> to vector<16xi32>
    %swap3A_470 = vector.shape_cast %add3A_466 : vector<16xi32> to vector<16xi32>
    tpu.vector_store %arg7[%swap3A_467], %swap3A_470 {strides = array<i32>} : memref<128xi32, #tpu.memory_space<vmem>>, vector<16xi32>,
    %add3A_471 = arith.constant 16 : i32
    %add3A_472 = vector.broadcast %add3A_471 : i32 to vector<16xi32>
    %add3A_473 = arith.addi %iota3A, %add3A_472 : vector<16xi32>
    %mul3A_474 = arith.constant 9363 : i32
    %mul3A_475 = vector.broadcast %mul3A_474 : i32 to vector<16xi32>
    %mul3A_476 = arith.muli %add3A_473, %mul3A_475 : vector<16xi32>
    %shift_right_logical3A_477 = arith.constant 16 : i32
    %shift_right_logical3A_478 = vector.broadcast %shift_right_logical3A_477 : i32 to vector<16xi32>
    %shift_right_logical3A_479 = arith.shrui %mul3A_476, %shift_right_logical3A_478 : vector<16xi32>
    %mul3A_480 = arith.constant 7 : i32
    %mul3A_481 = vector.broadcast %mul3A_480 : i32 to vector<16xi32>
    %mul3A_482 = arith.muli %shift_right_logical3A_479, %mul3A_481 : vector<16xi32>
    %sub3A_483 = arith.subi %add3A_473, %mul3A_482 : vector<16xi32>
    %convert_element_type3A_484 = arith.sitofp %shift_right_logical3A_479 : vector<16xi32> to vector<16xf32>
    %add3A_485 = arith.constant 5.000000e-01 : f32
    %add3A_486 = vector.broadcast %add3A_485 : f32 to vector<16xf32>
    %add3A_487 = arith.addf %convert_element_type3A_484, %add3A_486 : vector<16xf32>
    %mul3A_488 = arith.mulf %add3A_487, %mul3A_395 : vector<16xf32>
    %add3A_489 = arith.addf %mul3A_373, %mul3A_488 : vector<16xf32>
    %convert_element_type3A_490 = arith.sitofp %sub3A_483 : vector<16xi32> to vector<16xf32>
    %add3A_491 = arith.constant 5.000000e-01 : f32
    %add3A_492 = vector.broadcast %add3A_491 : f32 to vector<16xf32>
    %add3A_493 = arith.addf %convert_element_type3A_490, %add3A_492 : vector<16xf32>
    %mul3A_494 = arith.mulf %add3A_493, %mul3A_399 : vector<16xf32>
    %add3A_495 = arith.addf %mul3A_379, %mul3A_494 : vector<16xf32>
    %jit3A_496 = arith.constant 0.000000e+00 : f32
    %jit3A_497 = arith.constant 4.900000e+01 : f32
    %max3A_498 = vector.broadcast %jit3A_496 : f32 to vector<16xf32>
    %max3A_499 = arith.maximumf %max3A_498, %add3A_489 : vector<16xf32>
    %min3A_500 = vector.broadcast %jit3A_497 : f32 to vector<16xf32>
    %min3A_501 = arith.minimumf %min3A_500, %max3A_499 : vector<16xf32>
    %jit3A_502 = arith.constant 0.000000e+00 : f32
    %jit3A_503 = arith.constant 4.900000e+01 : f32
    %max3A_504 = vector.broadcast %jit3A_502 : f32 to vector<16xf32>
    %max3A_505 = arith.maximumf %max3A_504, %add3A_495 : vector<16xf32>
    %min3A_506 = vector.broadcast %jit3A_503 : f32 to vector<16xf32>
    %min3A_507 = arith.minimumf %min3A_506, %max3A_505 : vector<16xf32>
    %convert_element_type3A_508 = arith.fptosi %min3A_501 : vector<16xf32> to vector<16xi32>
    %convert_element_type3A_509 = arith.fptosi %min3A_507 : vector<16xf32> to vector<16xi32>
    %convert_element_type3A_510 = arith.sitofp %convert_element_type3A_508 : vector<16xi32> to vector<16xf32>
    %sub3A_511 = arith.subf %min3A_501, %convert_element_type3A_510 : vector<16xf32>
    %convert_element_type3A_512 = arith.sitofp %convert_element_type3A_509 : vector<16xi32> to vector<16xf32>
    %sub3A_513 = arith.subf %min3A_507, %convert_element_type3A_512 : vector<16xf32>
    %add3A_514 = arith.constant 1 : i32
    %add3A_515 = vector.broadcast %add3A_514 : i32 to vector<16xi32>
    %add3A_516 = arith.addi %convert_element_type3A_508, %add3A_515 : vector<16xi32>
    %min3A_517 = arith.constant 49 : i32
    %min3A_518 = vector.broadcast %min3A_517 : i32 to vector<16xi32>
    %min3A_519 = arith.minsi %add3A_516, %min3A_518 : vector<16xi32>
    %add3A_520 = arith.constant 1 : i32
    %add3A_521 = vector.broadcast %add3A_520 : i32 to vector<16xi32>
    %add3A_522 = arith.addi %convert_element_type3A_509, %add3A_521 : vector<16xi32>
    %min3A_523 = arith.constant 49 : i32
    %min3A_524 = vector.broadcast %min3A_523 : i32 to vector<16xi32>
    %min3A_525 = arith.minsi %add3A_522, %min3A_524 : vector<16xi32>
    %mul3A_526 = arith.constant 50 : i32
    %mul3A_527 = vector.broadcast %mul3A_526 : i32 to vector<16xi32>
    %mul3A_528 = arith.muli %min3A_519, %mul3A_527 : vector<16xi32>
    %add3A_529 = arith.addi %mul3A_528, %convert_element_type3A_509 : vector<16xi32>
    %swap3A_530 = arith.constant 16 : index
    %swap3A_531 = tpu.vector_load %arg7[%swap3A_530] {strides = array<i32>} : memref<128xi32, #tpu.memory_space<vmem>>, vector<16xi32>,
    %swap3A_532 = vector.shape_cast %swap3A_531 : vector<16xi32> to vector<16xi32>
    %swap3A_533 = vector.shape_cast %add3A_529 : vector<16xi32> to vector<16xi32>
    tpu.vector_store %arg7[%swap3A_530], %swap3A_533 {strides = array<i32>} : memref<128xi32, #tpu.memory_space<vmem>>, vector<16xi32>,
    %mul3A_534 = arith.constant 50 : i32
    %mul3A_535 = vector.broadcast %mul3A_534 : i32 to vector<16xi32>
    %mul3A_536 = arith.muli %min3A_519, %mul3A_535 : vector<16xi32>
    %add3A_537 = arith.addi %mul3A_536, %min3A_525 : vector<16xi32>
    %swap3A_538 = arith.constant 80 : index
    %swap3A_539 = tpu.vector_load %arg7[%swap3A_538] {strides = array<i32>} : memref<128xi32, #tpu.memory_space<vmem>>, vector<16xi32>,
    %swap3A_540 = vector.shape_cast %swap3A_539 : vector<16xi32> to vector<16xi32>
    %swap3A_541 = vector.shape_cast %add3A_537 : vector<16xi32> to vector<16xi32>
    tpu.vector_store %arg7[%swap3A_538], %swap3A_541 {strides = array<i32>} : memref<128xi32, #tpu.memory_space<vmem>>, vector<16xi32>,
    %add3A_542 = arith.constant 32 : i32
    %add3A_543 = vector.broadcast %add3A_542 : i32 to vector<16xi32>
    %add3A_544 = arith.addi %iota3A, %add3A_543 : vector<16xi32>
    %mul3A_545 = arith.constant 9363 : i32
    %mul3A_546 = vector.broadcast %mul3A_545 : i32 to vector<16xi32>
    %mul3A_547 = arith.muli %add3A_544, %mul3A_546 : vector<16xi32>
    %shift_right_logical3A_548 = arith.constant 16 : i32
    %shift_right_logical3A_549 = vector.broadcast %shift_right_logical3A_548 : i32 to vector<16xi32>
    %shift_right_logical3A_550 = arith.shrui %mul3A_547, %shift_right_logical3A_549 : vector<16xi32>
    %mul3A_551 = arith.constant 7 : i32
    %mul3A_552 = vector.broadcast %mul3A_551 : i32 to vector<16xi32>
    %mul3A_553 = arith.muli %shift_right_logical3A_550, %mul3A_552 : vector<16xi32>
    %sub3A_554 = arith.subi %add3A_544, %mul3A_553 : vector<16xi32>
    %convert_element_type3A_555 = arith.sitofp %shift_right_logical3A_550 : vector<16xi32> to vector<16xf32>
    %add3A_556 = arith.constant 5.000000e-01 : f32
    %add3A_557 = vector.broadcast %add3A_556 : f32 to vector<16xf32>
    %add3A_558 = arith.addf %convert_element_type3A_555, %add3A_557 : vector<16xf32>
    %mul3A_559 = arith.mulf %add3A_558, %mul3A_395 : vector<16xf32>
    %add3A_560 = arith.addf %mul3A_373, %mul3A_559 : vector<16xf32>
    %convert_element_type3A_561 = arith.sitofp %sub3A_554 : vector<16xi32> to vector<16xf32>
    %add3A_562 = arith.constant 5.000000e-01 : f32
    %add3A_563 = vector.broadcast %add3A_562 : f32 to vector<16xf32>
    %add3A_564 = arith.addf %convert_element_type3A_561, %add3A_563 : vector<16xf32>
    %mul3A_565 = arith.mulf %add3A_564, %mul3A_399 : vector<16xf32>
    %add3A_566 = arith.addf %mul3A_379, %mul3A_565 : vector<16xf32>
    %jit3A_567 = arith.constant 0.000000e+00 : f32
    %jit3A_568 = arith.constant 4.900000e+01 : f32
    %max3A_569 = vector.broadcast %jit3A_567 : f32 to vector<16xf32>
    %max3A_570 = arith.maximumf %max3A_569, %add3A_560 : vector<16xf32>
    %min3A_571 = vector.broadcast %jit3A_568 : f32 to vector<16xf32>
    %min3A_572 = arith.minimumf %min3A_571, %max3A_570 : vector<16xf32>
    %jit3A_573 = arith.constant 0.000000e+00 : f32
    %jit3A_574 = arith.constant 4.900000e+01 : f32
    %max3A_575 = vector.broadcast %jit3A_573 : f32 to vector<16xf32>
    %max3A_576 = arith.maximumf %max3A_575, %add3A_566 : vector<16xf32>
    %min3A_577 = vector.broadcast %jit3A_574 : f32 to vector<16xf32>
    %min3A_578 = arith.minimumf %min3A_577, %max3A_576 : vector<16xf32>
    %convert_element_type3A_579 = arith.fptosi %min3A_572 : vector<16xf32> to vector<16xi32>
    %convert_element_type3A_580 = arith.fptosi %min3A_578 : vector<16xf32> to vector<16xi32>
    %convert_element_type3A_581 = arith.sitofp %convert_element_type3A_579 : vector<16xi32> to vector<16xf32>
    %sub3A_582 = arith.subf %min3A_572, %convert_element_type3A_581 : vector<16xf32>
    %convert_element_type3A_583 = arith.sitofp %convert_element_type3A_580 : vector<16xi32> to vector<16xf32>
    %sub3A_584 = arith.subf %min3A_578, %convert_element_type3A_583 : vector<16xf32>
    %add3A_585 = arith.constant 1 : i32
    %add3A_586 = vector.broadcast %add3A_585 : i32 to vector<16xi32>
    %add3A_587 = arith.addi %convert_element_type3A_579, %add3A_586 : vector<16xi32>
    %min3A_588 = arith.constant 49 : i32
    %min3A_589 = vector.broadcast %min3A_588 : i32 to vector<16xi32>
    %min3A_590 = arith.minsi %add3A_587, %min3A_589 : vector<16xi32>
    %add3A_591 = arith.constant 1 : i32
    %add3A_592 = vector.broadcast %add3A_591 : i32 to vector<16xi32>
    %add3A_593 = arith.addi %convert_element_type3A_580, %add3A_592 : vector<16xi32>
    %min3A_594 = arith.constant 49 : i32
    %min3A_595 = vector.broadcast %min3A_594 : i32 to vector<16xi32>
    %min3A_596 = arith.minsi %add3A_593, %min3A_595 : vector<16xi32>
    %mul3A_597 = arith.constant 50 : i32
    %mul3A_598 = vector.broadcast %mul3A_597 : i32 to vector<16xi32>
    %mul3A_599 = arith.muli %min3A_590, %mul3A_598 : vector<16xi32>
    %add3A_600 = arith.addi %mul3A_599, %convert_element_type3A_580 : vector<16xi32>
    %swap3A_601 = arith.constant 32 : index
    %swap3A_602 = tpu.vector_load %arg7[%swap3A_601] {strides = array<i32>} : memref<128xi32, #tpu.memory_space<vmem>>, vector<16xi32>,
    %swap3A_603 = vector.shape_cast %swap3A_602 : vector<16xi32> to vector<16xi32>
    %swap3A_604 = vector.shape_cast %add3A_600 : vector<16xi32> to vector<16xi32>
    tpu.vector_store %arg7[%swap3A_601], %swap3A_604 {strides = array<i32>} : memref<128xi32, #tpu.memory_space<vmem>>, vector<16xi32>,
    %mul3A_605 = arith.constant 50 : i32
    %mul3A_606 = vector.broadcast %mul3A_605 : i32 to vector<16xi32>
    %mul3A_607 = arith.muli %min3A_590, %mul3A_606 : vector<16xi32>
    %add3A_608 = arith.addi %mul3A_607, %min3A_596 : vector<16xi32>
    %swap3A_609 = arith.constant 96 : index
    %swap3A_610 = tpu.vector_load %arg7[%swap3A_609] {strides = array<i32>} : memref<128xi32, #tpu.memory_space<vmem>>, vector<16xi32>,
    %swap3A_611 = vector.shape_cast %swap3A_610 : vector<16xi32> to vector<16xi32>
    %swap3A_612 = vector.shape_cast %add3A_608 : vector<16xi32> to vector<16xi32>
    tpu.vector_store %arg7[%swap3A_609], %swap3A_612 {strides = array<i32>} : memref<128xi32, #tpu.memory_space<vmem>>, vector<16xi32>,
    %add3A_613 = arith.constant 48 : i32
    %add3A_614 = vector.broadcast %add3A_613 : i32 to vector<16xi32>
    %add3A_615 = arith.addi %iota3A, %add3A_614 : vector<16xi32>
    %mul3A_616 = arith.constant 9363 : i32
    %mul3A_617 = vector.broadcast %mul3A_616 : i32 to vector<16xi32>
    %mul3A_618 = arith.muli %add3A_615, %mul3A_617 : vector<16xi32>
    %shift_right_logical3A_619 = arith.constant 16 : i32
    %shift_right_logical3A_620 = vector.broadcast %shift_right_logical3A_619 : i32 to vector<16xi32>
    %shift_right_logical3A_621 = arith.shrui %mul3A_618, %shift_right_logical3A_620 : vector<16xi32>
    %mul3A_622 = arith.constant 7 : i32
    %mul3A_623 = vector.broadcast %mul3A_622 : i32 to vector<16xi32>
    %mul3A_624 = arith.muli %shift_right_logical3A_621, %mul3A_623 : vector<16xi32>
    %sub3A_625 = arith.subi %add3A_615, %mul3A_624 : vector<16xi32>
    %convert_element_type3A_626 = arith.sitofp %shift_right_logical3A_621 : vector<16xi32> to vector<16xf32>
    %add3A_627 = arith.constant 5.000000e-01 : f32
    %add3A_628 = vector.broadcast %add3A_627 : f32 to vector<16xf32>
    %add3A_629 = arith.addf %convert_element_type3A_626, %add3A_628 : vector<16xf32>
    %mul3A_630 = arith.mulf %add3A_629, %mul3A_395 : vector<16xf32>
    %add3A_631 = arith.addf %mul3A_373, %mul3A_630 : vector<16xf32>
    %convert_element_type3A_632 = arith.sitofp %sub3A_625 : vector<16xi32> to vector<16xf32>
    %add3A_633 = arith.constant 5.000000e-01 : f32
    %add3A_634 = vector.broadcast %add3A_633 : f32 to vector<16xf32>
    %add3A_635 = arith.addf %convert_element_type3A_632, %add3A_634 : vector<16xf32>
    %mul3A_636 = arith.mulf %add3A_635, %mul3A_399 : vector<16xf32>
    %add3A_637 = arith.addf %mul3A_379, %mul3A_636 : vector<16xf32>
    %jit3A_638 = arith.constant 0.000000e+00 : f32
    %jit3A_639 = arith.constant 4.900000e+01 : f32
    %max3A_640 = vector.broadcast %jit3A_638 : f32 to vector<16xf32>
    %max3A_641 = arith.maximumf %max3A_640, %add3A_631 : vector<16xf32>
    %min3A_642 = vector.broadcast %jit3A_639 : f32 to vector<16xf32>
    %min3A_643 = arith.minimumf %min3A_642, %max3A_641 : vector<16xf32>
    %jit3A_644 = arith.constant 0.000000e+00 : f32
    %jit3A_645 = arith.constant 4.900000e+01 : f32
    %max3A_646 = vector.broadcast %jit3A_644 : f32 to vector<16xf32>
    %max3A_647 = arith.maximumf %max3A_646, %add3A_637 : vector<16xf32>
    %min3A_648 = vector.broadcast %jit3A_645 : f32 to vector<16xf32>
    %min3A_649 = arith.minimumf %min3A_648, %max3A_647 : vector<16xf32>
    %convert_element_type3A_650 = arith.fptosi %min3A_643 : vector<16xf32> to vector<16xi32>
    %convert_element_type3A_651 = arith.fptosi %min3A_649 : vector<16xf32> to vector<16xi32>
    %convert_element_type3A_652 = arith.sitofp %convert_element_type3A_650 : vector<16xi32> to vector<16xf32>
    %sub3A_653 = arith.subf %min3A_643, %convert_element_type3A_652 : vector<16xf32>
    %convert_element_type3A_654 = arith.sitofp %convert_element_type3A_651 : vector<16xi32> to vector<16xf32>
    %sub3A_655 = arith.subf %min3A_649, %convert_element_type3A_654 : vector<16xf32>
    %add3A_656 = arith.constant 1 : i32
    %add3A_657 = vector.broadcast %add3A_656 : i32 to vector<16xi32>
    %add3A_658 = arith.addi %convert_element_type3A_650, %add3A_657 : vector<16xi32>
    %min3A_659 = arith.constant 49 : i32
    %min3A_660 = vector.broadcast %min3A_659 : i32 to vector<16xi32>
    %min3A_661 = arith.minsi %add3A_658, %min3A_660 : vector<16xi32>
    %add3A_662 = arith.constant 1 : i32
    %add3A_663 = vector.broadcast %add3A_662 : i32 to vector<16xi32>
    %add3A_664 = arith.addi %convert_element_type3A_651, %add3A_663 : vector<16xi32>
    %min3A_665 = arith.constant 49 : i32
    %min3A_666 = vector.broadcast %min3A_665 : i32 to vector<16xi32>
    %min3A_667 = arith.minsi %add3A_664, %min3A_666 : vector<16xi32>
    %mul3A_668 = arith.constant 50 : i32
    %mul3A_669 = vector.broadcast %mul3A_668 : i32 to vector<16xi32>
    %mul3A_670 = arith.muli %min3A_661, %mul3A_669 : vector<16xi32>
    %add3A_671 = arith.addi %mul3A_670, %convert_element_type3A_651 : vector<16xi32>
    %swap3A_672 = arith.constant 48 : index
    %swap3A_673 = tpu.vector_load %arg7[%swap3A_672] {strides = array<i32>} : memref<128xi32, #tpu.memory_space<vmem>>, vector<16xi32>,
    %swap3A_674 = vector.shape_cast %swap3A_673 : vector<16xi32> to vector<16xi32>
    %swap3A_675 = vector.shape_cast %add3A_671 : vector<16xi32> to vector<16xi32>
    tpu.vector_store %arg7[%swap3A_672], %swap3A_675 {strides = array<i32>} : memref<128xi32, #tpu.memory_space<vmem>>, vector<16xi32>,
    %mul3A_676 = arith.constant 50 : i32
    %mul3A_677 = vector.broadcast %mul3A_676 : i32 to vector<16xi32>
    %mul3A_678 = arith.muli %min3A_661, %mul3A_677 : vector<16xi32>
    %add3A_679 = arith.addi %mul3A_678, %min3A_667 : vector<16xi32>
    %swap3A_680 = arith.constant 112 : index
    %swap3A_681 = tpu.vector_load %arg7[%swap3A_680] {strides = array<i32>} : memref<128xi32, #tpu.memory_space<vmem>>, vector<16xi32>,
    %swap3A_682 = vector.shape_cast %swap3A_681 : vector<16xi32> to vector<16xi32>
    %swap3A_683 = vector.shape_cast %add3A_679 : vector<16xi32> to vector<16xi32>
    tpu.vector_store %arg7[%swap3A_680], %swap3A_683 {strides = array<i32>} : memref<128xi32, #tpu.memory_space<vmem>>, vector<16xi32>,
    %dma_start3A_684 = arith.constant 0 : i32
    %dma_start3A_685 = arith.constant 0 : i32
    %dma_start3A_686 = tpu.memref_slice %arg2[%dma_start3A_684, %dma_start3A_685] : memref<2500x256xf32, #tpu.memory_space<hbm>> -> memref<2500x256xf32, #tpu.memory_space<hbm>>
    tpu.enqueue_indirect_dma source(%dma_start3A_686 : memref<2500x256xf32, #tpu.memory_space<hbm>>) target(%arg9 : memref<128x256xf32, #tpu.memory_space<vmem>>) offsets(%arg7 : memref<128xi32, #tpu.memory_space<vmem>>) semaphore(%arg16 : memref<!tpu.dma_semaphore, #tpu.memory_space<semaphore_mem>>)
    %scan3A = arith.constant 0 : i32
    %scan3A_687 = arith.constant 0 : i32
    %scan3A_688 = arith.constant 32 : i32
    %scan3A_689 = arith.addi %scan3A_687, %scan3A_688 : i32
    %scan3A_690 = arith.constant 1 : i32
    scf.for %scan3A_697 = %scan3A_687 to %scan3A_689 step %scan3A_690  : i32 {
      %get3A_698 = arith.constant 0 : index
      %get3A_699 = tpu.vector_load %arg10[%get3A_698] {strides = array<i32>} : memref<64xf32, #tpu.memory_space<vmem>>, vector<16xf32>,
      %get3A_700 = vector.shape_cast %get3A_699 : vector<16xf32> to vector<16xf32>
      %swap3A_701 = arith.constant 0 : index
      %swap3A_702 = tpu.vector_load %arg12[%swap3A_701] {strides = array<i32>} : memref<64xf32, #tpu.memory_space<vmem>>, vector<16xf32>,
      %swap3A_703 = vector.shape_cast %swap3A_702 : vector<16xf32> to vector<16xf32>
      %swap3A_704 = vector.shape_cast %get3A_700 : vector<16xf32> to vector<16xf32>
      tpu.vector_store %arg12[%swap3A_701], %swap3A_704 {strides = array<i32>} : memref<64xf32, #tpu.memory_space<vmem>>, vector<16xf32>,
      %get3A_705 = arith.constant 0 : index
      %get3A_706 = tpu.vector_load %arg11[%get3A_705] {strides = array<i32>} : memref<64xf32, #tpu.memory_space<vmem>>, vector<16xf32>,
      %get3A_707 = vector.shape_cast %get3A_706 : vector<16xf32> to vector<16xf32>
      %swap3A_708 = arith.constant 0 : index
      %swap3A_709 = tpu.vector_load %arg13[%swap3A_708] {strides = array<i32>} : memref<64xf32, #tpu.memory_space<vmem>>, vector<16xf32>,
      %swap3A_710 = vector.shape_cast %swap3A_709 : vector<16xf32> to vector<16xf32>
      %swap3A_711 = vector.shape_cast %get3A_707 : vector<16xf32> to vector<16xf32>
      tpu.vector_store %arg13[%swap3A_708], %swap3A_711 {strides = array<i32>} : memref<64xf32, #tpu.memory_space<vmem>>, vector<16xf32>,
      %get3A_712 = arith.constant 16 : index
      %get3A_713 = tpu.vector_load %arg10[%get3A_712] {strides = array<i32>} : memref<64xf32, #tpu.memory_space<vmem>>, vector<16xf32>,
      %get3A_714 = vector.shape_cast %get3A_713 : vector<16xf32> to vector<16xf32>
      %swap3A_715 = arith.constant 16 : index
      %swap3A_716 = tpu.vector_load %arg12[%swap3A_715] {strides = array<i32>} : memref<64xf32, #tpu.memory_space<vmem>>, vector<16xf32>,
      %swap3A_717 = vector.shape_cast %swap3A_716 : vector<16xf32> to vector<16xf32>
      %swap3A_718 = vector.shape_cast %get3A_714 : vector<16xf32> to vector<16xf32>
      tpu.vector_store %arg12[%swap3A_715], %swap3A_718 {strides = array<i32>} : memref<64xf32, #tpu.memory_space<vmem>>, vector<16xf32>,
      %get3A_719 = arith.constant 16 : index
      %get3A_720 = tpu.vector_load %arg11[%get3A_719] {strides = array<i32>} : memref<64xf32, #tpu.memory_space<vmem>>, vector<16xf32>,
      %get3A_721 = vector.shape_cast %get3A_720 : vector<16xf32> to vector<16xf32>
      %swap3A_722 = arith.constant 16 : index
      %swap3A_723 = tpu.vector_load %arg13[%swap3A_722] {strides = array<i32>} : memref<64xf32, #tpu.memory_space<vmem>>, vector<16xf32>,
      %swap3A_724 = vector.shape_cast %swap3A_723 : vector<16xf32> to vector<16xf32>
      %swap3A_725 = vector.shape_cast %get3A_721 : vector<16xf32> to vector<16xf32>
      tpu.vector_store %arg13[%swap3A_722], %swap3A_725 {strides = array<i32>} : memref<64xf32, #tpu.memory_space<vmem>>, vector<16xf32>,
      %get3A_726 = arith.constant 32 : index
      %get3A_727 = tpu.vector_load %arg10[%get3A_726] {strides = array<i32>} : memref<64xf32, #tpu.memory_space<vmem>>, vector<16xf32>,
      %get3A_728 = vector.shape_cast %get3A_727 : vector<16xf32> to vector<16xf32>
      %swap3A_729 = arith.constant 32 : index
      %swap3A_730 = tpu.vector_load %arg12[%swap3A_729] {strides = array<i32>} : memref<64xf32, #tpu.memory_space<vmem>>, vector<16xf32>,
      %swap3A_731 = vector.shape_cast %swap3A_730 : vector<16xf32> to vector<16xf32>
      %swap3A_732 = vector.shape_cast %get3A_728 : vector<16xf32> to vector<16xf32>
      tpu.vector_store %arg12[%swap3A_729], %swap3A_732 {strides = array<i32>} : memref<64xf32, #tpu.memory_space<vmem>>, vector<16xf32>,
      %get3A_733 = arith.constant 32 : index
      %get3A_734 = tpu.vector_load %arg11[%get3A_733] {strides = array<i32>} : memref<64xf32, #tpu.memory_space<vmem>>, vector<16xf32>,
      %get3A_735 = vector.shape_cast %get3A_734 : vector<16xf32> to vector<16xf32>
      %swap3A_736 = arith.constant 32 : index
      %swap3A_737 = tpu.vector_load %arg13[%swap3A_736] {strides = array<i32>} : memref<64xf32, #tpu.memory_space<vmem>>, vector<16xf32>,
      %swap3A_738 = vector.shape_cast %swap3A_737 : vector<16xf32> to vector<16xf32>
      %swap3A_739 = vector.shape_cast %get3A_735 : vector<16xf32> to vector<16xf32>
      tpu.vector_store %arg13[%swap3A_736], %swap3A_739 {strides = array<i32>} : memref<64xf32, #tpu.memory_space<vmem>>, vector<16xf32>,
      %get3A_740 = arith.constant 48 : index
      %get3A_741 = tpu.vector_load %arg10[%get3A_740] {strides = array<i32>} : memref<64xf32, #tpu.memory_space<vmem>>, vector<16xf32>,
      %get3A_742 = vector.shape_cast %get3A_741 : vector<16xf32> to vector<16xf32>
      %swap3A_743 = arith.constant 48 : index
      %swap3A_744 = tpu.vector_load %arg12[%swap3A_743] {strides = array<i32>} : memref<64xf32, #tpu.memory_space<vmem>>, vector<16xf32>,
      %swap3A_745 = vector.shape_cast %swap3A_744 : vector<16xf32> to vector<16xf32>
      %swap3A_746 = vector.shape_cast %get3A_742 : vector<16xf32> to vector<16xf32>
      tpu.vector_store %arg12[%swap3A_743], %swap3A_746 {strides = array<i32>} : memref<64xf32, #tpu.memory_space<vmem>>, vector<16xf32>,
      %get3A_747 = arith.constant 48 : index
      %get3A_748 = tpu.vector_load %arg11[%get3A_747] {strides = array<i32>} : memref<64xf32, #tpu.memory_space<vmem>>, vector<16xf32>,
      %get3A_749 = vector.shape_cast %get3A_748 : vector<16xf32> to vector<16xf32>
      %swap3A_750 = arith.constant 48 : index
      %swap3A_751 = tpu.vector_load %arg13[%swap3A_750] {strides = array<i32>} : memref<64xf32, #tpu.memory_space<vmem>>, vector<16xf32>,
      %swap3A_752 = vector.shape_cast %swap3A_751 : vector<16xf32> to vector<16xf32>
      %swap3A_753 = vector.shape_cast %get3A_749 : vector<16xf32> to vector<16xf32>
      tpu.vector_store %arg13[%swap3A_750], %swap3A_753 {strides = array<i32>} : memref<64xf32, #tpu.memory_space<vmem>>, vector<16xf32>,
      %dma_wait3A_754 = arith.constant 0 : i32
      %dma_wait3A_755 = arith.constant 0 : i32
      %dma_wait3A_756 = tpu.memref_slice %arg2[%dma_wait3A_754, %dma_wait3A_755] : memref<2500x256xf32, #tpu.memory_space<hbm>> -> memref<2500x256xf32, #tpu.memory_space<hbm>>
      tpu.wait_indirect_dma semaphore(%arg15 : memref<!tpu.dma_semaphore, #tpu.memory_space<semaphore_mem>>) src(%dma_wait3A_756 : memref<2500x256xf32, #tpu.memory_space<hbm>>) dst(%arg8 : memref<128x256xf32, #tpu.memory_space<vmem>>)
      %parallel_loop3A = arith.constant 0 : i32
      %parallel_loop3A_757 = arith.constant 49 : i32
      %parallel_loop3A_758 = arith.constant 1 : i32
      scf.for %parallel_loop3A_1464 = %parallel_loop3A to %parallel_loop3A_757 step %parallel_loop3A_758  : i32 {
        %parallel_loop3A_1465 = arith.index_cast %parallel_loop3A_1464 : i32 to index
        %parallel_loop3A_1466 = tpu.vector_load %arg13[%parallel_loop3A_1465] {strides = array<i32>} : memref<64xf32, #tpu.memory_space<vmem>>, vector<16xf32>,
        %parallel_loop3A_1467 = vector.shape_cast %parallel_loop3A_1466 : vector<16xf32> to vector<16xf32>
        %parallel_loop3A_1468 = vector.extract_strided_slice %parallel_loop3A_1467 {offsets = [0], sizes = [1], strides = [1]} : vector<16xf32> to vector<1xf32>
        %parallel_loop3A_1469 = vector.extract %parallel_loop3A_1468[0] : f32 from vector<1xf32>
        %parallel_loop3A_1470 = vector.broadcast %parallel_loop3A_1469 : f32 to vector<16xf32>
        %parallel_loop3A_1471 = arith.index_cast %parallel_loop3A_1464 : i32 to index
        %parallel_loop3A_1472 = arith.constant 0 : index
        %parallel_loop3A_1473 = tpu.vector_load %arg8[%parallel_loop3A_1471, %parallel_loop3A_1472] {strides = array<i32>} : memref<128x256xf32, #tpu.memory_space<vmem>>, vector<1x16xf32>,
        %parallel_loop3A_1474 = vector.shape_cast %parallel_loop3A_1473 : vector<1x16xf32> to vector<16xf32>
        %parallel_loop3A_1475 = arith.constant 64 : i32
        %parallel_loop3A_1476 = arith.addi %parallel_loop3A_1464, %parallel_loop3A_1475 : i32
        %parallel_loop3A_1477 = arith.index_cast %parallel_loop3A_1476 : i32 to index
        %parallel_loop3A_1478 = arith.constant 0 : index
        %parallel_loop3A_1479 = tpu.vector_load %arg8[%parallel_loop3A_1477, %parallel_loop3A_1478] {strides = array<i32>} : memref<128x256xf32, #tpu.memory_space<vmem>>, vector<1x16xf32>,
        %parallel_loop3A_1480 = vector.shape_cast %parallel_loop3A_1479 : vector<1x16xf32> to vector<16xf32>
        %parallel_loop3A_1481 = arith.subf %parallel_loop3A_1480, %parallel_loop3A_1474 : vector<16xf32>
        %parallel_loop3A_1482 = arith.mulf %parallel_loop3A_1470, %parallel_loop3A_1481 : vector<16xf32>
        %parallel_loop3A_1483 = arith.addf %parallel_loop3A_1474, %parallel_loop3A_1482 : vector<16xf32>
        %parallel_loop3A_1484 = arith.constant 256 : i32
        %parallel_loop3A_1485 = arith.muli %parallel_loop3A_1464, %parallel_loop3A_1484 : i32
        %parallel_loop3A_1486 = arith.constant 0 : i32
        %parallel_loop3A_1487 = arith.addi %parallel_loop3A_1485, %parallel_loop3A_1486 : i32
        %parallel_loop3A_1488 = arith.index_cast %parallel_loop3A_1487 : i32 to index
        %parallel_loop3A_1489 = tpu.vector_load %arg14[%parallel_loop3A_1488] {strides = array<i32>} : memref<12544xf32, #tpu.memory_space<vmem>>, vector<16xf32>,
        %parallel_loop3A_1490 = vector.shape_cast %parallel_loop3A_1489 : vector<16xf32> to vector<16xf32>
        %parallel_loop3A_1491 = vector.shape_cast %parallel_loop3A_1483 : vector<16xf32> to vector<16xf32>
        tpu.vector_store %arg14[%parallel_loop3A_1488], %parallel_loop3A_1491 {strides = array<i32>} : memref<12544xf32, #tpu.memory_space<vmem>>, vector<16xf32>,
        %parallel_loop3A_1492 = arith.index_cast %parallel_loop3A_1464 : i32 to index
        %parallel_loop3A_1493 = arith.constant 16 : index
        %parallel_loop3A_1494 = tpu.vector_load %arg8[%parallel_loop3A_1492, %parallel_loop3A_1493] {strides = array<i32>} : memref<128x256xf32, #tpu.memory_space<vmem>>, vector<1x16xf32>,
        %parallel_loop3A_1495 = vector.shape_cast %parallel_loop3A_1494 : vector<1x16xf32> to vector<16xf32>
        %parallel_loop3A_1496 = arith.constant 64 : i32
        %parallel_loop3A_1497 = arith.addi %parallel_loop3A_1464, %parallel_loop3A_1496 : i32
        %parallel_loop3A_1498 = arith.index_cast %parallel_loop3A_1497 : i32 to index
        %parallel_loop3A_1499 = arith.constant 16 : index
        %parallel_loop3A_1500 = tpu.vector_load %arg8[%parallel_loop3A_1498, %parallel_loop3A_1499] {strides = array<i32>} : memref<128x256xf32, #tpu.memory_space<vmem>>, vector<1x16xf32>,
        %parallel_loop3A_1501 = vector.shape_cast %parallel_loop3A_1500 : vector<1x16xf32> to vector<16xf32>
        %parallel_loop3A_1502 = arith.subf %parallel_loop3A_1501, %parallel_loop3A_1495 : vector<16xf32>
        %parallel_loop3A_1503 = arith.mulf %parallel_loop3A_1470, %parallel_loop3A_1502 : vector<16xf32>
        %parallel_loop3A_1504 = arith.addf %parallel_loop3A_1495, %parallel_loop3A_1503 : vector<16xf32>
        %parallel_loop3A_1505 = arith.constant 256 : i32
        %parallel_loop3A_1506 = arith.muli %parallel_loop3A_1464, %parallel_loop3A_1505 : i32
        %parallel_loop3A_1507 = arith.constant 16 : i32
        %parallel_loop3A_1508 = arith.addi %parallel_loop3A_1506, %parallel_loop3A_1507 : i32
        %parallel_loop3A_1509 = arith.index_cast %parallel_loop3A_1508 : i32 to index
        %parallel_loop3A_1510 = tpu.vector_load %arg14[%parallel_loop3A_1509] {strides = array<i32>} : memref<12544xf32, #tpu.memory_space<vmem>>, vector<16xf32>,
        %parallel_loop3A_1511 = vector.shape_cast %parallel_loop3A_1510 : vector<16xf32> to vector<16xf32>
        %parallel_loop3A_1512 = vector.shape_cast %parallel_loop3A_1504 : vector<16xf32> to vector<16xf32>
        tpu.vector_store %arg14[%parallel_loop3A_1509], %parallel_loop3A_1512 {strides = array<i32>} : memref<12544xf32, #tpu.memory_space<vmem>>, vector<16xf32>,
        %parallel_loop3A_1513 = arith.index_cast %parallel_loop3A_1464 : i32 to index
        %parallel_loop3A_1514 = arith.constant 32 : index
        %parallel_loop3A_1515 = tpu.vector_load %arg8[%parallel_loop3A_1513, %parallel_loop3A_1514] {strides = array<i32>} : memref<128x256xf32, #tpu.memory_space<vmem>>, vector<1x16xf32>,
        %parallel_loop3A_1516 = vector.shape_cast %parallel_loop3A_1515 : vector<1x16xf32> to vector<16xf32>
        %parallel_loop3A_1517 = arith.constant 64 : i32
        %parallel_loop3A_1518 = arith.addi %parallel_loop3A_1464, %parallel_loop3A_1517 : i32
        %parallel_loop3A_1519 = arith.index_cast %parallel_loop3A_1518 : i32 to index
        %parallel_loop3A_1520 = arith.constant 32 : index
        %parallel_loop3A_1521 = tpu.vector_load %arg8[%parallel_loop3A_1519, %parallel_loop3A_1520] {strides = array<i32>} : memref<128x256xf32, #tpu.memory_space<vmem>>, vector<1x16xf32>,
        %parallel_loop3A_1522 = vector.shape_cast %parallel_loop3A_1521 : vector<1x16xf32> to vector<16xf32>
        %parallel_loop3A_1523 = arith.subf %parallel_loop3A_1522, %parallel_loop3A_1516 : vector<16xf32>
        %parallel_loop3A_1524 = arith.mulf %parallel_loop3A_1470, %parallel_loop3A_1523 : vector<16xf32>
        %parallel_loop3A_1525 = arith.addf %parallel_loop3A_1516, %parallel_loop3A_1524 : vector<16xf32>
        %parallel_loop3A_1526 = arith.constant 256 : i32
        %parallel_loop3A_1527 = arith.muli %parallel_loop3A_1464, %parallel_loop3A_1526 : i32
        %parallel_loop3A_1528 = arith.constant 32 : i32
        %parallel_loop3A_1529 = arith.addi %parallel_loop3A_1527, %parallel_loop3A_1528 : i32
        %parallel_loop3A_1530 = arith.index_cast %parallel_loop3A_1529 : i32 to index
        %parallel_loop3A_1531 = tpu.vector_load %arg14[%parallel_loop3A_1530] {strides = array<i32>} : memref<12544xf32, #tpu.memory_space<vmem>>, vector<16xf32>,
        %parallel_loop3A_1532 = vector.shape_cast %parallel_loop3A_1531 : vector<16xf32> to vector<16xf32>
        %parallel_loop3A_1533 = vector.shape_cast %parallel_loop3A_1525 : vector<16xf32> to vector<16xf32>
        tpu.vector_store %arg14[%parallel_loop3A_1530], %parallel_loop3A_1533 {strides = array<i32>} : memref<12544xf32, #tpu.memory_space<vmem>>, vector<16xf32>,
        %parallel_loop3A_1534 = arith.index_cast %parallel_loop3A_1464 : i32 to index
        %parallel_loop3A_1535 = arith.constant 48 : index
        %parallel_loop3A_1536 = tpu.vector_load %arg8[%parallel_loop3A_1534, %parallel_loop3A_1535] {strides = array<i32>} : memref<128x256xf32, #tpu.memory_space<vmem>>, vector<1x16xf32>,
        %parallel_loop3A_1537 = vector.shape_cast %parallel_loop3A_1536 : vector<1x16xf32> to vector<16xf32>
        %parallel_loop3A_1538 = arith.constant 64 : i32
        %parallel_loop3A_1539 = arith.addi %parallel_loop3A_1464, %parallel_loop3A_1538 : i32
        %parallel_loop3A_1540 = arith.index_cast %parallel_loop3A_1539 : i32 to index
        %parallel_loop3A_1541 = arith.constant 48 : index
        %parallel_loop3A_1542 = tpu.vector_load %arg8[%parallel_loop3A_1540, %parallel_loop3A_1541] {strides = array<i32>} : memref<128x256xf32, #tpu.memory_space<vmem>>, vector<1x16xf32>,
        %parallel_loop3A_1543 = vector.shape_cast %parallel_loop3A_1542 : vector<1x16xf32> to vector<16xf32>
        %parallel_loop3A_1544 = arith.subf %parallel_loop3A_1543, %parallel_loop3A_1537 : vector<16xf32>
        %parallel_loop3A_1545 = arith.mulf %parallel_loop3A_1470, %parallel_loop3A_1544 : vector<16xf32>
        %parallel_loop3A_1546 = arith.addf %parallel_loop3A_1537, %parallel_loop3A_1545 : vector<16xf32>
        %parallel_loop3A_1547 = arith.constant 256 : i32
        %parallel_loop3A_1548 = arith.muli %parallel_loop3A_1464, %parallel_loop3A_1547 : i32
        %parallel_loop3A_1549 = arith.constant 48 : i32
        %parallel_loop3A_1550 = arith.addi %parallel_loop3A_1548, %parallel_loop3A_1549 : i32
        %parallel_loop3A_1551 = arith.index_cast %parallel_loop3A_1550 : i32 to index
        %parallel_loop3A_1552 = tpu.vector_load %arg14[%parallel_loop3A_1551] {strides = array<i32>} : memref<12544xf32, #tpu.memory_space<vmem>>, vector<16xf32>,
        %parallel_loop3A_1553 = vector.shape_cast %parallel_loop3A_1552 : vector<16xf32> to vector<16xf32>
        %parallel_loop3A_1554 = vector.shape_cast %parallel_loop3A_1546 : vector<16xf32> to vector<16xf32>
        tpu.vector_store %arg14[%parallel_loop3A_1551], %parallel_loop3A_1554 {strides = array<i32>} : memref<12544xf32, #tpu.memory_space<vmem>>, vector<16xf32>,
        %parallel_loop3A_1555 = arith.index_cast %parallel_loop3A_1464 : i32 to index
        %parallel_loop3A_1556 = arith.constant 64 : index
        %parallel_loop3A_1557 = tpu.vector_load %arg8[%parallel_loop3A_1555, %parallel_loop3A_1556] {strides = array<i32>} : memref<128x256xf32, #tpu.memory_space<vmem>>, vector<1x16xf32>,
        %parallel_loop3A_1558 = vector.shape_cast %parallel_loop3A_1557 : vector<1x16xf32> to vector<16xf32>
        %parallel_loop3A_1559 = arith.constant 64 : i32
        %parallel_loop3A_1560 = arith.addi %parallel_loop3A_1464, %parallel_loop3A_1559 : i32
        %parallel_loop3A_1561 = arith.index_cast %parallel_loop3A_1560 : i32 to index
        %parallel_loop3A_1562 = arith.constant 64 : index
        %parallel_loop3A_1563 = tpu.vector_load %arg8[%parallel_loop3A_1561, %parallel_loop3A_1562] {strides = array<i32>} : memref<128x256xf32, #tpu.memory_space<vmem>>, vector<1x16xf32>,
        %parallel_loop3A_1564 = vector.shape_cast %parallel_loop3A_1563 : vector<1x16xf32> to vector<16xf32>
        %parallel_loop3A_1565 = arith.subf %parallel_loop3A_1564, %parallel_loop3A_1558 : vector<16xf32>
        %parallel_loop3A_1566 = arith.mulf %parallel_loop3A_1470, %parallel_loop3A_1565 : vector<16xf32>
        %parallel_loop3A_1567 = arith.addf %parallel_loop3A_1558, %parallel_loop3A_1566 : vector<16xf32>
        %parallel_loop3A_1568 = arith.constant 256 : i32
        %parallel_loop3A_1569 = arith.muli %parallel_loop3A_1464, %parallel_loop3A_1568 : i32
        %parallel_loop3A_1570 = arith.constant 64 : i32
        %parallel_loop3A_1571 = arith.addi %parallel_loop3A_1569, %parallel_loop3A_1570 : i32
        %parallel_loop3A_1572 = arith.index_cast %parallel_loop3A_1571 : i32 to index
        %parallel_loop3A_1573 = tpu.vector_load %arg14[%parallel_loop3A_1572] {strides = array<i32>} : memref<12544xf32, #tpu.memory_space<vmem>>, vector<16xf32>,
        %parallel_loop3A_1574 = vector.shape_cast %parallel_loop3A_1573 : vector<16xf32> to vector<16xf32>
        %parallel_loop3A_1575 = vector.shape_cast %parallel_loop3A_1567 : vector<16xf32> to vector<16xf32>
        tpu.vector_store %arg14[%parallel_loop3A_1572], %parallel_loop3A_1575 {strides = array<i32>} : memref<12544xf32, #tpu.memory_space<vmem>>, vector<16xf32>,
        %parallel_loop3A_1576 = arith.index_cast %parallel_loop3A_1464 : i32 to index
        %parallel_loop3A_1577 = arith.constant 80 : index
        %parallel_loop3A_1578 = tpu.vector_load %arg8[%parallel_loop3A_1576, %parallel_loop3A_1577] {strides = array<i32>} : memref<128x256xf32, #tpu.memory_space<vmem>>, vector<1x16xf32>,
        %parallel_loop3A_1579 = vector.shape_cast %parallel_loop3A_1578 : vector<1x16xf32> to vector<16xf32>
        %parallel_loop3A_1580 = arith.constant 64 : i32
        %parallel_loop3A_1581 = arith.addi %parallel_loop3A_1464, %parallel_loop3A_1580 : i32
        %parallel_loop3A_1582 = arith.index_cast %parallel_loop3A_1581 : i32 to index
        %parallel_loop3A_1583 = arith.constant 80 : index
        %parallel_loop3A_1584 = tpu.vector_load %arg8[%parallel_loop3A_1582, %parallel_loop3A_1583] {strides = array<i32>} : memref<128x256xf32, #tpu.memory_space<vmem>>, vector<1x16xf32>,
        %parallel_loop3A_1585 = vector.shape_cast %parallel_loop3A_1584 : vector<1x16xf32> to vector<16xf32>
        %parallel_loop3A_1586 = arith.subf %parallel_loop3A_1585, %parallel_loop3A_1579 : vector<16xf32>
        %parallel_loop3A_1587 = arith.mulf %parallel_loop3A_1470, %parallel_loop3A_1586 : vector<16xf32>
        %parallel_loop3A_1588 = arith.addf %parallel_loop3A_1579, %parallel_loop3A_1587 : vector<16xf32>
        %parallel_loop3A_1589 = arith.constant 256 : i32
        %parallel_loop3A_1590 = arith.muli %parallel_loop3A_1464, %parallel_loop3A_1589 : i32
        %parallel_loop3A_1591 = arith.constant 80 : i32
        %parallel_loop3A_1592 = arith.addi %parallel_loop3A_1590, %parallel_loop3A_1591 : i32
        %parallel_loop3A_1593 = arith.index_cast %parallel_loop3A_1592 : i32 to index
        %parallel_loop3A_1594 = tpu.vector_load %arg14[%parallel_loop3A_1593] {strides = array<i32>} : memref<12544xf32, #tpu.memory_space<vmem>>, vector<16xf32>,
        %parallel_loop3A_1595 = vector.shape_cast %parallel_loop3A_1594 : vector<16xf32> to vector<16xf32>
        %parallel_loop3A_1596 = vector.shape_cast %parallel_loop3A_1588 : vector<16xf32> to vector<16xf32>
        tpu.vector_store %arg14[%parallel_loop3A_1593], %parallel_loop3A_1596 {strides = array<i32>} : memref<12544xf32, #tpu.memory_space<vmem>>, vector<16xf32>,
        %parallel_loop3A_1597 = arith.index_cast %parallel_loop3A_1464 : i32 to index
        %parallel_loop3A_1598 = arith.constant 96 : index
        %parallel_loop3A_1599 = tpu.vector_load %arg8[%parallel_loop3A_1597, %parallel_loop3A_1598] {strides = array<i32>} : memref<128x256xf32, #tpu.memory_space<vmem>>, vector<1x16xf32>,
        %parallel_loop3A_1600 = vector.shape_cast %parallel_loop3A_1599 : vector<1x16xf32> to vector<16xf32>
        %parallel_loop3A_1601 = arith.constant 64 : i32
        %parallel_loop3A_1602 = arith.addi %parallel_loop3A_1464, %parallel_loop3A_1601 : i32
        %parallel_loop3A_1603 = arith.index_cast %parallel_loop3A_1602 : i32 to index
        %parallel_loop3A_1604 = arith.constant 96 : index
        %parallel_loop3A_1605 = tpu.vector_load %arg8[%parallel_loop3A_1603, %parallel_loop3A_1604] {strides = array<i32>} : memref<128x256xf32, #tpu.memory_space<vmem>>, vector<1x16xf32>,
        %parallel_loop3A_1606 = vector.shape_cast %parallel_loop3A_1605 : vector<1x16xf32> to vector<16xf32>
        %parallel_loop3A_1607 = arith.subf %parallel_loop3A_1606, %parallel_loop3A_1600 : vector<16xf32>
        %parallel_loop3A_1608 = arith.mulf %parallel_loop3A_1470, %parallel_loop3A_1607 : vector<16xf32>
        %parallel_loop3A_1609 = arith.addf %parallel_loop3A_1600, %parallel_loop3A_1608 : vector<16xf32>
        %parallel_loop3A_1610 = arith.constant 256 : i32
        %parallel_loop3A_1611 = arith.muli %parallel_loop3A_1464, %parallel_loop3A_1610 : i32
        %parallel_loop3A_1612 = arith.constant 96 : i32
        %parallel_loop3A_1613 = arith.addi %parallel_loop3A_1611, %parallel_loop3A_1612 : i32
        %parallel_loop3A_1614 = arith.index_cast %parallel_loop3A_1613 : i32 to index
        %parallel_loop3A_1615 = tpu.vector_load %arg14[%parallel_loop3A_1614] {strides = array<i32>} : memref<12544xf32, #tpu.memory_space<vmem>>, vector<16xf32>,
        %parallel_loop3A_1616 = vector.shape_cast %parallel_loop3A_1615 : vector<16xf32> to vector<16xf32>
        %parallel_loop3A_1617 = vector.shape_cast %parallel_loop3A_1609 : vector<16xf32> to vector<16xf32>
        tpu.vector_store %arg14[%parallel_loop3A_1614], %parallel_loop3A_1617 {strides = array<i32>} : memref<12544xf32, #tpu.memory_space<vmem>>, vector<16xf32>,
        %parallel_loop3A_1618 = arith.index_cast %parallel_loop3A_1464 : i32 to index
        %parallel_loop3A_1619 = arith.constant 112 : index
        %parallel_loop3A_1620 = tpu.vector_load %arg8[%parallel_loop3A_1618, %parallel_loop3A_1619] {strides = array<i32>} : memref<128x256xf32, #tpu.memory_space<vmem>>, vector<1x16xf32>,
        %parallel_loop3A_1621 = vector.shape_cast %parallel_loop3A_1620 : vector<1x16xf32> to vector<16xf32>
        %parallel_loop3A_1622 = arith.constant 64 : i32
        %parallel_loop3A_1623 = arith.addi %parallel_loop3A_1464, %parallel_loop3A_1622 : i32
        %parallel_loop3A_1624 = arith.index_cast %parallel_loop3A_1623 : i32 to index
        %parallel_loop3A_1625 = arith.constant 112 : index
        %parallel_loop3A_1626 = tpu.vector_load %arg8[%parallel_loop3A_1624, %parallel_loop3A_1625] {strides = array<i32>} : memref<128x256xf32, #tpu.memory_space<vmem>>, vector<1x16xf32>,
        %parallel_loop3A_1627 = vector.shape_cast %parallel_loop3A_1626 : vector<1x16xf32> to vector<16xf32>
        %parallel_loop3A_1628 = arith.subf %parallel_loop3A_1627, %parallel_loop3A_1621 : vector<16xf32>
        %parallel_loop3A_1629 = arith.mulf %parallel_loop3A_1470, %parallel_loop3A_1628 : vector<16xf32>
        %parallel_loop3A_1630 = arith.addf %parallel_loop3A_1621, %parallel_loop3A_1629 : vector<16xf32>
        %parallel_loop3A_1631 = arith.constant 256 : i32
        %parallel_loop3A_1632 = arith.muli %parallel_loop3A_1464, %parallel_loop3A_1631 : i32
        %parallel_loop3A_1633 = arith.constant 112 : i32
        %parallel_loop3A_1634 = arith.addi %parallel_loop3A_1632, %parallel_loop3A_1633 : i32
        %parallel_loop3A_1635 = arith.index_cast %parallel_loop3A_1634 : i32 to index
        %parallel_loop3A_1636 = tpu.vector_load %arg14[%parallel_loop3A_1635] {strides = array<i32>} : memref<12544xf32, #tpu.memory_space<vmem>>, vector<16xf32>,
        %parallel_loop3A_1637 = vector.shape_cast %parallel_loop3A_1636 : vector<16xf32> to vector<16xf32>
        %parallel_loop3A_1638 = vector.shape_cast %parallel_loop3A_1630 : vector<16xf32> to vector<16xf32>
        tpu.vector_store %arg14[%parallel_loop3A_1635], %parallel_loop3A_1638 {strides = array<i32>} : memref<12544xf32, #tpu.memory_space<vmem>>, vector<16xf32>,
        %parallel_loop3A_1639 = arith.index_cast %parallel_loop3A_1464 : i32 to index
        %parallel_loop3A_1640 = arith.constant 128 : index
        %parallel_loop3A_1641 = tpu.vector_load %arg8[%parallel_loop3A_1639, %parallel_loop3A_1640] {strides = array<i32>} : memref<128x256xf32, #tpu.memory_space<vmem>>, vector<1x16xf32>,
        %parallel_loop3A_1642 = vector.shape_cast %parallel_loop3A_1641 : vector<1x16xf32> to vector<16xf32>
        %parallel_loop3A_1643 = arith.constant 64 : i32
        %parallel_loop3A_1644 = arith.addi %parallel_loop3A_1464, %parallel_loop3A_1643 : i32
        %parallel_loop3A_1645 = arith.index_cast %parallel_loop3A_1644 : i32 to index
        %parallel_loop3A_1646 = arith.constant 128 : index
        %parallel_loop3A_1647 = tpu.vector_load %arg8[%parallel_loop3A_1645, %parallel_loop3A_1646] {strides = array<i32>} : memref<128x256xf32, #tpu.memory_space<vmem>>, vector<1x16xf32>,
        %parallel_loop3A_1648 = vector.shape_cast %parallel_loop3A_1647 : vector<1x16xf32> to vector<16xf32>
        %parallel_loop3A_1649 = arith.subf %parallel_loop3A_1648, %parallel_loop3A_1642 : vector<16xf32>
        %parallel_loop3A_1650 = arith.mulf %parallel_loop3A_1470, %parallel_loop3A_1649 : vector<16xf32>
        %parallel_loop3A_1651 = arith.addf %parallel_loop3A_1642, %parallel_loop3A_1650 : vector<16xf32>
        %parallel_loop3A_1652 = arith.constant 256 : i32
        %parallel_loop3A_1653 = arith.muli %parallel_loop3A_1464, %parallel_loop3A_1652 : i32
        %parallel_loop3A_1654 = arith.constant 128 : i32
        %parallel_loop3A_1655 = arith.addi %parallel_loop3A_1653, %parallel_loop3A_1654 : i32
        %parallel_loop3A_1656 = arith.index_cast %parallel_loop3A_1655 : i32 to index
        %parallel_loop3A_1657 = tpu.vector_load %arg14[%parallel_loop3A_1656] {strides = array<i32>} : memref<12544xf32, #tpu.memory_space<vmem>>, vector<16xf32>,
        %parallel_loop3A_1658 = vector.shape_cast %parallel_loop3A_1657 : vector<16xf32> to vector<16xf32>
        %parallel_loop3A_1659 = vector.shape_cast %parallel_loop3A_1651 : vector<16xf32> to vector<16xf32>
        tpu.vector_store %arg14[%parallel_loop3A_1656], %parallel_loop3A_1659 {strides = array<i32>} : memref<12544xf32, #tpu.memory_space<vmem>>, vector<16xf32>,
        %parallel_loop3A_1660 = arith.index_cast %parallel_loop3A_1464 : i32 to index
        %parallel_loop3A_1661 = arith.constant 144 : index
        %parallel_loop3A_1662 = tpu.vector_load %arg8[%parallel_loop3A_1660, %parallel_loop3A_1661] {strides = array<i32>} : memref<128x256xf32, #tpu.memory_space<vmem>>, vector<1x16xf32>,
        %parallel_loop3A_1663 = vector.shape_cast %parallel_loop3A_1662 : vector<1x16xf32> to vector<16xf32>
        %parallel_loop3A_1664 = arith.constant 64 : i32
        %parallel_loop3A_1665 = arith.addi %parallel_loop3A_1464, %parallel_loop3A_1664 : i32
        %parallel_loop3A_1666 = arith.index_cast %parallel_loop3A_1665 : i32 to index
        %parallel_loop3A_1667 = arith.constant 144 : index
        %parallel_loop3A_1668 = tpu.vector_load %arg8[%parallel_loop3A_1666, %parallel_loop3A_1667] {strides = array<i32>} : memref<128x256xf32, #tpu.memory_space<vmem>>, vector<1x16xf32>,
        %parallel_loop3A_1669 = vector.shape_cast %parallel_loop3A_1668 : vector<1x16xf32> to vector<16xf32>
        %parallel_loop3A_1670 = arith.subf %parallel_loop3A_1669, %parallel_loop3A_1663 : vector<16xf32>
        %parallel_loop3A_1671 = arith.mulf %parallel_loop3A_1470, %parallel_loop3A_1670 : vector<16xf32>
        %parallel_loop3A_1672 = arith.addf %parallel_loop3A_1663, %parallel_loop3A_1671 : vector<16xf32>
        %parallel_loop3A_1673 = arith.constant 256 : i32
        %parallel_loop3A_1674 = arith.muli %parallel_loop3A_1464, %parallel_loop3A_1673 : i32
        %parallel_loop3A_1675 = arith.constant 144 : i32
        %parallel_loop3A_1676 = arith.addi %parallel_loop3A_1674, %parallel_loop3A_1675 : i32
        %parallel_loop3A_1677 = arith.index_cast %parallel_loop3A_1676 : i32 to index
        %parallel_loop3A_1678 = tpu.vector_load %arg14[%parallel_loop3A_1677] {strides = array<i32>} : memref<12544xf32, #tpu.memory_space<vmem>>, vector<16xf32>,
        %parallel_loop3A_1679 = vector.shape_cast %parallel_loop3A_1678 : vector<16xf32> to vector<16xf32>
        %parallel_loop3A_1680 = vector.shape_cast %parallel_loop3A_1672 : vector<16xf32> to vector<16xf32>
        tpu.vector_store %arg14[%parallel_loop3A_1677], %parallel_loop3A_1680 {strides = array<i32>} : memref<12544xf32, #tpu.memory_space<vmem>>, vector<16xf32>,
        %parallel_loop3A_1681 = arith.index_cast %parallel_loop3A_1464 : i32 to index
        %parallel_loop3A_1682 = arith.constant 160 : index
        %parallel_loop3A_1683 = tpu.vector_load %arg8[%parallel_loop3A_1681, %parallel_loop3A_1682] {strides = array<i32>} : memref<128x256xf32, #tpu.memory_space<vmem>>, vector<1x16xf32>,
        %parallel_loop3A_1684 = vector.shape_cast %parallel_loop3A_1683 : vector<1x16xf32> to vector<16xf32>
        %parallel_loop3A_1685 = arith.constant 64 : i32
        %parallel_loop3A_1686 = arith.addi %parallel_loop3A_1464, %parallel_loop3A_1685 : i32
        %parallel_loop3A_1687 = arith.index_cast %parallel_loop3A_1686 : i32 to index
        %parallel_loop3A_1688 = arith.constant 160 : index
        %parallel_loop3A_1689 = tpu.vector_load %arg8[%parallel_loop3A_1687, %parallel_loop3A_1688] {strides = array<i32>} : memref<128x256xf32, #tpu.memory_space<vmem>>, vector<1x16xf32>,
        %parallel_loop3A_1690 = vector.shape_cast %parallel_loop3A_1689 : vector<1x16xf32> to vector<16xf32>
        %parallel_loop3A_1691 = arith.subf %parallel_loop3A_1690, %parallel_loop3A_1684 : vector<16xf32>
        %parallel_loop3A_1692 = arith.mulf %parallel_loop3A_1470, %parallel_loop3A_1691 : vector<16xf32>
        %parallel_loop3A_1693 = arith.addf %parallel_loop3A_1684, %parallel_loop3A_1692 : vector<16xf32>
        %parallel_loop3A_1694 = arith.constant 256 : i32
        %parallel_loop3A_1695 = arith.muli %parallel_loop3A_1464, %parallel_loop3A_1694 : i32
        %parallel_loop3A_1696 = arith.constant 160 : i32
        %parallel_loop3A_1697 = arith.addi %parallel_loop3A_1695, %parallel_loop3A_1696 : i32
        %parallel_loop3A_1698 = arith.index_cast %parallel_loop3A_1697 : i32 to index
        %parallel_loop3A_1699 = tpu.vector_load %arg14[%parallel_loop3A_1698] {strides = array<i32>} : memref<12544xf32, #tpu.memory_space<vmem>>, vector<16xf32>,
        %parallel_loop3A_1700 = vector.shape_cast %parallel_loop3A_1699 : vector<16xf32> to vector<16xf32>
        %parallel_loop3A_1701 = vector.shape_cast %parallel_loop3A_1693 : vector<16xf32> to vector<16xf32>
        tpu.vector_store %arg14[%parallel_loop3A_1698], %parallel_loop3A_1701 {strides = array<i32>} : memref<12544xf32, #tpu.memory_space<vmem>>, vector<16xf32>,
        %parallel_loop3A_1702 = arith.index_cast %parallel_loop3A_1464 : i32 to index
        %parallel_loop3A_1703 = arith.constant 176 : index
        %parallel_loop3A_1704 = tpu.vector_load %arg8[%parallel_loop3A_1702, %parallel_loop3A_1703] {strides = array<i32>} : memref<128x256xf32, #tpu.memory_space<vmem>>, vector<1x16xf32>,
        %parallel_loop3A_1705 = vector.shape_cast %parallel_loop3A_1704 : vector<1x16xf32> to vector<16xf32>
        %parallel_loop3A_1706 = arith.constant 64 : i32
        %parallel_loop3A_1707 = arith.addi %parallel_loop3A_1464, %parallel_loop3A_1706 : i32
        %parallel_loop3A_1708 = arith.index_cast %parallel_loop3A_1707 : i32 to index
        %parallel_loop3A_1709 = arith.constant 176 : index
        %parallel_loop3A_1710 = tpu.vector_load %arg8[%parallel_loop3A_1708, %parallel_loop3A_1709] {strides = array<i32>} : memref<128x256xf32, #tpu.memory_space<vmem>>, vector<1x16xf32>,
        %parallel_loop3A_1711 = vector.shape_cast %parallel_loop3A_1710 : vector<1x16xf32> to vector<16xf32>
        %parallel_loop3A_1712 = arith.subf %parallel_loop3A_1711, %parallel_loop3A_1705 : vector<16xf32>
        %parallel_loop3A_1713 = arith.mulf %parallel_loop3A_1470, %parallel_loop3A_1712 : vector<16xf32>
        %parallel_loop3A_1714 = arith.addf %parallel_loop3A_1705, %parallel_loop3A_1713 : vector<16xf32>
        %parallel_loop3A_1715 = arith.constant 256 : i32
        %parallel_loop3A_1716 = arith.muli %parallel_loop3A_1464, %parallel_loop3A_1715 : i32
        %parallel_loop3A_1717 = arith.constant 176 : i32
        %parallel_loop3A_1718 = arith.addi %parallel_loop3A_1716, %parallel_loop3A_1717 : i32
        %parallel_loop3A_1719 = arith.index_cast %parallel_loop3A_1718 : i32 to index
        %parallel_loop3A_1720 = tpu.vector_load %arg14[%parallel_loop3A_1719] {strides = array<i32>} : memref<12544xf32, #tpu.memory_space<vmem>>, vector<16xf32>,
        %parallel_loop3A_1721 = vector.shape_cast %parallel_loop3A_1720 : vector<16xf32> to vector<16xf32>
        %parallel_loop3A_1722 = vector.shape_cast %parallel_loop3A_1714 : vector<16xf32> to vector<16xf32>
        tpu.vector_store %arg14[%parallel_loop3A_1719], %parallel_loop3A_1722 {strides = array<i32>} : memref<12544xf32, #tpu.memory_space<vmem>>, vector<16xf32>,
        %parallel_loop3A_1723 = arith.index_cast %parallel_loop3A_1464 : i32 to index
        %parallel_loop3A_1724 = arith.constant 192 : index
        %parallel_loop3A_1725 = tpu.vector_load %arg8[%parallel_loop3A_1723, %parallel_loop3A_1724] {strides = array<i32>} : memref<128x256xf32, #tpu.memory_space<vmem>>, vector<1x16xf32>,
        %parallel_loop3A_1726 = vector.shape_cast %parallel_loop3A_1725 : vector<1x16xf32> to vector<16xf32>
        %parallel_loop3A_1727 = arith.constant 64 : i32
        %parallel_loop3A_1728 = arith.addi %parallel_loop3A_1464, %parallel_loop3A_1727 : i32
        %parallel_loop3A_1729 = arith.index_cast %parallel_loop3A_1728 : i32 to index
        %parallel_loop3A_1730 = arith.constant 192 : index
        %parallel_loop3A_1731 = tpu.vector_load %arg8[%parallel_loop3A_1729, %parallel_loop3A_1730] {strides = array<i32>} : memref<128x256xf32, #tpu.memory_space<vmem>>, vector<1x16xf32>,
        %parallel_loop3A_1732 = vector.shape_cast %parallel_loop3A_1731 : vector<1x16xf32> to vector<16xf32>
        %parallel_loop3A_1733 = arith.subf %parallel_loop3A_1732, %parallel_loop3A_1726 : vector<16xf32>
        %parallel_loop3A_1734 = arith.mulf %parallel_loop3A_1470, %parallel_loop3A_1733 : vector<16xf32>
        %parallel_loop3A_1735 = arith.addf %parallel_loop3A_1726, %parallel_loop3A_1734 : vector<16xf32>
        %parallel_loop3A_1736 = arith.constant 256 : i32
        %parallel_loop3A_1737 = arith.muli %parallel_loop3A_1464, %parallel_loop3A_1736 : i32
        %parallel_loop3A_1738 = arith.constant 192 : i32
        %parallel_loop3A_1739 = arith.addi %parallel_loop3A_1737, %parallel_loop3A_1738 : i32
        %parallel_loop3A_1740 = arith.index_cast %parallel_loop3A_1739 : i32 to index
        %parallel_loop3A_1741 = tpu.vector_load %arg14[%parallel_loop3A_1740] {strides = array<i32>} : memref<12544xf32, #tpu.memory_space<vmem>>, vector<16xf32>,
        %parallel_loop3A_1742 = vector.shape_cast %parallel_loop3A_1741 : vector<16xf32> to vector<16xf32>
        %parallel_loop3A_1743 = vector.shape_cast %parallel_loop3A_1735 : vector<16xf32> to vector<16xf32>
        tpu.vector_store %arg14[%parallel_loop3A_1740], %parallel_loop3A_1743 {strides = array<i32>} : memref<12544xf32, #tpu.memory_space<vmem>>, vector<16xf32>,
        %parallel_loop3A_1744 = arith.index_cast %parallel_loop3A_1464 : i32 to index
        %parallel_loop3A_1745 = arith.constant 208 : index
        %parallel_loop3A_1746 = tpu.vector_load %arg8[%parallel_loop3A_1744, %parallel_loop3A_1745] {strides = array<i32>} : memref<128x256xf32, #tpu.memory_space<vmem>>, vector<1x16xf32>,
        %parallel_loop3A_1747 = vector.shape_cast %parallel_loop3A_1746 : vector<1x16xf32> to vector<16xf32>
        %parallel_loop3A_1748 = arith.constant 64 : i32
        %parallel_loop3A_1749 = arith.addi %parallel_loop3A_1464, %parallel_loop3A_1748 : i32
        %parallel_loop3A_1750 = arith.index_cast %parallel_loop3A_1749 : i32 to index
        %parallel_loop3A_1751 = arith.constant 208 : index
        %parallel_loop3A_1752 = tpu.vector_load %arg8[%parallel_loop3A_1750, %parallel_loop3A_1751] {strides = array<i32>} : memref<128x256xf32, #tpu.memory_space<vmem>>, vector<1x16xf32>,
        %parallel_loop3A_1753 = vector.shape_cast %parallel_loop3A_1752 : vector<1x16xf32> to vector<16xf32>
        %parallel_loop3A_1754 = arith.subf %parallel_loop3A_1753, %parallel_loop3A_1747 : vector<16xf32>
        %parallel_loop3A_1755 = arith.mulf %parallel_loop3A_1470, %parallel_loop3A_1754 : vector<16xf32>
        %parallel_loop3A_1756 = arith.addf %parallel_loop3A_1747, %parallel_loop3A_1755 : vector<16xf32>
        %parallel_loop3A_1757 = arith.constant 256 : i32
        %parallel_loop3A_1758 = arith.muli %parallel_loop3A_1464, %parallel_loop3A_1757 : i32
        %parallel_loop3A_1759 = arith.constant 208 : i32
        %parallel_loop3A_1760 = arith.addi %parallel_loop3A_1758, %parallel_loop3A_1759 : i32
        %parallel_loop3A_1761 = arith.index_cast %parallel_loop3A_1760 : i32 to index
        %parallel_loop3A_1762 = tpu.vector_load %arg14[%parallel_loop3A_1761] {strides = array<i32>} : memref<12544xf32, #tpu.memory_space<vmem>>, vector<16xf32>,
        %parallel_loop3A_1763 = vector.shape_cast %parallel_loop3A_1762 : vector<16xf32> to vector<16xf32>
        %parallel_loop3A_1764 = vector.shape_cast %parallel_loop3A_1756 : vector<16xf32> to vector<16xf32>
        tpu.vector_store %arg14[%parallel_loop3A_1761], %parallel_loop3A_1764 {strides = array<i32>} : memref<12544xf32, #tpu.memory_space<vmem>>, vector<16xf32>,
        %parallel_loop3A_1765 = arith.index_cast %parallel_loop3A_1464 : i32 to index
        %parallel_loop3A_1766 = arith.constant 224 : index
        %parallel_loop3A_1767 = tpu.vector_load %arg8[%parallel_loop3A_1765, %parallel_loop3A_1766] {strides = array<i32>} : memref<128x256xf32, #tpu.memory_space<vmem>>, vector<1x16xf32>,
        %parallel_loop3A_1768 = vector.shape_cast %parallel_loop3A_1767 : vector<1x16xf32> to vector<16xf32>
        %parallel_loop3A_1769 = arith.constant 64 : i32
        %parallel_loop3A_1770 = arith.addi %parallel_loop3A_1464, %parallel_loop3A_1769 : i32
        %parallel_loop3A_1771 = arith.index_cast %parallel_loop3A_1770 : i32 to index
        %parallel_loop3A_1772 = arith.constant 224 : index
        %parallel_loop3A_1773 = tpu.vector_load %arg8[%parallel_loop3A_1771, %parallel_loop3A_1772] {strides = array<i32>} : memref<128x256xf32, #tpu.memory_space<vmem>>, vector<1x16xf32>,
        %parallel_loop3A_1774 = vector.shape_cast %parallel_loop3A_1773 : vector<1x16xf32> to vector<16xf32>
        %parallel_loop3A_1775 = arith.subf %parallel_loop3A_1774, %parallel_loop3A_1768 : vector<16xf32>
        %parallel_loop3A_1776 = arith.mulf %parallel_loop3A_1470, %parallel_loop3A_1775 : vector<16xf32>
        %parallel_loop3A_1777 = arith.addf %parallel_loop3A_1768, %parallel_loop3A_1776 : vector<16xf32>
        %parallel_loop3A_1778 = arith.constant 256 : i32
        %parallel_loop3A_1779 = arith.muli %parallel_loop3A_1464, %parallel_loop3A_1778 : i32
        %parallel_loop3A_1780 = arith.constant 224 : i32
        %parallel_loop3A_1781 = arith.addi %parallel_loop3A_1779, %parallel_loop3A_1780 : i32
        %parallel_loop3A_1782 = arith.index_cast %parallel_loop3A_1781 : i32 to index
        %parallel_loop3A_1783 = tpu.vector_load %arg14[%parallel_loop3A_1782] {strides = array<i32>} : memref<12544xf32, #tpu.memory_space<vmem>>, vector<16xf32>,
        %parallel_loop3A_1784 = vector.shape_cast %parallel_loop3A_1783 : vector<16xf32> to vector<16xf32>
        %parallel_loop3A_1785 = vector.shape_cast %parallel_loop3A_1777 : vector<16xf32> to vector<16xf32>
        tpu.vector_store %arg14[%parallel_loop3A_1782], %parallel_loop3A_1785 {strides = array<i32>} : memref<12544xf32, #tpu.memory_space<vmem>>, vector<16xf32>,
        %parallel_loop3A_1786 = arith.index_cast %parallel_loop3A_1464 : i32 to index
        %parallel_loop3A_1787 = arith.constant 240 : index
        %parallel_loop3A_1788 = tpu.vector_load %arg8[%parallel_loop3A_1786, %parallel_loop3A_1787] {strides = array<i32>} : memref<128x256xf32, #tpu.memory_space<vmem>>, vector<1x16xf32>,
        %parallel_loop3A_1789 = vector.shape_cast %parallel_loop3A_1788 : vector<1x16xf32> to vector<16xf32>
        %parallel_loop3A_1790 = arith.constant 64 : i32
        %parallel_loop3A_1791 = arith.addi %parallel_loop3A_1464, %parallel_loop3A_1790 : i32
        %parallel_loop3A_1792 = arith.index_cast %parallel_loop3A_1791 : i32 to index
        %parallel_loop3A_1793 = arith.constant 240 : index
        %parallel_loop3A_1794 = tpu.vector_load %arg8[%parallel_loop3A_1792, %parallel_loop3A_1793] {strides = array<i32>} : memref<128x256xf32, #tpu.memory_space<vmem>>, vector<1x16xf32>,
        %parallel_loop3A_1795 = vector.shape_cast %parallel_loop3A_1794 : vector<1x16xf32> to vector<16xf32>
        %parallel_loop3A_1796 = arith.subf %parallel_loop3A_1795, %parallel_loop3A_1789 : vector<16xf32>
        %parallel_loop3A_1797 = arith.mulf %parallel_loop3A_1470, %parallel_loop3A_1796 : vector<16xf32>
        %parallel_loop3A_1798 = arith.addf %parallel_loop3A_1789, %parallel_loop3A_1797 : vector<16xf32>
        %parallel_loop3A_1799 = arith.constant 256 : i32
        %parallel_loop3A_1800 = arith.muli %parallel_loop3A_1464, %parallel_loop3A_1799 : i32
        %parallel_loop3A_1801 = arith.constant 240 : i32
        %parallel_loop3A_1802 = arith.addi %parallel_loop3A_1800, %parallel_loop3A_1801 : i32
        %parallel_loop3A_1803 = arith.index_cast %parallel_loop3A_1802 : i32 to index
        %parallel_loop3A_1804 = tpu.vector_load %arg14[%parallel_loop3A_1803] {strides = array<i32>} : memref<12544xf32, #tpu.memory_space<vmem>>, vector<16xf32>,
        %parallel_loop3A_1805 = vector.shape_cast %parallel_loop3A_1804 : vector<16xf32> to vector<16xf32>
        %parallel_loop3A_1806 = vector.shape_cast %parallel_loop3A_1798 : vector<16xf32> to vector<16xf32>
        tpu.vector_store %arg14[%parallel_loop3A_1803], %parallel_loop3A_1806 {strides = array<i32>} : memref<12544xf32, #tpu.memory_space<vmem>>, vector<16xf32>,
      } {sc.loop_unroll_factor = 2 : i64, sc.parallel_access}
      %add3A_759 = arith.constant 1 : i32
      %add3A_760 = arith.addi %scan3A_697, %add3A_759 : i32
      %min3A_761 = arith.constant 31 : i32
      %min3A_762 = arith.minsi %add3A_760, %min3A_761 : i32
      %add3A_763 = arith.addi %mul3A_2, %min3A_762 : i32
      %min3A_764 = arith.constant 999 : i32
      %min3A_765 = arith.minsi %add3A_763, %min3A_764 : i32
      %sub3A_766 = arith.subi %min3A_765, %mul3A_2 : i32
      %mul3A_767 = arith.constant 16 : i32
      %mul3A_768 = arith.muli %sub3A_766, %mul3A_767 : i32
      %get3A_769 = arith.index_cast %mul3A_768 : i32 to index
      %get3A_770 = tpu.vector_load %arg5[%get3A_769] {strides = array<i32>} : memref<512xf32, #tpu.memory_space<vmem>>, vector<16xf32>,
      %get3A_771 = vector.shape_cast %get3A_770 : vector<16xf32> to vector<16xf32>
      %slice3A_772 = vector.extract_strided_slice %get3A_771 {offsets = [0], sizes = [1], strides = [1]} : vector<16xf32> to vector<1xf32>
      %squeeze3A_773 = vector.extract %slice3A_772[0] : f32 from vector<1xf32>
      %broadcast_in_dim3A_774 = vector.broadcast %squeeze3A_773 : f32 to vector<16xf32>
      %mul3A_775 = arith.constant 6.250000e-02 : f32
      %mul3A_776 = vector.broadcast %mul3A_775 : f32 to vector<16xf32>
      %mul3A_777 = arith.mulf %broadcast_in_dim3A_774, %mul3A_776 : vector<16xf32>
      %slice3A_778 = vector.extract_strided_slice %get3A_771 {offsets = [1], sizes = [1], strides = [1]} : vector<16xf32> to vector<1xf32>
      %squeeze3A_779 = vector.extract %slice3A_778[0] : f32 from vector<1xf32>
      %broadcast_in_dim3A_780 = vector.broadcast %squeeze3A_779 : f32 to vector<16xf32>
      %mul3A_781 = arith.constant 6.250000e-02 : f32
      %mul3A_782 = vector.broadcast %mul3A_781 : f32 to vector<16xf32>
      %mul3A_783 = arith.mulf %broadcast_in_dim3A_780, %mul3A_782 : vector<16xf32>
      %slice3A_784 = vector.extract_strided_slice %get3A_771 {offsets = [2], sizes = [1], strides = [1]} : vector<16xf32> to vector<1xf32>
      %squeeze3A_785 = vector.extract %slice3A_784[0] : f32 from vector<1xf32>
      %broadcast_in_dim3A_786 = vector.broadcast %squeeze3A_785 : f32 to vector<16xf32>
      %mul3A_787 = arith.constant 6.250000e-02 : f32
      %mul3A_788 = vector.broadcast %mul3A_787 : f32 to vector<16xf32>
      %mul3A_789 = arith.mulf %broadcast_in_dim3A_786, %mul3A_788 : vector<16xf32>
      %slice3A_790 = vector.extract_strided_slice %get3A_771 {offsets = [3], sizes = [1], strides = [1]} : vector<16xf32> to vector<1xf32>
      %squeeze3A_791 = vector.extract %slice3A_790[0] : f32 from vector<1xf32>
      %broadcast_in_dim3A_792 = vector.broadcast %squeeze3A_791 : f32 to vector<16xf32>
      %mul3A_793 = arith.constant 6.250000e-02 : f32
      %mul3A_794 = vector.broadcast %mul3A_793 : f32 to vector<16xf32>
      %mul3A_795 = arith.mulf %broadcast_in_dim3A_792, %mul3A_794 : vector<16xf32>
      %sub3A_796 = arith.subf %mul3A_789, %mul3A_777 : vector<16xf32>
      %mul3A_797 = arith.constant 0.142857149 : f32
      %mul3A_798 = vector.broadcast %mul3A_797 : f32 to vector<16xf32>
      %mul3A_799 = arith.mulf %sub3A_796, %mul3A_798 : vector<16xf32>
      %sub3A_800 = arith.subf %mul3A_795, %mul3A_783 : vector<16xf32>
      %mul3A_801 = arith.constant 0.142857149 : f32
      %mul3A_802 = vector.broadcast %mul3A_801 : f32 to vector<16xf32>
      %mul3A_803 = arith.mulf %sub3A_800, %mul3A_802 : vector<16xf32>
      %add3A_804 = arith.constant 0 : i32
      %add3A_805 = vector.broadcast %add3A_804 : i32 to vector<16xi32>
      %add3A_806 = arith.addi %iota3A, %add3A_805 : vector<16xi32>
      %mul3A_807 = arith.constant 9363 : i32
      %mul3A_808 = vector.broadcast %mul3A_807 : i32 to vector<16xi32>
      %mul3A_809 = arith.muli %add3A_806, %mul3A_808 : vector<16xi32>
      %shift_right_logical3A_810 = arith.constant 16 : i32
      %shift_right_logical3A_811 = vector.broadcast %shift_right_logical3A_810 : i32 to vector<16xi32>
      %shift_right_logical3A_812 = arith.shrui %mul3A_809, %shift_right_logical3A_811 : vector<16xi32>
      %mul3A_813 = arith.constant 7 : i32
      %mul3A_814 = vector.broadcast %mul3A_813 : i32 to vector<16xi32>
      %mul3A_815 = arith.muli %shift_right_logical3A_812, %mul3A_814 : vector<16xi32>
      %sub3A_816 = arith.subi %add3A_806, %mul3A_815 : vector<16xi32>
      %convert_element_type3A_817 = arith.sitofp %shift_right_logical3A_812 : vector<16xi32> to vector<16xf32>
      %add3A_818 = arith.constant 5.000000e-01 : f32
      %add3A_819 = vector.broadcast %add3A_818 : f32 to vector<16xf32>
      %add3A_820 = arith.addf %convert_element_type3A_817, %add3A_819 : vector<16xf32>
      %mul3A_821 = arith.mulf %add3A_820, %mul3A_799 : vector<16xf32>
      %add3A_822 = arith.addf %mul3A_777, %mul3A_821 : vector<16xf32>
      %convert_element_type3A_823 = arith.sitofp %sub3A_816 : vector<16xi32> to vector<16xf32>
      %add3A_824 = arith.constant 5.000000e-01 : f32
      %add3A_825 = vector.broadcast %add3A_824 : f32 to vector<16xf32>
      %add3A_826 = arith.addf %convert_element_type3A_823, %add3A_825 : vector<16xf32>
      %mul3A_827 = arith.mulf %add3A_826, %mul3A_803 : vector<16xf32>
      %add3A_828 = arith.addf %mul3A_783, %mul3A_827 : vector<16xf32>
      %jit3A_829 = arith.constant 0.000000e+00 : f32
      %jit3A_830 = arith.constant 4.900000e+01 : f32
      %max3A_831 = vector.broadcast %jit3A_829 : f32 to vector<16xf32>
      %max3A_832 = arith.maximumf %max3A_831, %add3A_822 : vector<16xf32>
      %min3A_833 = vector.broadcast %jit3A_830 : f32 to vector<16xf32>
      %min3A_834 = arith.minimumf %min3A_833, %max3A_832 : vector<16xf32>
      %jit3A_835 = arith.constant 0.000000e+00 : f32
      %jit3A_836 = arith.constant 4.900000e+01 : f32
      %max3A_837 = vector.broadcast %jit3A_835 : f32 to vector<16xf32>
      %max3A_838 = arith.maximumf %max3A_837, %add3A_828 : vector<16xf32>
      %min3A_839 = vector.broadcast %jit3A_836 : f32 to vector<16xf32>
      %min3A_840 = arith.minimumf %min3A_839, %max3A_838 : vector<16xf32>
      %convert_element_type3A_841 = arith.fptosi %min3A_834 : vector<16xf32> to vector<16xi32>
      %convert_element_type3A_842 = arith.fptosi %min3A_840 : vector<16xf32> to vector<16xi32>
      %convert_element_type3A_843 = arith.sitofp %convert_element_type3A_841 : vector<16xi32> to vector<16xf32>
      %sub3A_844 = arith.subf %min3A_834, %convert_element_type3A_843 : vector<16xf32>
      %convert_element_type3A_845 = arith.sitofp %convert_element_type3A_842 : vector<16xi32> to vector<16xf32>
      %sub3A_846 = arith.subf %min3A_840, %convert_element_type3A_845 : vector<16xf32>
      %add3A_847 = arith.constant 1 : i32
      %add3A_848 = vector.broadcast %add3A_847 : i32 to vector<16xi32>
      %add3A_849 = arith.addi %convert_element_type3A_841, %add3A_848 : vector<16xi32>
      %min3A_850 = arith.constant 49 : i32
      %min3A_851 = vector.broadcast %min3A_850 : i32 to vector<16xi32>
      %min3A_852 = arith.minsi %add3A_849, %min3A_851 : vector<16xi32>
      %add3A_853 = arith.constant 1 : i32
      %add3A_854 = vector.broadcast %add3A_853 : i32 to vector<16xi32>
      %add3A_855 = arith.addi %convert_element_type3A_842, %add3A_854 : vector<16xi32>
      %min3A_856 = arith.constant 49 : i32
      %min3A_857 = vector.broadcast %min3A_856 : i32 to vector<16xi32>
      %min3A_858 = arith.minsi %add3A_855, %min3A_857 : vector<16xi32>
      %mul3A_859 = arith.constant 50 : i32
      %mul3A_860 = vector.broadcast %mul3A_859 : i32 to vector<16xi32>
      %mul3A_861 = arith.muli %convert_element_type3A_841, %mul3A_860 : vector<16xi32>
      %add3A_862 = arith.addi %mul3A_861, %convert_element_type3A_842 : vector<16xi32>
      %swap3A_863 = arith.constant 0 : index
      %swap3A_864 = tpu.vector_load %arg6[%swap3A_863] {strides = array<i32>} : memref<128xi32, #tpu.memory_space<vmem>>, vector<16xi32>,
      %swap3A_865 = vector.shape_cast %swap3A_864 : vector<16xi32> to vector<16xi32>
      %swap3A_866 = vector.shape_cast %add3A_862 : vector<16xi32> to vector<16xi32>
      tpu.vector_store %arg6[%swap3A_863], %swap3A_866 {strides = array<i32>} : memref<128xi32, #tpu.memory_space<vmem>>, vector<16xi32>,
      %mul3A_867 = arith.constant 50 : i32
      %mul3A_868 = vector.broadcast %mul3A_867 : i32 to vector<16xi32>
      %mul3A_869 = arith.muli %convert_element_type3A_841, %mul3A_868 : vector<16xi32>
      %add3A_870 = arith.addi %mul3A_869, %min3A_858 : vector<16xi32>
      %swap3A_871 = arith.constant 64 : index
      %swap3A_872 = tpu.vector_load %arg6[%swap3A_871] {strides = array<i32>} : memref<128xi32, #tpu.memory_space<vmem>>, vector<16xi32>,
      %swap3A_873 = vector.shape_cast %swap3A_872 : vector<16xi32> to vector<16xi32>
      %swap3A_874 = vector.shape_cast %add3A_870 : vector<16xi32> to vector<16xi32>
      tpu.vector_store %arg6[%swap3A_871], %swap3A_874 {strides = array<i32>} : memref<128xi32, #tpu.memory_space<vmem>>, vector<16xi32>,
      %swap3A_875 = arith.constant 0 : index
      %swap3A_876 = tpu.vector_load %arg10[%swap3A_875] {strides = array<i32>} : memref<64xf32, #tpu.memory_space<vmem>>, vector<16xf32>,
      %swap3A_877 = vector.shape_cast %swap3A_876 : vector<16xf32> to vector<16xf32>
      %swap3A_878 = vector.shape_cast %sub3A_844 : vector<16xf32> to vector<16xf32>
      tpu.vector_store %arg10[%swap3A_875], %swap3A_878 {strides = array<i32>} : memref<64xf32, #tpu.memory_space<vmem>>, vector<16xf32>,
      %swap3A_879 = arith.constant 0 : index
      %swap3A_880 = tpu.vector_load %arg11[%swap3A_879] {strides = array<i32>} : memref<64xf32, #tpu.memory_space<vmem>>, vector<16xf32>,
      %swap3A_881 = vector.shape_cast %swap3A_880 : vector<16xf32> to vector<16xf32>
      %swap3A_882 = vector.shape_cast %sub3A_846 : vector<16xf32> to vector<16xf32>
      tpu.vector_store %arg11[%swap3A_879], %swap3A_882 {strides = array<i32>} : memref<64xf32, #tpu.memory_space<vmem>>, vector<16xf32>,
      %add3A_883 = arith.constant 16 : i32
      %add3A_884 = vector.broadcast %add3A_883 : i32 to vector<16xi32>
      %add3A_885 = arith.addi %iota3A, %add3A_884 : vector<16xi32>
      %mul3A_886 = arith.constant 9363 : i32
      %mul3A_887 = vector.broadcast %mul3A_886 : i32 to vector<16xi32>
      %mul3A_888 = arith.muli %add3A_885, %mul3A_887 : vector<16xi32>
      %shift_right_logical3A_889 = arith.constant 16 : i32
      %shift_right_logical3A_890 = vector.broadcast %shift_right_logical3A_889 : i32 to vector<16xi32>
      %shift_right_logical3A_891 = arith.shrui %mul3A_888, %shift_right_logical3A_890 : vector<16xi32>
      %mul3A_892 = arith.constant 7 : i32
      %mul3A_893 = vector.broadcast %mul3A_892 : i32 to vector<16xi32>
      %mul3A_894 = arith.muli %shift_right_logical3A_891, %mul3A_893 : vector<16xi32>
      %sub3A_895 = arith.subi %add3A_885, %mul3A_894 : vector<16xi32>
      %convert_element_type3A_896 = arith.sitofp %shift_right_logical3A_891 : vector<16xi32> to vector<16xf32>
      %add3A_897 = arith.constant 5.000000e-01 : f32
      %add3A_898 = vector.broadcast %add3A_897 : f32 to vector<16xf32>
      %add3A_899 = arith.addf %convert_element_type3A_896, %add3A_898 : vector<16xf32>
      %mul3A_900 = arith.mulf %add3A_899, %mul3A_799 : vector<16xf32>
      %add3A_901 = arith.addf %mul3A_777, %mul3A_900 : vector<16xf32>
      %convert_element_type3A_902 = arith.sitofp %sub3A_895 : vector<16xi32> to vector<16xf32>
      %add3A_903 = arith.constant 5.000000e-01 : f32
      %add3A_904 = vector.broadcast %add3A_903 : f32 to vector<16xf32>
      %add3A_905 = arith.addf %convert_element_type3A_902, %add3A_904 : vector<16xf32>
      %mul3A_906 = arith.mulf %add3A_905, %mul3A_803 : vector<16xf32>
      %add3A_907 = arith.addf %mul3A_783, %mul3A_906 : vector<16xf32>
      %jit3A_908 = arith.constant 0.000000e+00 : f32
      %jit3A_909 = arith.constant 4.900000e+01 : f32
      %max3A_910 = vector.broadcast %jit3A_908 : f32 to vector<16xf32>
      %max3A_911 = arith.maximumf %max3A_910, %add3A_901 : vector<16xf32>
      %min3A_912 = vector.broadcast %jit3A_909 : f32 to vector<16xf32>
      %min3A_913 = arith.minimumf %min3A_912, %max3A_911 : vector<16xf32>
      %jit3A_914 = arith.constant 0.000000e+00 : f32
      %jit3A_915 = arith.constant 4.900000e+01 : f32
      %max3A_916 = vector.broadcast %jit3A_914 : f32 to vector<16xf32>
      %max3A_917 = arith.maximumf %max3A_916, %add3A_907 : vector<16xf32>
      %min3A_918 = vector.broadcast %jit3A_915 : f32 to vector<16xf32>
      %min3A_919 = arith.minimumf %min3A_918, %max3A_917 : vector<16xf32>
      %convert_element_type3A_920 = arith.fptosi %min3A_913 : vector<16xf32> to vector<16xi32>
      %convert_element_type3A_921 = arith.fptosi %min3A_919 : vector<16xf32> to vector<16xi32>
      %convert_element_type3A_922 = arith.sitofp %convert_element_type3A_920 : vector<16xi32> to vector<16xf32>
      %sub3A_923 = arith.subf %min3A_913, %convert_element_type3A_922 : vector<16xf32>
      %convert_element_type3A_924 = arith.sitofp %convert_element_type3A_921 : vector<16xi32> to vector<16xf32>
      %sub3A_925 = arith.subf %min3A_919, %convert_element_type3A_924 : vector<16xf32>
      %add3A_926 = arith.constant 1 : i32
      %add3A_927 = vector.broadcast %add3A_926 : i32 to vector<16xi32>
      %add3A_928 = arith.addi %convert_element_type3A_920, %add3A_927 : vector<16xi32>
      %min3A_929 = arith.constant 49 : i32
      %min3A_930 = vector.broadcast %min3A_929 : i32 to vector<16xi32>
      %min3A_931 = arith.minsi %add3A_928, %min3A_930 : vector<16xi32>
      %add3A_932 = arith.constant 1 : i32
      %add3A_933 = vector.broadcast %add3A_932 : i32 to vector<16xi32>
      %add3A_934 = arith.addi %convert_element_type3A_921, %add3A_933 : vector<16xi32>
      %min3A_935 = arith.constant 49 : i32
      %min3A_936 = vector.broadcast %min3A_935 : i32 to vector<16xi32>
      %min3A_937 = arith.minsi %add3A_934, %min3A_936 : vector<16xi32>
      %mul3A_938 = arith.constant 50 : i32
      %mul3A_939 = vector.broadcast %mul3A_938 : i32 to vector<16xi32>
      %mul3A_940 = arith.muli %convert_element_type3A_920, %mul3A_939 : vector<16xi32>
      %add3A_941 = arith.addi %mul3A_940, %convert_element_type3A_921 : vector<16xi32>
      %swap3A_942 = arith.constant 16 : index
      %swap3A_943 = tpu.vector_load %arg6[%swap3A_942] {strides = array<i32>} : memref<128xi32, #tpu.memory_space<vmem>>, vector<16xi32>,
      %swap3A_944 = vector.shape_cast %swap3A_943 : vector<16xi32> to vector<16xi32>
      %swap3A_945 = vector.shape_cast %add3A_941 : vector<16xi32> to vector<16xi32>
      tpu.vector_store %arg6[%swap3A_942], %swap3A_945 {strides = array<i32>} : memref<128xi32, #tpu.memory_space<vmem>>, vector<16xi32>,
      %mul3A_946 = arith.constant 50 : i32
      %mul3A_947 = vector.broadcast %mul3A_946 : i32 to vector<16xi32>
      %mul3A_948 = arith.muli %convert_element_type3A_920, %mul3A_947 : vector<16xi32>
      %add3A_949 = arith.addi %mul3A_948, %min3A_937 : vector<16xi32>
      %swap3A_950 = arith.constant 80 : index
      %swap3A_951 = tpu.vector_load %arg6[%swap3A_950] {strides = array<i32>} : memref<128xi32, #tpu.memory_space<vmem>>, vector<16xi32>,
      %swap3A_952 = vector.shape_cast %swap3A_951 : vector<16xi32> to vector<16xi32>
      %swap3A_953 = vector.shape_cast %add3A_949 : vector<16xi32> to vector<16xi32>
      tpu.vector_store %arg6[%swap3A_950], %swap3A_953 {strides = array<i32>} : memref<128xi32, #tpu.memory_space<vmem>>, vector<16xi32>,
      %swap3A_954 = arith.constant 16 : index
      %swap3A_955 = tpu.vector_load %arg10[%swap3A_954] {strides = array<i32>} : memref<64xf32, #tpu.memory_space<vmem>>, vector<16xf32>,
      %swap3A_956 = vector.shape_cast %swap3A_955 : vector<16xf32> to vector<16xf32>
      %swap3A_957 = vector.shape_cast %sub3A_923 : vector<16xf32> to vector<16xf32>
      tpu.vector_store %arg10[%swap3A_954], %swap3A_957 {strides = array<i32>} : memref<64xf32, #tpu.memory_space<vmem>>, vector<16xf32>,
      %swap3A_958 = arith.constant 16 : index
      %swap3A_959 = tpu.vector_load %arg11[%swap3A_958] {strides = array<i32>} : memref<64xf32, #tpu.memory_space<vmem>>, vector<16xf32>,
      %swap3A_960 = vector.shape_cast %swap3A_959 : vector<16xf32> to vector<16xf32>
      %swap3A_961 = vector.shape_cast %sub3A_925 : vector<16xf32> to vector<16xf32>
      tpu.vector_store %arg11[%swap3A_958], %swap3A_961 {strides = array<i32>} : memref<64xf32, #tpu.memory_space<vmem>>, vector<16xf32>,
      %add3A_962 = arith.constant 32 : i32
      %add3A_963 = vector.broadcast %add3A_962 : i32 to vector<16xi32>
      %add3A_964 = arith.addi %iota3A, %add3A_963 : vector<16xi32>
      %mul3A_965 = arith.constant 9363 : i32
      %mul3A_966 = vector.broadcast %mul3A_965 : i32 to vector<16xi32>
      %mul3A_967 = arith.muli %add3A_964, %mul3A_966 : vector<16xi32>
      %shift_right_logical3A_968 = arith.constant 16 : i32
      %shift_right_logical3A_969 = vector.broadcast %shift_right_logical3A_968 : i32 to vector<16xi32>
      %shift_right_logical3A_970 = arith.shrui %mul3A_967, %shift_right_logical3A_969 : vector<16xi32>
      %mul3A_971 = arith.constant 7 : i32
      %mul3A_972 = vector.broadcast %mul3A_971 : i32 to vector<16xi32>
      %mul3A_973 = arith.muli %shift_right_logical3A_970, %mul3A_972 : vector<16xi32>
      %sub3A_974 = arith.subi %add3A_964, %mul3A_973 : vector<16xi32>
      %convert_element_type3A_975 = arith.sitofp %shift_right_logical3A_970 : vector<16xi32> to vector<16xf32>
      %add3A_976 = arith.constant 5.000000e-01 : f32
      %add3A_977 = vector.broadcast %add3A_976 : f32 to vector<16xf32>
      %add3A_978 = arith.addf %convert_element_type3A_975, %add3A_977 : vector<16xf32>
      %mul3A_979 = arith.mulf %add3A_978, %mul3A_799 : vector<16xf32>
      %add3A_980 = arith.addf %mul3A_777, %mul3A_979 : vector<16xf32>
      %convert_element_type3A_981 = arith.sitofp %sub3A_974 : vector<16xi32> to vector<16xf32>
      %add3A_982 = arith.constant 5.000000e-01 : f32
      %add3A_983 = vector.broadcast %add3A_982 : f32 to vector<16xf32>
      %add3A_984 = arith.addf %convert_element_type3A_981, %add3A_983 : vector<16xf32>
      %mul3A_985 = arith.mulf %add3A_984, %mul3A_803 : vector<16xf32>
      %add3A_986 = arith.addf %mul3A_783, %mul3A_985 : vector<16xf32>
      %jit3A_987 = arith.constant 0.000000e+00 : f32
      %jit3A_988 = arith.constant 4.900000e+01 : f32
      %max3A_989 = vector.broadcast %jit3A_987 : f32 to vector<16xf32>
      %max3A_990 = arith.maximumf %max3A_989, %add3A_980 : vector<16xf32>
      %min3A_991 = vector.broadcast %jit3A_988 : f32 to vector<16xf32>
      %min3A_992 = arith.minimumf %min3A_991, %max3A_990 : vector<16xf32>
      %jit3A_993 = arith.constant 0.000000e+00 : f32
      %jit3A_994 = arith.constant 4.900000e+01 : f32
      %max3A_995 = vector.broadcast %jit3A_993 : f32 to vector<16xf32>
      %max3A_996 = arith.maximumf %max3A_995, %add3A_986 : vector<16xf32>
      %min3A_997 = vector.broadcast %jit3A_994 : f32 to vector<16xf32>
      %min3A_998 = arith.minimumf %min3A_997, %max3A_996 : vector<16xf32>
      %convert_element_type3A_999 = arith.fptosi %min3A_992 : vector<16xf32> to vector<16xi32>
      %convert_element_type3A_1000 = arith.fptosi %min3A_998 : vector<16xf32> to vector<16xi32>
      %convert_element_type3A_1001 = arith.sitofp %convert_element_type3A_999 : vector<16xi32> to vector<16xf32>
      %sub3A_1002 = arith.subf %min3A_992, %convert_element_type3A_1001 : vector<16xf32>
      %convert_element_type3A_1003 = arith.sitofp %convert_element_type3A_1000 : vector<16xi32> to vector<16xf32>
      %sub3A_1004 = arith.subf %min3A_998, %convert_element_type3A_1003 : vector<16xf32>
      %add3A_1005 = arith.constant 1 : i32
      %add3A_1006 = vector.broadcast %add3A_1005 : i32 to vector<16xi32>
      %add3A_1007 = arith.addi %convert_element_type3A_999, %add3A_1006 : vector<16xi32>
      %min3A_1008 = arith.constant 49 : i32
      %min3A_1009 = vector.broadcast %min3A_1008 : i32 to vector<16xi32>
      %min3A_1010 = arith.minsi %add3A_1007, %min3A_1009 : vector<16xi32>
      %add3A_1011 = arith.constant 1 : i32
      %add3A_1012 = vector.broadcast %add3A_1011 : i32 to vector<16xi32>
      %add3A_1013 = arith.addi %convert_element_type3A_1000, %add3A_1012 : vector<16xi32>
      %min3A_1014 = arith.constant 49 : i32
      %min3A_1015 = vector.broadcast %min3A_1014 : i32 to vector<16xi32>
      %min3A_1016 = arith.minsi %add3A_1013, %min3A_1015 : vector<16xi32>
      %mul3A_1017 = arith.constant 50 : i32
      %mul3A_1018 = vector.broadcast %mul3A_1017 : i32 to vector<16xi32>
      %mul3A_1019 = arith.muli %convert_element_type3A_999, %mul3A_1018 : vector<16xi32>
      %add3A_1020 = arith.addi %mul3A_1019, %convert_element_type3A_1000 : vector<16xi32>
      %swap3A_1021 = arith.constant 32 : index
      %swap3A_1022 = tpu.vector_load %arg6[%swap3A_1021] {strides = array<i32>} : memref<128xi32, #tpu.memory_space<vmem>>, vector<16xi32>,
      %swap3A_1023 = vector.shape_cast %swap3A_1022 : vector<16xi32> to vector<16xi32>
      %swap3A_1024 = vector.shape_cast %add3A_1020 : vector<16xi32> to vector<16xi32>
      tpu.vector_store %arg6[%swap3A_1021], %swap3A_1024 {strides = array<i32>} : memref<128xi32, #tpu.memory_space<vmem>>, vector<16xi32>,
      %mul3A_1025 = arith.constant 50 : i32
      %mul3A_1026 = vector.broadcast %mul3A_1025 : i32 to vector<16xi32>
      %mul3A_1027 = arith.muli %convert_element_type3A_999, %mul3A_1026 : vector<16xi32>
      %add3A_1028 = arith.addi %mul3A_1027, %min3A_1016 : vector<16xi32>
      %swap3A_1029 = arith.constant 96 : index
      %swap3A_1030 = tpu.vector_load %arg6[%swap3A_1029] {strides = array<i32>} : memref<128xi32, #tpu.memory_space<vmem>>, vector<16xi32>,
      %swap3A_1031 = vector.shape_cast %swap3A_1030 : vector<16xi32> to vector<16xi32>
      %swap3A_1032 = vector.shape_cast %add3A_1028 : vector<16xi32> to vector<16xi32>
      tpu.vector_store %arg6[%swap3A_1029], %swap3A_1032 {strides = array<i32>} : memref<128xi32, #tpu.memory_space<vmem>>, vector<16xi32>,
      %swap3A_1033 = arith.constant 32 : index
      %swap3A_1034 = tpu.vector_load %arg10[%swap3A_1033] {strides = array<i32>} : memref<64xf32, #tpu.memory_space<vmem>>, vector<16xf32>,
      %swap3A_1035 = vector.shape_cast %swap3A_1034 : vector<16xf32> to vector<16xf32>
      %swap3A_1036 = vector.shape_cast %sub3A_1002 : vector<16xf32> to vector<16xf32>
      tpu.vector_store %arg10[%swap3A_1033], %swap3A_1036 {strides = array<i32>} : memref<64xf32, #tpu.memory_space<vmem>>, vector<16xf32>,
      %swap3A_1037 = arith.constant 32 : index
      %swap3A_1038 = tpu.vector_load %arg11[%swap3A_1037] {strides = array<i32>} : memref<64xf32, #tpu.memory_space<vmem>>, vector<16xf32>,
      %swap3A_1039 = vector.shape_cast %swap3A_1038 : vector<16xf32> to vector<16xf32>
      %swap3A_1040 = vector.shape_cast %sub3A_1004 : vector<16xf32> to vector<16xf32>
      tpu.vector_store %arg11[%swap3A_1037], %swap3A_1040 {strides = array<i32>} : memref<64xf32, #tpu.memory_space<vmem>>, vector<16xf32>,
      %add3A_1041 = arith.constant 48 : i32
      %add3A_1042 = vector.broadcast %add3A_1041 : i32 to vector<16xi32>
      %add3A_1043 = arith.addi %iota3A, %add3A_1042 : vector<16xi32>
      %mul3A_1044 = arith.constant 9363 : i32
      %mul3A_1045 = vector.broadcast %mul3A_1044 : i32 to vector<16xi32>
      %mul3A_1046 = arith.muli %add3A_1043, %mul3A_1045 : vector<16xi32>
      %shift_right_logical3A_1047 = arith.constant 16 : i32
      %shift_right_logical3A_1048 = vector.broadcast %shift_right_logical3A_1047 : i32 to vector<16xi32>
      %shift_right_logical3A_1049 = arith.shrui %mul3A_1046, %shift_right_logical3A_1048 : vector<16xi32>
      %mul3A_1050 = arith.constant 7 : i32
      %mul3A_1051 = vector.broadcast %mul3A_1050 : i32 to vector<16xi32>
      %mul3A_1052 = arith.muli %shift_right_logical3A_1049, %mul3A_1051 : vector<16xi32>
      %sub3A_1053 = arith.subi %add3A_1043, %mul3A_1052 : vector<16xi32>
      %convert_element_type3A_1054 = arith.sitofp %shift_right_logical3A_1049 : vector<16xi32> to vector<16xf32>
      %add3A_1055 = arith.constant 5.000000e-01 : f32
      %add3A_1056 = vector.broadcast %add3A_1055 : f32 to vector<16xf32>
      %add3A_1057 = arith.addf %convert_element_type3A_1054, %add3A_1056 : vector<16xf32>
      %mul3A_1058 = arith.mulf %add3A_1057, %mul3A_799 : vector<16xf32>
      %add3A_1059 = arith.addf %mul3A_777, %mul3A_1058 : vector<16xf32>
      %convert_element_type3A_1060 = arith.sitofp %sub3A_1053 : vector<16xi32> to vector<16xf32>
      %add3A_1061 = arith.constant 5.000000e-01 : f32
      %add3A_1062 = vector.broadcast %add3A_1061 : f32 to vector<16xf32>
      %add3A_1063 = arith.addf %convert_element_type3A_1060, %add3A_1062 : vector<16xf32>
      %mul3A_1064 = arith.mulf %add3A_1063, %mul3A_803 : vector<16xf32>
      %add3A_1065 = arith.addf %mul3A_783, %mul3A_1064 : vector<16xf32>
      %jit3A_1066 = arith.constant 0.000000e+00 : f32
      %jit3A_1067 = arith.constant 4.900000e+01 : f32
      %max3A_1068 = vector.broadcast %jit3A_1066 : f32 to vector<16xf32>
      %max3A_1069 = arith.maximumf %max3A_1068, %add3A_1059 : vector<16xf32>
      %min3A_1070 = vector.broadcast %jit3A_1067 : f32 to vector<16xf32>
      %min3A_1071 = arith.minimumf %min3A_1070, %max3A_1069 : vector<16xf32>
      %jit3A_1072 = arith.constant 0.000000e+00 : f32
      %jit3A_1073 = arith.constant 4.900000e+01 : f32
      %max3A_1074 = vector.broadcast %jit3A_1072 : f32 to vector<16xf32>
      %max3A_1075 = arith.maximumf %max3A_1074, %add3A_1065 : vector<16xf32>
      %min3A_1076 = vector.broadcast %jit3A_1073 : f32 to vector<16xf32>
      %min3A_1077 = arith.minimumf %min3A_1076, %max3A_1075 : vector<16xf32>
      %convert_element_type3A_1078 = arith.fptosi %min3A_1071 : vector<16xf32> to vector<16xi32>
      %convert_element_type3A_1079 = arith.fptosi %min3A_1077 : vector<16xf32> to vector<16xi32>
      %convert_element_type3A_1080 = arith.sitofp %convert_element_type3A_1078 : vector<16xi32> to vector<16xf32>
      %sub3A_1081 = arith.subf %min3A_1071, %convert_element_type3A_1080 : vector<16xf32>
      %convert_element_type3A_1082 = arith.sitofp %convert_element_type3A_1079 : vector<16xi32> to vector<16xf32>
      %sub3A_1083 = arith.subf %min3A_1077, %convert_element_type3A_1082 : vector<16xf32>
      %add3A_1084 = arith.constant 1 : i32
      %add3A_1085 = vector.broadcast %add3A_1084 : i32 to vector<16xi32>
      %add3A_1086 = arith.addi %convert_element_type3A_1078, %add3A_1085 : vector<16xi32>
      %min3A_1087 = arith.constant 49 : i32
      %min3A_1088 = vector.broadcast %min3A_1087 : i32 to vector<16xi32>
      %min3A_1089 = arith.minsi %add3A_1086, %min3A_1088 : vector<16xi32>
      %add3A_1090 = arith.constant 1 : i32
      %add3A_1091 = vector.broadcast %add3A_1090 : i32 to vector<16xi32>
      %add3A_1092 = arith.addi %convert_element_type3A_1079, %add3A_1091 : vector<16xi32>
      %min3A_1093 = arith.constant 49 : i32
      %min3A_1094 = vector.broadcast %min3A_1093 : i32 to vector<16xi32>
      %min3A_1095 = arith.minsi %add3A_1092, %min3A_1094 : vector<16xi32>
      %mul3A_1096 = arith.constant 50 : i32
      %mul3A_1097 = vector.broadcast %mul3A_1096 : i32 to vector<16xi32>
      %mul3A_1098 = arith.muli %convert_element_type3A_1078, %mul3A_1097 : vector<16xi32>
      %add3A_1099 = arith.addi %mul3A_1098, %convert_element_type3A_1079 : vector<16xi32>
      %swap3A_1100 = arith.constant 48 : index
      %swap3A_1101 = tpu.vector_load %arg6[%swap3A_1100] {strides = array<i32>} : memref<128xi32, #tpu.memory_space<vmem>>, vector<16xi32>,
      %swap3A_1102 = vector.shape_cast %swap3A_1101 : vector<16xi32> to vector<16xi32>
      %swap3A_1103 = vector.shape_cast %add3A_1099 : vector<16xi32> to vector<16xi32>
      tpu.vector_store %arg6[%swap3A_1100], %swap3A_1103 {strides = array<i32>} : memref<128xi32, #tpu.memory_space<vmem>>, vector<16xi32>,
      %mul3A_1104 = arith.constant 50 : i32
      %mul3A_1105 = vector.broadcast %mul3A_1104 : i32 to vector<16xi32>
      %mul3A_1106 = arith.muli %convert_element_type3A_1078, %mul3A_1105 : vector<16xi32>
      %add3A_1107 = arith.addi %mul3A_1106, %min3A_1095 : vector<16xi32>
      %swap3A_1108 = arith.constant 112 : index
      %swap3A_1109 = tpu.vector_load %arg6[%swap3A_1108] {strides = array<i32>} : memref<128xi32, #tpu.memory_space<vmem>>, vector<16xi32>,
      %swap3A_1110 = vector.shape_cast %swap3A_1109 : vector<16xi32> to vector<16xi32>
      %swap3A_1111 = vector.shape_cast %add3A_1107 : vector<16xi32> to vector<16xi32>
      tpu.vector_store %arg6[%swap3A_1108], %swap3A_1111 {strides = array<i32>} : memref<128xi32, #tpu.memory_space<vmem>>, vector<16xi32>,
      %swap3A_1112 = arith.constant 48 : index
      %swap3A_1113 = tpu.vector_load %arg10[%swap3A_1112] {strides = array<i32>} : memref<64xf32, #tpu.memory_space<vmem>>, vector<16xf32>,
      %swap3A_1114 = vector.shape_cast %swap3A_1113 : vector<16xf32> to vector<16xf32>
      %swap3A_1115 = vector.shape_cast %sub3A_1081 : vector<16xf32> to vector<16xf32>
      tpu.vector_store %arg10[%swap3A_1112], %swap3A_1115 {strides = array<i32>} : memref<64xf32, #tpu.memory_space<vmem>>, vector<16xf32>,
      %swap3A_1116 = arith.constant 48 : index
      %swap3A_1117 = tpu.vector_load %arg11[%swap3A_1116] {strides = array<i32>} : memref<64xf32, #tpu.memory_space<vmem>>, vector<16xf32>,
      %swap3A_1118 = vector.shape_cast %swap3A_1117 : vector<16xf32> to vector<16xf32>
      %swap3A_1119 = vector.shape_cast %sub3A_1083 : vector<16xf32> to vector<16xf32>
      tpu.vector_store %arg11[%swap3A_1116], %swap3A_1119 {strides = array<i32>} : memref<64xf32, #tpu.memory_space<vmem>>, vector<16xf32>,
      %dma_start3A_1120 = arith.constant 0 : i32
      %dma_start3A_1121 = arith.constant 0 : i32
      %dma_start3A_1122 = tpu.memref_slice %arg2[%dma_start3A_1120, %dma_start3A_1121] : memref<2500x256xf32, #tpu.memory_space<hbm>> -> memref<2500x256xf32, #tpu.memory_space<hbm>>
      tpu.enqueue_indirect_dma source(%dma_start3A_1122 : memref<2500x256xf32, #tpu.memory_space<hbm>>) target(%arg8 : memref<128x256xf32, #tpu.memory_space<vmem>>) offsets(%arg6 : memref<128xi32, #tpu.memory_space<vmem>>) semaphore(%arg15 : memref<!tpu.dma_semaphore, #tpu.memory_space<semaphore_mem>>)
      %dma_wait3A_1123 = arith.constant 0 : i32
      %dma_wait3A_1124 = arith.constant 0 : i32
      %dma_wait3A_1125 = tpu.memref_slice %arg2[%dma_wait3A_1123, %dma_wait3A_1124] : memref<2500x256xf32, #tpu.memory_space<hbm>> -> memref<2500x256xf32, #tpu.memory_space<hbm>>
      tpu.wait_indirect_dma semaphore(%arg16 : memref<!tpu.dma_semaphore, #tpu.memory_space<semaphore_mem>>) src(%dma_wait3A_1125 : memref<2500x256xf32, #tpu.memory_space<hbm>>) dst(%arg9 : memref<128x256xf32, #tpu.memory_space<vmem>>)
      %parallel_loop3A_1126 = arith.constant 0 : i32
      %parallel_loop3A_1127 = arith.constant 49 : i32
      %parallel_loop3A_1128 = arith.constant 1 : i32
      scf.for %parallel_loop3A_1464 = %parallel_loop3A_1126 to %parallel_loop3A_1127 step %parallel_loop3A_1128  : i32 {
        %parallel_loop3A_1465 = arith.index_cast %parallel_loop3A_1464 : i32 to index
        %parallel_loop3A_1466 = tpu.vector_load %arg13[%parallel_loop3A_1465] {strides = array<i32>} : memref<64xf32, #tpu.memory_space<vmem>>, vector<16xf32>,
        %parallel_loop3A_1467 = vector.shape_cast %parallel_loop3A_1466 : vector<16xf32> to vector<16xf32>
        %parallel_loop3A_1468 = vector.extract_strided_slice %parallel_loop3A_1467 {offsets = [0], sizes = [1], strides = [1]} : vector<16xf32> to vector<1xf32>
        %parallel_loop3A_1469 = vector.extract %parallel_loop3A_1468[0] : f32 from vector<1xf32>
        %parallel_loop3A_1470 = vector.broadcast %parallel_loop3A_1469 : f32 to vector<16xf32>
        %parallel_loop3A_1471 = arith.index_cast %parallel_loop3A_1464 : i32 to index
        %parallel_loop3A_1472 = tpu.vector_load %arg12[%parallel_loop3A_1471] {strides = array<i32>} : memref<64xf32, #tpu.memory_space<vmem>>, vector<16xf32>,
        %parallel_loop3A_1473 = vector.shape_cast %parallel_loop3A_1472 : vector<16xf32> to vector<16xf32>
        %parallel_loop3A_1474 = vector.extract_strided_slice %parallel_loop3A_1473 {offsets = [0], sizes = [1], strides = [1]} : vector<16xf32> to vector<1xf32>
        %parallel_loop3A_1475 = vector.extract %parallel_loop3A_1474[0] : f32 from vector<1xf32>
        %parallel_loop3A_1476 = vector.broadcast %parallel_loop3A_1475 : f32 to vector<16xf32>
        %parallel_loop3A_1477 = arith.index_cast %parallel_loop3A_1464 : i32 to index
        %parallel_loop3A_1478 = arith.constant 0 : index
        %parallel_loop3A_1479 = tpu.vector_load %arg9[%parallel_loop3A_1477, %parallel_loop3A_1478] {strides = array<i32>} : memref<128x256xf32, #tpu.memory_space<vmem>>, vector<1x16xf32>,
        %parallel_loop3A_1480 = vector.shape_cast %parallel_loop3A_1479 : vector<1x16xf32> to vector<16xf32>
        %parallel_loop3A_1481 = arith.constant 64 : i32
        %parallel_loop3A_1482 = arith.addi %parallel_loop3A_1464, %parallel_loop3A_1481 : i32
        %parallel_loop3A_1483 = arith.index_cast %parallel_loop3A_1482 : i32 to index
        %parallel_loop3A_1484 = arith.constant 0 : index
        %parallel_loop3A_1485 = tpu.vector_load %arg9[%parallel_loop3A_1483, %parallel_loop3A_1484] {strides = array<i32>} : memref<128x256xf32, #tpu.memory_space<vmem>>, vector<1x16xf32>,
        %parallel_loop3A_1486 = vector.shape_cast %parallel_loop3A_1485 : vector<1x16xf32> to vector<16xf32>
        %parallel_loop3A_1487 = arith.subf %parallel_loop3A_1486, %parallel_loop3A_1480 : vector<16xf32>
        %parallel_loop3A_1488 = arith.mulf %parallel_loop3A_1470, %parallel_loop3A_1487 : vector<16xf32>
        %parallel_loop3A_1489 = arith.addf %parallel_loop3A_1480, %parallel_loop3A_1488 : vector<16xf32>
        %parallel_loop3A_1490 = arith.constant 256 : i32
        %parallel_loop3A_1491 = arith.muli %parallel_loop3A_1464, %parallel_loop3A_1490 : i32
        %parallel_loop3A_1492 = arith.constant 0 : i32
        %parallel_loop3A_1493 = arith.addi %parallel_loop3A_1491, %parallel_loop3A_1492 : i32
        %parallel_loop3A_1494 = arith.index_cast %parallel_loop3A_1493 : i32 to index
        %parallel_loop3A_1495 = tpu.vector_load %arg14[%parallel_loop3A_1494] {strides = array<i32>} : memref<12544xf32, #tpu.memory_space<vmem>>, vector<16xf32>,
        %parallel_loop3A_1496 = vector.shape_cast %parallel_loop3A_1495 : vector<16xf32> to vector<16xf32>
        %parallel_loop3A_1497 = arith.subf %parallel_loop3A_1489, %parallel_loop3A_1496 : vector<16xf32>
        %parallel_loop3A_1498 = arith.mulf %parallel_loop3A_1476, %parallel_loop3A_1497 : vector<16xf32>
        %parallel_loop3A_1499 = arith.addf %parallel_loop3A_1496, %parallel_loop3A_1498 : vector<16xf32>
        %parallel_loop3A_1500 = arith.constant 256 : i32
        %parallel_loop3A_1501 = arith.muli %parallel_loop3A_1464, %parallel_loop3A_1500 : i32
        %parallel_loop3A_1502 = arith.constant 0 : i32
        %parallel_loop3A_1503 = arith.addi %parallel_loop3A_1501, %parallel_loop3A_1502 : i32
        %parallel_loop3A_1504 = arith.index_cast %parallel_loop3A_1503 : i32 to index
        %parallel_loop3A_1505 = tpu.vector_load %arg14[%parallel_loop3A_1504] {strides = array<i32>} : memref<12544xf32, #tpu.memory_space<vmem>>, vector<16xf32>,
        %parallel_loop3A_1506 = vector.shape_cast %parallel_loop3A_1505 : vector<16xf32> to vector<16xf32>
        %parallel_loop3A_1507 = vector.shape_cast %parallel_loop3A_1499 : vector<16xf32> to vector<16xf32>
        tpu.vector_store %arg14[%parallel_loop3A_1504], %parallel_loop3A_1507 {strides = array<i32>} : memref<12544xf32, #tpu.memory_space<vmem>>, vector<16xf32>,
        %parallel_loop3A_1508 = arith.index_cast %parallel_loop3A_1464 : i32 to index
        %parallel_loop3A_1509 = arith.constant 16 : index
        %parallel_loop3A_1510 = tpu.vector_load %arg9[%parallel_loop3A_1508, %parallel_loop3A_1509] {strides = array<i32>} : memref<128x256xf32, #tpu.memory_space<vmem>>, vector<1x16xf32>,
        %parallel_loop3A_1511 = vector.shape_cast %parallel_loop3A_1510 : vector<1x16xf32> to vector<16xf32>
        %parallel_loop3A_1512 = arith.constant 64 : i32
        %parallel_loop3A_1513 = arith.addi %parallel_loop3A_1464, %parallel_loop3A_1512 : i32
        %parallel_loop3A_1514 = arith.index_cast %parallel_loop3A_1513 : i32 to index
        %parallel_loop3A_1515 = arith.constant 16 : index
        %parallel_loop3A_1516 = tpu.vector_load %arg9[%parallel_loop3A_1514, %parallel_loop3A_1515] {strides = array<i32>} : memref<128x256xf32, #tpu.memory_space<vmem>>, vector<1x16xf32>,
        %parallel_loop3A_1517 = vector.shape_cast %parallel_loop3A_1516 : vector<1x16xf32> to vector<16xf32>
        %parallel_loop3A_1518 = arith.subf %parallel_loop3A_1517, %parallel_loop3A_1511 : vector<16xf32>
        %parallel_loop3A_1519 = arith.mulf %parallel_loop3A_1470, %parallel_loop3A_1518 : vector<16xf32>
        %parallel_loop3A_1520 = arith.addf %parallel_loop3A_1511, %parallel_loop3A_1519 : vector<16xf32>
        %parallel_loop3A_1521 = arith.constant 256 : i32
        %parallel_loop3A_1522 = arith.muli %parallel_loop3A_1464, %parallel_loop3A_1521 : i32
        %parallel_loop3A_1523 = arith.constant 16 : i32
        %parallel_loop3A_1524 = arith.addi %parallel_loop3A_1522, %parallel_loop3A_1523 : i32
        %parallel_loop3A_1525 = arith.index_cast %parallel_loop3A_1524 : i32 to index
        %parallel_loop3A_1526 = tpu.vector_load %arg14[%parallel_loop3A_1525] {strides = array<i32>} : memref<12544xf32, #tpu.memory_space<vmem>>, vector<16xf32>,
        %parallel_loop3A_1527 = vector.shape_cast %parallel_loop3A_1526 : vector<16xf32> to vector<16xf32>
        %parallel_loop3A_1528 = arith.subf %parallel_loop3A_1520, %parallel_loop3A_1527 : vector<16xf32>
        %parallel_loop3A_1529 = arith.mulf %parallel_loop3A_1476, %parallel_loop3A_1528 : vector<16xf32>
        %parallel_loop3A_1530 = arith.addf %parallel_loop3A_1527, %parallel_loop3A_1529 : vector<16xf32>
        %parallel_loop3A_1531 = arith.constant 256 : i32
        %parallel_loop3A_1532 = arith.muli %parallel_loop3A_1464, %parallel_loop3A_1531 : i32
        %parallel_loop3A_1533 = arith.constant 16 : i32
        %parallel_loop3A_1534 = arith.addi %parallel_loop3A_1532, %parallel_loop3A_1533 : i32
        %parallel_loop3A_1535 = arith.index_cast %parallel_loop3A_1534 : i32 to index
        %parallel_loop3A_1536 = tpu.vector_load %arg14[%parallel_loop3A_1535] {strides = array<i32>} : memref<12544xf32, #tpu.memory_space<vmem>>, vector<16xf32>,
        %parallel_loop3A_1537 = vector.shape_cast %parallel_loop3A_1536 : vector<16xf32> to vector<16xf32>
        %parallel_loop3A_1538 = vector.shape_cast %parallel_loop3A_1530 : vector<16xf32> to vector<16xf32>
        tpu.vector_store %arg14[%parallel_loop3A_1535], %parallel_loop3A_1538 {strides = array<i32>} : memref<12544xf32, #tpu.memory_space<vmem>>, vector<16xf32>,
        %parallel_loop3A_1539 = arith.index_cast %parallel_loop3A_1464 : i32 to index
        %parallel_loop3A_1540 = arith.constant 32 : index
        %parallel_loop3A_1541 = tpu.vector_load %arg9[%parallel_loop3A_1539, %parallel_loop3A_1540] {strides = array<i32>} : memref<128x256xf32, #tpu.memory_space<vmem>>, vector<1x16xf32>,
        %parallel_loop3A_1542 = vector.shape_cast %parallel_loop3A_1541 : vector<1x16xf32> to vector<16xf32>
        %parallel_loop3A_1543 = arith.constant 64 : i32
        %parallel_loop3A_1544 = arith.addi %parallel_loop3A_1464, %parallel_loop3A_1543 : i32
        %parallel_loop3A_1545 = arith.index_cast %parallel_loop3A_1544 : i32 to index
        %parallel_loop3A_1546 = arith.constant 32 : index
        %parallel_loop3A_1547 = tpu.vector_load %arg9[%parallel_loop3A_1545, %parallel_loop3A_1546] {strides = array<i32>} : memref<128x256xf32, #tpu.memory_space<vmem>>, vector<1x16xf32>,
        %parallel_loop3A_1548 = vector.shape_cast %parallel_loop3A_1547 : vector<1x16xf32> to vector<16xf32>
        %parallel_loop3A_1549 = arith.subf %parallel_loop3A_1548, %parallel_loop3A_1542 : vector<16xf32>
        %parallel_loop3A_1550 = arith.mulf %parallel_loop3A_1470, %parallel_loop3A_1549 : vector<16xf32>
        %parallel_loop3A_1551 = arith.addf %parallel_loop3A_1542, %parallel_loop3A_1550 : vector<16xf32>
        %parallel_loop3A_1552 = arith.constant 256 : i32
        %parallel_loop3A_1553 = arith.muli %parallel_loop3A_1464, %parallel_loop3A_1552 : i32
        %parallel_loop3A_1554 = arith.constant 32 : i32
        %parallel_loop3A_1555 = arith.addi %parallel_loop3A_1553, %parallel_loop3A_1554 : i32
        %parallel_loop3A_1556 = arith.index_cast %parallel_loop3A_1555 : i32 to index
        %parallel_loop3A_1557 = tpu.vector_load %arg14[%parallel_loop3A_1556] {strides = array<i32>} : memref<12544xf32, #tpu.memory_space<vmem>>, vector<16xf32>,
        %parallel_loop3A_1558 = vector.shape_cast %parallel_loop3A_1557 : vector<16xf32> to vector<16xf32>
        %parallel_loop3A_1559 = arith.subf %parallel_loop3A_1551, %parallel_loop3A_1558 : vector<16xf32>
        %parallel_loop3A_1560 = arith.mulf %parallel_loop3A_1476, %parallel_loop3A_1559 : vector<16xf32>
        %parallel_loop3A_1561 = arith.addf %parallel_loop3A_1558, %parallel_loop3A_1560 : vector<16xf32>
        %parallel_loop3A_1562 = arith.constant 256 : i32
        %parallel_loop3A_1563 = arith.muli %parallel_loop3A_1464, %parallel_loop3A_1562 : i32
        %parallel_loop3A_1564 = arith.constant 32 : i32
        %parallel_loop3A_1565 = arith.addi %parallel_loop3A_1563, %parallel_loop3A_1564 : i32
        %parallel_loop3A_1566 = arith.index_cast %parallel_loop3A_1565 : i32 to index
        %parallel_loop3A_1567 = tpu.vector_load %arg14[%parallel_loop3A_1566] {strides = array<i32>} : memref<12544xf32, #tpu.memory_space<vmem>>, vector<16xf32>,
        %parallel_loop3A_1568 = vector.shape_cast %parallel_loop3A_1567 : vector<16xf32> to vector<16xf32>
        %parallel_loop3A_1569 = vector.shape_cast %parallel_loop3A_1561 : vector<16xf32> to vector<16xf32>
        tpu.vector_store %arg14[%parallel_loop3A_1566], %parallel_loop3A_1569 {strides = array<i32>} : memref<12544xf32, #tpu.memory_space<vmem>>, vector<16xf32>,
        %parallel_loop3A_1570 = arith.index_cast %parallel_loop3A_1464 : i32 to index
        %parallel_loop3A_1571 = arith.constant 48 : index
        %parallel_loop3A_1572 = tpu.vector_load %arg9[%parallel_loop3A_1570, %parallel_loop3A_1571] {strides = array<i32>} : memref<128x256xf32, #tpu.memory_space<vmem>>, vector<1x16xf32>,
        %parallel_loop3A_1573 = vector.shape_cast %parallel_loop3A_1572 : vector<1x16xf32> to vector<16xf32>
        %parallel_loop3A_1574 = arith.constant 64 : i32
        %parallel_loop3A_1575 = arith.addi %parallel_loop3A_1464, %parallel_loop3A_1574 : i32
        %parallel_loop3A_1576 = arith.index_cast %parallel_loop3A_1575 : i32 to index
        %parallel_loop3A_1577 = arith.constant 48 : index
        %parallel_loop3A_1578 = tpu.vector_load %arg9[%parallel_loop3A_1576, %parallel_loop3A_1577] {strides = array<i32>} : memref<128x256xf32, #tpu.memory_space<vmem>>, vector<1x16xf32>,
        %parallel_loop3A_1579 = vector.shape_cast %parallel_loop3A_1578 : vector<1x16xf32> to vector<16xf32>
        %parallel_loop3A_1580 = arith.subf %parallel_loop3A_1579, %parallel_loop3A_1573 : vector<16xf32>
        %parallel_loop3A_1581 = arith.mulf %parallel_loop3A_1470, %parallel_loop3A_1580 : vector<16xf32>
        %parallel_loop3A_1582 = arith.addf %parallel_loop3A_1573, %parallel_loop3A_1581 : vector<16xf32>
        %parallel_loop3A_1583 = arith.constant 256 : i32
        %parallel_loop3A_1584 = arith.muli %parallel_loop3A_1464, %parallel_loop3A_1583 : i32
        %parallel_loop3A_1585 = arith.constant 48 : i32
        %parallel_loop3A_1586 = arith.addi %parallel_loop3A_1584, %parallel_loop3A_1585 : i32
        %parallel_loop3A_1587 = arith.index_cast %parallel_loop3A_1586 : i32 to index
        %parallel_loop3A_1588 = tpu.vector_load %arg14[%parallel_loop3A_1587] {strides = array<i32>} : memref<12544xf32, #tpu.memory_space<vmem>>, vector<16xf32>,
        %parallel_loop3A_1589 = vector.shape_cast %parallel_loop3A_1588 : vector<16xf32> to vector<16xf32>
        %parallel_loop3A_1590 = arith.subf %parallel_loop3A_1582, %parallel_loop3A_1589 : vector<16xf32>
        %parallel_loop3A_1591 = arith.mulf %parallel_loop3A_1476, %parallel_loop3A_1590 : vector<16xf32>
        %parallel_loop3A_1592 = arith.addf %parallel_loop3A_1589, %parallel_loop3A_1591 : vector<16xf32>
        %parallel_loop3A_1593 = arith.constant 256 : i32
        %parallel_loop3A_1594 = arith.muli %parallel_loop3A_1464, %parallel_loop3A_1593 : i32
        %parallel_loop3A_1595 = arith.constant 48 : i32
        %parallel_loop3A_1596 = arith.addi %parallel_loop3A_1594, %parallel_loop3A_1595 : i32
        %parallel_loop3A_1597 = arith.index_cast %parallel_loop3A_1596 : i32 to index
        %parallel_loop3A_1598 = tpu.vector_load %arg14[%parallel_loop3A_1597] {strides = array<i32>} : memref<12544xf32, #tpu.memory_space<vmem>>, vector<16xf32>,
        %parallel_loop3A_1599 = vector.shape_cast %parallel_loop3A_1598 : vector<16xf32> to vector<16xf32>
        %parallel_loop3A_1600 = vector.shape_cast %parallel_loop3A_1592 : vector<16xf32> to vector<16xf32>
        tpu.vector_store %arg14[%parallel_loop3A_1597], %parallel_loop3A_1600 {strides = array<i32>} : memref<12544xf32, #tpu.memory_space<vmem>>, vector<16xf32>,
        %parallel_loop3A_1601 = arith.index_cast %parallel_loop3A_1464 : i32 to index
        %parallel_loop3A_1602 = arith.constant 64 : index
        %parallel_loop3A_1603 = tpu.vector_load %arg9[%parallel_loop3A_1601, %parallel_loop3A_1602] {strides = array<i32>} : memref<128x256xf32, #tpu.memory_space<vmem>>, vector<1x16xf32>,
        %parallel_loop3A_1604 = vector.shape_cast %parallel_loop3A_1603 : vector<1x16xf32> to vector<16xf32>
        %parallel_loop3A_1605 = arith.constant 64 : i32
        %parallel_loop3A_1606 = arith.addi %parallel_loop3A_1464, %parallel_loop3A_1605 : i32
        %parallel_loop3A_1607 = arith.index_cast %parallel_loop3A_1606 : i32 to index
        %parallel_loop3A_1608 = arith.constant 64 : index
        %parallel_loop3A_1609 = tpu.vector_load %arg9[%parallel_loop3A_1607, %parallel_loop3A_1608] {strides = array<i32>} : memref<128x256xf32, #tpu.memory_space<vmem>>, vector<1x16xf32>,
        %parallel_loop3A_1610 = vector.shape_cast %parallel_loop3A_1609 : vector<1x16xf32> to vector<16xf32>
        %parallel_loop3A_1611 = arith.subf %parallel_loop3A_1610, %parallel_loop3A_1604 : vector<16xf32>
        %parallel_loop3A_1612 = arith.mulf %parallel_loop3A_1470, %parallel_loop3A_1611 : vector<16xf32>
        %parallel_loop3A_1613 = arith.addf %parallel_loop3A_1604, %parallel_loop3A_1612 : vector<16xf32>
        %parallel_loop3A_1614 = arith.constant 256 : i32
        %parallel_loop3A_1615 = arith.muli %parallel_loop3A_1464, %parallel_loop3A_1614 : i32
        %parallel_loop3A_1616 = arith.constant 64 : i32
        %parallel_loop3A_1617 = arith.addi %parallel_loop3A_1615, %parallel_loop3A_1616 : i32
        %parallel_loop3A_1618 = arith.index_cast %parallel_loop3A_1617 : i32 to index
        %parallel_loop3A_1619 = tpu.vector_load %arg14[%parallel_loop3A_1618] {strides = array<i32>} : memref<12544xf32, #tpu.memory_space<vmem>>, vector<16xf32>,
        %parallel_loop3A_1620 = vector.shape_cast %parallel_loop3A_1619 : vector<16xf32> to vector<16xf32>
        %parallel_loop3A_1621 = arith.subf %parallel_loop3A_1613, %parallel_loop3A_1620 : vector<16xf32>
        %parallel_loop3A_1622 = arith.mulf %parallel_loop3A_1476, %parallel_loop3A_1621 : vector<16xf32>
        %parallel_loop3A_1623 = arith.addf %parallel_loop3A_1620, %parallel_loop3A_1622 : vector<16xf32>
        %parallel_loop3A_1624 = arith.constant 256 : i32
        %parallel_loop3A_1625 = arith.muli %parallel_loop3A_1464, %parallel_loop3A_1624 : i32
        %parallel_loop3A_1626 = arith.constant 64 : i32
        %parallel_loop3A_1627 = arith.addi %parallel_loop3A_1625, %parallel_loop3A_1626 : i32
        %parallel_loop3A_1628 = arith.index_cast %parallel_loop3A_1627 : i32 to index
        %parallel_loop3A_1629 = tpu.vector_load %arg14[%parallel_loop3A_1628] {strides = array<i32>} : memref<12544xf32, #tpu.memory_space<vmem>>, vector<16xf32>,
        %parallel_loop3A_1630 = vector.shape_cast %parallel_loop3A_1629 : vector<16xf32> to vector<16xf32>
        %parallel_loop3A_1631 = vector.shape_cast %parallel_loop3A_1623 : vector<16xf32> to vector<16xf32>
        tpu.vector_store %arg14[%parallel_loop3A_1628], %parallel_loop3A_1631 {strides = array<i32>} : memref<12544xf32, #tpu.memory_space<vmem>>, vector<16xf32>,
        %parallel_loop3A_1632 = arith.index_cast %parallel_loop3A_1464 : i32 to index
        %parallel_loop3A_1633 = arith.constant 80 : index
        %parallel_loop3A_1634 = tpu.vector_load %arg9[%parallel_loop3A_1632, %parallel_loop3A_1633] {strides = array<i32>} : memref<128x256xf32, #tpu.memory_space<vmem>>, vector<1x16xf32>,
        %parallel_loop3A_1635 = vector.shape_cast %parallel_loop3A_1634 : vector<1x16xf32> to vector<16xf32>
        %parallel_loop3A_1636 = arith.constant 64 : i32
        %parallel_loop3A_1637 = arith.addi %parallel_loop3A_1464, %parallel_loop3A_1636 : i32
        %parallel_loop3A_1638 = arith.index_cast %parallel_loop3A_1637 : i32 to index
        %parallel_loop3A_1639 = arith.constant 80 : index
        %parallel_loop3A_1640 = tpu.vector_load %arg9[%parallel_loop3A_1638, %parallel_loop3A_1639] {strides = array<i32>} : memref<128x256xf32, #tpu.memory_space<vmem>>, vector<1x16xf32>,
        %parallel_loop3A_1641 = vector.shape_cast %parallel_loop3A_1640 : vector<1x16xf32> to vector<16xf32>
        %parallel_loop3A_1642 = arith.subf %parallel_loop3A_1641, %parallel_loop3A_1635 : vector<16xf32>
        %parallel_loop3A_1643 = arith.mulf %parallel_loop3A_1470, %parallel_loop3A_1642 : vector<16xf32>
        %parallel_loop3A_1644 = arith.addf %parallel_loop3A_1635, %parallel_loop3A_1643 : vector<16xf32>
        %parallel_loop3A_1645 = arith.constant 256 : i32
        %parallel_loop3A_1646 = arith.muli %parallel_loop3A_1464, %parallel_loop3A_1645 : i32
        %parallel_loop3A_1647 = arith.constant 80 : i32
        %parallel_loop3A_1648 = arith.addi %parallel_loop3A_1646, %parallel_loop3A_1647 : i32
        %parallel_loop3A_1649 = arith.index_cast %parallel_loop3A_1648 : i32 to index
        %parallel_loop3A_1650 = tpu.vector_load %arg14[%parallel_loop3A_1649] {strides = array<i32>} : memref<12544xf32, #tpu.memory_space<vmem>>, vector<16xf32>,
        %parallel_loop3A_1651 = vector.shape_cast %parallel_loop3A_1650 : vector<16xf32> to vector<16xf32>
        %parallel_loop3A_1652 = arith.subf %parallel_loop3A_1644, %parallel_loop3A_1651 : vector<16xf32>
        %parallel_loop3A_1653 = arith.mulf %parallel_loop3A_1476, %parallel_loop3A_1652 : vector<16xf32>
        %parallel_loop3A_1654 = arith.addf %parallel_loop3A_1651, %parallel_loop3A_1653 : vector<16xf32>
        %parallel_loop3A_1655 = arith.constant 256 : i32
        %parallel_loop3A_1656 = arith.muli %parallel_loop3A_1464, %parallel_loop3A_1655 : i32
        %parallel_loop3A_1657 = arith.constant 80 : i32
        %parallel_loop3A_1658 = arith.addi %parallel_loop3A_1656, %parallel_loop3A_1657 : i32
        %parallel_loop3A_1659 = arith.index_cast %parallel_loop3A_1658 : i32 to index
        %parallel_loop3A_1660 = tpu.vector_load %arg14[%parallel_loop3A_1659] {strides = array<i32>} : memref<12544xf32, #tpu.memory_space<vmem>>, vector<16xf32>,
        %parallel_loop3A_1661 = vector.shape_cast %parallel_loop3A_1660 : vector<16xf32> to vector<16xf32>
        %parallel_loop3A_1662 = vector.shape_cast %parallel_loop3A_1654 : vector<16xf32> to vector<16xf32>
        tpu.vector_store %arg14[%parallel_loop3A_1659], %parallel_loop3A_1662 {strides = array<i32>} : memref<12544xf32, #tpu.memory_space<vmem>>, vector<16xf32>,
        %parallel_loop3A_1663 = arith.index_cast %parallel_loop3A_1464 : i32 to index
        %parallel_loop3A_1664 = arith.constant 96 : index
        %parallel_loop3A_1665 = tpu.vector_load %arg9[%parallel_loop3A_1663, %parallel_loop3A_1664] {strides = array<i32>} : memref<128x256xf32, #tpu.memory_space<vmem>>, vector<1x16xf32>,
        %parallel_loop3A_1666 = vector.shape_cast %parallel_loop3A_1665 : vector<1x16xf32> to vector<16xf32>
        %parallel_loop3A_1667 = arith.constant 64 : i32
        %parallel_loop3A_1668 = arith.addi %parallel_loop3A_1464, %parallel_loop3A_1667 : i32
        %parallel_loop3A_1669 = arith.index_cast %parallel_loop3A_1668 : i32 to index
        %parallel_loop3A_1670 = arith.constant 96 : index
        %parallel_loop3A_1671 = tpu.vector_load %arg9[%parallel_loop3A_1669, %parallel_loop3A_1670] {strides = array<i32>} : memref<128x256xf32, #tpu.memory_space<vmem>>, vector<1x16xf32>,
        %parallel_loop3A_1672 = vector.shape_cast %parallel_loop3A_1671 : vector<1x16xf32> to vector<16xf32>
        %parallel_loop3A_1673 = arith.subf %parallel_loop3A_1672, %parallel_loop3A_1666 : vector<16xf32>
        %parallel_loop3A_1674 = arith.mulf %parallel_loop3A_1470, %parallel_loop3A_1673 : vector<16xf32>
        %parallel_loop3A_1675 = arith.addf %parallel_loop3A_1666, %parallel_loop3A_1674 : vector<16xf32>
        %parallel_loop3A_1676 = arith.constant 256 : i32
        %parallel_loop3A_1677 = arith.muli %parallel_loop3A_1464, %parallel_loop3A_1676 : i32
        %parallel_loop3A_1678 = arith.constant 96 : i32
        %parallel_loop3A_1679 = arith.addi %parallel_loop3A_1677, %parallel_loop3A_1678 : i32
        %parallel_loop3A_1680 = arith.index_cast %parallel_loop3A_1679 : i32 to index
        %parallel_loop3A_1681 = tpu.vector_load %arg14[%parallel_loop3A_1680] {strides = array<i32>} : memref<12544xf32, #tpu.memory_space<vmem>>, vector<16xf32>,
        %parallel_loop3A_1682 = vector.shape_cast %parallel_loop3A_1681 : vector<16xf32> to vector<16xf32>
        %parallel_loop3A_1683 = arith.subf %parallel_loop3A_1675, %parallel_loop3A_1682 : vector<16xf32>
        %parallel_loop3A_1684 = arith.mulf %parallel_loop3A_1476, %parallel_loop3A_1683 : vector<16xf32>
        %parallel_loop3A_1685 = arith.addf %parallel_loop3A_1682, %parallel_loop3A_1684 : vector<16xf32>
        %parallel_loop3A_1686 = arith.constant 256 : i32
        %parallel_loop3A_1687 = arith.muli %parallel_loop3A_1464, %parallel_loop3A_1686 : i32
        %parallel_loop3A_1688 = arith.constant 96 : i32
        %parallel_loop3A_1689 = arith.addi %parallel_loop3A_1687, %parallel_loop3A_1688 : i32
        %parallel_loop3A_1690 = arith.index_cast %parallel_loop3A_1689 : i32 to index
        %parallel_loop3A_1691 = tpu.vector_load %arg14[%parallel_loop3A_1690] {strides = array<i32>} : memref<12544xf32, #tpu.memory_space<vmem>>, vector<16xf32>,
        %parallel_loop3A_1692 = vector.shape_cast %parallel_loop3A_1691 : vector<16xf32> to vector<16xf32>
        %parallel_loop3A_1693 = vector.shape_cast %parallel_loop3A_1685 : vector<16xf32> to vector<16xf32>
        tpu.vector_store %arg14[%parallel_loop3A_1690], %parallel_loop3A_1693 {strides = array<i32>} : memref<12544xf32, #tpu.memory_space<vmem>>, vector<16xf32>,
        %parallel_loop3A_1694 = arith.index_cast %parallel_loop3A_1464 : i32 to index
        %parallel_loop3A_1695 = arith.constant 112 : index
        %parallel_loop3A_1696 = tpu.vector_load %arg9[%parallel_loop3A_1694, %parallel_loop3A_1695] {strides = array<i32>} : memref<128x256xf32, #tpu.memory_space<vmem>>, vector<1x16xf32>,
        %parallel_loop3A_1697 = vector.shape_cast %parallel_loop3A_1696 : vector<1x16xf32> to vector<16xf32>
        %parallel_loop3A_1698 = arith.constant 64 : i32
        %parallel_loop3A_1699 = arith.addi %parallel_loop3A_1464, %parallel_loop3A_1698 : i32
        %parallel_loop3A_1700 = arith.index_cast %parallel_loop3A_1699 : i32 to index
        %parallel_loop3A_1701 = arith.constant 112 : index
        %parallel_loop3A_1702 = tpu.vector_load %arg9[%parallel_loop3A_1700, %parallel_loop3A_1701] {strides = array<i32>} : memref<128x256xf32, #tpu.memory_space<vmem>>, vector<1x16xf32>,
        %parallel_loop3A_1703 = vector.shape_cast %parallel_loop3A_1702 : vector<1x16xf32> to vector<16xf32>
        %parallel_loop3A_1704 = arith.subf %parallel_loop3A_1703, %parallel_loop3A_1697 : vector<16xf32>
        %parallel_loop3A_1705 = arith.mulf %parallel_loop3A_1470, %parallel_loop3A_1704 : vector<16xf32>
        %parallel_loop3A_1706 = arith.addf %parallel_loop3A_1697, %parallel_loop3A_1705 : vector<16xf32>
        %parallel_loop3A_1707 = arith.constant 256 : i32
        %parallel_loop3A_1708 = arith.muli %parallel_loop3A_1464, %parallel_loop3A_1707 : i32
        %parallel_loop3A_1709 = arith.constant 112 : i32
        %parallel_loop3A_1710 = arith.addi %parallel_loop3A_1708, %parallel_loop3A_1709 : i32
        %parallel_loop3A_1711 = arith.index_cast %parallel_loop3A_1710 : i32 to index
        %parallel_loop3A_1712 = tpu.vector_load %arg14[%parallel_loop3A_1711] {strides = array<i32>} : memref<12544xf32, #tpu.memory_space<vmem>>, vector<16xf32>,
        %parallel_loop3A_1713 = vector.shape_cast %parallel_loop3A_1712 : vector<16xf32> to vector<16xf32>
        %parallel_loop3A_1714 = arith.subf %parallel_loop3A_1706, %parallel_loop3A_1713 : vector<16xf32>
        %parallel_loop3A_1715 = arith.mulf %parallel_loop3A_1476, %parallel_loop3A_1714 : vector<16xf32>
        %parallel_loop3A_1716 = arith.addf %parallel_loop3A_1713, %parallel_loop3A_1715 : vector<16xf32>
        %parallel_loop3A_1717 = arith.constant 256 : i32
        %parallel_loop3A_1718 = arith.muli %parallel_loop3A_1464, %parallel_loop3A_1717 : i32
        %parallel_loop3A_1719 = arith.constant 112 : i32
        %parallel_loop3A_1720 = arith.addi %parallel_loop3A_1718, %parallel_loop3A_1719 : i32
        %parallel_loop3A_1721 = arith.index_cast %parallel_loop3A_1720 : i32 to index
        %parallel_loop3A_1722 = tpu.vector_load %arg14[%parallel_loop3A_1721] {strides = array<i32>} : memref<12544xf32, #tpu.memory_space<vmem>>, vector<16xf32>,
        %parallel_loop3A_1723 = vector.shape_cast %parallel_loop3A_1722 : vector<16xf32> to vector<16xf32>
        %parallel_loop3A_1724 = vector.shape_cast %parallel_loop3A_1716 : vector<16xf32> to vector<16xf32>
        tpu.vector_store %arg14[%parallel_loop3A_1721], %parallel_loop3A_1724 {strides = array<i32>} : memref<12544xf32, #tpu.memory_space<vmem>>, vector<16xf32>,
        %parallel_loop3A_1725 = arith.index_cast %parallel_loop3A_1464 : i32 to index
        %parallel_loop3A_1726 = arith.constant 128 : index
        %parallel_loop3A_1727 = tpu.vector_load %arg9[%parallel_loop3A_1725, %parallel_loop3A_1726] {strides = array<i32>} : memref<128x256xf32, #tpu.memory_space<vmem>>, vector<1x16xf32>,
        %parallel_loop3A_1728 = vector.shape_cast %parallel_loop3A_1727 : vector<1x16xf32> to vector<16xf32>
        %parallel_loop3A_1729 = arith.constant 64 : i32
        %parallel_loop3A_1730 = arith.addi %parallel_loop3A_1464, %parallel_loop3A_1729 : i32
        %parallel_loop3A_1731 = arith.index_cast %parallel_loop3A_1730 : i32 to index
        %parallel_loop3A_1732 = arith.constant 128 : index
        %parallel_loop3A_1733 = tpu.vector_load %arg9[%parallel_loop3A_1731, %parallel_loop3A_1732] {strides = array<i32>} : memref<128x256xf32, #tpu.memory_space<vmem>>, vector<1x16xf32>,
        %parallel_loop3A_1734 = vector.shape_cast %parallel_loop3A_1733 : vector<1x16xf32> to vector<16xf32>
        %parallel_loop3A_1735 = arith.subf %parallel_loop3A_1734, %parallel_loop3A_1728 : vector<16xf32>
        %parallel_loop3A_1736 = arith.mulf %parallel_loop3A_1470, %parallel_loop3A_1735 : vector<16xf32>
        %parallel_loop3A_1737 = arith.addf %parallel_loop3A_1728, %parallel_loop3A_1736 : vector<16xf32>
        %parallel_loop3A_1738 = arith.constant 256 : i32
        %parallel_loop3A_1739 = arith.muli %parallel_loop3A_1464, %parallel_loop3A_1738 : i32
        %parallel_loop3A_1740 = arith.constant 128 : i32
        %parallel_loop3A_1741 = arith.addi %parallel_loop3A_1739, %parallel_loop3A_1740 : i32
        %parallel_loop3A_1742 = arith.index_cast %parallel_loop3A_1741 : i32 to index
        %parallel_loop3A_1743 = tpu.vector_load %arg14[%parallel_loop3A_1742] {strides = array<i32>} : memref<12544xf32, #tpu.memory_space<vmem>>, vector<16xf32>,
        %parallel_loop3A_1744 = vector.shape_cast %parallel_loop3A_1743 : vector<16xf32> to vector<16xf32>
        %parallel_loop3A_1745 = arith.subf %parallel_loop3A_1737, %parallel_loop3A_1744 : vector<16xf32>
        %parallel_loop3A_1746 = arith.mulf %parallel_loop3A_1476, %parallel_loop3A_1745 : vector<16xf32>
        %parallel_loop3A_1747 = arith.addf %parallel_loop3A_1744, %parallel_loop3A_1746 : vector<16xf32>
        %parallel_loop3A_1748 = arith.constant 256 : i32
        %parallel_loop3A_1749 = arith.muli %parallel_loop3A_1464, %parallel_loop3A_1748 : i32
        %parallel_loop3A_1750 = arith.constant 128 : i32
        %parallel_loop3A_1751 = arith.addi %parallel_loop3A_1749, %parallel_loop3A_1750 : i32
        %parallel_loop3A_1752 = arith.index_cast %parallel_loop3A_1751 : i32 to index
        %parallel_loop3A_1753 = tpu.vector_load %arg14[%parallel_loop3A_1752] {strides = array<i32>} : memref<12544xf32, #tpu.memory_space<vmem>>, vector<16xf32>,
        %parallel_loop3A_1754 = vector.shape_cast %parallel_loop3A_1753 : vector<16xf32> to vector<16xf32>
        %parallel_loop3A_1755 = vector.shape_cast %parallel_loop3A_1747 : vector<16xf32> to vector<16xf32>
        tpu.vector_store %arg14[%parallel_loop3A_1752], %parallel_loop3A_1755 {strides = array<i32>} : memref<12544xf32, #tpu.memory_space<vmem>>, vector<16xf32>,
        %parallel_loop3A_1756 = arith.index_cast %parallel_loop3A_1464 : i32 to index
        %parallel_loop3A_1757 = arith.constant 144 : index
        %parallel_loop3A_1758 = tpu.vector_load %arg9[%parallel_loop3A_1756, %parallel_loop3A_1757] {strides = array<i32>} : memref<128x256xf32, #tpu.memory_space<vmem>>, vector<1x16xf32>,
        %parallel_loop3A_1759 = vector.shape_cast %parallel_loop3A_1758 : vector<1x16xf32> to vector<16xf32>
        %parallel_loop3A_1760 = arith.constant 64 : i32
        %parallel_loop3A_1761 = arith.addi %parallel_loop3A_1464, %parallel_loop3A_1760 : i32
        %parallel_loop3A_1762 = arith.index_cast %parallel_loop3A_1761 : i32 to index
        %parallel_loop3A_1763 = arith.constant 144 : index
        %parallel_loop3A_1764 = tpu.vector_load %arg9[%parallel_loop3A_1762, %parallel_loop3A_1763] {strides = array<i32>} : memref<128x256xf32, #tpu.memory_space<vmem>>, vector<1x16xf32>,
        %parallel_loop3A_1765 = vector.shape_cast %parallel_loop3A_1764 : vector<1x16xf32> to vector<16xf32>
        %parallel_loop3A_1766 = arith.subf %parallel_loop3A_1765, %parallel_loop3A_1759 : vector<16xf32>
        %parallel_loop3A_1767 = arith.mulf %parallel_loop3A_1470, %parallel_loop3A_1766 : vector<16xf32>
        %parallel_loop3A_1768 = arith.addf %parallel_loop3A_1759, %parallel_loop3A_1767 : vector<16xf32>
        %parallel_loop3A_1769 = arith.constant 256 : i32
        %parallel_loop3A_1770 = arith.muli %parallel_loop3A_1464, %parallel_loop3A_1769 : i32
        %parallel_loop3A_1771 = arith.constant 144 : i32
        %parallel_loop3A_1772 = arith.addi %parallel_loop3A_1770, %parallel_loop3A_1771 : i32
        %parallel_loop3A_1773 = arith.index_cast %parallel_loop3A_1772 : i32 to index
        %parallel_loop3A_1774 = tpu.vector_load %arg14[%parallel_loop3A_1773] {strides = array<i32>} : memref<12544xf32, #tpu.memory_space<vmem>>, vector<16xf32>,
        %parallel_loop3A_1775 = vector.shape_cast %parallel_loop3A_1774 : vector<16xf32> to vector<16xf32>
        %parallel_loop3A_1776 = arith.subf %parallel_loop3A_1768, %parallel_loop3A_1775 : vector<16xf32>
        %parallel_loop3A_1777 = arith.mulf %parallel_loop3A_1476, %parallel_loop3A_1776 : vector<16xf32>
        %parallel_loop3A_1778 = arith.addf %parallel_loop3A_1775, %parallel_loop3A_1777 : vector<16xf32>
        %parallel_loop3A_1779 = arith.constant 256 : i32
        %parallel_loop3A_1780 = arith.muli %parallel_loop3A_1464, %parallel_loop3A_1779 : i32
        %parallel_loop3A_1781 = arith.constant 144 : i32
        %parallel_loop3A_1782 = arith.addi %parallel_loop3A_1780, %parallel_loop3A_1781 : i32
        %parallel_loop3A_1783 = arith.index_cast %parallel_loop3A_1782 : i32 to index
        %parallel_loop3A_1784 = tpu.vector_load %arg14[%parallel_loop3A_1783] {strides = array<i32>} : memref<12544xf32, #tpu.memory_space<vmem>>, vector<16xf32>,
        %parallel_loop3A_1785 = vector.shape_cast %parallel_loop3A_1784 : vector<16xf32> to vector<16xf32>
        %parallel_loop3A_1786 = vector.shape_cast %parallel_loop3A_1778 : vector<16xf32> to vector<16xf32>
        tpu.vector_store %arg14[%parallel_loop3A_1783], %parallel_loop3A_1786 {strides = array<i32>} : memref<12544xf32, #tpu.memory_space<vmem>>, vector<16xf32>,
        %parallel_loop3A_1787 = arith.index_cast %parallel_loop3A_1464 : i32 to index
        %parallel_loop3A_1788 = arith.constant 160 : index
        %parallel_loop3A_1789 = tpu.vector_load %arg9[%parallel_loop3A_1787, %parallel_loop3A_1788] {strides = array<i32>} : memref<128x256xf32, #tpu.memory_space<vmem>>, vector<1x16xf32>,
        %parallel_loop3A_1790 = vector.shape_cast %parallel_loop3A_1789 : vector<1x16xf32> to vector<16xf32>
        %parallel_loop3A_1791 = arith.constant 64 : i32
        %parallel_loop3A_1792 = arith.addi %parallel_loop3A_1464, %parallel_loop3A_1791 : i32
        %parallel_loop3A_1793 = arith.index_cast %parallel_loop3A_1792 : i32 to index
        %parallel_loop3A_1794 = arith.constant 160 : index
        %parallel_loop3A_1795 = tpu.vector_load %arg9[%parallel_loop3A_1793, %parallel_loop3A_1794] {strides = array<i32>} : memref<128x256xf32, #tpu.memory_space<vmem>>, vector<1x16xf32>,
        %parallel_loop3A_1796 = vector.shape_cast %parallel_loop3A_1795 : vector<1x16xf32> to vector<16xf32>
        %parallel_loop3A_1797 = arith.subf %parallel_loop3A_1796, %parallel_loop3A_1790 : vector<16xf32>
        %parallel_loop3A_1798 = arith.mulf %parallel_loop3A_1470, %parallel_loop3A_1797 : vector<16xf32>
        %parallel_loop3A_1799 = arith.addf %parallel_loop3A_1790, %parallel_loop3A_1798 : vector<16xf32>
        %parallel_loop3A_1800 = arith.constant 256 : i32
        %parallel_loop3A_1801 = arith.muli %parallel_loop3A_1464, %parallel_loop3A_1800 : i32
        %parallel_loop3A_1802 = arith.constant 160 : i32
        %parallel_loop3A_1803 = arith.addi %parallel_loop3A_1801, %parallel_loop3A_1802 : i32
        %parallel_loop3A_1804 = arith.index_cast %parallel_loop3A_1803 : i32 to index
        %parallel_loop3A_1805 = tpu.vector_load %arg14[%parallel_loop3A_1804] {strides = array<i32>} : memref<12544xf32, #tpu.memory_space<vmem>>, vector<16xf32>,
        %parallel_loop3A_1806 = vector.shape_cast %parallel_loop3A_1805 : vector<16xf32> to vector<16xf32>
        %parallel_loop3A_1807 = arith.subf %parallel_loop3A_1799, %parallel_loop3A_1806 : vector<16xf32>
        %parallel_loop3A_1808 = arith.mulf %parallel_loop3A_1476, %parallel_loop3A_1807 : vector<16xf32>
        %parallel_loop3A_1809 = arith.addf %parallel_loop3A_1806, %parallel_loop3A_1808 : vector<16xf32>
        %parallel_loop3A_1810 = arith.constant 256 : i32
        %parallel_loop3A_1811 = arith.muli %parallel_loop3A_1464, %parallel_loop3A_1810 : i32
        %parallel_loop3A_1812 = arith.constant 160 : i32
        %parallel_loop3A_1813 = arith.addi %parallel_loop3A_1811, %parallel_loop3A_1812 : i32
        %parallel_loop3A_1814 = arith.index_cast %parallel_loop3A_1813 : i32 to index
        %parallel_loop3A_1815 = tpu.vector_load %arg14[%parallel_loop3A_1814] {strides = array<i32>} : memref<12544xf32, #tpu.memory_space<vmem>>, vector<16xf32>,
        %parallel_loop3A_1816 = vector.shape_cast %parallel_loop3A_1815 : vector<16xf32> to vector<16xf32>
        %parallel_loop3A_1817 = vector.shape_cast %parallel_loop3A_1809 : vector<16xf32> to vector<16xf32>
        tpu.vector_store %arg14[%parallel_loop3A_1814], %parallel_loop3A_1817 {strides = array<i32>} : memref<12544xf32, #tpu.memory_space<vmem>>, vector<16xf32>,
        %parallel_loop3A_1818 = arith.index_cast %parallel_loop3A_1464 : i32 to index
        %parallel_loop3A_1819 = arith.constant 176 : index
        %parallel_loop3A_1820 = tpu.vector_load %arg9[%parallel_loop3A_1818, %parallel_loop3A_1819] {strides = array<i32>} : memref<128x256xf32, #tpu.memory_space<vmem>>, vector<1x16xf32>,
        %parallel_loop3A_1821 = vector.shape_cast %parallel_loop3A_1820 : vector<1x16xf32> to vector<16xf32>
        %parallel_loop3A_1822 = arith.constant 64 : i32
        %parallel_loop3A_1823 = arith.addi %parallel_loop3A_1464, %parallel_loop3A_1822 : i32
        %parallel_loop3A_1824 = arith.index_cast %parallel_loop3A_1823 : i32 to index
        %parallel_loop3A_1825 = arith.constant 176 : index
        %parallel_loop3A_1826 = tpu.vector_load %arg9[%parallel_loop3A_1824, %parallel_loop3A_1825] {strides = array<i32>} : memref<128x256xf32, #tpu.memory_space<vmem>>, vector<1x16xf32>,
        %parallel_loop3A_1827 = vector.shape_cast %parallel_loop3A_1826 : vector<1x16xf32> to vector<16xf32>
        %parallel_loop3A_1828 = arith.subf %parallel_loop3A_1827, %parallel_loop3A_1821 : vector<16xf32>
        %parallel_loop3A_1829 = arith.mulf %parallel_loop3A_1470, %parallel_loop3A_1828 : vector<16xf32>
        %parallel_loop3A_1830 = arith.addf %parallel_loop3A_1821, %parallel_loop3A_1829 : vector<16xf32>
        %parallel_loop3A_1831 = arith.constant 256 : i32
        %parallel_loop3A_1832 = arith.muli %parallel_loop3A_1464, %parallel_loop3A_1831 : i32
        %parallel_loop3A_1833 = arith.constant 176 : i32
        %parallel_loop3A_1834 = arith.addi %parallel_loop3A_1832, %parallel_loop3A_1833 : i32
        %parallel_loop3A_1835 = arith.index_cast %parallel_loop3A_1834 : i32 to index
        %parallel_loop3A_1836 = tpu.vector_load %arg14[%parallel_loop3A_1835] {strides = array<i32>} : memref<12544xf32, #tpu.memory_space<vmem>>, vector<16xf32>,
        %parallel_loop3A_1837 = vector.shape_cast %parallel_loop3A_1836 : vector<16xf32> to vector<16xf32>
        %parallel_loop3A_1838 = arith.subf %parallel_loop3A_1830, %parallel_loop3A_1837 : vector<16xf32>
        %parallel_loop3A_1839 = arith.mulf %parallel_loop3A_1476, %parallel_loop3A_1838 : vector<16xf32>
        %parallel_loop3A_1840 = arith.addf %parallel_loop3A_1837, %parallel_loop3A_1839 : vector<16xf32>
        %parallel_loop3A_1841 = arith.constant 256 : i32
        %parallel_loop3A_1842 = arith.muli %parallel_loop3A_1464, %parallel_loop3A_1841 : i32
        %parallel_loop3A_1843 = arith.constant 176 : i32
        %parallel_loop3A_1844 = arith.addi %parallel_loop3A_1842, %parallel_loop3A_1843 : i32
        %parallel_loop3A_1845 = arith.index_cast %parallel_loop3A_1844 : i32 to index
        %parallel_loop3A_1846 = tpu.vector_load %arg14[%parallel_loop3A_1845] {strides = array<i32>} : memref<12544xf32, #tpu.memory_space<vmem>>, vector<16xf32>,
        %parallel_loop3A_1847 = vector.shape_cast %parallel_loop3A_1846 : vector<16xf32> to vector<16xf32>
        %parallel_loop3A_1848 = vector.shape_cast %parallel_loop3A_1840 : vector<16xf32> to vector<16xf32>
        tpu.vector_store %arg14[%parallel_loop3A_1845], %parallel_loop3A_1848 {strides = array<i32>} : memref<12544xf32, #tpu.memory_space<vmem>>, vector<16xf32>,
        %parallel_loop3A_1849 = arith.index_cast %parallel_loop3A_1464 : i32 to index
        %parallel_loop3A_1850 = arith.constant 192 : index
        %parallel_loop3A_1851 = tpu.vector_load %arg9[%parallel_loop3A_1849, %parallel_loop3A_1850] {strides = array<i32>} : memref<128x256xf32, #tpu.memory_space<vmem>>, vector<1x16xf32>,
        %parallel_loop3A_1852 = vector.shape_cast %parallel_loop3A_1851 : vector<1x16xf32> to vector<16xf32>
        %parallel_loop3A_1853 = arith.constant 64 : i32
        %parallel_loop3A_1854 = arith.addi %parallel_loop3A_1464, %parallel_loop3A_1853 : i32
        %parallel_loop3A_1855 = arith.index_cast %parallel_loop3A_1854 : i32 to index
        %parallel_loop3A_1856 = arith.constant 192 : index
        %parallel_loop3A_1857 = tpu.vector_load %arg9[%parallel_loop3A_1855, %parallel_loop3A_1856] {strides = array<i32>} : memref<128x256xf32, #tpu.memory_space<vmem>>, vector<1x16xf32>,
        %parallel_loop3A_1858 = vector.shape_cast %parallel_loop3A_1857 : vector<1x16xf32> to vector<16xf32>
        %parallel_loop3A_1859 = arith.subf %parallel_loop3A_1858, %parallel_loop3A_1852 : vector<16xf32>
        %parallel_loop3A_1860 = arith.mulf %parallel_loop3A_1470, %parallel_loop3A_1859 : vector<16xf32>
        %parallel_loop3A_1861 = arith.addf %parallel_loop3A_1852, %parallel_loop3A_1860 : vector<16xf32>
        %parallel_loop3A_1862 = arith.constant 256 : i32
        %parallel_loop3A_1863 = arith.muli %parallel_loop3A_1464, %parallel_loop3A_1862 : i32
        %parallel_loop3A_1864 = arith.constant 192 : i32
        %parallel_loop3A_1865 = arith.addi %parallel_loop3A_1863, %parallel_loop3A_1864 : i32
        %parallel_loop3A_1866 = arith.index_cast %parallel_loop3A_1865 : i32 to index
        %parallel_loop3A_1867 = tpu.vector_load %arg14[%parallel_loop3A_1866] {strides = array<i32>} : memref<12544xf32, #tpu.memory_space<vmem>>, vector<16xf32>,
        %parallel_loop3A_1868 = vector.shape_cast %parallel_loop3A_1867 : vector<16xf32> to vector<16xf32>
        %parallel_loop3A_1869 = arith.subf %parallel_loop3A_1861, %parallel_loop3A_1868 : vector<16xf32>
        %parallel_loop3A_1870 = arith.mulf %parallel_loop3A_1476, %parallel_loop3A_1869 : vector<16xf32>
        %parallel_loop3A_1871 = arith.addf %parallel_loop3A_1868, %parallel_loop3A_1870 : vector<16xf32>
        %parallel_loop3A_1872 = arith.constant 256 : i32
        %parallel_loop3A_1873 = arith.muli %parallel_loop3A_1464, %parallel_loop3A_1872 : i32
        %parallel_loop3A_1874 = arith.constant 192 : i32
        %parallel_loop3A_1875 = arith.addi %parallel_loop3A_1873, %parallel_loop3A_1874 : i32
        %parallel_loop3A_1876 = arith.index_cast %parallel_loop3A_1875 : i32 to index
        %parallel_loop3A_1877 = tpu.vector_load %arg14[%parallel_loop3A_1876] {strides = array<i32>} : memref<12544xf32, #tpu.memory_space<vmem>>, vector<16xf32>,
        %parallel_loop3A_1878 = vector.shape_cast %parallel_loop3A_1877 : vector<16xf32> to vector<16xf32>
        %parallel_loop3A_1879 = vector.shape_cast %parallel_loop3A_1871 : vector<16xf32> to vector<16xf32>
        tpu.vector_store %arg14[%parallel_loop3A_1876], %parallel_loop3A_1879 {strides = array<i32>} : memref<12544xf32, #tpu.memory_space<vmem>>, vector<16xf32>,
        %parallel_loop3A_1880 = arith.index_cast %parallel_loop3A_1464 : i32 to index
        %parallel_loop3A_1881 = arith.constant 208 : index
        %parallel_loop3A_1882 = tpu.vector_load %arg9[%parallel_loop3A_1880, %parallel_loop3A_1881] {strides = array<i32>} : memref<128x256xf32, #tpu.memory_space<vmem>>, vector<1x16xf32>,
        %parallel_loop3A_1883 = vector.shape_cast %parallel_loop3A_1882 : vector<1x16xf32> to vector<16xf32>
        %parallel_loop3A_1884 = arith.constant 64 : i32
        %parallel_loop3A_1885 = arith.addi %parallel_loop3A_1464, %parallel_loop3A_1884 : i32
        %parallel_loop3A_1886 = arith.index_cast %parallel_loop3A_1885 : i32 to index
        %parallel_loop3A_1887 = arith.constant 208 : index
        %parallel_loop3A_1888 = tpu.vector_load %arg9[%parallel_loop3A_1886, %parallel_loop3A_1887] {strides = array<i32>} : memref<128x256xf32, #tpu.memory_space<vmem>>, vector<1x16xf32>,
        %parallel_loop3A_1889 = vector.shape_cast %parallel_loop3A_1888 : vector<1x16xf32> to vector<16xf32>
        %parallel_loop3A_1890 = arith.subf %parallel_loop3A_1889, %parallel_loop3A_1883 : vector<16xf32>
        %parallel_loop3A_1891 = arith.mulf %parallel_loop3A_1470, %parallel_loop3A_1890 : vector<16xf32>
        %parallel_loop3A_1892 = arith.addf %parallel_loop3A_1883, %parallel_loop3A_1891 : vector<16xf32>
        %parallel_loop3A_1893 = arith.constant 256 : i32
        %parallel_loop3A_1894 = arith.muli %parallel_loop3A_1464, %parallel_loop3A_1893 : i32
        %parallel_loop3A_1895 = arith.constant 208 : i32
        %parallel_loop3A_1896 = arith.addi %parallel_loop3A_1894, %parallel_loop3A_1895 : i32
        %parallel_loop3A_1897 = arith.index_cast %parallel_loop3A_1896 : i32 to index
        %parallel_loop3A_1898 = tpu.vector_load %arg14[%parallel_loop3A_1897] {strides = array<i32>} : memref<12544xf32, #tpu.memory_space<vmem>>, vector<16xf32>,
        %parallel_loop3A_1899 = vector.shape_cast %parallel_loop3A_1898 : vector<16xf32> to vector<16xf32>
        %parallel_loop3A_1900 = arith.subf %parallel_loop3A_1892, %parallel_loop3A_1899 : vector<16xf32>
        %parallel_loop3A_1901 = arith.mulf %parallel_loop3A_1476, %parallel_loop3A_1900 : vector<16xf32>
        %parallel_loop3A_1902 = arith.addf %parallel_loop3A_1899, %parallel_loop3A_1901 : vector<16xf32>
        %parallel_loop3A_1903 = arith.constant 256 : i32
        %parallel_loop3A_1904 = arith.muli %parallel_loop3A_1464, %parallel_loop3A_1903 : i32
        %parallel_loop3A_1905 = arith.constant 208 : i32
        %parallel_loop3A_1906 = arith.addi %parallel_loop3A_1904, %parallel_loop3A_1905 : i32
        %parallel_loop3A_1907 = arith.index_cast %parallel_loop3A_1906 : i32 to index
        %parallel_loop3A_1908 = tpu.vector_load %arg14[%parallel_loop3A_1907] {strides = array<i32>} : memref<12544xf32, #tpu.memory_space<vmem>>, vector<16xf32>,
        %parallel_loop3A_1909 = vector.shape_cast %parallel_loop3A_1908 : vector<16xf32> to vector<16xf32>
        %parallel_loop3A_1910 = vector.shape_cast %parallel_loop3A_1902 : vector<16xf32> to vector<16xf32>
        tpu.vector_store %arg14[%parallel_loop3A_1907], %parallel_loop3A_1910 {strides = array<i32>} : memref<12544xf32, #tpu.memory_space<vmem>>, vector<16xf32>,
        %parallel_loop3A_1911 = arith.index_cast %parallel_loop3A_1464 : i32 to index
        %parallel_loop3A_1912 = arith.constant 224 : index
        %parallel_loop3A_1913 = tpu.vector_load %arg9[%parallel_loop3A_1911, %parallel_loop3A_1912] {strides = array<i32>} : memref<128x256xf32, #tpu.memory_space<vmem>>, vector<1x16xf32>,
        %parallel_loop3A_1914 = vector.shape_cast %parallel_loop3A_1913 : vector<1x16xf32> to vector<16xf32>
        %parallel_loop3A_1915 = arith.constant 64 : i32
        %parallel_loop3A_1916 = arith.addi %parallel_loop3A_1464, %parallel_loop3A_1915 : i32
        %parallel_loop3A_1917 = arith.index_cast %parallel_loop3A_1916 : i32 to index
        %parallel_loop3A_1918 = arith.constant 224 : index
        %parallel_loop3A_1919 = tpu.vector_load %arg9[%parallel_loop3A_1917, %parallel_loop3A_1918] {strides = array<i32>} : memref<128x256xf32, #tpu.memory_space<vmem>>, vector<1x16xf32>,
        %parallel_loop3A_1920 = vector.shape_cast %parallel_loop3A_1919 : vector<1x16xf32> to vector<16xf32>
        %parallel_loop3A_1921 = arith.subf %parallel_loop3A_1920, %parallel_loop3A_1914 : vector<16xf32>
        %parallel_loop3A_1922 = arith.mulf %parallel_loop3A_1470, %parallel_loop3A_1921 : vector<16xf32>
        %parallel_loop3A_1923 = arith.addf %parallel_loop3A_1914, %parallel_loop3A_1922 : vector<16xf32>
        %parallel_loop3A_1924 = arith.constant 256 : i32
        %parallel_loop3A_1925 = arith.muli %parallel_loop3A_1464, %parallel_loop3A_1924 : i32
        %parallel_loop3A_1926 = arith.constant 224 : i32
        %parallel_loop3A_1927 = arith.addi %parallel_loop3A_1925, %parallel_loop3A_1926 : i32
        %parallel_loop3A_1928 = arith.index_cast %parallel_loop3A_1927 : i32 to index
        %parallel_loop3A_1929 = tpu.vector_load %arg14[%parallel_loop3A_1928] {strides = array<i32>} : memref<12544xf32, #tpu.memory_space<vmem>>, vector<16xf32>,
        %parallel_loop3A_1930 = vector.shape_cast %parallel_loop3A_1929 : vector<16xf32> to vector<16xf32>
        %parallel_loop3A_1931 = arith.subf %parallel_loop3A_1923, %parallel_loop3A_1930 : vector<16xf32>
        %parallel_loop3A_1932 = arith.mulf %parallel_loop3A_1476, %parallel_loop3A_1931 : vector<16xf32>
        %parallel_loop3A_1933 = arith.addf %parallel_loop3A_1930, %parallel_loop3A_1932 : vector<16xf32>
        %parallel_loop3A_1934 = arith.constant 256 : i32
        %parallel_loop3A_1935 = arith.muli %parallel_loop3A_1464, %parallel_loop3A_1934 : i32
        %parallel_loop3A_1936 = arith.constant 224 : i32
        %parallel_loop3A_1937 = arith.addi %parallel_loop3A_1935, %parallel_loop3A_1936 : i32
        %parallel_loop3A_1938 = arith.index_cast %parallel_loop3A_1937 : i32 to index
        %parallel_loop3A_1939 = tpu.vector_load %arg14[%parallel_loop3A_1938] {strides = array<i32>} : memref<12544xf32, #tpu.memory_space<vmem>>, vector<16xf32>,
        %parallel_loop3A_1940 = vector.shape_cast %parallel_loop3A_1939 : vector<16xf32> to vector<16xf32>
        %parallel_loop3A_1941 = vector.shape_cast %parallel_loop3A_1933 : vector<16xf32> to vector<16xf32>
        tpu.vector_store %arg14[%parallel_loop3A_1938], %parallel_loop3A_1941 {strides = array<i32>} : memref<12544xf32, #tpu.memory_space<vmem>>, vector<16xf32>,
        %parallel_loop3A_1942 = arith.index_cast %parallel_loop3A_1464 : i32 to index
        %parallel_loop3A_1943 = arith.constant 240 : index
        %parallel_loop3A_1944 = tpu.vector_load %arg9[%parallel_loop3A_1942, %parallel_loop3A_1943] {strides = array<i32>} : memref<128x256xf32, #tpu.memory_space<vmem>>, vector<1x16xf32>,
        %parallel_loop3A_1945 = vector.shape_cast %parallel_loop3A_1944 : vector<1x16xf32> to vector<16xf32>
        %parallel_loop3A_1946 = arith.constant 64 : i32
        %parallel_loop3A_1947 = arith.addi %parallel_loop3A_1464, %parallel_loop3A_1946 : i32
        %parallel_loop3A_1948 = arith.index_cast %parallel_loop3A_1947 : i32 to index
        %parallel_loop3A_1949 = arith.constant 240 : index
        %parallel_loop3A_1950 = tpu.vector_load %arg9[%parallel_loop3A_1948, %parallel_loop3A_1949] {strides = array<i32>} : memref<128x256xf32, #tpu.memory_space<vmem>>, vector<1x16xf32>,
        %parallel_loop3A_1951 = vector.shape_cast %parallel_loop3A_1950 : vector<1x16xf32> to vector<16xf32>
        %parallel_loop3A_1952 = arith.subf %parallel_loop3A_1951, %parallel_loop3A_1945 : vector<16xf32>
        %parallel_loop3A_1953 = arith.mulf %parallel_loop3A_1470, %parallel_loop3A_1952 : vector<16xf32>
        %parallel_loop3A_1954 = arith.addf %parallel_loop3A_1945, %parallel_loop3A_1953 : vector<16xf32>
        %parallel_loop3A_1955 = arith.constant 256 : i32
        %parallel_loop3A_1956 = arith.muli %parallel_loop3A_1464, %parallel_loop3A_1955 : i32
        %parallel_loop3A_1957 = arith.constant 240 : i32
        %parallel_loop3A_1958 = arith.addi %parallel_loop3A_1956, %parallel_loop3A_1957 : i32
        %parallel_loop3A_1959 = arith.index_cast %parallel_loop3A_1958 : i32 to index
        %parallel_loop3A_1960 = tpu.vector_load %arg14[%parallel_loop3A_1959] {strides = array<i32>} : memref<12544xf32, #tpu.memory_space<vmem>>, vector<16xf32>,
        %parallel_loop3A_1961 = vector.shape_cast %parallel_loop3A_1960 : vector<16xf32> to vector<16xf32>
        %parallel_loop3A_1962 = arith.subf %parallel_loop3A_1954, %parallel_loop3A_1961 : vector<16xf32>
        %parallel_loop3A_1963 = arith.mulf %parallel_loop3A_1476, %parallel_loop3A_1962 : vector<16xf32>
        %parallel_loop3A_1964 = arith.addf %parallel_loop3A_1961, %parallel_loop3A_1963 : vector<16xf32>
        %parallel_loop3A_1965 = arith.constant 256 : i32
        %parallel_loop3A_1966 = arith.muli %parallel_loop3A_1464, %parallel_loop3A_1965 : i32
        %parallel_loop3A_1967 = arith.constant 240 : i32
        %parallel_loop3A_1968 = arith.addi %parallel_loop3A_1966, %parallel_loop3A_1967 : i32
        %parallel_loop3A_1969 = arith.index_cast %parallel_loop3A_1968 : i32 to index
        %parallel_loop3A_1970 = tpu.vector_load %arg14[%parallel_loop3A_1969] {strides = array<i32>} : memref<12544xf32, #tpu.memory_space<vmem>>, vector<16xf32>,
        %parallel_loop3A_1971 = vector.shape_cast %parallel_loop3A_1970 : vector<16xf32> to vector<16xf32>
        %parallel_loop3A_1972 = vector.shape_cast %parallel_loop3A_1964 : vector<16xf32> to vector<16xf32>
        tpu.vector_store %arg14[%parallel_loop3A_1969], %parallel_loop3A_1972 {strides = array<i32>} : memref<12544xf32, #tpu.memory_space<vmem>>, vector<16xf32>,
      } {sc.loop_unroll_factor = 2 : i64, sc.parallel_access}
      %add3A_1129 = arith.constant 1 : i32
      %add3A_1130 = arith.addi %scan3A_697, %add3A_1129 : i32
      %min3A_1131 = arith.constant 31 : i32
      %min3A_1132 = arith.minsi %add3A_1130, %min3A_1131 : i32
      %add3A_1133 = arith.addi %mul3A_2, %min3A_1132 : i32
      %min3A_1134 = arith.constant 999 : i32
      %min3A_1135 = arith.minsi %add3A_1133, %min3A_1134 : i32
      %sub3A_1136 = arith.subi %min3A_1135, %mul3A_2 : i32
      %mul3A_1137 = arith.constant 16 : i32
      %mul3A_1138 = arith.muli %sub3A_1136, %mul3A_1137 : i32
      %get3A_1139 = arith.index_cast %mul3A_1138 : i32 to index
      %get3A_1140 = tpu.vector_load %arg5[%get3A_1139] {strides = array<i32>} : memref<512xf32, #tpu.memory_space<vmem>>, vector<16xf32>,
      %get3A_1141 = vector.shape_cast %get3A_1140 : vector<16xf32> to vector<16xf32>
      %slice3A_1142 = vector.extract_strided_slice %get3A_1141 {offsets = [0], sizes = [1], strides = [1]} : vector<16xf32> to vector<1xf32>
      %squeeze3A_1143 = vector.extract %slice3A_1142[0] : f32 from vector<1xf32>
      %broadcast_in_dim3A_1144 = vector.broadcast %squeeze3A_1143 : f32 to vector<16xf32>
      %mul3A_1145 = arith.constant 6.250000e-02 : f32
      %mul3A_1146 = vector.broadcast %mul3A_1145 : f32 to vector<16xf32>
      %mul3A_1147 = arith.mulf %broadcast_in_dim3A_1144, %mul3A_1146 : vector<16xf32>
      %slice3A_1148 = vector.extract_strided_slice %get3A_1141 {offsets = [1], sizes = [1], strides = [1]} : vector<16xf32> to vector<1xf32>
      %squeeze3A_1149 = vector.extract %slice3A_1148[0] : f32 from vector<1xf32>
      %broadcast_in_dim3A_1150 = vector.broadcast %squeeze3A_1149 : f32 to vector<16xf32>
      %mul3A_1151 = arith.constant 6.250000e-02 : f32
      %mul3A_1152 = vector.broadcast %mul3A_1151 : f32 to vector<16xf32>
      %mul3A_1153 = arith.mulf %broadcast_in_dim3A_1150, %mul3A_1152 : vector<16xf32>
      %slice3A_1154 = vector.extract_strided_slice %get3A_1141 {offsets = [2], sizes = [1], strides = [1]} : vector<16xf32> to vector<1xf32>
      %squeeze3A_1155 = vector.extract %slice3A_1154[0] : f32 from vector<1xf32>
      %broadcast_in_dim3A_1156 = vector.broadcast %squeeze3A_1155 : f32 to vector<16xf32>
      %mul3A_1157 = arith.constant 6.250000e-02 : f32
      %mul3A_1158 = vector.broadcast %mul3A_1157 : f32 to vector<16xf32>
      %mul3A_1159 = arith.mulf %broadcast_in_dim3A_1156, %mul3A_1158 : vector<16xf32>
      %slice3A_1160 = vector.extract_strided_slice %get3A_1141 {offsets = [3], sizes = [1], strides = [1]} : vector<16xf32> to vector<1xf32>
      %squeeze3A_1161 = vector.extract %slice3A_1160[0] : f32 from vector<1xf32>
      %broadcast_in_dim3A_1162 = vector.broadcast %squeeze3A_1161 : f32 to vector<16xf32>
      %mul3A_1163 = arith.constant 6.250000e-02 : f32
      %mul3A_1164 = vector.broadcast %mul3A_1163 : f32 to vector<16xf32>
      %mul3A_1165 = arith.mulf %broadcast_in_dim3A_1162, %mul3A_1164 : vector<16xf32>
      %sub3A_1166 = arith.subf %mul3A_1159, %mul3A_1147 : vector<16xf32>
      %mul3A_1167 = arith.constant 0.142857149 : f32
      %mul3A_1168 = vector.broadcast %mul3A_1167 : f32 to vector<16xf32>
      %mul3A_1169 = arith.mulf %sub3A_1166, %mul3A_1168 : vector<16xf32>
      %sub3A_1170 = arith.subf %mul3A_1165, %mul3A_1153 : vector<16xf32>
      %mul3A_1171 = arith.constant 0.142857149 : f32
      %mul3A_1172 = vector.broadcast %mul3A_1171 : f32 to vector<16xf32>
      %mul3A_1173 = arith.mulf %sub3A_1170, %mul3A_1172 : vector<16xf32>
      %add3A_1174 = arith.constant 0 : i32
      %add3A_1175 = vector.broadcast %add3A_1174 : i32 to vector<16xi32>
      %add3A_1176 = arith.addi %iota3A, %add3A_1175 : vector<16xi32>
      %mul3A_1177 = arith.constant 9363 : i32
      %mul3A_1178 = vector.broadcast %mul3A_1177 : i32 to vector<16xi32>
      %mul3A_1179 = arith.muli %add3A_1176, %mul3A_1178 : vector<16xi32>
      %shift_right_logical3A_1180 = arith.constant 16 : i32
      %shift_right_logical3A_1181 = vector.broadcast %shift_right_logical3A_1180 : i32 to vector<16xi32>
      %shift_right_logical3A_1182 = arith.shrui %mul3A_1179, %shift_right_logical3A_1181 : vector<16xi32>
      %mul3A_1183 = arith.constant 7 : i32
      %mul3A_1184 = vector.broadcast %mul3A_1183 : i32 to vector<16xi32>
      %mul3A_1185 = arith.muli %shift_right_logical3A_1182, %mul3A_1184 : vector<16xi32>
      %sub3A_1186 = arith.subi %add3A_1176, %mul3A_1185 : vector<16xi32>
      %convert_element_type3A_1187 = arith.sitofp %shift_right_logical3A_1182 : vector<16xi32> to vector<16xf32>
      %add3A_1188 = arith.constant 5.000000e-01 : f32
      %add3A_1189 = vector.broadcast %add3A_1188 : f32 to vector<16xf32>
      %add3A_1190 = arith.addf %convert_element_type3A_1187, %add3A_1189 : vector<16xf32>
      %mul3A_1191 = arith.mulf %add3A_1190, %mul3A_1169 : vector<16xf32>
      %add3A_1192 = arith.addf %mul3A_1147, %mul3A_1191 : vector<16xf32>
      %convert_element_type3A_1193 = arith.sitofp %sub3A_1186 : vector<16xi32> to vector<16xf32>
      %add3A_1194 = arith.constant 5.000000e-01 : f32
      %add3A_1195 = vector.broadcast %add3A_1194 : f32 to vector<16xf32>
      %add3A_1196 = arith.addf %convert_element_type3A_1193, %add3A_1195 : vector<16xf32>
      %mul3A_1197 = arith.mulf %add3A_1196, %mul3A_1173 : vector<16xf32>
      %add3A_1198 = arith.addf %mul3A_1153, %mul3A_1197 : vector<16xf32>
      %jit3A_1199 = arith.constant 0.000000e+00 : f32
      %jit3A_1200 = arith.constant 4.900000e+01 : f32
      %max3A_1201 = vector.broadcast %jit3A_1199 : f32 to vector<16xf32>
      %max3A_1202 = arith.maximumf %max3A_1201, %add3A_1192 : vector<16xf32>
      %min3A_1203 = vector.broadcast %jit3A_1200 : f32 to vector<16xf32>
      %min3A_1204 = arith.minimumf %min3A_1203, %max3A_1202 : vector<16xf32>
      %jit3A_1205 = arith.constant 0.000000e+00 : f32
      %jit3A_1206 = arith.constant 4.900000e+01 : f32
      %max3A_1207 = vector.broadcast %jit3A_1205 : f32 to vector<16xf32>
      %max3A_1208 = arith.maximumf %max3A_1207, %add3A_1198 : vector<16xf32>
      %min3A_1209 = vector.broadcast %jit3A_1206 : f32 to vector<16xf32>
      %min3A_1210 = arith.minimumf %min3A_1209, %max3A_1208 : vector<16xf32>
      %convert_element_type3A_1211 = arith.fptosi %min3A_1204 : vector<16xf32> to vector<16xi32>
      %convert_element_type3A_1212 = arith.fptosi %min3A_1210 : vector<16xf32> to vector<16xi32>
      %convert_element_type3A_1213 = arith.sitofp %convert_element_type3A_1211 : vector<16xi32> to vector<16xf32>
      %sub3A_1214 = arith.subf %min3A_1204, %convert_element_type3A_1213 : vector<16xf32>
      %convert_element_type3A_1215 = arith.sitofp %convert_element_type3A_1212 : vector<16xi32> to vector<16xf32>
      %sub3A_1216 = arith.subf %min3A_1210, %convert_element_type3A_1215 : vector<16xf32>
      %add3A_1217 = arith.constant 1 : i32
      %add3A_1218 = vector.broadcast %add3A_1217 : i32 to vector<16xi32>
      %add3A_1219 = arith.addi %convert_element_type3A_1211, %add3A_1218 : vector<16xi32>
      %min3A_1220 = arith.constant 49 : i32
      %min3A_1221 = vector.broadcast %min3A_1220 : i32 to vector<16xi32>
      %min3A_1222 = arith.minsi %add3A_1219, %min3A_1221 : vector<16xi32>
      %add3A_1223 = arith.constant 1 : i32
      %add3A_1224 = vector.broadcast %add3A_1223 : i32 to vector<16xi32>
      %add3A_1225 = arith.addi %convert_element_type3A_1212, %add3A_1224 : vector<16xi32>
      %min3A_1226 = arith.constant 49 : i32
      %min3A_1227 = vector.broadcast %min3A_1226 : i32 to vector<16xi32>
      %min3A_1228 = arith.minsi %add3A_1225, %min3A_1227 : vector<16xi32>
      %mul3A_1229 = arith.constant 50 : i32
      %mul3A_1230 = vector.broadcast %mul3A_1229 : i32 to vector<16xi32>
      %mul3A_1231 = arith.muli %min3A_1222, %mul3A_1230 : vector<16xi32>
      %add3A_1232 = arith.addi %mul3A_1231, %convert_element_type3A_1212 : vector<16xi32>
      %swap3A_1233 = arith.constant 0 : index
      %swap3A_1234 = tpu.vector_load %arg7[%swap3A_1233] {strides = array<i32>} : memref<128xi32, #tpu.memory_space<vmem>>, vector<16xi32>,
      %swap3A_1235 = vector.shape_cast %swap3A_1234 : vector<16xi32> to vector<16xi32>
      %swap3A_1236 = vector.shape_cast %add3A_1232 : vector<16xi32> to vector<16xi32>
      tpu.vector_store %arg7[%swap3A_1233], %swap3A_1236 {strides = array<i32>} : memref<128xi32, #tpu.memory_space<vmem>>, vector<16xi32>,
      %mul3A_1237 = arith.constant 50 : i32
      %mul3A_1238 = vector.broadcast %mul3A_1237 : i32 to vector<16xi32>
      %mul3A_1239 = arith.muli %min3A_1222, %mul3A_1238 : vector<16xi32>
      %add3A_1240 = arith.addi %mul3A_1239, %min3A_1228 : vector<16xi32>
      %swap3A_1241 = arith.constant 64 : index
      %swap3A_1242 = tpu.vector_load %arg7[%swap3A_1241] {strides = array<i32>} : memref<128xi32, #tpu.memory_space<vmem>>, vector<16xi32>,
      %swap3A_1243 = vector.shape_cast %swap3A_1242 : vector<16xi32> to vector<16xi32>
      %swap3A_1244 = vector.shape_cast %add3A_1240 : vector<16xi32> to vector<16xi32>
      tpu.vector_store %arg7[%swap3A_1241], %swap3A_1244 {strides = array<i32>} : memref<128xi32, #tpu.memory_space<vmem>>, vector<16xi32>,
      %add3A_1245 = arith.constant 16 : i32
      %add3A_1246 = vector.broadcast %add3A_1245 : i32 to vector<16xi32>
      %add3A_1247 = arith.addi %iota3A, %add3A_1246 : vector<16xi32>
      %mul3A_1248 = arith.constant 9363 : i32
      %mul3A_1249 = vector.broadcast %mul3A_1248 : i32 to vector<16xi32>
      %mul3A_1250 = arith.muli %add3A_1247, %mul3A_1249 : vector<16xi32>
      %shift_right_logical3A_1251 = arith.constant 16 : i32
      %shift_right_logical3A_1252 = vector.broadcast %shift_right_logical3A_1251 : i32 to vector<16xi32>
      %shift_right_logical3A_1253 = arith.shrui %mul3A_1250, %shift_right_logical3A_1252 : vector<16xi32>
      %mul3A_1254 = arith.constant 7 : i32
      %mul3A_1255 = vector.broadcast %mul3A_1254 : i32 to vector<16xi32>
      %mul3A_1256 = arith.muli %shift_right_logical3A_1253, %mul3A_1255 : vector<16xi32>
      %sub3A_1257 = arith.subi %add3A_1247, %mul3A_1256 : vector<16xi32>
      %convert_element_type3A_1258 = arith.sitofp %shift_right_logical3A_1253 : vector<16xi32> to vector<16xf32>
      %add3A_1259 = arith.constant 5.000000e-01 : f32
      %add3A_1260 = vector.broadcast %add3A_1259 : f32 to vector<16xf32>
      %add3A_1261 = arith.addf %convert_element_type3A_1258, %add3A_1260 : vector<16xf32>
      %mul3A_1262 = arith.mulf %add3A_1261, %mul3A_1169 : vector<16xf32>
      %add3A_1263 = arith.addf %mul3A_1147, %mul3A_1262 : vector<16xf32>
      %convert_element_type3A_1264 = arith.sitofp %sub3A_1257 : vector<16xi32> to vector<16xf32>
      %add3A_1265 = arith.constant 5.000000e-01 : f32
      %add3A_1266 = vector.broadcast %add3A_1265 : f32 to vector<16xf32>
      %add3A_1267 = arith.addf %convert_element_type3A_1264, %add3A_1266 : vector<16xf32>
      %mul3A_1268 = arith.mulf %add3A_1267, %mul3A_1173 : vector<16xf32>
      %add3A_1269 = arith.addf %mul3A_1153, %mul3A_1268 : vector<16xf32>
      %jit3A_1270 = arith.constant 0.000000e+00 : f32
      %jit3A_1271 = arith.constant 4.900000e+01 : f32
      %max3A_1272 = vector.broadcast %jit3A_1270 : f32 to vector<16xf32>
      %max3A_1273 = arith.maximumf %max3A_1272, %add3A_1263 : vector<16xf32>
      %min3A_1274 = vector.broadcast %jit3A_1271 : f32 to vector<16xf32>
      %min3A_1275 = arith.minimumf %min3A_1274, %max3A_1273 : vector<16xf32>
      %jit3A_1276 = arith.constant 0.000000e+00 : f32
      %jit3A_1277 = arith.constant 4.900000e+01 : f32
      %max3A_1278 = vector.broadcast %jit3A_1276 : f32 to vector<16xf32>
      %max3A_1279 = arith.maximumf %max3A_1278, %add3A_1269 : vector<16xf32>
      %min3A_1280 = vector.broadcast %jit3A_1277 : f32 to vector<16xf32>
      %min3A_1281 = arith.minimumf %min3A_1280, %max3A_1279 : vector<16xf32>
      %convert_element_type3A_1282 = arith.fptosi %min3A_1275 : vector<16xf32> to vector<16xi32>
      %convert_element_type3A_1283 = arith.fptosi %min3A_1281 : vector<16xf32> to vector<16xi32>
      %convert_element_type3A_1284 = arith.sitofp %convert_element_type3A_1282 : vector<16xi32> to vector<16xf32>
      %sub3A_1285 = arith.subf %min3A_1275, %convert_element_type3A_1284 : vector<16xf32>
      %convert_element_type3A_1286 = arith.sitofp %convert_element_type3A_1283 : vector<16xi32> to vector<16xf32>
      %sub3A_1287 = arith.subf %min3A_1281, %convert_element_type3A_1286 : vector<16xf32>
      %add3A_1288 = arith.constant 1 : i32
      %add3A_1289 = vector.broadcast %add3A_1288 : i32 to vector<16xi32>
      %add3A_1290 = arith.addi %convert_element_type3A_1282, %add3A_1289 : vector<16xi32>
      %min3A_1291 = arith.constant 49 : i32
      %min3A_1292 = vector.broadcast %min3A_1291 : i32 to vector<16xi32>
      %min3A_1293 = arith.minsi %add3A_1290, %min3A_1292 : vector<16xi32>
      %add3A_1294 = arith.constant 1 : i32
      %add3A_1295 = vector.broadcast %add3A_1294 : i32 to vector<16xi32>
      %add3A_1296 = arith.addi %convert_element_type3A_1283, %add3A_1295 : vector<16xi32>
      %min3A_1297 = arith.constant 49 : i32
      %min3A_1298 = vector.broadcast %min3A_1297 : i32 to vector<16xi32>
      %min3A_1299 = arith.minsi %add3A_1296, %min3A_1298 : vector<16xi32>
      %mul3A_1300 = arith.constant 50 : i32
      %mul3A_1301 = vector.broadcast %mul3A_1300 : i32 to vector<16xi32>
      %mul3A_1302 = arith.muli %min3A_1293, %mul3A_1301 : vector<16xi32>
      %add3A_1303 = arith.addi %mul3A_1302, %convert_element_type3A_1283 : vector<16xi32>
      %swap3A_1304 = arith.constant 16 : index
      %swap3A_1305 = tpu.vector_load %arg7[%swap3A_1304] {strides = array<i32>} : memref<128xi32, #tpu.memory_space<vmem>>, vector<16xi32>,
      %swap3A_1306 = vector.shape_cast %swap3A_1305 : vector<16xi32> to vector<16xi32>
      %swap3A_1307 = vector.shape_cast %add3A_1303 : vector<16xi32> to vector<16xi32>
      tpu.vector_store %arg7[%swap3A_1304], %swap3A_1307 {strides = array<i32>} : memref<128xi32, #tpu.memory_space<vmem>>, vector<16xi32>,
      %mul3A_1308 = arith.constant 50 : i32
      %mul3A_1309 = vector.broadcast %mul3A_1308 : i32 to vector<16xi32>
      %mul3A_1310 = arith.muli %min3A_1293, %mul3A_1309 : vector<16xi32>
      %add3A_1311 = arith.addi %mul3A_1310, %min3A_1299 : vector<16xi32>
      %swap3A_1312 = arith.constant 80 : index
      %swap3A_1313 = tpu.vector_load %arg7[%swap3A_1312] {strides = array<i32>} : memref<128xi32, #tpu.memory_space<vmem>>, vector<16xi32>,
      %swap3A_1314 = vector.shape_cast %swap3A_1313 : vector<16xi32> to vector<16xi32>
      %swap3A_1315 = vector.shape_cast %add3A_1311 : vector<16xi32> to vector<16xi32>
      tpu.vector_store %arg7[%swap3A_1312], %swap3A_1315 {strides = array<i32>} : memref<128xi32, #tpu.memory_space<vmem>>, vector<16xi32>,
      %add3A_1316 = arith.constant 32 : i32
      %add3A_1317 = vector.broadcast %add3A_1316 : i32 to vector<16xi32>
      %add3A_1318 = arith.addi %iota3A, %add3A_1317 : vector<16xi32>
      %mul3A_1319 = arith.constant 9363 : i32
      %mul3A_1320 = vector.broadcast %mul3A_1319 : i32 to vector<16xi32>
      %mul3A_1321 = arith.muli %add3A_1318, %mul3A_1320 : vector<16xi32>
      %shift_right_logical3A_1322 = arith.constant 16 : i32
      %shift_right_logical3A_1323 = vector.broadcast %shift_right_logical3A_1322 : i32 to vector<16xi32>
      %shift_right_logical3A_1324 = arith.shrui %mul3A_1321, %shift_right_logical3A_1323 : vector<16xi32>
      %mul3A_1325 = arith.constant 7 : i32
      %mul3A_1326 = vector.broadcast %mul3A_1325 : i32 to vector<16xi32>
      %mul3A_1327 = arith.muli %shift_right_logical3A_1324, %mul3A_1326 : vector<16xi32>
      %sub3A_1328 = arith.subi %add3A_1318, %mul3A_1327 : vector<16xi32>
      %convert_element_type3A_1329 = arith.sitofp %shift_right_logical3A_1324 : vector<16xi32> to vector<16xf32>
      %add3A_1330 = arith.constant 5.000000e-01 : f32
      %add3A_1331 = vector.broadcast %add3A_1330 : f32 to vector<16xf32>
      %add3A_1332 = arith.addf %convert_element_type3A_1329, %add3A_1331 : vector<16xf32>
      %mul3A_1333 = arith.mulf %add3A_1332, %mul3A_1169 : vector<16xf32>
      %add3A_1334 = arith.addf %mul3A_1147, %mul3A_1333 : vector<16xf32>
      %convert_element_type3A_1335 = arith.sitofp %sub3A_1328 : vector<16xi32> to vector<16xf32>
      %add3A_1336 = arith.constant 5.000000e-01 : f32
      %add3A_1337 = vector.broadcast %add3A_1336 : f32 to vector<16xf32>
      %add3A_1338 = arith.addf %convert_element_type3A_1335, %add3A_1337 : vector<16xf32>
      %mul3A_1339 = arith.mulf %add3A_1338, %mul3A_1173 : vector<16xf32>
      %add3A_1340 = arith.addf %mul3A_1153, %mul3A_1339 : vector<16xf32>
      %jit3A_1341 = arith.constant 0.000000e+00 : f32
      %jit3A_1342 = arith.constant 4.900000e+01 : f32
      %max3A_1343 = vector.broadcast %jit3A_1341 : f32 to vector<16xf32>
      %max3A_1344 = arith.maximumf %max3A_1343, %add3A_1334 : vector<16xf32>
      %min3A_1345 = vector.broadcast %jit3A_1342 : f32 to vector<16xf32>
      %min3A_1346 = arith.minimumf %min3A_1345, %max3A_1344 : vector<16xf32>
      %jit3A_1347 = arith.constant 0.000000e+00 : f32
      %jit3A_1348 = arith.constant 4.900000e+01 : f32
      %max3A_1349 = vector.broadcast %jit3A_1347 : f32 to vector<16xf32>
      %max3A_1350 = arith.maximumf %max3A_1349, %add3A_1340 : vector<16xf32>
      %min3A_1351 = vector.broadcast %jit3A_1348 : f32 to vector<16xf32>
      %min3A_1352 = arith.minimumf %min3A_1351, %max3A_1350 : vector<16xf32>
      %convert_element_type3A_1353 = arith.fptosi %min3A_1346 : vector<16xf32> to vector<16xi32>
      %convert_element_type3A_1354 = arith.fptosi %min3A_1352 : vector<16xf32> to vector<16xi32>
      %convert_element_type3A_1355 = arith.sitofp %convert_element_type3A_1353 : vector<16xi32> to vector<16xf32>
      %sub3A_1356 = arith.subf %min3A_1346, %convert_element_type3A_1355 : vector<16xf32>
      %convert_element_type3A_1357 = arith.sitofp %convert_element_type3A_1354 : vector<16xi32> to vector<16xf32>
      %sub3A_1358 = arith.subf %min3A_1352, %convert_element_type3A_1357 : vector<16xf32>
      %add3A_1359 = arith.constant 1 : i32
      %add3A_1360 = vector.broadcast %add3A_1359 : i32 to vector<16xi32>
      %add3A_1361 = arith.addi %convert_element_type3A_1353, %add3A_1360 : vector<16xi32>
      %min3A_1362 = arith.constant 49 : i32
      %min3A_1363 = vector.broadcast %min3A_1362 : i32 to vector<16xi32>
      %min3A_1364 = arith.minsi %add3A_1361, %min3A_1363 : vector<16xi32>
      %add3A_1365 = arith.constant 1 : i32
      %add3A_1366 = vector.broadcast %add3A_1365 : i32 to vector<16xi32>
      %add3A_1367 = arith.addi %convert_element_type3A_1354, %add3A_1366 : vector<16xi32>
      %min3A_1368 = arith.constant 49 : i32
      %min3A_1369 = vector.broadcast %min3A_1368 : i32 to vector<16xi32>
      %min3A_1370 = arith.minsi %add3A_1367, %min3A_1369 : vector<16xi32>
      %mul3A_1371 = arith.constant 50 : i32
      %mul3A_1372 = vector.broadcast %mul3A_1371 : i32 to vector<16xi32>
      %mul3A_1373 = arith.muli %min3A_1364, %mul3A_1372 : vector<16xi32>
      %add3A_1374 = arith.addi %mul3A_1373, %convert_element_type3A_1354 : vector<16xi32>
      %swap3A_1375 = arith.constant 32 : index
      %swap3A_1376 = tpu.vector_load %arg7[%swap3A_1375] {strides = array<i32>} : memref<128xi32, #tpu.memory_space<vmem>>, vector<16xi32>,
      %swap3A_1377 = vector.shape_cast %swap3A_1376 : vector<16xi32> to vector<16xi32>
      %swap3A_1378 = vector.shape_cast %add3A_1374 : vector<16xi32> to vector<16xi32>
      tpu.vector_store %arg7[%swap3A_1375], %swap3A_1378 {strides = array<i32>} : memref<128xi32, #tpu.memory_space<vmem>>, vector<16xi32>,
      %mul3A_1379 = arith.constant 50 : i32
      %mul3A_1380 = vector.broadcast %mul3A_1379 : i32 to vector<16xi32>
      %mul3A_1381 = arith.muli %min3A_1364, %mul3A_1380 : vector<16xi32>
      %add3A_1382 = arith.addi %mul3A_1381, %min3A_1370 : vector<16xi32>
      %swap3A_1383 = arith.constant 96 : index
      %swap3A_1384 = tpu.vector_load %arg7[%swap3A_1383] {strides = array<i32>} : memref<128xi32, #tpu.memory_space<vmem>>, vector<16xi32>,
      %swap3A_1385 = vector.shape_cast %swap3A_1384 : vector<16xi32> to vector<16xi32>
      %swap3A_1386 = vector.shape_cast %add3A_1382 : vector<16xi32> to vector<16xi32>
      tpu.vector_store %arg7[%swap3A_1383], %swap3A_1386 {strides = array<i32>} : memref<128xi32, #tpu.memory_space<vmem>>, vector<16xi32>,
      %add3A_1387 = arith.constant 48 : i32
      %add3A_1388 = vector.broadcast %add3A_1387 : i32 to vector<16xi32>
      %add3A_1389 = arith.addi %iota3A, %add3A_1388 : vector<16xi32>
      %mul3A_1390 = arith.constant 9363 : i32
      %mul3A_1391 = vector.broadcast %mul3A_1390 : i32 to vector<16xi32>
      %mul3A_1392 = arith.muli %add3A_1389, %mul3A_1391 : vector<16xi32>
      %shift_right_logical3A_1393 = arith.constant 16 : i32
      %shift_right_logical3A_1394 = vector.broadcast %shift_right_logical3A_1393 : i32 to vector<16xi32>
      %shift_right_logical3A_1395 = arith.shrui %mul3A_1392, %shift_right_logical3A_1394 : vector<16xi32>
      %mul3A_1396 = arith.constant 7 : i32
      %mul3A_1397 = vector.broadcast %mul3A_1396 : i32 to vector<16xi32>
      %mul3A_1398 = arith.muli %shift_right_logical3A_1395, %mul3A_1397 : vector<16xi32>
      %sub3A_1399 = arith.subi %add3A_1389, %mul3A_1398 : vector<16xi32>
      %convert_element_type3A_1400 = arith.sitofp %shift_right_logical3A_1395 : vector<16xi32> to vector<16xf32>
      %add3A_1401 = arith.constant 5.000000e-01 : f32
      %add3A_1402 = vector.broadcast %add3A_1401 : f32 to vector<16xf32>
      %add3A_1403 = arith.addf %convert_element_type3A_1400, %add3A_1402 : vector<16xf32>
      %mul3A_1404 = arith.mulf %add3A_1403, %mul3A_1169 : vector<16xf32>
      %add3A_1405 = arith.addf %mul3A_1147, %mul3A_1404 : vector<16xf32>
      %convert_element_type3A_1406 = arith.sitofp %sub3A_1399 : vector<16xi32> to vector<16xf32>
      %add3A_1407 = arith.constant 5.000000e-01 : f32
      %add3A_1408 = vector.broadcast %add3A_1407 : f32 to vector<16xf32>
      %add3A_1409 = arith.addf %convert_element_type3A_1406, %add3A_1408 : vector<16xf32>
      %mul3A_1410 = arith.mulf %add3A_1409, %mul3A_1173 : vector<16xf32>
      %add3A_1411 = arith.addf %mul3A_1153, %mul3A_1410 : vector<16xf32>
      %jit3A_1412 = arith.constant 0.000000e+00 : f32
      %jit3A_1413 = arith.constant 4.900000e+01 : f32
      %max3A_1414 = vector.broadcast %jit3A_1412 : f32 to vector<16xf32>
      %max3A_1415 = arith.maximumf %max3A_1414, %add3A_1405 : vector<16xf32>
      %min3A_1416 = vector.broadcast %jit3A_1413 : f32 to vector<16xf32>
      %min3A_1417 = arith.minimumf %min3A_1416, %max3A_1415 : vector<16xf32>
      %jit3A_1418 = arith.constant 0.000000e+00 : f32
      %jit3A_1419 = arith.constant 4.900000e+01 : f32
      %max3A_1420 = vector.broadcast %jit3A_1418 : f32 to vector<16xf32>
      %max3A_1421 = arith.maximumf %max3A_1420, %add3A_1411 : vector<16xf32>
      %min3A_1422 = vector.broadcast %jit3A_1419 : f32 to vector<16xf32>
      %min3A_1423 = arith.minimumf %min3A_1422, %max3A_1421 : vector<16xf32>
      %convert_element_type3A_1424 = arith.fptosi %min3A_1417 : vector<16xf32> to vector<16xi32>
      %convert_element_type3A_1425 = arith.fptosi %min3A_1423 : vector<16xf32> to vector<16xi32>
      %convert_element_type3A_1426 = arith.sitofp %convert_element_type3A_1424 : vector<16xi32> to vector<16xf32>
      %sub3A_1427 = arith.subf %min3A_1417, %convert_element_type3A_1426 : vector<16xf32>
      %convert_element_type3A_1428 = arith.sitofp %convert_element_type3A_1425 : vector<16xi32> to vector<16xf32>
      %sub3A_1429 = arith.subf %min3A_1423, %convert_element_type3A_1428 : vector<16xf32>
      %add3A_1430 = arith.constant 1 : i32
      %add3A_1431 = vector.broadcast %add3A_1430 : i32 to vector<16xi32>
      %add3A_1432 = arith.addi %convert_element_type3A_1424, %add3A_1431 : vector<16xi32>
      %min3A_1433 = arith.constant 49 : i32
      %min3A_1434 = vector.broadcast %min3A_1433 : i32 to vector<16xi32>
      %min3A_1435 = arith.minsi %add3A_1432, %min3A_1434 : vector<16xi32>
      %add3A_1436 = arith.constant 1 : i32
      %add3A_1437 = vector.broadcast %add3A_1436 : i32 to vector<16xi32>
      %add3A_1438 = arith.addi %convert_element_type3A_1425, %add3A_1437 : vector<16xi32>
      %min3A_1439 = arith.constant 49 : i32
      %min3A_1440 = vector.broadcast %min3A_1439 : i32 to vector<16xi32>
      %min3A_1441 = arith.minsi %add3A_1438, %min3A_1440 : vector<16xi32>
      %mul3A_1442 = arith.constant 50 : i32
      %mul3A_1443 = vector.broadcast %mul3A_1442 : i32 to vector<16xi32>
      %mul3A_1444 = arith.muli %min3A_1435, %mul3A_1443 : vector<16xi32>
      %add3A_1445 = arith.addi %mul3A_1444, %convert_element_type3A_1425 : vector<16xi32>
      %swap3A_1446 = arith.constant 48 : index
      %swap3A_1447 = tpu.vector_load %arg7[%swap3A_1446] {strides = array<i32>} : memref<128xi32, #tpu.memory_space<vmem>>, vector<16xi32>,
      %swap3A_1448 = vector.shape_cast %swap3A_1447 : vector<16xi32> to vector<16xi32>
      %swap3A_1449 = vector.shape_cast %add3A_1445 : vector<16xi32> to vector<16xi32>
      tpu.vector_store %arg7[%swap3A_1446], %swap3A_1449 {strides = array<i32>} : memref<128xi32, #tpu.memory_space<vmem>>, vector<16xi32>,
      %mul3A_1450 = arith.constant 50 : i32
      %mul3A_1451 = vector.broadcast %mul3A_1450 : i32 to vector<16xi32>
      %mul3A_1452 = arith.muli %min3A_1435, %mul3A_1451 : vector<16xi32>
      %add3A_1453 = arith.addi %mul3A_1452, %min3A_1441 : vector<16xi32>
      %swap3A_1454 = arith.constant 112 : index
      %swap3A_1455 = tpu.vector_load %arg7[%swap3A_1454] {strides = array<i32>} : memref<128xi32, #tpu.memory_space<vmem>>, vector<16xi32>,
      %swap3A_1456 = vector.shape_cast %swap3A_1455 : vector<16xi32> to vector<16xi32>
      %swap3A_1457 = vector.shape_cast %add3A_1453 : vector<16xi32> to vector<16xi32>
      tpu.vector_store %arg7[%swap3A_1454], %swap3A_1457 {strides = array<i32>} : memref<128xi32, #tpu.memory_space<vmem>>, vector<16xi32>,
      %dma_start3A_1458 = arith.constant 0 : i32
      %dma_start3A_1459 = arith.constant 0 : i32
      %dma_start3A_1460 = tpu.memref_slice %arg2[%dma_start3A_1458, %dma_start3A_1459] : memref<2500x256xf32, #tpu.memory_space<hbm>> -> memref<2500x256xf32, #tpu.memory_space<hbm>>
      tpu.enqueue_indirect_dma source(%dma_start3A_1460 : memref<2500x256xf32, #tpu.memory_space<hbm>>) target(%arg9 : memref<128x256xf32, #tpu.memory_space<vmem>>) offsets(%arg7 : memref<128xi32, #tpu.memory_space<vmem>>) semaphore(%arg16 : memref<!tpu.dma_semaphore, #tpu.memory_space<semaphore_mem>>)
      %add3A_1461 = arith.addi %mul3A_2, %scan3A_697 : i32
      %min3A_1462 = arith.constant 999 : i32
      %min3A_1463 = arith.minsi %add3A_1461, %min3A_1462 : i32
      "tpu.region"() ({
        %run_scoped3A = tpu.sem_alloc : memref<!tpu.dma_semaphore, #tpu.memory_space<semaphore_mem>>
        %dma_start3A_1464 = arith.constant 0 : i32
        %dma_start3A_1465 = tpu.memref_slice %arg4[%min3A_1463, %dma_start3A_1464] : memref<1000x12544xf32, #tpu.memory_space<hbm>> -> memref<1x12544xf32, #tpu.memory_space<hbm>>
        %dma_start3A_1466 = tpu.memref_squeeze %dma_start3A_1465 : memref<1x12544xf32, #tpu.memory_space<hbm>> -> memref<12544xf32, #tpu.memory_space<hbm>>
        %dma_start3A_1467 = arith.constant 0 : i32
        %dma_start3A_1468 = tpu.memref_slice %arg4[%min3A_1463, %dma_start3A_1467] : memref<1000x12544xf32, #tpu.memory_space<hbm>> -> memref<1x12544xf32, #tpu.memory_space<hbm>>
        %dma_start3A_1469 = tpu.memref_squeeze %dma_start3A_1468 : memref<1x12544xf32, #tpu.memory_space<hbm>> -> memref<12544xf32, #tpu.memory_space<hbm>>
        tpu.enqueue_dma source(%arg14 : memref<12544xf32, #tpu.memory_space<vmem>>) target(%dma_start3A_1469 : memref<12544xf32, #tpu.memory_space<hbm>>) target_semaphore(%run_scoped3A : memref<!tpu.dma_semaphore, #tpu.memory_space<semaphore_mem>>)
        %dma_wait3A_1470 = arith.constant 0 : i32
        %dma_wait3A_1471 = tpu.memref_slice %arg4[%min3A_1463, %dma_wait3A_1470] : memref<1000x12544xf32, #tpu.memory_space<hbm>> -> memref<1x12544xf32, #tpu.memory_space<hbm>>
        %dma_wait3A_1472 = tpu.memref_squeeze %dma_wait3A_1471 : memref<1x12544xf32, #tpu.memory_space<hbm>> -> memref<12544xf32, #tpu.memory_space<hbm>>
        %dma_wait3A_1473 = arith.constant 0 : i32
        %dma_wait3A_1474 = tpu.memref_slice %arg4[%min3A_1463, %dma_wait3A_1473] : memref<1000x12544xf32, #tpu.memory_space<hbm>> -> memref<1x12544xf32, #tpu.memory_space<hbm>>
        %dma_wait3A_1475 = tpu.memref_squeeze %dma_wait3A_1474 : memref<1x12544xf32, #tpu.memory_space<hbm>> -> memref<12544xf32, #tpu.memory_space<hbm>>
        tpu.wait_dma2 semaphore(%run_scoped3A : memref<!tpu.dma_semaphore, #tpu.memory_space<semaphore_mem>>) src(%arg14 : memref<12544xf32, #tpu.memory_space<vmem>>) dst(%dma_wait3A_1475 : memref<12544xf32, #tpu.memory_space<hbm>>)
        tpu.yield
      }) : () -> ()
    }
    %scan3A_691 = arith.constant 32 : i32
    %dma_wait3A = arith.constant 0 : i32
    %dma_wait3A_692 = arith.constant 0 : i32
    %dma_wait3A_693 = tpu.memref_slice %arg2[%dma_wait3A, %dma_wait3A_692] : memref<2500x256xf32, #tpu.memory_space<hbm>> -> memref<2500x256xf32, #tpu.memory_space<hbm>>
    tpu.wait_indirect_dma semaphore(%arg15 : memref<!tpu.dma_semaphore, #tpu.memory_space<semaphore_mem>>) src(%dma_wait3A_693 : memref<2500x256xf32, #tpu.memory_space<hbm>>) dst(%arg8 : memref<128x256xf32, #tpu.memory_space<vmem>>)
    %dma_wait3A_694 = arith.constant 0 : i32
    %dma_wait3A_695 = arith.constant 0 : i32
    %dma_wait3A_696 = tpu.memref_slice %arg2[%dma_wait3A_694, %dma_wait3A_695] : memref<2500x256xf32, #tpu.memory_space<hbm>> -> memref<2500x256xf32, #tpu.memory_space<hbm>>
    tpu.wait_indirect_dma semaphore(%arg16 : memref<!tpu.dma_semaphore, #tpu.memory_space<semaphore_mem>>) src(%dma_wait3A_696 : memref<2500x256xf32, #tpu.memory_space<hbm>>) dst(%arg9 : memref<128x256xf32, #tpu.memory_space<vmem>>)
    return
  }
}

module attributes {stable_mosaic.version = 14 : i64} {
  func.func @_tr_body(%arg0: i32, %arg1: i32, %arg2: memref<40x49x128xf32, #tpu.memory_space<vmem>>, %arg3: memref<40x6272xf32, #tpu.memory_space<vmem>>) attributes {dimension_semantics = [#tpu.dimension_semantics<arbitrary>, #tpu.dimension_semantics<arbitrary>], iteration_bounds = array<i64: 25, 2>, scalar_prefetch = 0 : i64, scratch_operands = 0 : i64, tpu.core_type = #tpu.core_type<tc>, window_params = [{transform_indices = @transform_0, window_bounds = array<i64: 40, 49, 128>}, {transform_indices = @transform_1, window_bounds = array<i64: 40, 6272>}]} {
    %get3A = arith.constant 0 : index
    %get3A_0 = arith.constant 0 : index
    %get3A_1 = arith.constant 0 : index
    %get3A_2 = vector.load %arg2[%get3A, %get3A_0, %get3A_1] : memref<40x49x128xf32, #tpu.memory_space<vmem>>, vector<40x49x128xf32>
    %transpose3A = tpu.transpose %get3A_2, [0, 2, 1] : vector<40x49x128xf32> -> vector<40x128x49xf32>
    %reshape3A = vector.shape_cast %transpose3A : vector<40x128x49xf32> to vector<40x6272xf32>
    %swap3A = arith.constant 0 : index
    %swap3A_3 = arith.constant 0 : index
    %swap3A_4 = vector.load %arg3[%swap3A, %swap3A_3] : memref<40x6272xf32, #tpu.memory_space<vmem>>, vector<40x6272xf32>
    tpu.vector_store %arg3[%swap3A, %swap3A_3], %reshape3A {strides = array<i32>} : memref<40x6272xf32, #tpu.memory_space<vmem>>, vector<40x6272xf32>,
    return
  }
  func.func @transform_0(%arg0: i32, %arg1: i32) -> (i32, i32, i32) {
    %c0_i32 = arith.constant 0 : i32
    %c0_i32_0 = arith.constant 0 : i32
    return %arg0, %c0_i32, %arg1 : i32, i32, i32
  }
  func.func @transform_1(%arg0: i32, %arg1: i32) -> (i32, i32) {
    %c0_i32 = arith.constant 0 : i32
    return %arg0, %arg1 : i32, i32
  }
}

</mosaic_0001>

<sc_bundles>
// kernel: kernel.4.cloned.1.call-start
scs
__scs_entry_jumppad:
0x0: {  	(pc) =	sbr.rel $0x88, $3  }
0x1: {  	(tag) =	ssettag $0x0;
	lr =	simm.s32 $0x1  }
0x2: {  	[smem:$0x3F9F] =	sst lr;
	_ =	strace $0xD0000000  }
0x3: {  	_ = 	snop  }
0x4: {  	_ = 	snop  }
0x5: {  	_ = 	snop  }
0x6: {  	_ = 	snop  }
0x7: {  	_ = 	snop  }
__scs_overlays_trampoline_lowered:
0x8: {  	[smem:$0x3FAE] =	sst s0  }
0x9: {  	[smem:$0x3FAF] =	sst s1  }
0xa: {  	[smem:$0x3FB0] =	sst s2  }
0xb: {  	[smem:$0x3FB1] =	sst s3  }
0xc: {  	[smem:$0x3FB2] =	sst s4  }
0xd: {  	[smem:$0x3FB3] =	sst s5  }
0xe: {  	[smem:$0x3FB4] =	sst s6  }
0xf: {  	[smem:$0x3FB5] =	sst s7  }
0x10: {  	[smem:$0x3FB6] =	sst s8  }
0x11: {  	[smem:$0x3FB7] =	sst s9;
	s0 =	simm.s32 @!p0 $0x0  }
0x12: {  	s1 =	sld [smem:$0x3F9D];
	s0 =	simm.s32 @p0 $0x1  }
0x13: {  	[smem:$0x3FB8] =	sst s0;
	s0 =	simm.s32 @!p1 $0x0  }
0x14: {  	s2 =	sld [smem:$0x3F9C];
	s0 =	simm.s32 @p1 $0x1  }
0x15: {  	[smem:$0x3FB9] =	sst s0;
	s0 =	simm.s32 @!p2 $0x0  }
0x16: {  	s3 =	sld [smem:$0x3FDB];
	s0 =	simm.s32 @p2 $0x1  }
0x17: {  	s4 =	simm.s32 $0x1BF5;
	[smem:$0x3FBB] =	sst s0  }
0x18: {  	s0 =	sld [smem:$0x3F9E];
	_ =	swait.ge [sflag:s4], $0x0  }
0x19: {  	s7 =	sld [smem:$0x3F9F]  }
0x1a: {  	s8 =	sadd.s32 $0xFFFFE003, lr  }
0x1b: {  	s9 =	sadd.s32 $0xFFFFFEF7, lr;
	s5 =	simm.s32 $0xFFFFFFFF;
	p2 =	slt.u32 s8, $0xFFFFF086  }
0x1c: {  	p1 =	slt.u32 s9, $0xF7A;
	s5 =	simm.s32 @!p2 $0x0  }
0x1d: {  	s5 =	simm.s32 @p1 $0x1;
	p0 =	seq.s32 s7, s2  }
0x1e: {  	s7 =	smul.u32 @!p0 $0xF7A, s2;
	p2 =	seq.s32 @!p0 s5, $0x0  }
0x1f: {  	s9 =	smul.u32 $0xF7A, s1;
	s8 =	simm.s32 @!p0 $0x1BF5;
	p2 =	por !p2, p0  }
0x20: {  	[sflag:s8] =	ssyncset.s32 @!p0 $0xFFFFF086;
	s6 =	sadd.s32 @!p0 s3, s7;
	s7 =	simm.s32 @!p0 $0x108  }
0x21: {  	s3 =	sadd.s32 s3, s9;
	s6 =	sadd.s32 @!p0 $0x88, s6;
	s7 =	simm.s32 @p2 $0x1082  }
0x22: {  	[simem:s7], [sflag:s8] =	dma.local @!p0 [hbm:s6], $0xF7A  }
0x23: {  	s9 =	sor.u32 $0xD0000000, s2;
	s6 =	simm.s32 $0x108;
	_ =	swait.ge @!p0 [sflag:s8], $0x0  }
0x24: {  	s3 =	sadd.s32 $0x88, s3;
	s6 =	simm.s32 @!p1 $0x1082;
	[sflag:s4] =	ssyncset.s32 $0xFFFFF086  }
0x25: {  	[simem:s6], [sflag:s4] =	dma.local [hbm:s3], $0xF7A  }
0x26: {  	[smem:$0x3F9F] =	sst s1;
	(tag) =	ssettag s2;
	_ =	strace s9  }
0x27: {  	s1 =	sld [smem:$0x3FAF]  }
0x28: {  	s2 =	sld [smem:$0x3FB0]  }
0x29: {  	s4 =	sld [smem:$0x3FB2]  }
0x2a: {  	p0 =	seq.s32 s5, $0x0;
	s5 =	sld [smem:$0x3FB3]  }
0x2b: {  	s6 =	sld [smem:$0x3FB4]  }
0x2c: {  	s7 =	sld [smem:$0x3FB5]  }
0x2d: {  	s3 =	simm.s32 $0x108;
	s8 =	sld [smem:$0x3FB6]  }
0x2e: {  	s3 =	simm.s32 @!p0 $0x1082;
	s9 =	sld [smem:$0x3FB7]  }
0x2f: {  	lr =	sadd.s32 s0, s3;
	s0 =	sld [smem:$0x3FAE]  }
0x30: {  	s3 =	sld [smem:$0x3FB1]  }
0x31: {  	[smem:$0x3FBA] =	sst s10  }
0x32: {  	s10 =	sld [smem:$0x3FB8];
	_ =	sdelay $0x3  }
0x33: {  	p0 =	seq.s32 s10, $0x1;
	s10 =	sld [smem:$0x3FBA];
	_ =	sdelay $0x3  }
0x34: {  	[smem:$0x3FBA] =	sst s10  }
0x35: {  	s10 =	sld [smem:$0x3FB9];
	_ =	sdelay $0x3  }
0x36: {  	p1 =	seq.s32 s10, $0x1;
	s10 =	sld [smem:$0x3FBA];
	_ =	sdelay $0x3  }
0x37: {  	[smem:$0x3FBA] =	sst s10  }
0x38: {  	s10 =	sld [smem:$0x3FBB]  }
0x39: {  	_ = 	snop;
	(pc) =	sbr.ind lr, $3  }
0x3a: {  	_ = 	snop  }
0x3b: {  	_ = 	snop  }
0x3c: {  	p2 =	seq.s32 s10, $0x1;
	s10 =	sld [smem:$0x3FBA]  }
0x3d: {  	_ =	shalt  }
0x3e: {  	_ =	shalt  }
0x3f: {  	_ =	shalt  }
0x40: {  	_ =	shalt  }
0x41: {  	_ =	shalt  }
0x42: {  	_ =	shalt  }
0x43: {  	_ =	shalt  }
0x44: {  	_ =	shalt  }
0x45: {  	_ =	shalt  }
0x46: {  	_ =	shalt  }
0x47: {  	_ =	shalt  }
0x48: {  	_ =	shalt  }
0x49: {  	_ =	shalt  }
0x4a: {  	_ =	shalt  }
0x4b: {  	_ =	shalt  }
0x4c: {  	_ =	shalt  }
0x4d: {  	_ =	shalt  }
0x4e: {  	_ =	shalt  }
0x4f: {  	_ =	shalt  }
0x50: {  	_ =	shalt  }
0x51: {  	_ =	shalt  }
0x52: {  	_ =	shalt  }
0x53: {  	_ =	shalt  }
0x54: {  	_ =	shalt  }
0x55: {  	_ =	shalt  }
0x56: {  	_ =	shalt  }
0x57: {  	_ =	shalt  }
0x58: {  	_ =	shalt  }
0x59: {  	_ =	shalt  }
0x5a: {  	_ =	shalt  }
0x5b: {  	_ =	shalt  }
0x5c: {  	_ =	shalt  }
0x5d: {  	_ =	shalt  }
0x5e: {  	_ =	shalt  }
0x5f: {  	_ =	shalt  }
0x60: {  	_ =	shalt  }
0x61: {  	_ =	shalt  }
0x62: {  	_ =	shalt  }
0x63: {  	_ =	shalt  }
0x64: {  	_ =	shalt  }
0x65: {  	_ =	shalt  }
0x66: {  	_ =	shalt  }
0x67: {  	_ =	shalt  }
0x68: {  	_ =	shalt  }
0x69: {  	_ =	shalt  }
0x6a: {  	_ =	shalt  }
0x6b: {  	_ =	shalt  }
0x6c: {  	_ =	shalt  }
0x6d: {  	_ =	shalt  }
0x6e: {  	_ =	shalt  }
0x6f: {  	_ =	shalt  }
0x70: {  	_ =	shalt  }
0x71: {  	_ =	shalt  }
0x72: {  	_ =	shalt  }
0x73: {  	_ =	shalt  }
0x74: {  	_ =	shalt  }
0x75: {  	_ =	shalt  }
0x76: {  	_ =	shalt  }
0x77: {  	_ =	shalt  }
0x78: {  	_ =	shalt  }
0x79: {  	_ =	shalt  }
0x7a: {  	_ =	shalt  }
0x7b: {  	_ =	shalt  }
0x7c: {  	_ =	shalt  }
0x7d: {  	_ =	shalt  }
0x7e: {  	_ =	shalt  }
0x7f: {  	_ =	shalt  }
0x80: {  	_ =	shalt  }
0x81: {  	_ =	shalt  }
0x82: {  	_ =	shalt  }
0x83: {  	_ =	shalt  }
0x84: {  	_ =	shalt  }
0x85: {  	_ =	shalt  }
0x86: {  	_ =	shalt  }
0x87: {  	_ =	shalt  }
.Lfunc_end0:
.L_simem_size_0:
called_computation_lowered:
.L_overlay_start_0:
0x88: {  	s2 =	sld [smem:$0x3FD9]  }
0x89: {  	s3 =	sld [smem:$0x3FFE];
	_ =	sdelay $0x1  }
0x8a: {  	s1 =	srdreg.scid  }
0x8b: {  	s0 =	sand.u32 $0x1, s1  }
0x8c: {  	s17 =	sshll.u32 s0, $0xA;
	s2 =	sadd.s32 s3, s2  }
0x8d: {  	s2 =	sadd.s32 s2, s17  }
0x8e: {  	[smem:$0x3FC6] =	sst s2  }
0x8f: {  	_ = 	snop  }
0x90: {  	s2 =	sld [smem:$0x3FD0];
	(tm) =	ssettm $0x1  }
0x91: {  	s18 =	sld [smem:$0x3FFB];
	_ =	sdelay $0x3  }
0x92: {  	_ =	strace s18  }
0x93: {  	s3 =	sld [smem:$0x3FFC];
	_ =	sdelay $0x3  }
0x94: {  	_ =	strace s3  }
0x95: {  	s3 =	sld [smem:$0x3FFD];
	_ =	sdelay $0x3  }
0x96: {  	_ =	strace s3  }
0x97: {  	_ =	strace $0x8FFFFFFF  }
0x98: {  	s19 =	sld [smem:$0x3FDB];
	_ =	sdelay $0x1  }
0x99: {  	s4 =	simm.s32 $_scs_section_size  }
0x9a: {  	s5 =	simm.s32 $_size__tile_overlayer_lowered;
	s6 =	simm.s32 $_tile_overlayer_lowered  }
0x9b: {  	s22 =	simm.s32 $0x1BFF;
	s21 =	sshll.u32 s6, $0x1;
	s3 =	sadd.s32 s4, s19  }
0x9c: {  	s7 =	simm.s32 $0x0;
	s20 =	sshll.u32 s5, $0x1;
	s5 =	sadd.s32 s21, s3  }
0x9d: {  	[timem:s7], [sflag:s22] =	dma.local [hbm:s5], s20  }
0x9e: {  	_ =	swait.ge [sflag:s22], s20  }
0x9f: {  	s4 =	ssub.s32 $0x0, s20;
	[sflag:s22] =	ssyncset.done $0x0  }
0xa0: {  	[sflag:s22] =	ssyncadd.s32 s4;
	_ =	sdelay $0x1  }
0xa1: {  	s23 =	simm.s32 $0x1B8B  }
0xa2: {  	_ =	swait.ge [sflag:s23], $0x1  }
0xa3: {  	[sflag:s23] =	ssyncset.done $0x0  }
0xa4: {  	s25 =	simm.s32 $0x1B8E;
	s24 =	sld [smem:$0x3FFE];
	[sflag:s23] =	ssyncadd.s32 $0xFFFFFFFF  }
0xa5: {  	s26 =	simm.s32 $execute0_lowered;
	[smem:$0x3FD2] =	sst s25  }
0xa6: {  	s5 =	sshll.u32 s26, $0x1;
	_ =	strace $0x80000046;
	[dreg:$0x1] =	wrdreg $0xFFFFFFFF  }
0xa7: {  	s28 =	simm.s32 $_size_execute0_lowered;
	s3 =	sadd.s32 s3, s5;
	[dreg:$0x0] =	wrdreg $0x0  }
0xa8: {  	s5 =	sshll.u32 s28, $0x1;
	[dreg:$0x2] =	wrdreg s3  }
0xa9: {  	[dreg:$0x3] =	wrdreg s5  }
0xaa: {  	[dreg:$0x4] =	wrdreg $0xC0  }
0xab: {  	_ =	task [dreg:s7], $0x5FFFF  }
0xac: {  	[dreg:$0x1] =	wrdreg $0xFFFFFFFF  }
0xad: {  	[dreg:$0x0] =	wrdreg $0x60  }
0xae: {  	[dreg:$0x2] =	wrdreg s24  }
0xaf: {  	[dreg:$0x3] =	wrdreg s2  }
0xb0: {  	[dreg:$0x4] =	wrdreg $0x9  }
0xb1: {  	_ =	task.clear_ibuf [dreg:s7], $0x5FFFF;
	_ =	strace $0x90000046  }
0xb2: {  	s29 =	simm.s32 $0x9;
	_ =	strace $0x80000048  }
0xb3: {  	_ =	swait.ge [sflag:s29], $0x1  }
0xb4: {  	[sflag:s29] =	ssyncadd.s32 $0xFFFFFFFF  }
0xb5: {  	_ =	strace $0x90000048  }
0xb6: {  	_ =	sfence  }
0xb7: {  	s30 =	sld [smem:$0x0];
	_ =	sdelay $0x2  }
0xb8: {  	s31 =	sshll.u32 s1, $0xD;
	s1 =	sshrl.u32 s1, $0x2  }
0xb9: {  	s3 =	sand.u32 $0x4000, s31;
	s1 =	sadd.s32 s1, s30  }
0xba: {  	s0 =	sor.u32 s3, s0;
	s1 =	sshll.u32 s1, $0x11  }
0xbb: {  	s0 =	sor.u32 s1, s0  }
0xbc: {  	s0 =	sadd.s32 $0x8F2B, s0  }
0xbd: {  	[sflag:s0] =	ssyncadd.remote.s32 $0x1  }
0xbe: {  	_ =	sfence.sel $0xFFFF  }
0xbf: {  	[dreg:$0x0] =	wrdreg $0xFFFFFFFF;
	(pc) =	sbr.abs _section_cstart, $3  }
0xc0: {  	[dreg:$0x1] =	wrdreg $0xFFFFFFFF  }
0xc1: {  	_ =	task.clear_ibuf [dreg:s7], $0x2FFFF;
	_ =	strace $0x9FFFFFFF  }
0xc2: {  	(tm) =	ssettm $0x7FFFFFFF  }
0xc3: {  	_ =	shalt  }
tec
execute0_lowered:
.L_overlay_start_1:
0x0: {  	(tag) =	ssettag $0x1  }
0x1: {  	vm0 =	vcmask $0x300  }
0x2: {  	v0 =	vimm.f32 $1.500000000e+00;
	vm12 =	vcmask $0xB08;
	vm11 =	vcmask $0xF0C  }
0x3: {  	vm1 =	vcmask $0x1B00;
	vm10 =	vcmask $0x1310;
	v1 =	vimm.f32 $2.500000000e+00  }
0x4: {  	vm9 =	vcmask $0x1714;
	vm8 =	vcmask $0x1B18;
	vm7 =	vcmask $0x1F1C  }
0x5: {  	vm6 =	vcmask $0x2724;
	vm5 =	vcmask $0x2B28;
	v52 =	vimm.f32 $3.500000000e+00  }
0x6: {  	vm4 =	vcmask $0x2F2C;
	vm3 =	vcmask $0x3330;
	vm2 =	vcmask $0x3734  }
0x7: {  	vm13 =	vcmask $0x1300;
	v54 =	vimm.f32 $4.500000000e+00;
	v2 =	vimm.f32 $5.500000000e+00  }
0x8: {  	v56 =	vimm.f32 $5.000000000e-01;
	vm14 =	vcmask $0xB00;
	v0 =	vsel vm0, $0x3F000000, v0  }
0x9: {  	v59 =	vimm.f32 $6.500000000e+00;
	vm15 =	vcmask $0x270C;
	v0 =	vsel vm12, $0x40200000, v0  }
0xa: {  	v62 =	vlaneseq.u32;
	v1 =	vsel vm1, $0x3F000000, v1;
	v0 =	vsel vm11, $0x40600000, v0  }
0xb: {  	vm1 =	vcmask $0x371C;
	v2 =	vsel vm0, $0x40900000, v2;
	v0 =	vsel vm10, $0x40900000, v0  }
0xc: {  	v9 =	vand.u32 $0x7, v62;
	v27 =	vsel vm1, $0x3FC00000, v1;
	v0 =	vsel vm9, $0x40B00000, v0  }
0xd: {  	v1 =	vsel vm0, $0x40200000, v52;
	vm1 =	vcmask $0x3B38;
	v0 =	vsel vm8, $0x40D00000, v0  }
0xe: {  	v2 =	vsel vm12, $0x40D00000, v2;
	v1 =	vsel vm12, $0x40900000, v1;
	v0 =	vsel vm7, $0x3F000000, v0  }
0xf: {  	v55 =	vsel vm11, $0x3F000000, v2;
	v1 =	vsel vm11, $0x40B00000, v1;
	v0 =	vsel vm6, $0x40200000, v0  }
0x10: {  	v2 =	vsel vm0, $0x40D00000, v56;
	v1 =	vsel vm10, $0x40D00000, v1;
	v0 =	vsel vm5, $0x40600000, v0  }
0x11: {  	v2 =	vsel vm12, $0x3FC00000, v2;
	v53 =	vsel vm9, $0x3F000000, v1;
	v0 =	vsel vm4, $0x40900000, v0  }
0x12: {  	v1 =	vsel vm13, $0x40200000, v54;
	vm13 =	vcmask $0x2F14;
	v0 =	vsel vm3, $0x40B00000, v0  }
0x13: {  	v29 =	vsel vm13, $0x40600000, v1;
	v1 =	vsel vm10, $0x3FC00000, v55;
	v0 =	vsel vm2, $0x40D00000, v0  }
0x14: {  	v1 =	vsel vm9, $0x40200000, v1;
	v28 =	vsel vm1, $0x3F000000, v0;
	v0 =	vsel vm8, $0x3FC00000, v53  }
0x15: {  	v58 =	vsel vm11, $0x40200000, v2;
	v1 =	vsel vm8, $0x40600000, v1;
	v0 =	vsel vm7, $0x40200000, v0  }
0x16: {  	v57 =	vsel vm7, $0x40900000, v1;
	v1 =	vsel vm10, $0x40600000, v58;
	v0 =	vsel vm6, $0x40900000, v0  }
0x17: {  	s3 =	simm.s32 $0x0;
	v63 =	vshrl.u32 v62, $0x3;
	v1 =	vsel vm9, $0x40900000, v1;
	v0 =	vsel vm5, $0x40B00000, v0  }
0x18: {  	[smem:$0x7FF] =	sst s3;
	v36 =	vor.u32 $0x8, v62;
	v1 =	vsel vm8, $0x40B00000, v1;
	v0 =	vsel vm4, $0x40D00000, v0  }
0x19: {  	s0 =	rddreg [dreg:$0x0];
	_ =	strace $0x80000047;
	v35 =	vmul.u32 $0x8, v63;
	[tilespmem:$0x1FFD0] =	vst v9;
	v1 =	vsel vm7, $0x40D00000, v1;
	v0 =	vsel vm3, $0x3F000000, v0  }
0x1a: {  	[tilespmem:$0x1FFF0] =	vst v36;
	v2 =	vsel vm14, $0x40900000, v59;
	v1 =	vsel vm6, $0x3FC00000, v1;
	v0 =	vsel vm2, $0x3FC00000, v0  }
0x1b: {  	[tilespmem:$0x1FF50] =	vst v27;
	v1 =	vsel vm5, $0x40200000, v1;
	v30 =	vsel vm1, $0x40200000, v0;
	v0 =	vsel vm6, $0x40D00000, v57  }
0x1c: {  	s1 =	srdreg.scid;
	s2 =	stileid.u32;
	[tilespmem:$0x1FFE0] =	vst v35;
	v31 =	vsel vm15, $0x40B00000, v2;
	v1 =	vsel vm4, $0x40600000, v1;
	v0 =	vsel vm5, $0x3F000000, v0  }
0x1d: {  	s1 =	sand.u32 $0x1, s1;
	s2 =	sshll.u32 s2, $0x1;
	[tilespmem:$0x1FF90] =	vst v31;
	v1 =	vsel vm3, $0x40900000, v1;
	v0 =	vsel vm4, $0x3FC00000, v0  }
0x1e: {  	s2 =	sor.u32 s1, s2;
	[tilespmem:$0x1FF70] =	vst v29;
	v61 =	vsel vm2, $0x40B00000, v1;
	v0 =	vsel vm3, $0x40200000, v0  }
0x1f: {  	v60 =	vimm.f32 $9.500000000e+00;
	s1 =	ssub.s32 $0x2, s1;
	s5 =	sshll.u32 s2, $0x6;
	[tilespmem:$0x1FF60] =	vst v28;
	v34 =	vsel vm1, $0x40D00000, v61;
	v0 =	vsel vm2, $0x40600000, v0  }
0x20: {  	s4 =	sadd.s32 $0xC00, s0;
	s6 =	sshrl.u32 s1, $0x1;
	s0 =	sadd.s32 s5, s0;
	[tilespmem:$0x1FFC0] =	vst v34;
	v32 =	vsel vm1, $0x40900000, v0;
	v0 =	vsel vm0, $0x40D00000, v60;
	vm0 =	vcmask $0x1F04  }
0x21: {  	s14 =	simm.s32 $0x1;
	s1 =	ssub.s32 s1, s6;
	s0 =	sadd.s32 $0x400, s0;
	[tilespmem:$0x1FF80] =	vst v30;
	v0 =	vsel vm0, $0x40F00000, v0;
	vm0 =	vcmask $0x3B20  }
0x22: {  	s15 =	simm.s32 $0x2;
	s31 =	smax.u32 s1, $0x1;
	[dreg:$0x3] =	wrdreg s0;
	[tilespmem:$0x1FFA0] =	vst v32;
	v33 =	vsel vm0, $0x41080000, v0  }
0x23: {  	s5 =	sshll.u32 s2, $0x5;
	s1 =	simm.s32 $0x0;
	[dreg:$0x4] =	wrdreg s31;
	vm0 =	vmmov $0xffff;
	[tilespmem:$0x1FFB0] =	vst v33  }
.LBB2_1:
0x24: {  	[dreg:$0x5] =	wrdreg s1  }
0x25: {  	s0 =	rddreg [dreg:$0x3];
	s23 =	simm.s32 $0x3  }
0x26: {  	[tilespmem:s3], [sflag:$0x3] =	stream.linear.gather [hbm4b:s0+s3], $0x200, $0x38;
	[tilespmem:$0x13600] =	vst v63  }
0x27: {  	_ =	swait.ge [sflag:s23], $0x200  }
0x28: {  	[sflag:s23] =	ssyncset.done $0x0  }
0x29: {  	[sflag:s23] =	ssyncadd.s32 $0xFFFFFE00  }
0x2a: {  	v0 =	vld [tilespmem:$0x0];
	_ =	sdelay $0x4  }
0x2b: {  	v0 =	vmul.f32 $6.250000000e-02, v0;
	_ =	sdelay $0x1  }
0x2c: {  	v1 =	vbroadcast v0, $0x0;
	v2 =	vbroadcast v0, $0x2  }
0x2d: {  	v3 =	vbroadcast v0, $0x1;
	v0 =	vbroadcast v0, $0x3  }
0x2e: {  	v2 =	vsub.f32 v2, v1  }
0x2f: {  	v0 =	vsub.f32 v0, v3  }
0x30: {  	v2 =	vmul.f32 $1.428571490e-01, v2  }
0x31: {  	v0 =	vmul.f32 $1.428571490e-01, v0  }
0x32: {  	v4 =	vmul.f32 v27, v2  }
0x33: {  	v5 =	vmul.f32 v28, v0;
	v8 =	vmul.f32 v29, v2  }
0x34: {  	v11 =	vmul.f32 v30, v0;
	v13 =	vmul.f32 v31, v2;
	v4 =	vadd.f32 v4, v1  }
0x35: {  	v15 =	vmul.f32 v32, v0;
	v0 =	vmul.f32 v34, v0  }
0x36: {  	v2 =	vmul.f32 v33, v2;
	v5 =	vadd.f32 v5, v3;
	v4 =	vmax.f32 v4, $0.0e+00  }
0x37: {  	v8 =	vadd.f32 v8, v1;
	v13 =	vadd.f32 v13, v1;
	v4 =	vmin.f32 v4, $4.900000000e+01  }
0x38: {  	v15 =	vadd.f32 v15, v3;
	v5 =	vmax.f32 v5, $0.0e+00;
	v6 =	vtrunc.f32 v4  }
0x39: {  	v0 =	vadd.f32 v0, v3;
	v5 =	vmin.f32 v5, $4.900000000e+01;
	v6 =	vcvt.f32.s32 v6  }
0x3a: {  	v1 =	vadd.f32 v2, v1;
	v8 =	vmax.f32 v8, $0.0e+00;
	v7 =	vtrunc.f32 v5  }
0x3b: {  	v13 =	vmax.f32 v13, $0.0e+00;
	v7 =	vcvt.f32.s32 v7;
	v10 =	vcvt.s32.f32 v6  }
0x3c: {  	v15 =	vmax.f32 v15, $0.0e+00;
	v0 =	vmax.f32 v0, $0.0e+00;
	v8 =	vmin.f32 v8, $4.900000000e+01  }
0x3d: {  	v12 =	vcvt.s32.f32 v7;
	v4 =	vsub.f32 v4, v10;
	v10 =	vadd.f32 v11, v3  }
0x3e: {  	v1 =	vmax.f32 v1, $0.0e+00;
	v13 =	vmin.f32 v13, $4.900000000e+01;
	v52 =	vtrunc.f32 v8  }
0x3f: {  	v5 =	vsub.f32 v5, v12;
	v12 =	vcvt.f32.s32 v52;
	v10 =	vmax.f32 v10, $0.0e+00  }
0x40: {  	v0 =	vmin.f32 v0, $4.900000000e+01;
	v6 =	vmul.u32 $0x32, v6;
	v10 =	vmin.f32 v10, $4.900000000e+01  }
0x41: {  	v11 =	vadd.s32 $0x1, v7;
	v16 =	vcvt.s32.f32 v12;
	v14 =	vtrunc.f32 v10  }
0x42: {  	v7 =	vadd.s32 v7, v6;
	vm1 =	vlt.s32 v11, $0x31;
	v14 =	vcvt.f32.s32 v14  }
0x43: {  	v1 =	vmin.f32 v1, $4.900000000e+01;
	[tilespmem:$0x200] =	vst v7;
	v11 =	vnsel vm1, $0x31, v11;
	v8 =	vsub.f32 v8, v16  }
0x44: {  	v12 =	vmul.u32 $0x32, v12;
	v59 =	vld [tilespmem:$0x200];
	v6 =	vadd.s32 v6, v11;
	v11 =	vcvt.s32.f32 v14  }
0x45: {  	v53 =	vtrunc.f32 v13;
	[tilespmem:$0x10310] =	vst v8;
	v8 =	vtrunc.f32 v1;
	v54 =	vadd.s32 $0x1, v14  }
0x46: {  	v55 =	vadd.s32 v14, v12;
	v10 =	vsub.f32 v10, v11;
	v11 =	vmin.f32 v15, $4.900000000e+01  }
0x47: {  	vm1 =	vlt.s32 v54, $0x31;
	v15 =	vcvt.f32.s32 v53;
	v17 =	vtrunc.f32 v11  }
0x48: {  	[tilespmem:$0x10300] =	vst v4;
	v8 =	vcvt.f32.s32 v8;
	v16 =	vnsel vm1, $0x31, v54;
	v17 =	vcvt.f32.s32 v17  }
0x49: {  	[tilespmem:$0x10380] =	vst v5;
	v3 =	vand.u32 $0x7, v59;
	v57 =	vadd.s32 v12, v16;
	v18 =	vcvt.s32.f32 v15  }
0x4a: {  	[tilespmem:$0x240] =	vst v6;
	v62 =	vmul.u32 $0x32, v15;
	v15 =	vmul.u32 $0x32, v8;
	v56 =	vcvt.s32.f32 v17  }
0x4b: {  	[tilespmem:$0x210] =	vst v55;
	v8 =	vcvt.s32.f32 v8;
	v58 =	vsub.f32 v13, v18;
	v61 =	vadd.s32 $0x1, v17  }
0x4c: {  	[tilespmem:$0x250] =	vst v57;
	v13 =	vtrunc.f32 v0;
	v60 =	vsub.f32 v11, v56;
	v11 =	vshll.u32 v59, $0x1  }
0x4d: {  	[tilespmem:$0x10390] =	vst v10;
	v63 =	vadd.s32 v17, v62;
	v7 =	vcvt.f32.s32 v13;
	v10 =	vand.u32 $0xFFFFFFF0, v11  }
0x4e: {  	v1 =	vsub.f32 v1, v8;
	vm1 =	vlt.s32 v61, $0x31;
	[tilespmem:$0x220] =	vst v63;
	v3 =	vor.u32 v3, v10  }
0x4f: {  	v2 =	vnsel vm1, $0x31, v61;
	[tilespmem:$0x10320] =	vst v58;
	v14 =	vadd.s32 $0x1, v7;
	v16 =	vperm.xlane v3, v9  }
0x50: {  	[tilespmem:$0x10330] =	vst v1;
	v2 =	vadd.s32 v62, v2;
	vm1 =	vlt.s32 v14, $0x31  }
0x51: {  	[tilespmem:$0x260] =	vst v2;
	v10 =	vcvt.s32.f32 v7;
	v3 =	vperm.xlane v3, v36;
	v6 =	vadd.s32 v35, v16  }
0x52: {  	v17 =	vadd.s32 v7, v15;
	[tilespmem:$0x103A0] =	vst v60;
	v5 =	vnsel vm1, $0x31, v14  }
0x53: {  	[tilespmem:$0x230] =	vst v17;
	v2 =	vadd.s32 v15, v5;
	v0 =	vsub.f32 v0, v10;
	v18 =	vadd.s32 v35, v3  }
0x54: {  	[tilespmem:$0x270] =	vst v2  }
0x55: {  	s24 =	simm.s32 $0x300;
	[tilespmem:$0x103B0] =	vst v0  }
0x56: {  	[tilespmem:s24], [sflag:$0x1] =	stream.indirect_vreg.gather [hbm4b:s4+s3], $0x80, v6, vm0, $0xb8;
	[tilespmem:$0x13600] =	vst v63  }
0x57: {  	s25 =	simm.s32 $0xB00  }
0x58: {  	[tilespmem:s25], [sflag:$0x1] =	stream.indirect_vreg.gather [hbm4b:s4+s3], $0x80, v18, vm0, $0xb8;
	[tilespmem:$0x13600] =	vst v63  }
0x59: {  	v19 =	vld [tilespmem:$0x210];
	_ =	sdelay $0x4  }
0x5a: {  	v20 =	vshll.u32 v19, $0x1  }
0x5b: {  	v0 =	vand.u32 $0x7, v19;
	v1 =	vand.u32 $0xFFFFFFF0, v20  }
0x5c: {  	v0 =	vor.u32 v0, v1  }
0x5d: {  	v1 =	vperm.xlane v0, v9;
	_ =	sdelay $0x1  }
0x5e: {  	v0 =	vperm.xlane v0, v36;
	v1 =	vadd.s32 v35, v1;
	_ =	sdelay $0x1  }
0x5f: {  	v0 =	vadd.s32 v35, v0;
	_ =	sdelay $0x1  }
0x60: {  	s26 =	simm.s32 $0x1300  }
0x61: {  	[tilespmem:s26], [sflag:$0x1] =	stream.indirect_vreg.gather [hbm4b:s4+s3], $0x80, v1, vm0, $0xb8;
	[tilespmem:$0x13600] =	vst v63  }
0x62: {  	s28 =	simm.s32 $0x1B00  }
0x63: {  	[tilespmem:s28], [sflag:$0x1] =	stream.indirect_vreg.gather [hbm4b:s4+s3], $0x80, v0, vm0, $0xb8;
	[tilespmem:$0x13600] =	vst v63  }
0x64: {  	v0 =	vld [tilespmem:$0x220];
	_ =	sdelay $0x4  }
0x65: {  	v21 =	vshll.u32 v0, $0x1  }
0x66: {  	v0 =	vand.u32 $0x7, v0;
	v1 =	vand.u32 $0xFFFFFFF0, v21  }
0x67: {  	v0 =	vor.u32 v0, v1  }
0x68: {  	v1 =	vperm.xlane v0, v9;
	_ =	sdelay $0x1  }
0x69: {  	v0 =	vperm.xlane v0, v36;
	v1 =	vadd.s32 v35, v1;
	_ =	sdelay $0x1  }
0x6a: {  	v0 =	vadd.s32 v35, v0;
	_ =	sdelay $0x1  }
0x6b: {  	s29 =	simm.s32 $0x2300  }
0x6c: {  	[tilespmem:s29], [sflag:$0x1] =	stream.indirect_vreg.gather [hbm4b:s4+s3], $0x80, v1, vm0, $0xb8;
	[tilespmem:$0x13600] =	vst v63  }
0x6d: {  	s30 =	simm.s32 $0x2B00  }
0x6e: {  	[tilespmem:s30], [sflag:$0x1] =	stream.indirect_vreg.gather [hbm4b:s4+s3], $0x80, v0, vm0, $0xb8;
	[tilespmem:$0x13600] =	vst v63  }
0x6f: {  	v0 =	vld [tilespmem:$0x230];
	_ =	sdelay $0x4  }
0x70: {  	v22 =	vshll.u32 v0, $0x1  }
0x71: {  	v0 =	vand.u32 $0x7, v0;
	v1 =	vand.u32 $0xFFFFFFF0, v22  }
0x72: {  	v0 =	vor.u32 v0, v1  }
0x73: {  	v1 =	vperm.xlane v0, v9;
	_ =	sdelay $0x1  }
0x74: {  	v0 =	vperm.xlane v0, v36;
	v1 =	vadd.s32 v35, v1;
	_ =	sdelay $0x1  }
0x75: {  	v0 =	vadd.s32 v35, v0;
	_ =	sdelay $0x1  }
0x76: {  	s31 =	simm.s32 $0x3300  }
0x77: {  	[tilespmem:s31], [sflag:$0x1] =	stream.indirect_vreg.gather [hbm4b:s4+s3], $0x80, v1, vm0, $0xb8;
	[tilespmem:$0x13600] =	vst v63  }
0x78: {  	s1 =	simm.s32 $0x3B00  }
0x79: {  	[tilespmem:s1], [sflag:$0x1] =	stream.indirect_vreg.gather [hbm4b:s4+s3], $0x80, v0, vm0, $0xb8;
	[tilespmem:$0x13600] =	vst v63  }
0x7a: {  	v0 =	vld [tilespmem:$0x240];
	_ =	sdelay $0x4  }
0x7b: {  	v23 =	vshll.u32 v0, $0x1  }
0x7c: {  	v0 =	vand.u32 $0x7, v0;
	v1 =	vand.u32 $0xFFFFFFF0, v23  }
0x7d: {  	v0 =	vor.u32 v0, v1  }
0x7e: {  	v1 =	vperm.xlane v0, v9;
	_ =	sdelay $0x1  }
0x7f: {  	v0 =	vperm.xlane v0, v36;
	v1 =	vadd.s32 v35, v1;
	_ =	sdelay $0x1  }
0x80: {  	v0 =	vadd.s32 v35, v0;
	_ =	sdelay $0x1  }
0x81: {  	s2 =	simm.s32 $0x4300  }
0x82: {  	[tilespmem:s2], [sflag:$0x1] =	stream.indirect_vreg.gather [hbm4b:s4+s3], $0x80, v1, vm0, $0xb8;
	[tilespmem:$0x13600] =	vst v63  }
0x83: {  	s6 =	simm.s32 $0x4B00  }
0x84: {  	[tilespmem:s6], [sflag:$0x1] =	stream.indirect_vreg.gather [hbm4b:s4+s3], $0x80, v0, vm0, $0xb8;
	[tilespmem:$0x13600] =	vst v63  }
0x85: {  	v0 =	vld [tilespmem:$0x250];
	_ =	sdelay $0x4  }
0x86: {  	v37 =	vshll.u32 v0, $0x1  }
0x87: {  	v0 =	vand.u32 $0x7, v0;
	v1 =	vand.u32 $0xFFFFFFF0, v37  }
0x88: {  	v0 =	vor.u32 v0, v1  }
0x89: {  	v1 =	vperm.xlane v0, v9;
	_ =	sdelay $0x1  }
0x8a: {  	v0 =	vperm.xlane v0, v36;
	v1 =	vadd.s32 v35, v1;
	_ =	sdelay $0x1  }
0x8b: {  	v0 =	vadd.s32 v35, v0;
	_ =	sdelay $0x1  }
0x8c: {  	s7 =	simm.s32 $0x5300  }
0x8d: {  	[tilespmem:s7], [sflag:$0x1] =	stream.indirect_vreg.gather [hbm4b:s4+s3], $0x80, v1, vm0, $0xb8;
	[tilespmem:$0x13600] =	vst v63  }
0x8e: {  	s8 =	simm.s32 $0x5B00  }
0x8f: {  	[tilespmem:s8], [sflag:$0x1] =	stream.indirect_vreg.gather [hbm4b:s4+s3], $0x80, v0, vm0, $0xb8;
	[tilespmem:$0x13600] =	vst v63  }
0x90: {  	v0 =	vld [tilespmem:$0x260];
	_ =	sdelay $0x4  }
0x91: {  	v38 =	vshll.u32 v0, $0x1  }
0x92: {  	v0 =	vand.u32 $0x7, v0;
	v1 =	vand.u32 $0xFFFFFFF0, v38  }
0x93: {  	v0 =	vor.u32 v0, v1  }
0x94: {  	v1 =	vperm.xlane v0, v9;
	_ =	sdelay $0x1  }
0x95: {  	v0 =	vperm.xlane v0, v36;
	v1 =	vadd.s32 v35, v1;
	_ =	sdelay $0x1  }
0x96: {  	v0 =	vadd.s32 v35, v0;
	_ =	sdelay $0x1  }
0x97: {  	s9 =	simm.s32 $0x6300  }
0x98: {  	[tilespmem:s9], [sflag:$0x1] =	stream.indirect_vreg.gather [hbm4b:s4+s3], $0x80, v1, vm0, $0xb8;
	[tilespmem:$0x13600] =	vst v63  }
0x99: {  	s10 =	simm.s32 $0x6B00  }
0x9a: {  	[tilespmem:s10], [sflag:$0x1] =	stream.indirect_vreg.gather [hbm4b:s4+s3], $0x80, v0, vm0, $0xb8;
	[tilespmem:$0x13600] =	vst v63  }
0x9b: {  	v0 =	vld [tilespmem:$0x270];
	_ =	sdelay $0x4  }
0x9c: {  	v39 =	vshll.u32 v0, $0x1  }
0x9d: {  	v0 =	vand.u32 $0x7, v0;
	v1 =	vand.u32 $0xFFFFFFF0, v39  }
0x9e: {  	v0 =	vor.u32 v0, v1  }
0x9f: {  	v1 =	vperm.xlane v0, v9;
	_ =	sdelay $0x1  }
0xa0: {  	v0 =	vperm.xlane v0, v36;
	v1 =	vadd.s32 v35, v1;
	_ =	sdelay $0x1  }
0xa1: {  	v0 =	vadd.s32 v35, v0;
	_ =	sdelay $0x1  }
0xa2: {  	s11 =	simm.s32 $0x7300  }
0xa3: {  	[tilespmem:s11], [sflag:$0x1] =	stream.indirect_vreg.gather [hbm4b:s4+s3], $0x80, v1, vm0, $0xb8;
	[tilespmem:$0x13600] =	vst v63  }
0xa4: {  	s12 =	simm.s32 $0x7B00  }
0xa5: {  	[tilespmem:s12], [sflag:$0x1] =	stream.indirect_vreg.gather [hbm4b:s4+s3], $0x80, v0, vm0, $0xb8;
	[tilespmem:$0x13600] =	vst v63  }
0xa6: {  	v0 =	vld [tilespmem:$0x0];
	_ =	sdelay $0x4  }
0xa7: {  	v0 =	vmul.f32 $6.250000000e-02, v0;
	_ =	sdelay $0x1  }
0xa8: {  	v40 =	vbroadcast v0, $0x0;
	v41 =	vbroadcast v0, $0x2  }
0xa9: {  	v42 =	vbroadcast v0, $0x1;
	v0 =	vbroadcast v0, $0x3;
	_ =	sdelay $0x1  }
0xaa: {  	v2 =	vsub.f32 v41, v40;
	v0 =	vsub.f32 v0, v42;
	_ =	sdelay $0x1  }
0xab: {  	v2 =	vmul.f32 $1.428571490e-01, v2;
	v0 =	vmul.f32 $1.428571490e-01, v0;
	_ =	sdelay $0x1  }
0xac: {  	v43 =	vmul.f32 v27, v2;
	v44 =	vmul.f32 v28, v0  }
0xad: {  	v45 =	vmul.f32 v29, v2;
	v46 =	vmul.f32 v30, v0  }
0xae: {  	v10 =	vmul.f32 v31, v2;
	v2 =	vmul.f32 v33, v2;
	v4 =	vadd.f32 v43, v40  }
0xaf: {  	v5 =	vadd.f32 v44, v42;
	v6 =	vadd.f32 v45, v40  }
0xb0: {  	v7 =	vadd.f32 v46, v42;
	v1 =	vadd.f32 v2, v40  }
0xb1: {  	v4 =	vmax.f32 v4, $0.0e+00;
	v5 =	vmax.f32 v5, $0.0e+00;
	v6 =	vmax.f32 v6, $0.0e+00  }
0xb2: {  	v7 =	vmax.f32 v7, $0.0e+00;
	v1 =	vmax.f32 v1, $0.0e+00;
	v4 =	vmin.f32 v4, $4.900000000e+01  }
0xb3: {  	v5 =	vmin.f32 v5, $4.900000000e+01;
	v6 =	vmin.f32 v6, $4.900000000e+01;
	v4 =	vtrunc.f32 v4  }
0xb4: {  	v7 =	vmin.f32 v7, $4.900000000e+01;
	v5 =	vtrunc.f32 v5;
	v4 =	vcvt.f32.s32 v4  }
0xb5: {  	v1 =	vmin.f32 v1, $4.900000000e+01;
	v6 =	vtrunc.f32 v6;
	v7 =	vtrunc.f32 v7  }
0xb6: {  	v1 =	vtrunc.f32 v1;
	v5 =	vcvt.f32.s32 v5;
	v4 =	vadd.s32 $0x1, v4  }
0xb7: {  	v6 =	vcvt.f32.s32 v6;
	v7 =	vcvt.f32.s32 v7;
	vm1 =	vlt.s32 v4, $0x31  }
0xb8: {  	v1 =	vcvt.f32.s32 v1;
	v8 =	vadd.s32 $0x1, v5;
	v4 =	vnsel vm1, $0x31, v4  }
0xb9: {  	v6 =	vadd.s32 $0x1, v6;
	vm1 =	vlt.s32 v8, $0x31;
	v4 =	vmul.u32 $0x32, v4  }
0xba: {  	v47 =	vadd.s32 $0x1, v7;
	v8 =	vnsel vm1, $0x31, v8;
	vm1 =	vlt.s32 v6, $0x31  }
0xbb: {  	v6 =	vnsel vm1, $0x31, v6;
	vm1 =	vlt.s32 v47, $0x31;
	v5 =	vadd.s32 v5, v4  }
0xbc: {  	v4 =	vadd.s32 v8, v4;
	v8 =	vadd.f32 v10, v40;
	v10 =	vmul.f32 v32, v0  }
0xbd: {  	v1 =	vadd.s32 $0x1, v1;
	v6 =	vmul.u32 $0x32, v6;
	v2 =	vnsel vm1, $0x31, v47  }
0xbe: {  	v0 =	vmul.f32 v34, v0;
	v8 =	vmax.f32 v8, $0.0e+00;
	v10 =	vadd.f32 v10, v42  }
0xbf: {  	v49 =	vshll.u32 v5, $0x1;
	v7 =	vadd.s32 v7, v6;
	v8 =	vmin.f32 v8, $4.900000000e+01  }
0xc0: {  	v0 =	vadd.f32 v0, v42;
	v8 =	vtrunc.f32 v8;
	v10 =	vmax.f32 v10, $0.0e+00  }
0xc1: {  	v2 =	vadd.s32 v2, v6;
	v8 =	vcvt.f32.s32 v8;
	v10 =	vmin.f32 v10, $4.900000000e+01  }
0xc2: {  	v3 =	vand.u32 $0xFFFFFFF0, v49;
	v0 =	vmax.f32 v0, $0.0e+00;
	v10 =	vtrunc.f32 v10  }
0xc3: {  	v0 =	vmin.f32 v0, $4.900000000e+01;
	v8 =	vadd.s32 $0x1, v8;
	v48 =	vcvt.f32.s32 v10  }
0xc4: {  	v0 =	vtrunc.f32 v0;
	v10 =	vand.u32 $0x7, v5;
	vm1 =	vlt.s32 v8, $0x31  }
0xc5: {  	v3 =	vor.u32 v10, v3;
	v10 =	vadd.s32 $0x1, v48;
	v8 =	vnsel vm1, $0x31, v8  }
0xc6: {  	[tilespmem:$0x280] =	vst v5;
	v0 =	vcvt.f32.s32 v0;
	vm1 =	vlt.s32 v10, $0x31;
	v50 =	vmul.u32 $0x32, v8  }
0xc7: {  	[tilespmem:$0x2C0] =	vst v4;
	v8 =	vperm.xlane v3, v9;
	v51 =	vnsel vm1, $0x31, v10;
	vm1 =	vlt.s32 v1, $0x31  }
0xc8: {  	[tilespmem:$0x290] =	vst v7;
	v52 =	vadd.s32 $0x1, v0;
	v3 =	vperm.xlane v3, v36;
	v1 =	vnsel vm1, $0x31, v1  }
0xc9: {  	[tilespmem:$0x2D0] =	vst v2;
	v6 =	vadd.s32 v48, v50;
	v53 =	vadd.s32 v35, v8;
	v1 =	vmul.u32 $0x32, v1  }
0xca: {  	v4 =	vadd.s32 v51, v50;
	vm1 =	vlt.s32 v52, $0x31;
	[tilespmem:$0x2A0] =	vst v6  }
0xcb: {  	v3 =	vadd.s32 v35, v3;
	[tilespmem:$0x2E0] =	vst v4;
	v54 =	vnsel vm1, $0x31, v52;
	v0 =	vadd.s32 v0, v1  }
0xcc: {  	v55 =	vadd.s32 v54, v1;
	[tilespmem:$0x2B0] =	vst v0  }
0xcd: {  	s13 =	simm.s32 $0x8300;
	[tilespmem:$0x2F0] =	vst v55  }
0xce: {  	[tilespmem:s13], [sflag:$0x2] =	stream.indirect_vreg.gather [hbm4b:s4+s3], $0x80, v53, vm0, $0xb8;
	[tilespmem:$0x13600] =	vst v63  }
0xcf: {  	s16 =	simm.s32 $0x8B00  }
0xd0: {  	[tilespmem:s16], [sflag:$0x2] =	stream.indirect_vreg.gather [hbm4b:s4+s3], $0x80, v3, vm0, $0xb8;
	[tilespmem:$0x13600] =	vst v63  }
0xd1: {  	v56 =	vld [tilespmem:$0x290];
	_ =	sdelay $0x4  }
0xd2: {  	v57 =	vshll.u32 v56, $0x1  }
0xd3: {  	v0 =	vand.u32 $0x7, v56;
	v1 =	vand.u32 $0xFFFFFFF0, v57  }
0xd4: {  	v0 =	vor.u32 v0, v1  }
0xd5: {  	v1 =	vperm.xlane v0, v9;
	_ =	sdelay $0x1  }
0xd6: {  	v0 =	vperm.xlane v0, v36;
	v1 =	vadd.s32 v35, v1;
	_ =	sdelay $0x1  }
0xd7: {  	v0 =	vadd.s32 v35, v0;
	_ =	sdelay $0x1  }
0xd8: {  	s17 =	simm.s32 $0x9300  }
0xd9: {  	[tilespmem:s17], [sflag:$0x2] =	stream.indirect_vreg.gather [hbm4b:s4+s3], $0x80, v1, vm0, $0xb8;
	[tilespmem:$0x13600] =	vst v63  }
0xda: {  	s18 =	simm.s32 $0x9B00  }
0xdb: {  	[tilespmem:s18], [sflag:$0x2] =	stream.indirect_vreg.gather [hbm4b:s4+s3], $0x80, v0, vm0, $0xb8;
	[tilespmem:$0x13600] =	vst v63  }
0xdc: {  	v0 =	vld [tilespmem:$0x2A0];
	_ =	sdelay $0x4  }
0xdd: {  	v58 =	vshll.u32 v0, $0x1  }
0xde: {  	v0 =	vand.u32 $0x7, v0;
	v1 =	vand.u32 $0xFFFFFFF0, v58  }
0xdf: {  	v0 =	vor.u32 v0, v1  }
0xe0: {  	v1 =	vperm.xlane v0, v9;
	_ =	sdelay $0x1  }
0xe1: {  	v0 =	vperm.xlane v0, v36;
	v1 =	vadd.s32 v35, v1;
	_ =	sdelay $0x1  }
0xe2: {  	v0 =	vadd.s32 v35, v0;
	_ =	sdelay $0x1  }
0xe3: {  	s19 =	simm.s32 $0xA300  }
0xe4: {  	[tilespmem:s19], [sflag:$0x2] =	stream.indirect_vreg.gather [hbm4b:s4+s3], $0x80, v1, vm0, $0xb8;
	[tilespmem:$0x13600] =	vst v63  }
0xe5: {  	s20 =	simm.s32 $0xAB00  }
0xe6: {  	[tilespmem:s20], [sflag:$0x2] =	stream.indirect_vreg.gather [hbm4b:s4+s3], $0x80, v0, vm0, $0xb8;
	[tilespmem:$0x13600] =	vst v63  }
0xe7: {  	v0 =	vld [tilespmem:$0x2B0];
	_ =	sdelay $0x4  }
0xe8: {  	v59 =	vshll.u32 v0, $0x1  }
0xe9: {  	v0 =	vand.u32 $0x7, v0;
	v1 =	vand.u32 $0xFFFFFFF0, v59  }
0xea: {  	v0 =	vor.u32 v0, v1  }
0xeb: {  	v1 =	vperm.xlane v0, v9;
	_ =	sdelay $0x1  }
0xec: {  	v0 =	vperm.xlane v0, v36;
	v1 =	vadd.s32 v35, v1;
	_ =	sdelay $0x1  }
0xed: {  	v0 =	vadd.s32 v35, v0;
	_ =	sdelay $0x1  }
0xee: {  	s21 =	simm.s32 $0xB300  }
0xef: {  	[tilespmem:s21], [sflag:$0x2] =	stream.indirect_vreg.gather [hbm4b:s4+s3], $0x80, v1, vm0, $0xb8;
	[tilespmem:$0x13600] =	vst v63  }
0xf0: {  	s22 =	simm.s32 $0xBB00  }
0xf1: {  	[tilespmem:s22], [sflag:$0x2] =	stream.indirect_vreg.gather [hbm4b:s4+s3], $0x80, v0, vm0, $0xb8;
	[tilespmem:$0x13600] =	vst v63  }
0xf2: {  	v0 =	vld [tilespmem:$0x2C0];
	_ =	sdelay $0x4  }
0xf3: {  	v60 =	vshll.u32 v0, $0x1  }
0xf4: {  	v0 =	vand.u32 $0x7, v0;
	v1 =	vand.u32 $0xFFFFFFF0, v60  }
0xf5: {  	v0 =	vor.u32 v0, v1  }
0xf6: {  	v1 =	vperm.xlane v0, v9;
	_ =	sdelay $0x1  }
0xf7: {  	v0 =	vperm.xlane v0, v36;
	v1 =	vadd.s32 v35, v1;
	_ =	sdelay $0x1  }
0xf8: {  	v0 =	vadd.s32 v35, v0;
	_ =	sdelay $0x1  }
0xf9: {  	s23 =	simm.s32 $0xC300  }
0xfa: {  	[tilespmem:s23], [sflag:$0x2] =	stream.indirect_vreg.gather [hbm4b:s4+s3], $0x80, v1, vm0, $0xb8;
	[tilespmem:$0x13600] =	vst v63  }
0xfb: {  	s24 =	simm.s32 $0xCB00  }
0xfc: {  	[tilespmem:s24], [sflag:$0x2] =	stream.indirect_vreg.gather [hbm4b:s4+s3], $0x80, v0, vm0, $0xb8;
	[tilespmem:$0x13600] =	vst v63  }
0xfd: {  	v0 =	vld [tilespmem:$0x2D0];
	_ =	sdelay $0x4  }
0xfe: {  	v61 =	vshll.u32 v0, $0x1  }
0xff: {  	v0 =	vand.u32 $0x7, v0;
	v1 =	vand.u32 $0xFFFFFFF0, v61  }
0x100: {  	v0 =	vor.u32 v0, v1  }
0x101: {  	v1 =	vperm.xlane v0, v9;
	_ =	sdelay $0x1  }
0x102: {  	v0 =	vperm.xlane v0, v36;
	v1 =	vadd.s32 v35, v1;
	_ =	sdelay $0x1  }
0x103: {  	v0 =	vadd.s32 v35, v0;
	_ =	sdelay $0x1  }
0x104: {  	s25 =	simm.s32 $0xD300  }
0x105: {  	[tilespmem:s25], [sflag:$0x2] =	stream.indirect_vreg.gather [hbm4b:s4+s3], $0x80, v1, vm0, $0xb8;
	[tilespmem:$0x13600] =	vst v63  }
0x106: {  	s26 =	simm.s32 $0xDB00  }
0x107: {  	[tilespmem:s26], [sflag:$0x2] =	stream.indirect_vreg.gather [hbm4b:s4+s3], $0x80, v0, vm0, $0xb8;
	[tilespmem:$0x13600] =	vst v63  }
0x108: {  	v0 =	vld [tilespmem:$0x2E0];
	_ =	sdelay $0x4  }
0x109: {  	v62 =	vshll.u32 v0, $0x1  }
0x10a: {  	v0 =	vand.u32 $0x7, v0;
	v1 =	vand.u32 $0xFFFFFFF0, v62  }
0x10b: {  	v0 =	vor.u32 v0, v1  }
0x10c: {  	v1 =	vperm.xlane v0, v9;
	_ =	sdelay $0x1  }
0x10d: {  	v0 =	vperm.xlane v0, v36;
	v1 =	vadd.s32 v35, v1;
	_ =	sdelay $0x1  }
0x10e: {  	v0 =	vadd.s32 v35, v0;
	_ =	sdelay $0x1  }
0x10f: {  	s28 =	simm.s32 $0xE300  }
0x110: {  	[tilespmem:s28], [sflag:$0x2] =	stream.indirect_vreg.gather [hbm4b:s4+s3], $0x80, v1, vm0, $0xb8;
	[tilespmem:$0x13600] =	vst v63  }
0x111: {  	s29 =	simm.s32 $0xEB00  }
0x112: {  	[tilespmem:s29], [sflag:$0x2] =	stream.indirect_vreg.gather [hbm4b:s4+s3], $0x80, v0, vm0, $0xb8;
	[tilespmem:$0x13600] =	vst v63  }
0x113: {  	v0 =	vld [tilespmem:$0x2F0];
	_ =	sdelay $0x4  }
0x114: {  	v63 =	vshll.u32 v0, $0x1  }
0x115: {  	v0 =	vand.u32 $0x7, v0;
	v1 =	vand.u32 $0xFFFFFFF0, v63  }
0x116: {  	v0 =	vor.u32 v0, v1  }
0x117: {  	v1 =	vperm.xlane v0, v9;
	_ =	sdelay $0x1  }
0x118: {  	v0 =	vperm.xlane v0, v36;
	v1 =	vadd.s32 v35, v1;
	_ =	sdelay $0x1  }
0x119: {  	v0 =	vadd.s32 v35, v0;
	_ =	sdelay $0x1  }
0x11a: {  	s30 =	simm.s32 $0xF300  }
0x11b: {  	[tilespmem:s30], [sflag:$0x2] =	stream.indirect_vreg.gather [hbm4b:s4+s3], $0x80, v1, vm0, $0xb8;
	[tilespmem:$0x13600] =	vst v63  }
0x11c: {  	s31 =	simm.s32 $0xFB00;
	s17 =	simm.s32 $0x0  }
0x11d: {  	[tilespmem:s31], [sflag:$0x2] =	stream.indirect_vreg.gather [hbm4b:s4+s3], $0x80, v0, vm0, $0xb8;
	[tilespmem:$0x13600] =	vst v63  }
.LBB2_2:
0x11e: {  	v0 =	vld [tilespmem:$0x10300]  }
0x11f: {  	v1 =	vld [tilespmem:$0x10380]  }
0x120: {  	v2 =	vld [tilespmem:$0x10310]  }
0x121: {  	v3 =	vld [tilespmem:$0x10390]  }
0x122: {  	v4 =	vld [tilespmem:$0x10320]  }
0x123: {  	[tilespmem:$0x10400] =	vst v0;
	v0 =	vld [tilespmem:$0x103A0]  }
0x124: {  	[tilespmem:$0x10480] =	vst v1;
	v1 =	vld [tilespmem:$0x10330]  }
0x125: {  	[tilespmem:$0x10410] =	vst v2;
	v2 =	vld [tilespmem:$0x103B0]  }
0x126: {  	[tilespmem:$0x10490] =	vst v3  }
0x127: {  	[tilespmem:$0x10420] =	vst v4  }
0x128: {  	[tilespmem:$0x104A0] =	vst v0  }
0x129: {  	s0 =	simm.s32 $0x4100;
	[tilespmem:$0x10430] =	vst v1  }
0x12a: {  	s1 =	simm.s32 $0x2080;
	s2 =	simm.s32 $0x0;
	s6 =	simm.s32 $0x80;
	[tilespmem:$0x104B0] =	vst v2  }
0x12b: {  	s0 =	sand.u32 $0x7800, s0;
	s2 =	sand.u32 $0x3800, s2;
	_ =	swait.ge [sflag:s14], $0x8000  }
0x12c: {  	s1 =	sand.u32 $0x380, s1;
	s6 =	sand.u32 $0x380, s6;
	[sflag:s14] =	ssyncset.done $0x0  }
0x12d: {  	s2 =	sor.u32 $0x300, s2;
	s9 =	sor.u32 s1, s0;
	[sflag:s14] =	ssyncadd.s32 $0xFFFF8000  }
0x12e: {  	s10 =	sadd.s32 s6, s2;
	v0 =	vld [tilespmem:s9+$0x300]  }
0x12f: {  	v1 =	vld [tilespmem:s10+$0x0]  }
0x130: {  	s26 =	simm.s32 $0x10481;
	s28 =	simm.s32 $0x0  }
0x131: {  	s1 =	sand.u32 $0x300, s28;
	v18 =	vld.msk [tilespmem:s26+$0x0 ss:$0x0], $0xffff  }
0x132: {  	s23 =	sadd.s32 s1, s2  }
0x133: {  	v2 =	vld [tilespmem:s23+$0x0]  }
0x134: {  	v3 =	vld [tilespmem:s23+$0x4000];
	v0 =	vsub.f32 v0, v1;
	_ =	sdelay $0x1  }
0x135: {  	v17 =	vld.msk [tilespmem:s26+$0xFFFFFFFF ss:$0x0], $0xffff;
	v0 =	vmul.f32 v0, v18;
	_ =	sdelay $0x1  }
0x136: {  	v0 =	vadd.f32 v0, v1  }
0x137: {  	s0 =	simm.s32 $0x10600;
	v1 =	vsub.f32 v3, v2  }
0x138: {  	[tilespmem:s0+$0x0] =	vst v0  }
0x139: {  	v1 =	vmul.f32 v1, v17;
	v0 =	vld [tilespmem:s10+$0x10]  }
0x13a: {  	v3 =	vld [tilespmem:s9+$0x310]  }
0x13b: {  	v1 =	vadd.f32 v1, v2;
	_ =	sdelay $0x1  }
0x13c: {  	[tilespmem:s0+$0xFFFFFF00] =	vst v1  }
0x13d: {  	v1 =	vld [tilespmem:s23+$0x10]  }
0x13e: {  	v2 =	vsub.f32 v3, v0;
	v3 =	vld [tilespmem:s23+$0x4010];
	_ =	sdelay $0x1  }
0x13f: {  	v2 =	vmul.f32 v2, v18;
	_ =	sdelay $0x1  }
0x140: {  	v0 =	vadd.f32 v2, v0  }
0x141: {  	v2 =	vsub.f32 v3, v1  }
0x142: {  	[tilespmem:s0+$0x10] =	vst v0  }
0x143: {  	v0 =	vld [tilespmem:s10+$0x20];
	v2 =	vmul.f32 v2, v17  }
0x144: {  	v3 =	vld [tilespmem:s9+$0x320]  }
0x145: {  	v1 =	vadd.f32 v2, v1;
	_ =	sdelay $0x1  }
0x146: {  	[tilespmem:s0+$0xFFFFFF10] =	vst v1  }
0x147: {  	v1 =	vld [tilespmem:s23+$0x20]  }
0x148: {  	v2 =	vsub.f32 v3, v0;
	v3 =	vld [tilespmem:s23+$0x4020];
	_ =	sdelay $0x1  }
0x149: {  	v2 =	vmul.f32 v2, v18;
	_ =	sdelay $0x1  }
0x14a: {  	v0 =	vadd.f32 v2, v0  }
0x14b: {  	v2 =	vsub.f32 v3, v1  }
0x14c: {  	[tilespmem:s0+$0x20] =	vst v0  }
0x14d: {  	v0 =	vld [tilespmem:s10+$0x30];
	v2 =	vmul.f32 v2, v17  }
0x14e: {  	v3 =	vld [tilespmem:s9+$0x330]  }
0x14f: {  	v1 =	vadd.f32 v2, v1;
	_ =	sdelay $0x1  }
0x150: {  	[tilespmem:s0+$0xFFFFFF20] =	vst v1  }
0x151: {  	v1 =	vld [tilespmem:s23+$0x30]  }
0x152: {  	v2 =	vsub.f32 v3, v0;
	v3 =	vld [tilespmem:s23+$0x4030];
	_ =	sdelay $0x1  }
0x153: {  	v2 =	vmul.f32 v2, v18;
	_ =	sdelay $0x1  }
0x154: {  	v0 =	vadd.f32 v2, v0  }
0x155: {  	v2 =	vsub.f32 v3, v1  }
0x156: {  	[tilespmem:s0+$0x30] =	vst v0  }
0x157: {  	v0 =	vld [tilespmem:s10+$0x40];
	v2 =	vmul.f32 v2, v17  }
0x158: {  	v3 =	vld [tilespmem:s9+$0x340]  }
0x159: {  	v1 =	vadd.f32 v2, v1;
	_ =	sdelay $0x1  }
0x15a: {  	[tilespmem:s0+$0xFFFFFF30] =	vst v1  }
0x15b: {  	v1 =	vld [tilespmem:s23+$0x40]  }
0x15c: {  	v2 =	vld [tilespmem:s23+$0x4040];
	v3 =	vsub.f32 v3, v0  }
0x15d: {  	s29 =	simm.s32 $0x2180;
	s31 =	simm.s32 $0x200  }
0x15e: {  	s30 =	simm.s32 $0x4300;
	s11 =	simm.s32 $0x180;
	s6 =	sand.u32 $0x3800, s31;
	v3 =	vmul.f32 v3, v18  }
0x15f: {  	s7 =	simm.s32 $0x10483;
	s11 =	sand.u32 $0x380, s11;
	s6 =	sor.u32 $0x300, s6  }
0x160: {  	s2 =	sand.u32 $0x7800, s30;
	s1 =	sand.u32 $0x380, s29;
	s19 =	sadd.s32 s11, s6;
	v11 =	vld.msk [tilespmem:s7+$0x0 ss:$0x0], $0xffff;
	v0 =	vadd.f32 v3, v0  }
0x161: {  	s18 =	sor.u32 s1, s2;
	v4 =	vld [tilespmem:s19+$0x0];
	v2 =	vsub.f32 v2, v1  }
0x162: {  	v3 =	vld [tilespmem:s18+$0x300];
	[tilespmem:s0+$0x40] =	vst v0  }
0x163: {  	v0 =	vmul.f32 v2, v17;
	v2 =	vld [tilespmem:s10+$0x50]  }
0x164: {  	s8 =	simm.s32 $0x100;
	v5 =	vld [tilespmem:s9+$0x350]  }
0x165: {  	s1 =	sand.u32 $0x300, s8;
	v0 =	vadd.f32 v0, v1  }
0x166: {  	s20 =	sadd.s32 s1, s6;
	v12 =	vld.msk [tilespmem:s7+$0xFFFFFFFF ss:$0x0], $0xffff  }
0x167: {  	v1 =	vld [tilespmem:s20+$0x0];
	[tilespmem:s0+$0xFFFFFF40] =	vst v0;
	v0 =	vsub.f32 v3, v4  }
0x168: {  	v3 =	vld [tilespmem:s20+$0x4000]  }
0x169: {  	v6 =	vld [tilespmem:s23+$0x50];
	v5 =	vsub.f32 v5, v2;
	v0 =	vmul.f32 v0, v11  }
0x16a: {  	v7 =	vld [tilespmem:s23+$0x4050]  }
0x16b: {  	v0 =	vadd.f32 v0, v4;
	v4 =	vmul.f32 v5, v18  }
0x16c: {  	s16 =	simm.s32 $0x10800  }
0x16d: {  	v3 =	vsub.f32 v3, v1;
	[tilespmem:s16+$0x0] =	vst v0;
	v0 =	vadd.f32 v4, v2  }
0x16e: {  	v2 =	vld [tilespmem:s19+$0x10]  }
0x16f: {  	v4 =	vsub.f32 v7, v6;
	v3 =	vmul.f32 v3, v12;
	v5 =	vld [tilespmem:s18+$0x310];
	[tilespmem:s0+$0x50] =	vst v0  }
0x170: {  	v0 =	vld [tilespmem:s10+$0x60]  }
0x171: {  	v1 =	vadd.f32 v3, v1;
	v3 =	vmul.f32 v4, v17;
	v4 =	vld [tilespmem:s9+$0x360];
	_ =	sdelay $0x1  }
0x172: {  	[tilespmem:s16+$0xFFFFFF00] =	vst v1;
	v1 =	vadd.f32 v3, v6  }
0x173: {  	v3 =	vld [tilespmem:s20+$0x10];
	v5 =	vsub.f32 v5, v2  }
0x174: {  	v6 =	vld [tilespmem:s20+$0x4010];
	[tilespmem:s0+$0xFFFFFF50] =	vst v1  }
0x175: {  	v1 =	vld [tilespmem:s23+$0x60];
	v5 =	vmul.f32 v5, v11;
	v4 =	vsub.f32 v4, v0  }
0x176: {  	v7 =	vld [tilespmem:s23+$0x4060]  }
0x177: {  	v2 =	vadd.f32 v5, v2;
	v4 =	vmul.f32 v4, v18;
	_ =	sdelay $0x1  }
0x178: {  	v5 =	vsub.f32 v6, v3;
	[tilespmem:s16+$0x10] =	vst v2;
	v0 =	vadd.f32 v4, v0  }
0x179: {  	v2 =	vld [tilespmem:s19+$0x20]  }
0x17a: {  	v4 =	vmul.f32 v5, v12;
	v5 =	vsub.f32 v7, v1;
	v6 =	vld [tilespmem:s18+$0x320];
	[tilespmem:s0+$0x60] =	vst v0  }
0x17b: {  	v0 =	vld [tilespmem:s10+$0x70]  }
0x17c: {  	v3 =	vadd.f32 v4, v3;
	v4 =	vmul.f32 v5, v17;
	v5 =	vld [tilespmem:s9+$0x370];
	_ =	sdelay $0x1  }
0x17d: {  	[tilespmem:s16+$0xFFFFFF10] =	vst v3;
	v1 =	vadd.f32 v4, v1  }
0x17e: {  	v3 =	vld [tilespmem:s20+$0x20];
	v4 =	vsub.f32 v6, v2  }
0x17f: {  	v6 =	vld [tilespmem:s20+$0x4020];
	[tilespmem:s0+$0xFFFFFF60] =	vst v1  }
0x180: {  	v1 =	vld [tilespmem:s23+$0x70];
	v4 =	vmul.f32 v4, v11;
	v5 =	vsub.f32 v5, v0  }
0x181: {  	v7 =	vld [tilespmem:s23+$0x4070]  }
0x182: {  	v2 =	vadd.f32 v4, v2;
	v4 =	vmul.f32 v5, v18;
	_ =	sdelay $0x1  }
0x183: {  	v5 =	vsub.f32 v6, v3;
	[tilespmem:s16+$0x20] =	vst v2;
	v0 =	vadd.f32 v4, v0  }
0x184: {  	v2 =	vld [tilespmem:s19+$0x30]  }
0x185: {  	v4 =	vmul.f32 v5, v12;
	v5 =	vsub.f32 v7, v1;
	v6 =	vld [tilespmem:s18+$0x330];
	[tilespmem:s0+$0x70] =	vst v0  }
0x186: {  	v0 =	vld [tilespmem:s10+$0x400]  }
0x187: {  	v3 =	vadd.f32 v4, v3;
	v4 =	vmul.f32 v5, v17;
	v5 =	vld [tilespmem:s9+$0x700];
	_ =	sdelay $0x1  }
0x188: {  	[tilespmem:s16+$0xFFFFFF20] =	vst v3;
	v1 =	vadd.f32 v4, v1  }
0x189: {  	v3 =	vld [tilespmem:s20+$0x30];
	v4 =	vsub.f32 v6, v2  }
0x18a: {  	v6 =	vld [tilespmem:s20+$0x4030];
	[tilespmem:s0+$0xFFFFFF70] =	vst v1  }
0x18b: {  	v1 =	vld [tilespmem:s23+$0x400];
	v4 =	vmul.f32 v4, v11;
	v5 =	vsub.f32 v5, v0  }
0x18c: {  	v7 =	vld [tilespmem:s23+$0x4400]  }
0x18d: {  	v2 =	vadd.f32 v4, v2;
	v4 =	vmul.f32 v5, v18;
	_ =	sdelay $0x1  }
0x18e: {  	v5 =	vsub.f32 v6, v3;
	[tilespmem:s16+$0x30] =	vst v2;
	v0 =	vadd.f32 v4, v0  }
0x18f: {  	v2 =	vld [tilespmem:s19+$0x40]  }
0x190: {  	v4 =	vmul.f32 v5, v12;
	v5 =	vsub.f32 v7, v1;
	v6 =	vld [tilespmem:s18+$0x340];
	[tilespmem:s0+$0x80] =	vst v0  }
0x191: {  	v0 =	vld [tilespmem:s10+$0x410]  }
0x192: {  	v3 =	vadd.f32 v4, v3;
	v4 =	vmul.f32 v5, v17;
	v5 =	vld [tilespmem:s9+$0x710]  }
0x193: {  	s21 =	simm.s32 $0x10485  }
0x194: {  	v13 =	vld.msk [tilespmem:s21+$0xFFFFFFFF ss:$0x0], $0xffff;
	[tilespmem:s16+$0xFFFFFF30] =	vst v3  }
0x195: {  	v1 =	vadd.f32 v4, v1;
	v3 =	vld [tilespmem:s20+$0x40];
	v6 =	vsub.f32 v6, v2  }
0x196: {  	s13 =	simm.s32 $0x400;
	v4 =	vld [tilespmem:s20+$0x4040]  }
0x197: {  	s12 =	simm.s32 $0x4500;
	s22 =	simm.s32 $0x280;
	s6 =	sand.u32 $0x3800, s13;
	v14 =	vld.msk [tilespmem:s21+$0x0 ss:$0x0], $0xffff;
	[tilespmem:s0+$0xFFFFFF80] =	vst v1;
	v6 =	vmul.f32 v6, v11;
	v5 =	vsub.f32 v5, v0  }
0x198: {  	s24 =	sand.u32 $0x380, s22;
	s11 =	simm.s32 $0x2280;
	s6 =	sor.u32 $0x300, s6;
	v1 =	vld [tilespmem:s23+$0x410]  }
0x199: {  	s2 =	sand.u32 $0x7800, s12;
	s1 =	sand.u32 $0x380, s11;
	s21 =	sadd.s32 s24, s6;
	v7 =	vld [tilespmem:s23+$0x4410];
	v2 =	vadd.f32 v6, v2;
	v5 =	vmul.f32 v5, v18  }
0x19a: {  	s2 =	sor.u32 s1, s2;
	v8 =	vld [tilespmem:s21+$0x0]  }
0x19b: {  	v6 =	vld [tilespmem:s2+$0x300];
	v4 =	vsub.f32 v4, v3;
	[tilespmem:s16+$0x40] =	vst v2;
	v0 =	vadd.f32 v5, v0  }
0x19c: {  	v2 =	vld [tilespmem:s19+$0x50]  }
0x19d: {  	s25 =	simm.s32 $0x200;
	v4 =	vmul.f32 v4, v12;
	v5 =	vld [tilespmem:s18+$0x350];
	[tilespmem:s0+$0x90] =	vst v0  }
0x19e: {  	s1 =	sand.u32 $0x300, s25;
	v0 =	vsub.f32 v7, v1;
	v7 =	vld [tilespmem:s10+$0x420]  }
0x19f: {  	s22 =	sadd.s32 s1, s6;
	v3 =	vadd.f32 v4, v3;
	v4 =	vld [tilespmem:s9+$0x720]  }
0x1a0: {  	v10 =	vld [tilespmem:s22+$0x0];
	v6 =	vsub.f32 v6, v8;
	v0 =	vmul.f32 v0, v17  }
0x1a1: {  	[tilespmem:s16+$0xFFFFFF40] =	vst v3;
	v3 =	vld [tilespmem:s22+$0x4000]  }
0x1a2: {  	v0 =	vadd.f32 v0, v1;
	v1 =	vmul.f32 v6, v14;
	v6 =	vld [tilespmem:s20+$0x50];
	v5 =	vsub.f32 v5, v2  }
0x1a3: {  	v15 =	vld [tilespmem:s20+$0x4050]  }
0x1a4: {  	[tilespmem:s0+$0xFFFFFF90] =	vst v0;
	v0 =	vadd.f32 v1, v8;
	v1 =	vmul.f32 v5, v11;
	v4 =	vsub.f32 v4, v7  }
0x1a5: {  	s6 =	simm.s32 $0x10A00;
	v5 =	vld [tilespmem:s23+$0x420]  }
0x1a6: {  	v8 =	vld [tilespmem:s23+$0x4420];
	v3 =	vsub.f32 v3, v10;
	[tilespmem:s6+$0x0] =	vst v0;
	v0 =	vadd.f32 v1, v2;
	v1 =	vmul.f32 v4, v18  }
0x1a7: {  	v2 =	vld [tilespmem:s21+$0x10]  }
0x1a8: {  	v4 =	vld [tilespmem:s2+$0x310];
	v15 =	vsub.f32 v15, v6;
	v3 =	vmul.f32 v3, v13;
	[tilespmem:s16+$0x50] =	vst v0;
	v0 =	vadd.f32 v1, v7  }
0x1a9: {  	v1 =	vld [tilespmem:s19+$0x60]  }
0x1aa: {  	v7 =	vmul.f32 v15, v12;
	v3 =	vadd.f32 v3, v10;
	v10 =	vld [tilespmem:s18+$0x360];
	[tilespmem:s0+$0xA0] =	vst v0  }
0x1ab: {  	v0 =	vsub.f32 v8, v5;
	v8 =	vld [tilespmem:s10+$0x430]  }
0x1ac: {  	[tilespmem:s6+$0xFFFFFF00] =	vst v3;
	v3 =	vadd.f32 v7, v6;
	v6 =	vld [tilespmem:s9+$0x730]  }
0x1ad: {  	v0 =	vmul.f32 v0, v17;
	v4 =	vsub.f32 v4, v2;
	v7 =	vld [tilespmem:s22+$0x10]  }
0x1ae: {  	v15 =	vld [tilespmem:s22+$0x4010];
	[tilespmem:s16+$0xFFFFFF50] =	vst v3  }
0x1af: {  	v0 =	vadd.f32 v0, v5;
	v3 =	vmul.f32 v4, v14;
	v4 =	vld [tilespmem:s20+$0x60];
	v5 =	vsub.f32 v10, v1  }
0x1b0: {  	v10 =	vld [tilespmem:s20+$0x4060]  }
0x1b1: {  	[tilespmem:s0+$0xFFFFFFA0] =	vst v0;
	v0 =	vadd.f32 v3, v2;
	v2 =	vmul.f32 v5, v11;
	v3 =	vsub.f32 v6, v8  }
0x1b2: {  	v5 =	vld [tilespmem:s23+$0x430]  }
0x1b3: {  	v6 =	vld [tilespmem:s23+$0x4430];
	v15 =	vsub.f32 v15, v7;
	[tilespmem:s6+$0x10] =	vst v0;
	v0 =	vadd.f32 v2, v1;
	v1 =	vmul.f32 v3, v18  }
0x1b4: {  	v2 =	vld [tilespmem:s21+$0x20]  }
0x1b5: {  	v3 =	vmul.f32 v15, v13;
	v15 =	vld [tilespmem:s2+$0x320];
	v10 =	vsub.f32 v10, v4;
	[tilespmem:s16+$0x60] =	vst v0;
	v0 =	vadd.f32 v1, v8  }
0x1b6: {  	v1 =	vld [tilespmem:s19+$0x70]  }
0x1b7: {  	v3 =	vadd.f32 v3, v7;
	v7 =	vmul.f32 v10, v12;
	v8 =	vld [tilespmem:s18+$0x370];
	[tilespmem:s0+$0xB0] =	vst v0  }
0x1b8: {  	v0 =	vsub.f32 v6, v5;
	v6 =	vld [tilespmem:s10+$0x440]  }
0x1b9: {  	[tilespmem:s6+$0xFFFFFF10] =	vst v3;
	v3 =	vadd.f32 v7, v4;
	v4 =	vld [tilespmem:s9+$0x740]  }
0x1ba: {  	v0 =	vmul.f32 v0, v17;
	v7 =	vld [tilespmem:s22+$0x20];
	v10 =	vsub.f32 v15, v2  }
0x1bb: {  	v15 =	vld [tilespmem:s22+$0x4020];
	[tilespmem:s16+$0xFFFFFF60] =	vst v3  }
0x1bc: {  	v0 =	vadd.f32 v0, v5;
	v3 =	vmul.f32 v10, v14;
	v5 =	vld [tilespmem:s20+$0x70];
	v8 =	vsub.f32 v8, v1  }
0x1bd: {  	v10 =	vld [tilespmem:s20+$0x4070]  }
0x1be: {  	[tilespmem:s0+$0xFFFFFFB0] =	vst v0;
	v0 =	vadd.f32 v3, v2;
	v2 =	vmul.f32 v8, v11;
	v3 =	vsub.f32 v4, v6  }
0x1bf: {  	v4 =	vld [tilespmem:s23+$0x440]  }
0x1c0: {  	v8 =	vld [tilespmem:s23+$0x4440];
	v15 =	vsub.f32 v15, v7;
	[tilespmem:s6+$0x20] =	vst v0;
	v0 =	vadd.f32 v2, v1;
	v1 =	vmul.f32 v3, v18  }
0x1c1: {  	v2 =	vld [tilespmem:s21+$0x30]  }
0x1c2: {  	v3 =	vmul.f32 v15, v13;
	v15 =	vld [tilespmem:s2+$0x330];
	v10 =	vsub.f32 v10, v5;
	[tilespmem:s16+$0x70] =	vst v0;
	v0 =	vadd.f32 v1, v6  }
0x1c3: {  	v1 =	vld [tilespmem:s19+$0x400]  }
0x1c4: {  	v3 =	vadd.f32 v3, v7;
	v6 =	vmul.f32 v10, v12;
	v7 =	vld [tilespmem:s18+$0x700];
	[tilespmem:s0+$0xC0] =	vst v0  }
0x1c5: {  	v0 =	vsub.f32 v8, v4;
	v8 =	vld [tilespmem:s10+$0x450]  }
0x1c6: {  	[tilespmem:s6+$0xFFFFFF20] =	vst v3;
	v3 =	vadd.f32 v6, v5;
	v5 =	vld [tilespmem:s9+$0x750]  }
0x1c7: {  	s29 =	simm.s32 $0x600;
	v0 =	vmul.f32 v0, v17;
	v6 =	vld [tilespmem:s22+$0x30];
	v10 =	vsub.f32 v15, v2  }
0x1c8: {  	s28 =	simm.s32 $0x4700;
	s12 =	simm.s32 $0x380;
	s11 =	sand.u32 $0x3800, s29;
	v15 =	vld [tilespmem:s22+$0x4030];
	[tilespmem:s16+$0xFFFFFF70] =	vst v3  }
0x1c9: {  	s12 =	sand.u32 $0x380, s12;
	s11 =	sor.u32 $0x300, s11;
	s26 =	simm.s32 $0x2380;
	v0 =	vadd.f32 v0, v4;
	v3 =	vmul.f32 v10, v14;
	v4 =	vld [tilespmem:s20+$0x400];
	v7 =	vsub.f32 v7, v1  }
0x1ca: {  	s7 =	sand.u32 $0x7800, s28;
	s24 =	simm.s32 $0x10487;
	s1 =	sand.u32 $0x380, s26;
	v10 =	vld [tilespmem:s20+$0x4400]  }
0x1cb: {  	v16 =	vld.msk [tilespmem:s24+$0x0 ss:$0x0], $0xffff;
	s1 =	sor.u32 s1, s7;
	s7 =	sadd.s32 s12, s11;
	[tilespmem:s0+$0xFFFFFFC0] =	vst v0;
	v0 =	vadd.f32 v3, v2;
	v2 =	vmul.f32 v7, v11;
	v3 =	vsub.f32 v5, v8  }
0x1cc: {  	v21 =	vld [tilespmem:s7+$0x0]  }
0x1cd: {  	v5 =	vld [tilespmem:s23+$0x450];
	v15 =	vsub.f32 v15, v6;
	[tilespmem:s6+$0x30] =	vst v0;
	v0 =	vadd.f32 v2, v1;
	v1 =	vmul.f32 v3, v18  }
0x1ce: {  	v2 =	vld [tilespmem:s21+$0x40]  }
0x1cf: {  	v3 =	vmul.f32 v15, v13;
	v15 =	vld [tilespmem:s2+$0x340];
	v10 =	vsub.f32 v10, v4;
	[tilespmem:s16+$0x80] =	vst v0;
	v0 =	vadd.f32 v1, v8  }
0x1d0: {  	v1 =	vld [tilespmem:s19+$0x410]  }
0x1d1: {  	v3 =	vadd.f32 v3, v6;
	v6 =	vmul.f32 v10, v12;
	v8 =	vld [tilespmem:s18+$0x710];
	[tilespmem:s0+$0xD0] =	vst v0  }
0x1d2: {  	v0 =	vld [tilespmem:s10+$0x460]  }
0x1d3: {  	[tilespmem:s6+$0xFFFFFF30] =	vst v3;
	v3 =	vadd.f32 v6, v4;
	v4 =	vld [tilespmem:s9+$0x760]  }
0x1d4: {  	v7 =	vld [tilespmem:s23+$0x4450];
	v15 =	vsub.f32 v15, v2  }
0x1d5: {  	v6 =	vld [tilespmem:s22+$0x40]  }
0x1d6: {  	v10 =	vld [tilespmem:s22+$0x4040];
	[tilespmem:s16+$0xFFFFFF80] =	vst v3;
	v19 =	vmul.f32 v15, v14;
	v8 =	vsub.f32 v8, v1  }
0x1d7: {  	v3 =	vld [tilespmem:s20+$0x410]  }
0x1d8: {  	v20 =	vld [tilespmem:s20+$0x4410];
	v4 =	vsub.f32 v4, v0;
	v2 =	vadd.f32 v19, v2;
	v8 =	vmul.f32 v8, v11  }
0x1d9: {  	v15 =	vld.msk [tilespmem:s24+$0xFFFFFFFF ss:$0x0], $0xffff  }
0x1da: {  	v19 =	vld [tilespmem:s1+$0x300];
	v4 =	vmul.f32 v4, v18;
	[tilespmem:s6+$0x40] =	vst v2;
	v1 =	vadd.f32 v8, v1  }
0x1db: {  	v2 =	vld [tilespmem:s21+$0x50]  }
0x1dc: {  	v8 =	vld [tilespmem:s2+$0x350];
	v0 =	vadd.f32 v4, v0;
	v4 =	vsub.f32 v10, v6;
	[tilespmem:s16+$0x90] =	vst v1  }
0x1dd: {  	v10 =	vld [tilespmem:s19+$0x420]  }
0x1de: {  	s30 =	simm.s32 $0x300;
	v20 =	vsub.f32 v20, v3;
	v49 =	vld [tilespmem:s18+$0x720];
	[tilespmem:s0+$0xE0] =	vst v0;
	v4 =	vmul.f32 v4, v13  }
0x1df: {  	s31 =	sand.u32 $0x300, s30;
	v0 =	vld [tilespmem:s10+$0x470]  }
0x1e0: {  	v7 =	vsub.f32 v7, v5;
	v1 =	vld [tilespmem:s9+$0x770];
	s10 =	sadd.s32 s31, s11;
	v4 =	vadd.f32 v4, v6;
	v6 =	vmul.f32 v20, v12  }
0x1e1: {  	v19 =	vsub.f32 v19, v21;
	v22 =	vld [tilespmem:s10+$0x0]  }
0x1e2: {  	v7 =	vmul.f32 v7, v17;
	[tilespmem:s6+$0xFFFFFF40] =	vst v4;
	v3 =	vadd.f32 v6, v3;
	v4 =	vld [tilespmem:s10+$0x4000]  }
0x1e3: {  	v8 =	vsub.f32 v8, v2;
	v6 =	vmul.f32 v19, v16;
	v19 =	vld [tilespmem:s22+$0x50]  }
0x1e4: {  	v5 =	vadd.f32 v7, v5;
	[tilespmem:s16+$0xFFFFFF90] =	vst v3;
	v3 =	vld [tilespmem:s22+$0x4050]  }
0x1e5: {  	v7 =	vmul.f32 v8, v14;
	v20 =	vsub.f32 v49, v10;
	v6 =	vadd.f32 v6, v21;
	v8 =	vld [tilespmem:s20+$0x420]  }
0x1e6: {  	[tilespmem:s0+$0xFFFFFFD0] =	vst v5;
	s9 =	simm.s32 $0x10C00;
	v5 =	vld [tilespmem:s20+$0x4420]  }
0x1e7: {  	v2 =	vadd.f32 v7, v2;
	v7 =	vld [tilespmem:s23+$0x460];
	[tilespmem:s9+$0x0] =	vst v6;
	v6 =	vmul.f32 v20, v11;
	v4 =	vsub.f32 v4, v22  }
0x1e8: {  	v50 =	vld [tilespmem:s7+$0x10]  }
0x1e9: {  	[tilespmem:s6+$0x50] =	vst v2;
	v51 =	vld [tilespmem:s1+$0x310];
	v2 =	vadd.f32 v6, v10;
	v4 =	vmul.f32 v4, v15;
	v3 =	vsub.f32 v3, v19  }
0x1ea: {  	v6 =	vld [tilespmem:s21+$0x60]  }
0x1eb: {  	v10 =	vld [tilespmem:s2+$0x360];
	v5 =	vsub.f32 v5, v8;
	[tilespmem:s16+$0xA0] =	vst v2;
	v4 =	vadd.f32 v4, v22;
	v3 =	vmul.f32 v3, v13  }
0x1ec: {  	v2 =	vld [tilespmem:s19+$0x430]  }
0x1ed: {  	[tilespmem:s9+$0xFFFFFF00] =	vst v4;
	v3 =	vadd.f32 v3, v19;
	v4 =	vmul.f32 v5, v12;
	v5 =	vld [tilespmem:s18+$0x730]  }
0x1ee: {  	v21 =	vsub.f32 v51, v50;
	v19 =	vld [tilespmem:s10+$0x10]  }
0x1ef: {  	v52 =	vld [tilespmem:s10+$0x4010];
	[tilespmem:s6+$0xFFFFFF50] =	vst v3;
	v3 =	vadd.f32 v4, v8  }
0x1f0: {  	v10 =	vsub.f32 v10, v6;
	v4 =	vmul.f32 v21, v16;
	v8 =	vld [tilespmem:s22+$0x60]  }
0x1f1: {  	v53 =	vld [tilespmem:s22+$0x4060];
	[tilespmem:s16+$0xFFFFFFA0] =	vst v3  }
0x1f2: {  	v3 =	vadd.f32 v4, v50;
	v4 =	vmul.f32 v10, v14;
	v10 =	vld [tilespmem:s20+$0x430];
	v5 =	vsub.f32 v5, v2  }
0x1f3: {  	v54 =	vld [tilespmem:s20+$0x4430]  }
0x1f4: {  	v22 =	vsub.f32 v52, v19;
	[tilespmem:s9+$0x10] =	vst v3;
	v3 =	vadd.f32 v4, v6;
	v4 =	vmul.f32 v5, v11;
	v5 =	vld [tilespmem:s23+$0x4460]  }
0x1f5: {  	v6 =	vld [tilespmem:s7+$0x20]  }
0x1f6: {  	v22 =	vmul.f32 v22, v15;
	[tilespmem:s6+$0x60] =	vst v3;
	v3 =	vld [tilespmem:s1+$0x320];
	v21 =	vsub.f32 v53, v8;
	v2 =	vadd.f32 v4, v2  }
0x1f7: {  	v4 =	vld [tilespmem:s21+$0x70]  }
0x1f8: {  	v55 =	vld [tilespmem:s2+$0x370];
	v19 =	vadd.f32 v22, v19;
	v21 =	vmul.f32 v21, v13;
	[tilespmem:s16+$0xB0] =	vst v2  }
0x1f9: {  	v20 =	vsub.f32 v54, v10;
	v2 =	vld [tilespmem:s19+$0x440]  }
0x1fa: {  	v5 =	vsub.f32 v5, v7;
	[tilespmem:s9+$0xFFFFFF10] =	vst v19;
	v8 =	vadd.f32 v21, v8;
	v56 =	vld [tilespmem:s18+$0x740]  }
0x1fb: {  	v19 =	vmul.f32 v20, v12;
	v57 =	vld [tilespmem:s10+$0x20];
	v3 =	vsub.f32 v3, v6  }
0x1fc: {  	v5 =	vmul.f32 v5, v17;
	[tilespmem:s6+$0xFFFFFF60] =	vst v8;
	v8 =	vld [tilespmem:s10+$0x4020]  }
0x1fd: {  	v10 =	vadd.f32 v19, v10;
	v22 =	vsub.f32 v55, v4;
	v3 =	vmul.f32 v3, v16;
	v19 =	vld [tilespmem:s22+$0x70]  }
0x1fe: {  	v5 =	vadd.f32 v5, v7;
	v7 =	vld [tilespmem:s22+$0x4070]  }
0x1ff: {  	[tilespmem:s16+$0xFFFFFFB0] =	vst v10;
	v3 =	vadd.f32 v3, v6;
	v6 =	vmul.f32 v22, v14;
	v20 =	vsub.f32 v56, v2  }
0x200: {  	v10 =	vld [tilespmem:s20+$0x440];
	[tilespmem:s0+$0xFFFFFFE0] =	vst v5  }
0x201: {  	v5 =	vld [tilespmem:s20+$0x4440];
	v8 =	vsub.f32 v8, v57;
	[tilespmem:s9+$0x20] =	vst v3;
	v3 =	vadd.f32 v6, v4;
	v4 =	vmul.f32 v20, v11  }
0x202: {  	v6 =	vld [tilespmem:s7+$0x30]  }
0x203: {  	v59 =	vld [tilespmem:s1+$0x330];
	v8 =	vmul.f32 v8, v15;
	v7 =	vsub.f32 v7, v19;
	[tilespmem:s6+$0x70] =	vst v3;
	v2 =	vadd.f32 v4, v2  }
0x204: {  	v3 =	vld [tilespmem:s21+$0x400]  }
0x205: {  	v4 =	vadd.f32 v8, v57;
	v7 =	vmul.f32 v7, v13;
	v8 =	vld [tilespmem:s2+$0x700];
	[tilespmem:s16+$0xC0] =	vst v2  }
0x206: {  	v5 =	vsub.f32 v5, v10;
	v2 =	vld [tilespmem:s19+$0x450]  }
0x207: {  	[tilespmem:s9+$0xFFFFFF20] =	vst v4;
	v4 =	vadd.f32 v7, v19;
	v7 =	vld [tilespmem:s18+$0x750]  }
0x208: {  	v5 =	vmul.f32 v5, v12;
	v60 =	vsub.f32 v59, v6;
	v19 =	vld [tilespmem:s10+$0x30]  }
0x209: {  	v61 =	vld [tilespmem:s10+$0x4030];
	[tilespmem:s6+$0xFFFFFF70] =	vst v4  }
0x20a: {  	v4 =	vadd.f32 v5, v10;
	v5 =	vmul.f32 v60, v16;
	v10 =	vld [tilespmem:s22+$0x400];
	v8 =	vsub.f32 v8, v3  }
0x20b: {  	v62 =	vld [tilespmem:s22+$0x4400]  }
0x20c: {  	v58 =	vld [tilespmem:s23+$0x470];
	[tilespmem:s16+$0xFFFFFFC0] =	vst v4;
	v4 =	vadd.f32 v5, v6;
	v5 =	vmul.f32 v8, v14  }
0x20d: {  	v23 =	vld [tilespmem:s20+$0x450];
	v6 =	vsub.f32 v7, v2  }
0x20e: {  	v8 =	vld [tilespmem:s20+$0x4450];
	v3 =	vadd.f32 v5, v3  }
0x20f: {  	v22 =	vsub.f32 v61, v19;
	[tilespmem:s9+$0x30] =	vst v4;
	v4 =	vmul.f32 v6, v11;
	v5 =	vld [tilespmem:s23+$0x4470]  }
0x210: {  	v7 =	vld [tilespmem:s7+$0x40];
	[tilespmem:s6+$0x80] =	vst v3;
	v3 =	vsub.f32 v62, v10  }
0x211: {  	v1 =	vsub.f32 v1, v0;
	v63 =	vld [tilespmem:s1+$0x340];
	v6 =	vmul.f32 v22, v15;
	v2 =	vadd.f32 v4, v2  }
0x212: {  	v4 =	vld [tilespmem:s21+$0x410];
	v3 =	vmul.f32 v3, v13  }
0x213: {  	v19 =	vadd.f32 v6, v19;
	v6 =	vld [tilespmem:s2+$0x710];
	v8 =	vsub.f32 v8, v23;
	[tilespmem:s16+$0xD0] =	vst v2;
	v2 =	vmul.f32 v1, v18  }
0x214: {  	v1 =	vld [tilespmem:s19+$0x460];
	v5 =	vsub.f32 v5, v58;
	v18 =	vadd.f32 v3, v10  }
0x215: {  	[tilespmem:s9+$0xFFFFFF30] =	vst v19;
	v3 =	vld [tilespmem:s18+$0x760];
	v0 =	vadd.f32 v2, v0;
	v2 =	vmul.f32 v8, v12  }
0x216: {  	v8 =	vld [tilespmem:s10+$0x40];
	v19 =	vmul.f32 v5, v17;
	[tilespmem:s6+$0xFFFFFF80] =	vst v18  }
0x217: {  	v10 =	vld [tilespmem:s10+$0x4040];
	v17 =	vsub.f32 v63, v7;
	[tilespmem:s0+$0xF0] =	vst v0;
	v0 =	vadd.f32 v2, v23  }
0x218: {  	s13 =	simm.s32 $0x4900;
	s12 =	simm.s32 $0x2480;
	s11 =	simm.s32 $0x6;
	v5 =	vld [tilespmem:s22+$0x410];
	v2 =	vadd.f32 v19, v58  }
.LBB2_3:
0x219: {  	s23 =	sadd.s32 $0xFFFFBF00, s13;
	s25 =	sand.u32 $0x7800, s13;
	v17 =	vmul.f32 v17, v16;
	s24 =	sadd.s32 $0x2, s24;
	v18 =	vld [tilespmem:s22+$0x4410];
	v6 =	vsub.f32 v6, v4;
	[tilespmem:s16+$0xFFFFFFD0] =	vst v0  }
0x21a: {  	s26 =	sadd.s32 $0xFFFFE000, s12;
	s28 =	sand.u32 $0x380, s12;
	v0 =	vld.msk [tilespmem:s24+$0xFFFFFFFF ss:$0x0], $0xffff;
	s23 =	sand.u32 $0x3800, s23;
	v3 =	vsub.f32 v3, v1;
	[tilespmem:s0+$0xFFFFFFF0] =	vst v2  }
0x21b: {  	s0 =	sand.u32 $0x380, s26;
	s25 =	sor.u32 s28, s25;
	s23 =	sor.u32 $0x300, s23;
	v2 =	vld.msk [tilespmem:s24+$0x0 ss:$0x0], $0xffff;
	v7 =	vadd.f32 v17, v7;
	v6 =	vmul.f32 v6, v14  }
0x21c: {  	s26 =	sadd.s32 $0xFFFFDF80, s12;
	s28 =	sadd.s32 s0, s23;
	v17 =	vld [tilespmem:s25+$0x300];
	v10 =	vsub.f32 v10, v8;
	v3 =	vmul.f32 v3, v11;
	s0 =	smov.u32 s16  }
0x21d: {  	s26 =	sand.u32 $0x300, s26;
	s16 =	smov.u32 s6;
	s6 =	smov.u32 s9;
	v19 =	vld [tilespmem:s28+$0x0];
	[tilespmem:s9+$0x40] =	vst v7;
	v4 =	vadd.f32 v6, v4  }
0x21e: {  	s23 =	sadd.s32 s26, s23;
	v6 =	vmul.f32 v10, v15;
	v7 =	vld [tilespmem:s7+$0x50];
	v10 =	vsub.f32 v18, v5;
	v1 =	vadd.f32 v3, v1  }
0x21f: {  	v3 =	vld [tilespmem:s1+$0x350];
	[tilespmem:s16+$0x90] =	vst v4  }
0x220: {  	v4 =	vadd.f32 v6, v8;
	v6 =	vmul.f32 v10, v13;
	v8 =	vld [tilespmem:s21+$0x420];
	[tilespmem:s0+$0xE0] =	vst v1  }
0x221: {  	v1 =	vld [tilespmem:s19+$0x470];
	s19 =	smov.u32 s21;
	s21 =	smov.u32 s7;
	s7 =	smov.u32 s28  }
0x222: {  	[tilespmem:s9+$0xFFFFFF40] =	vst v4;
	v4 =	vadd.f32 v6, v5;
	v5 =	vld [tilespmem:s18+$0x770];
	s18 =	smov.u32 s2;
	s2 =	smov.u32 s1;
	s1 =	smov.u32 s25  }
0x223: {  	v6 =	vld [tilespmem:s18+$0x720]  }
0x224: {  	v17 =	vsub.f32 v17, v19;
	v10 =	vld [tilespmem:s23+$0x0];
	[tilespmem:s16+$0xFFFFFF90] =	vst v4  }
0x225: {  	v4 =	vld [tilespmem:s23+$0x4000]  }
0x226: {  	v17 =	vmul.f32 v17, v2;
	v3 =	vsub.f32 v3, v7;
	v18 =	vld [tilespmem:s10+$0x50]  }
0x227: {  	v20 =	vld [tilespmem:s10+$0x4050];
	v5 =	vsub.f32 v5, v1  }
0x228: {  	v17 =	vadd.f32 v17, v19;
	v3 =	vmul.f32 v3, v16;
	v19 =	vld [tilespmem:s22+$0x420];
	v6 =	vsub.f32 v6, v8  }
0x229: {  	s9 =	sadd.s32 $0x200, s9;
	v21 =	vld [tilespmem:s22+$0x4420];
	v5 =	vmul.f32 v5, v11;
	v11 =	vmovc v14;
	v14 =	vmov v16;
	v16 =	vmov v2  }
0x22a: {  	v3 =	vadd.f32 v3, v7;
	v2 =	vsub.f32 v4, v10;
	[tilespmem:s9+$0x0] =	vst v17;
	v4 =	vmul.f32 v6, v11;
	v6 =	vld [tilespmem:s20+$0x460]  }
0x22b: {  	v7 =	vld [tilespmem:s7+$0x10];
	v1 =	vadd.f32 v5, v1  }
0x22c: {  	v2 =	vmul.f32 v2, v0;
	v5 =	vld [tilespmem:s1+$0x310];
	v17 =	vsub.f32 v20, v18;
	[tilespmem:s6+$0x50] =	vst v3;
	v3 =	vadd.f32 v4, v8  }
0x22d: {  	v4 =	vld [tilespmem:s21+$0x60];
	[tilespmem:s0+$0xF0] =	vst v1  }
0x22e: {  	v1 =	vadd.f32 v2, v10;
	v2 =	vmul.f32 v17, v15;
	v8 =	vld [tilespmem:s2+$0x360];
	v10 =	vsub.f32 v21, v19;
	[tilespmem:s16+$0xA0] =	vst v3  }
0x22f: {  	v3 =	vld [tilespmem:s19+$0x430]  }
0x230: {  	s11 =	sadd.s32 $0x2, s11;
	[tilespmem:s9+$0xFFFFFF00] =	vst v1;
	v1 =	vadd.f32 v2, v18;
	v2 =	vmul.f32 v10, v13;
	v10 =	vld [tilespmem:s18+$0x730]  }
0x231: {  	p0 =	slt.u32 s11, $0x2E;
	v17 =	vld [tilespmem:s23+$0x10];
	v5 =	vsub.f32 v5, v7  }
0x232: {  	v18 =	vld [tilespmem:s23+$0x4010];
	[tilespmem:s6+$0xFFFFFF50] =	vst v1;
	v1 =	vadd.f32 v2, v19  }
0x233: {  	v2 =	vmul.f32 v5, v16;
	v5 =	vld [tilespmem:s10+$0x60];
	v8 =	vsub.f32 v8, v4  }
0x234: {  	v19 =	vld [tilespmem:s10+$0x4060];
	[tilespmem:s16+$0xFFFFFFA0] =	vst v1  }
0x235: {  	v1 =	vadd.f32 v2, v7;
	v2 =	vmul.f32 v8, v14;
	v7 =	vld [tilespmem:s22+$0x430];
	v8 =	vsub.f32 v10, v3  }
0x236: {  	v10 =	vld [tilespmem:s22+$0x4430]  }
0x237: {  	v18 =	vsub.f32 v18, v17;
	[tilespmem:s9+$0x10] =	vst v1;
	v1 =	vadd.f32 v2, v4;
	v2 =	vmul.f32 v8, v11;
	v4 =	vld [tilespmem:s20+$0x4460]  }
0x238: {  	v8 =	vld [tilespmem:s7+$0x20]  }
0x239: {  	v18 =	vmul.f32 v18, v0;
	v20 =	vld [tilespmem:s1+$0x320];
	v19 =	vsub.f32 v19, v5;
	[tilespmem:s6+$0x60] =	vst v1;
	v1 =	vadd.f32 v2, v3  }
0x23a: {  	v2 =	vld [tilespmem:s21+$0x70]  }
0x23b: {  	v3 =	vadd.f32 v18, v17;
	v17 =	vmul.f32 v19, v15;
	v18 =	vld [tilespmem:s2+$0x370];
	v10 =	vsub.f32 v10, v7;
	[tilespmem:s16+$0xB0] =	vst v1  }
0x23c: {  	v1 =	vld [tilespmem:s19+$0x440];
	v4 =	vsub.f32 v4, v6  }
0x23d: {  	[tilespmem:s9+$0xFFFFFF10] =	vst v3;
	v3 =	vadd.f32 v17, v5;
	v5 =	vmul.f32 v10, v13;
	v10 =	vld [tilespmem:s18+$0x740]  }
0x23e: {  	v17 =	vld [tilespmem:s23+$0x20];
	v19 =	vsub.f32 v20, v8;
	v4 =	vmul.f32 v4, v12  }
0x23f: {  	v20 =	vld [tilespmem:s23+$0x4020];
	[tilespmem:s6+$0xFFFFFF60] =	vst v3;
	v3 =	vadd.f32 v5, v7  }
0x240: {  	v5 =	vmul.f32 v19, v16;
	v7 =	vld [tilespmem:s10+$0x70];
	v18 =	vsub.f32 v18, v2;
	v4 =	vadd.f32 v4, v6  }
0x241: {  	v6 =	vld [tilespmem:s10+$0x4070];
	[tilespmem:s16+$0xFFFFFFB0] =	vst v3  }
0x242: {  	v3 =	vadd.f32 v5, v8;
	v5 =	vmul.f32 v18, v14;
	v8 =	vld [tilespmem:s22+$0x440];
	v10 =	vsub.f32 v10, v1;
	[tilespmem:s0+$0xFFFFFFE0] =	vst v4  }
0x243: {  	v4 =	vld [tilespmem:s22+$0x4440]  }
0x244: {  	v18 =	vsub.f32 v20, v17;
	[tilespmem:s9+$0x20] =	vst v3;
	v2 =	vadd.f32 v5, v2;
	v3 =	vmul.f32 v10, v11;
	v19 =	vld [tilespmem:s20+$0x470]  }
0x245: {  	v5 =	vld [tilespmem:s7+$0x30]  }
0x246: {  	v10 =	vmul.f32 v18, v0;
	v18 =	vld [tilespmem:s1+$0x330];
	v6 =	vsub.f32 v6, v7;
	[tilespmem:s6+$0x70] =	vst v2;
	v1 =	vadd.f32 v3, v1  }
0x247: {  	v2 =	vld [tilespmem:s21+$0x400]  }
0x248: {  	v3 =	vadd.f32 v10, v17;
	v6 =	vmul.f32 v6, v15;
	v10 =	vld [tilespmem:s2+$0x700];
	v4 =	vsub.f32 v4, v8;
	[tilespmem:s16+$0xC0] =	vst v1  }
0x249: {  	v1 =	vld [tilespmem:s19+$0x450]  }
0x24a: {  	[tilespmem:s9+$0xFFFFFF20] =	vst v3;
	v3 =	vadd.f32 v6, v7;
	v4 =	vmul.f32 v4, v13;
	v6 =	vld [tilespmem:s18+$0x750]  }
0x24b: {  	v17 =	vld [tilespmem:s23+$0x30];
	v7 =	vsub.f32 v18, v5  }
0x24c: {  	v18 =	vld [tilespmem:s23+$0x4030];
	[tilespmem:s6+$0xFFFFFF70] =	vst v3;
	v3 =	vadd.f32 v4, v8  }
0x24d: {  	v4 =	vmul.f32 v7, v16;
	v8 =	vld [tilespmem:s10+$0x400];
	v7 =	vsub.f32 v10, v2  }
0x24e: {  	v10 =	vld [tilespmem:s10+$0x4400];
	[tilespmem:s16+$0xFFFFFFC0] =	vst v3  }
0x24f: {  	v3 =	vadd.f32 v4, v5;
	v4 =	vmul.f32 v7, v14;
	v5 =	vld [tilespmem:s22+$0x450];
	v6 =	vsub.f32 v6, v1  }
0x250: {  	v20 =	vld [tilespmem:s22+$0x4450]  }
0x251: {  	v18 =	vsub.f32 v18, v17;
	[tilespmem:s9+$0x30] =	vst v3;
	v2 =	vadd.f32 v4, v2;
	v3 =	vmul.f32 v6, v11;
	v21 =	vld [tilespmem:s20+$0x4470];
	s20 =	smov.u32 s22;
	s22 =	smov.u32 s10;
	s10 =	smov.u32 s23  }
0x252: {  	v7 =	vld [tilespmem:s7+$0x40]  }
0x253: {  	v6 =	vmul.f32 v18, v0;
	v18 =	vld [tilespmem:s1+$0x340];
	v10 =	vsub.f32 v10, v8;
	[tilespmem:s6+$0x80] =	vst v2;
	v1 =	vadd.f32 v3, v1  }
0x254: {  	v4 =	vld [tilespmem:s21+$0x410]  }
0x255: {  	v2 =	vadd.f32 v6, v17;
	v3 =	vmul.f32 v10, v15;
	v6 =	vld [tilespmem:s2+$0x710];
	v10 =	vsub.f32 v20, v5;
	[tilespmem:s16+$0xD0] =	vst v1  }
.Ltmp0:
0x256: {  	v1 =	vld [tilespmem:s19+$0x460];
	v17 =	vsub.f32 v21, v19;
	(pc) =	sbr.rel @p0 .LBB2_3-.Ltmp0, $4  }
0x257: {  	[tilespmem:s9+$0xFFFFFF30] =	vst v2;
	v2 =	vadd.f32 v3, v8;
	v20 =	vmul.f32 v10, v13;
	v3 =	vld [tilespmem:s18+$0x760]  }
0x258: {  	v8 =	vld [tilespmem:s10+$0x40];
	v21 =	vmul.f32 v17, v12;
	v12 =	vmovc v13;
	v13 =	vmov v15;
	v15 =	vmov v0  }
0x259: {  	v17 =	vsub.f32 v18, v7;
	v10 =	vld [tilespmem:s10+$0x4040];
	[tilespmem:s6+$0xFFFFFF80] =	vst v2;
	v0 =	vadd.f32 v20, v5  }
0x25a: {  	s13 =	sadd.s32 $0x200, s13;
	s12 =	sadd.s32 $0x100, s12;
	v5 =	vld [tilespmem:s22+$0x410];
	v2 =	vadd.f32 v21, v19  }
0x25b: {  	_ =	sdelay $0x2  }
0x25c: {  	v17 =	vmul.f32 v17, v16;
	v10 =	vsub.f32 v10, v8;
	_ =	sdelay $0x1  }
0x25d: {  	v7 =	vadd.f32 v17, v7;
	v10 =	vmul.f32 v10, v15;
	_ =	sdelay $0x1  }
0x25e: {  	[tilespmem:s9+$0x40] =	vst v7;
	v7 =	vadd.f32 v10, v8  }
0x25f: {  	v8 =	vld [tilespmem:s7+$0x50]  }
0x260: {  	v10 =	vld [tilespmem:s1+$0x350];
	[tilespmem:s9+$0xFFFFFF40] =	vst v7  }
0x261: {  	v7 =	vld [tilespmem:s10+$0x50]  }
0x262: {  	v17 =	vld [tilespmem:s10+$0x4050];
	_ =	sdelay $0x2  }
0x263: {  	v10 =	vsub.f32 v10, v8;
	_ =	sdelay $0x1  }
0x264: {  	v10 =	vmul.f32 v10, v16;
	v17 =	vsub.f32 v17, v7;
	_ =	sdelay $0x1  }
0x265: {  	v8 =	vadd.f32 v10, v8;
	v10 =	vmul.f32 v17, v15;
	_ =	sdelay $0x1  }
0x266: {  	[tilespmem:s9+$0x50] =	vst v8;
	v7 =	vadd.f32 v10, v7  }
0x267: {  	v8 =	vld [tilespmem:s7+$0x60]  }
0x268: {  	v10 =	vld [tilespmem:s1+$0x360];
	[tilespmem:s9+$0xFFFFFF50] =	vst v7  }
0x269: {  	v7 =	vld [tilespmem:s10+$0x60]  }
0x26a: {  	v17 =	vld [tilespmem:s10+$0x4060];
	_ =	sdelay $0x2  }
0x26b: {  	v10 =	vsub.f32 v10, v8;
	_ =	sdelay $0x1  }
0x26c: {  	v10 =	vmul.f32 v10, v16;
	v17 =	vsub.f32 v17, v7;
	_ =	sdelay $0x1  }
0x26d: {  	v8 =	vadd.f32 v10, v8;
	v10 =	vmul.f32 v17, v15;
	_ =	sdelay $0x1  }
0x26e: {  	[tilespmem:s9+$0x60] =	vst v8;
	v7 =	vadd.f32 v10, v7  }
0x26f: {  	v8 =	vld [tilespmem:s7+$0x70]  }
0x270: {  	v10 =	vld [tilespmem:s1+$0x370];
	[tilespmem:s9+$0xFFFFFF60] =	vst v7  }
0x271: {  	v7 =	vld [tilespmem:s10+$0x70]  }
0x272: {  	v17 =	vld [tilespmem:s10+$0x4070];
	_ =	sdelay $0x2  }
0x273: {  	v10 =	vsub.f32 v10, v8;
	_ =	sdelay $0x1  }
0x274: {  	v10 =	vmul.f32 v10, v16;
	v17 =	vsub.f32 v17, v7;
	_ =	sdelay $0x1  }
0x275: {  	v8 =	vadd.f32 v10, v8;
	v10 =	vmul.f32 v17, v15;
	_ =	sdelay $0x1  }
0x276: {  	[tilespmem:s9+$0x70] =	vst v8;
	v7 =	vadd.f32 v10, v7  }
0x277: {  	v8 =	vld [tilespmem:s7+$0x400]  }
0x278: {  	v10 =	vld [tilespmem:s1+$0x700];
	[tilespmem:s9+$0xFFFFFF70] =	vst v7  }
0x279: {  	v7 =	vld [tilespmem:s10+$0x400]  }
0x27a: {  	v17 =	vld [tilespmem:s10+$0x4400];
	_ =	sdelay $0x2  }
0x27b: {  	v10 =	vsub.f32 v10, v8;
	_ =	sdelay $0x1  }
0x27c: {  	v10 =	vmul.f32 v10, v16;
	v17 =	vsub.f32 v17, v7;
	_ =	sdelay $0x1  }
0x27d: {  	v8 =	vadd.f32 v10, v8;
	v10 =	vmul.f32 v17, v15;
	_ =	sdelay $0x1  }
0x27e: {  	v17 =	vld [tilespmem:s22+$0x4410];
	[tilespmem:s9+$0x80] =	vst v8;
	v7 =	vadd.f32 v10, v7  }
0x27f: {  	v8 =	vld [tilespmem:s7+$0x410]  }
0x280: {  	v10 =	vld [tilespmem:s1+$0x710];
	[tilespmem:s9+$0xFFFFFF80] =	vst v7  }
0x281: {  	v6 =	vsub.f32 v6, v4;
	v7 =	vld [tilespmem:s10+$0x410]  }
0x282: {  	v18 =	vld [tilespmem:s10+$0x4410]  }
0x283: {  	v6 =	vmul.f32 v6, v14;
	v17 =	vsub.f32 v17, v5;
	_ =	sdelay $0x1  }
0x284: {  	v4 =	vadd.f32 v6, v4;
	v6 =	vmul.f32 v17, v13;
	v10 =	vsub.f32 v10, v8;
	_ =	sdelay $0x1  }
0x285: {  	[tilespmem:s6+$0x90] =	vst v4;
	v4 =	vadd.f32 v6, v5;
	v5 =	vmul.f32 v10, v16;
	v6 =	vsub.f32 v18, v7  }
0x286: {  	v17 =	vld [tilespmem:s2+$0x720]  }
0x287: {  	v10 =	vld [tilespmem:s21+$0x420];
	[tilespmem:s6+$0xFFFFFF90] =	vst v4;
	v4 =	vadd.f32 v5, v8;
	v5 =	vmul.f32 v6, v15  }
0x288: {  	v6 =	vld [tilespmem:s22+$0x420]  }
0x289: {  	v8 =	vld [tilespmem:s22+$0x4420];
	[tilespmem:s9+$0x90] =	vst v4;
	v4 =	vadd.f32 v5, v7  }
0x28a: {  	v5 =	vld [tilespmem:s7+$0x420]  }
0x28b: {  	v7 =	vld [tilespmem:s1+$0x720];
	[tilespmem:s9+$0xFFFFFF90] =	vst v4  }
0x28c: {  	v4 =	vsub.f32 v17, v10;
	v17 =	vld [tilespmem:s10+$0x420]  }
0x28d: {  	v18 =	vld [tilespmem:s10+$0x4420]  }
0x28e: {  	v8 =	vsub.f32 v8, v6;
	v4 =	vmul.f32 v4, v14;
	_ =	sdelay $0x1  }
0x28f: {  	v8 =	vmul.f32 v8, v13;
	v7 =	vsub.f32 v7, v5;
	v4 =	vadd.f32 v4, v10;
	_ =	sdelay $0x1  }
0x290: {  	[tilespmem:s6+$0xA0] =	vst v4;
	v4 =	vadd.f32 v8, v6;
	v6 =	vmul.f32 v7, v16;
	v7 =	vsub.f32 v18, v17  }
0x291: {  	v8 =	vld [tilespmem:s21+$0x430]  }
0x292: {  	v10 =	vld [tilespmem:s2+$0x730];
	[tilespmem:s6+$0xFFFFFFA0] =	vst v4;
	v4 =	vadd.f32 v6, v5;
	v5 =	vmul.f32 v7, v15  }
0x293: {  	v6 =	vld [tilespmem:s22+$0x430]  }
0x294: {  	v7 =	vld [tilespmem:s22+$0x4430];
	[tilespmem:s9+$0xA0] =	vst v4;
	v4 =	vadd.f32 v5, v17  }
0x295: {  	v5 =	vld [tilespmem:s7+$0x430]  }
0x296: {  	v17 =	vld [tilespmem:s1+$0x730];
	[tilespmem:s9+$0xFFFFFFA0] =	vst v4  }
0x297: {  	v4 =	vsub.f32 v10, v8;
	v10 =	vld [tilespmem:s10+$0x430]  }
0x298: {  	v18 =	vld [tilespmem:s10+$0x4430]  }
0x299: {  	v4 =	vmul.f32 v4, v14;
	v7 =	vsub.f32 v7, v6;
	_ =	sdelay $0x1  }
0x29a: {  	v4 =	vadd.f32 v4, v8;
	v7 =	vmul.f32 v7, v13;
	v8 =	vsub.f32 v17, v5;
	_ =	sdelay $0x1  }
0x29b: {  	[tilespmem:s6+$0xB0] =	vst v4;
	v4 =	vadd.f32 v7, v6;
	v6 =	vmul.f32 v8, v16;
	v7 =	vsub.f32 v18, v10  }
0x29c: {  	v8 =	vld [tilespmem:s21+$0x440]  }
0x29d: {  	v17 =	vld [tilespmem:s2+$0x740];
	[tilespmem:s6+$0xFFFFFFB0] =	vst v4;
	v4 =	vadd.f32 v6, v5;
	v5 =	vmul.f32 v7, v15  }
0x29e: {  	v6 =	vld [tilespmem:s22+$0x440]  }
0x29f: {  	v7 =	vld [tilespmem:s22+$0x4440];
	[tilespmem:s9+$0xB0] =	vst v4;
	v4 =	vadd.f32 v5, v10  }
0x2a0: {  	v5 =	vld [tilespmem:s7+$0x440]  }
0x2a1: {  	v10 =	vld [tilespmem:s1+$0x740];
	[tilespmem:s9+$0xFFFFFFB0] =	vst v4  }
0x2a2: {  	v4 =	vsub.f32 v17, v8;
	v17 =	vld [tilespmem:s10+$0x440]  }
0x2a3: {  	v18 =	vld [tilespmem:s10+$0x4440]  }
0x2a4: {  	v4 =	vmul.f32 v4, v14;
	v7 =	vsub.f32 v7, v6;
	_ =	sdelay $0x1  }
0x2a5: {  	v4 =	vadd.f32 v4, v8;
	v7 =	vmul.f32 v7, v13;
	v8 =	vsub.f32 v10, v5;
	_ =	sdelay $0x1  }
0x2a6: {  	[tilespmem:s6+$0xC0] =	vst v4;
	v4 =	vadd.f32 v7, v6;
	v6 =	vmul.f32 v8, v16;
	v7 =	vsub.f32 v18, v17  }
0x2a7: {  	v8 =	vld [tilespmem:s21+$0x450]  }
0x2a8: {  	v10 =	vld [tilespmem:s2+$0x750];
	[tilespmem:s6+$0xFFFFFFC0] =	vst v4;
	v4 =	vadd.f32 v6, v5;
	v5 =	vmul.f32 v7, v15  }
0x2a9: {  	v6 =	vld [tilespmem:s22+$0x450]  }
0x2aa: {  	v7 =	vld [tilespmem:s22+$0x4450];
	[tilespmem:s9+$0xC0] =	vst v4;
	v4 =	vadd.f32 v5, v17  }
0x2ab: {  	v5 =	vld [tilespmem:s7+$0x450]  }
0x2ac: {  	v17 =	vld [tilespmem:s1+$0x750];
	[tilespmem:s9+$0xFFFFFFC0] =	vst v4  }
0x2ad: {  	v4 =	vsub.f32 v10, v8;
	v10 =	vld [tilespmem:s10+$0x450]  }
0x2ae: {  	v18 =	vld [tilespmem:s10+$0x4450]  }
0x2af: {  	v4 =	vmul.f32 v4, v14;
	v7 =	vsub.f32 v7, v6;
	_ =	sdelay $0x1  }
0x2b0: {  	[tilespmem:s16+$0xFFFFFFD0] =	vst v0;
	v0 =	vadd.f32 v4, v8;
	v4 =	vmul.f32 v7, v13;
	v7 =	vsub.f32 v17, v5  }
0x2b1: {  	v8 =	vld [tilespmem:s20+$0x460]  }
0x2b2: {  	v17 =	vld [tilespmem:s20+$0x4460];
	[tilespmem:s6+$0xD0] =	vst v0;
	v0 =	vadd.f32 v4, v6;
	v4 =	vmul.f32 v7, v16;
	v6 =	vsub.f32 v18, v10  }
0x2b3: {  	v7 =	vld [tilespmem:s21+$0x460]  }
0x2b4: {  	v18 =	vld [tilespmem:s2+$0x760];
	[tilespmem:s6+$0xFFFFFFD0] =	vst v0;
	v0 =	vadd.f32 v4, v5;
	v4 =	vmul.f32 v6, v15  }
0x2b5: {  	v3 =	vsub.f32 v3, v1;
	v5 =	vld [tilespmem:s22+$0x460]  }
0x2b6: {  	v6 =	vld [tilespmem:s22+$0x4460];
	[tilespmem:s9+$0xD0] =	vst v0;
	v0 =	vadd.f32 v4, v10  }
0x2b7: {  	v3 =	vmul.f32 v3, v11;
	v4 =	vsub.f32 v17, v8;
	v10 =	vld [tilespmem:s7+$0x460]  }
0x2b8: {  	v17 =	vld [tilespmem:s1+$0x760];
	[tilespmem:s9+$0xFFFFFFD0] =	vst v0  }
0x2b9: {  	v0 =	vadd.f32 v3, v1;
	v1 =	vmul.f32 v4, v12;
	v3 =	vsub.f32 v18, v7;
	v4 =	vld [tilespmem:s10+$0x460]  }
0x2ba: {  	v18 =	vld [tilespmem:s10+$0x4460]  }
0x2bb: {  	[tilespmem:s16+$0xE0] =	vst v0;
	v0 =	vadd.f32 v1, v8;
	v1 =	vmul.f32 v3, v14;
	v3 =	vsub.f32 v6, v5  }
0x2bc: {  	v6 =	vld [tilespmem:s19+$0x470]  }
0x2bd: {  	v8 =	vld [tilespmem:s18+$0x770];
	[tilespmem:s16+$0xFFFFFFE0] =	vst v0;
	v0 =	vadd.f32 v1, v7;
	v1 =	vmul.f32 v3, v13;
	v3 =	vsub.f32 v17, v10  }
0x2be: {  	v7 =	vld [tilespmem:s20+$0x470]  }
0x2bf: {  	v17 =	vld [tilespmem:s20+$0x4470];
	[tilespmem:s6+$0xE0] =	vst v0;
	v0 =	vadd.f32 v1, v5;
	v1 =	vmul.f32 v3, v16;
	v3 =	vsub.f32 v18, v4  }
0x2c0: {  	v5 =	vld [tilespmem:s21+$0x470]  }
0x2c1: {  	v18 =	vld [tilespmem:s2+$0x770];
	[tilespmem:s6+$0xFFFFFFE0] =	vst v0;
	v0 =	vadd.f32 v1, v10;
	v1 =	vmul.f32 v3, v15  }
0x2c2: {  	v3 =	vld [tilespmem:s22+$0x470]  }
0x2c3: {  	v10 =	vld [tilespmem:s22+$0x4470];
	[tilespmem:s9+$0xE0] =	vst v0;
	v0 =	vadd.f32 v1, v4  }
0x2c4: {  	v1 =	vld [tilespmem:s7+$0x470]  }
0x2c5: {  	v4 =	vld [tilespmem:s1+$0x770];
	[tilespmem:s9+$0xFFFFFFE0] =	vst v0  }
0x2c6: {  	v0 =	vld [tilespmem:s10+$0x470]  }
0x2c7: {  	v8 =	vsub.f32 v8, v6;
	v19 =	vld [tilespmem:s10+$0x4470]  }
0x2c8: {  	v17 =	vsub.f32 v17, v7  }
0x2c9: {  	v8 =	vmul.f32 v8, v11;
	v11 =	vsub.f32 v18, v5  }
0x2ca: {  	v12 =	vmul.f32 v17, v12;
	v10 =	vsub.f32 v10, v3  }
0x2cb: {  	v6 =	vadd.f32 v8, v6;
	v8 =	vmul.f32 v11, v14;
	v4 =	vsub.f32 v4, v1  }
0x2cc: {  	[tilespmem:s0+$0xFFFFFFF0] =	vst v2;
	v2 =	vadd.f32 v12, v7;
	v7 =	vmul.f32 v10, v13;
	v10 =	vsub.f32 v19, v0  }
0x2cd: {  	[tilespmem:s16+$0xF0] =	vst v6;
	v5 =	vadd.f32 v8, v5;
	v4 =	vmul.f32 v4, v16  }
0x2ce: {  	[tilespmem:s16+$0xFFFFFFF0] =	vst v2;
	v2 =	vadd.f32 v7, v3;
	v3 =	vmul.f32 v10, v15  }
0x2cf: {  	[tilespmem:s6+$0xF0] =	vst v5;
	v1 =	vadd.f32 v4, v1  }
0x2d0: {  	[tilespmem:s6+$0xFFFFFFF0] =	vst v2;
	v0 =	vadd.f32 v3, v0  }
0x2d1: {  	[tilespmem:s9+$0xF0] =	vst v1  }
0x2d2: {  	[tilespmem:s9+$0xFFFFFFF0] =	vst v0  }
0x2d3: {  	v0 =	vld.msk [tilespmem:$0x104B0 ss:$0x0], $0xffff  }
0x2d4: {  	v1 =	vld [tilespmem:$0x3300]  }
0x2d5: {  	v2 =	vld [tilespmem:$0x7300]  }
0x2d6: {  	v3 =	vld [tilespmem:$0x3310]  }
0x2d7: {  	v4 =	vld [tilespmem:$0x7310]  }
0x2d8: {  	v5 =	vld [tilespmem:$0x3320]  }
0x2d9: {  	v6 =	vld [tilespmem:$0x7320]  }
0x2da: {  	v7 =	vld [tilespmem:$0x3330]  }
0x2db: {  	v8 =	vld [tilespmem:$0x7330]  }
0x2dc: {  	v10 =	vld [tilespmem:$0x3340]  }
0x2dd: {  	v11 =	vld [tilespmem:$0x7340]  }
0x2de: {  	v12 =	vld [tilespmem:$0x3350]  }
0x2df: {  	v13 =	vld [tilespmem:$0x7350]  }
0x2e0: {  	v14 =	vld [tilespmem:$0x3360]  }
0x2e1: {  	v15 =	vld [tilespmem:$0x7360]  }
0x2e2: {  	v16 =	vld [tilespmem:$0x3370]  }
0x2e3: {  	v17 =	vld [tilespmem:$0x7370]  }
0x2e4: {  	v18 =	vld [tilespmem:$0x3700]  }
0x2e5: {  	v19 =	vld [tilespmem:$0x7700]  }
0x2e6: {  	v20 =	vld [tilespmem:$0x3710]  }
0x2e7: {  	v21 =	vld [tilespmem:$0x7710]  }
0x2e8: {  	v22 =	vld [tilespmem:$0x3720]  }
0x2e9: {  	v23 =	vld [tilespmem:$0x7720];
	v2 =	vsub.f32 v2, v1  }
0x2ea: {  	v24 =	vld [tilespmem:$0x3730];
	v4 =	vsub.f32 v4, v3  }
0x2eb: {  	v25 =	vld [tilespmem:$0x7730];
	v6 =	vsub.f32 v6, v5;
	v2 =	vmul.f32 v2, v0  }
0x2ec: {  	v26 =	vld [tilespmem:$0x3740];
	v8 =	vsub.f32 v8, v7;
	v4 =	vmul.f32 v4, v0  }
0x2ed: {  	v1 =	vadd.f32 v2, v1;
	v2 =	vmul.f32 v6, v0;
	v6 =	vsub.f32 v11, v10;
	v11 =	vld [tilespmem:$0x7740]  }
0x2ee: {  	v3 =	vadd.f32 v4, v3;
	v4 =	vmul.f32 v8, v0;
	v8 =	vsub.f32 v13, v12;
	v13 =	vld [tilespmem:$0x3750]  }
0x2ef: {  	[tilespmem:$0x13500] =	vst v1;
	v1 =	vadd.f32 v2, v5;
	v2 =	vmul.f32 v6, v0;
	v5 =	vsub.f32 v15, v14;
	v6 =	vld [tilespmem:$0x7750]  }
0x2f0: {  	[tilespmem:$0x13510] =	vst v3;
	v3 =	vadd.f32 v4, v7;
	v4 =	vmul.f32 v8, v0;
	v7 =	vsub.f32 v17, v16;
	v8 =	vld [tilespmem:$0x3760]  }
0x2f1: {  	[tilespmem:$0x13520] =	vst v1;
	v1 =	vadd.f32 v2, v10;
	v2 =	vmul.f32 v5, v0;
	v5 =	vsub.f32 v19, v18;
	v10 =	vld [tilespmem:$0x7760]  }
0x2f2: {  	[tilespmem:$0x13530] =	vst v3;
	v3 =	vadd.f32 v4, v12;
	v4 =	vmul.f32 v7, v0;
	v7 =	vsub.f32 v21, v20;
	v12 =	vld [tilespmem:$0x3770]  }
0x2f3: {  	[tilespmem:$0x13540] =	vst v1;
	v1 =	vadd.f32 v2, v14;
	v2 =	vmul.f32 v5, v0;
	v5 =	vsub.f32 v23, v22;
	v14 =	vld [tilespmem:$0x7770]  }
0x2f4: {  	[tilespmem:$0x13550] =	vst v3;
	v3 =	vadd.f32 v4, v16;
	v4 =	vmul.f32 v7, v0;
	v7 =	vsub.f32 v25, v24  }
0x2f5: {  	[tilespmem:$0x13560] =	vst v1;
	v1 =	vadd.f32 v2, v18;
	v2 =	vmul.f32 v5, v0;
	v5 =	vsub.f32 v11, v26  }
0x2f6: {  	s16 =	sadd.s32 $0x1, s17;
	v6 =	vsub.f32 v6, v13;
	[tilespmem:$0x13570] =	vst v3;
	v3 =	vadd.f32 v4, v20;
	v4 =	vmul.f32 v7, v0  }
0x2f7: {  	p0 =	slt.s32 s16, $0x1F;
	s0 =	smov.u32 s16;
	[tilespmem:$0x13580] =	vst v1;
	v1 =	vadd.f32 v2, v22;
	v2 =	vmul.f32 v5, v0;
	v5 =	vsub.f32 v10, v8  }
0x2f8: {  	s0 =	simm.s32 @!p0 $0x1F;
	[tilespmem:$0x13590] =	vst v3;
	v3 =	vadd.f32 v4, v24;
	v4 =	vmul.f32 v6, v0;
	v6 =	vsub.f32 v14, v12  }
0x2f9: {  	s0 =	sor.u32 s5, s0;
	[tilespmem:$0x135A0] =	vst v1;
	v1 =	vadd.f32 v2, v26;
	v2 =	vmul.f32 v5, v0  }
0x2fa: {  	p0 =	slt.s32 s0, $0x3E7;
	[tilespmem:$0x135B0] =	vst v3;
	v3 =	vadd.f32 v4, v13;
	v0 =	vmul.f32 v6, v0  }
0x2fb: {  	s0 =	simm.s32 @!p0 $0x3E7;
	[tilespmem:$0x135C0] =	vst v1;
	v1 =	vadd.f32 v2, v8  }
0x2fc: {  	s0 =	ssub.s32 s0, s5;
	[tilespmem:$0x135D0] =	vst v3;
	v0 =	vadd.f32 v0, v12  }
0x2fd: {  	s0 =	sshll.u32 s0, $0x6;
	[tilespmem:$0x135E0] =	vst v1  }
0x2fe: {  	s18 =	sshra.s32 s0, $0x2;
	[tilespmem:$0x135F0] =	vst v0  }
0x2ff: {  	v0 =	vld [tilespmem:s18+$0x0];
	_ =	sdelay $0x4  }
0x300: {  	v0 =	vmul.f32 $6.250000000e-02, v0;
	_ =	sdelay $0x1  }
0x301: {  	v1 =	vbroadcast v0, $0x0;
	v2 =	vbroadcast v0, $0x2;
	_ =	sdelay $0x1  }
0x302: {  	v2 =	vsub.f32 v2, v1  }
0x303: {  	v3 =	vbroadcast v0, $0x1;
	v0 =	vbroadcast v0, $0x3  }
0x304: {  	v2 =	vmul.f32 $1.428571490e-01, v2  }
0x305: {  	v0 =	vsub.f32 v0, v3  }
0x306: {  	v4 =	vmul.f32 v27, v2  }
0x307: {  	v0 =	vmul.f32 $1.428571490e-01, v0  }
0x308: {  	v4 =	vadd.f32 v4, v1  }
0x309: {  	v5 =	vmul.f32 v28, v0;
	v8 =	vmul.f32 v29, v2  }
0x30a: {  	v11 =	vmul.f32 v30, v0;
	v13 =	vmul.f32 v31, v2;
	v4 =	vmax.f32 v4, $0.0e+00  }
0x30b: {  	v15 =	vmul.f32 v32, v0;
	v5 =	vadd.f32 v5, v3;
	v4 =	vmin.f32 v4, $4.900000000e+01  }
0x30c: {  	v0 =	vmul.f32 v34, v0;
	v6 =	vtrunc.f32 v4  }
0x30d: {  	v2 =	vmul.f32 v33, v2;
	v5 =	vmax.f32 v5, $0.0e+00;
	v6 =	vcvt.f32.s32 v6  }
0x30e: {  	v8 =	vadd.f32 v8, v1;
	v13 =	vadd.f32 v13, v1;
	v5 =	vmin.f32 v5, $4.900000000e+01  }
0x30f: {  	v15 =	vadd.f32 v15, v3;
	v7 =	vtrunc.f32 v5;
	v10 =	vcvt.s32.f32 v6  }
0x310: {  	v0 =	vadd.f32 v0, v3;
	v1 =	vadd.f32 v2, v1;
	v7 =	vcvt.f32.s32 v7  }
0x311: {  	v4 =	vsub.f32 v4, v10;
	v10 =	vadd.f32 v11, v3  }
0x312: {  	v8 =	vmax.f32 v8, $0.0e+00;
	v13 =	vmax.f32 v13, $0.0e+00;
	v12 =	vcvt.s32.f32 v7  }
0x313: {  	v15 =	vmax.f32 v15, $0.0e+00;
	v8 =	vmin.f32 v8, $4.900000000e+01;
	v10 =	vmax.f32 v10, $0.0e+00  }
0x314: {  	v6 =	vmul.u32 $0x32, v6;
	v5 =	vsub.f32 v5, v12;
	v10 =	vmin.f32 v10, $4.900000000e+01  }
0x315: {  	v11 =	vadd.s32 $0x1, v7;
	v12 =	vtrunc.f32 v8;
	v14 =	vtrunc.f32 v10  }
0x316: {  	vm1 =	vlt.s32 v11, $0x31;
	v12 =	vcvt.f32.s32 v12;
	v14 =	vcvt.f32.s32 v14  }
0x317: {  	v0 =	vmax.f32 v0, $0.0e+00;
	v7 =	vadd.s32 v7, v6;
	v11 =	vnsel vm1, $0x31, v11  }
0x318: {  	v16 =	vcvt.s32.f32 v12;
	v6 =	vadd.s32 v6, v11;
	v11 =	vcvt.s32.f32 v14  }
0x319: {  	v1 =	vmax.f32 v1, $0.0e+00;
	v13 =	vmin.f32 v13, $4.900000000e+01;
	v12 =	vmul.u32 $0x32, v12  }
0x31a: {  	v8 =	vsub.f32 v8, v16;
	v10 =	vsub.f32 v10, v11;
	v11 =	vmin.f32 v15, $4.900000000e+01  }
0x31b: {  	v0 =	vmin.f32 v0, $4.900000000e+01;
	v1 =	vmin.f32 v1, $4.900000000e+01;
	[tilespmem:$0x200] =	vst v7;
	v17 =	vtrunc.f32 v11  }
0x31c: {  	v7 =	vadd.s32 v14, v12;
	[tilespmem:$0x10310] =	vst v8;
	v8 =	vtrunc.f32 v1;
	v17 =	vcvt.f32.s32 v17  }
0x31d: {  	v3 =	vld [tilespmem:$0x200];
	v16 =	vadd.s32 $0x1, v14;
	[tilespmem:$0x210] =	vst v7;
	v7 =	vtrunc.f32 v0;
	v15 =	vtrunc.f32 v13  }
0x31e: {  	vm1 =	vlt.s32 v16, $0x31;
	v15 =	vcvt.f32.s32 v15;
	v14 =	vcvt.s32.f32 v17  }
0x31f: {  	[tilespmem:$0x10300] =	vst v4;
	v8 =	vcvt.f32.s32 v8;
	v16 =	vnsel vm1, $0x31, v16;
	v7 =	vcvt.f32.s32 v7  }
0x320: {  	[tilespmem:$0x10380] =	vst v5;
	v18 =	vcvt.s32.f32 v15;
	v4 =	vsub.f32 v11, v14;
	v11 =	vadd.s32 $0x1, v17  }
0x321: {  	[tilespmem:$0x240] =	vst v6;
	v6 =	vadd.s32 v12, v16;
	v2 =	vmul.u32 $0x32, v15;
	vm1 =	vlt.s32 v11, $0x31  }
0x322: {  	[tilespmem:$0x250] =	vst v6;
	v12 =	vsub.f32 v13, v18;
	v5 =	vnsel vm1, $0x31, v11;
	v11 =	vshll.u32 v3, $0x1  }
0x323: {  	[tilespmem:$0x10390] =	vst v10;
	v6 =	vadd.s32 v17, v2;
	v3 =	vand.u32 $0x7, v3;
	v10 =	vand.u32 $0xFFFFFFF0, v11  }
0x324: {  	[tilespmem:$0x220] =	vst v6;
	v2 =	vadd.s32 v2, v5;
	v5 =	vadd.s32 $0x1, v7;
	v3 =	vor.u32 v3, v10  }
0x325: {  	[tilespmem:$0x260] =	vst v2;
	vm1 =	vlt.s32 v5, $0x31;
	v2 =	vmul.u32 $0x32, v8;
	v6 =	vperm.xlane v3, v9  }
0x326: {  	[tilespmem:$0x10320] =	vst v12;
	v8 =	vcvt.s32.f32 v8;
	v10 =	vcvt.s32.f32 v7;
	v5 =	vnsel vm1, $0x31, v5  }
0x327: {  	[tilespmem:$0x103A0] =	vst v4;
	v3 =	vperm.xlane v3, v36;
	v4 =	vadd.s32 v7, v2;
	v6 =	vadd.s32 v35, v6  }
0x328: {  	v1 =	vsub.f32 v1, v8;
	v2 =	vadd.s32 v2, v5;
	[tilespmem:$0x230] =	vst v4  }
0x329: {  	v0 =	vsub.f32 v0, v10;
	[tilespmem:$0x270] =	vst v2;
	v2 =	vadd.s32 v35, v3  }
0x32a: {  	[tilespmem:$0x10330] =	vst v1  }
0x32b: {  	s23 =	simm.s32 $0x300;
	[tilespmem:$0x103B0] =	vst v0  }
0x32c: {  	[tilespmem:s23], [sflag:$0x1] =	stream.indirect_vreg.gather [hbm4b:s4+s3], $0x80, v6, vm0, $0xb8;
	[tilespmem:$0x13600] =	vst v63  }
0x32d: {  	s24 =	simm.s32 $0xB00  }
0x32e: {  	[tilespmem:s24], [sflag:$0x1] =	stream.indirect_vreg.gather [hbm4b:s4+s3], $0x80, v2, vm0, $0xb8;
	[tilespmem:$0x13600] =	vst v63  }
0x32f: {  	v0 =	vld [tilespmem:$0x210];
	_ =	sdelay $0x4  }
0x330: {  	v1 =	vshll.u32 v0, $0x1  }
0x331: {  	v0 =	vand.u32 $0x7, v0;
	v1 =	vand.u32 $0xFFFFFFF0, v1  }
0x332: {  	v0 =	vor.u32 v0, v1  }
0x333: {  	v1 =	vperm.xlane v0, v9;
	_ =	sdelay $0x1  }
0x334: {  	v0 =	vperm.xlane v0, v36;
	v1 =	vadd.s32 v35, v1;
	_ =	sdelay $0x1  }
0x335: {  	v0 =	vadd.s32 v35, v0;
	_ =	sdelay $0x1  }
0x336: {  	s25 =	simm.s32 $0x1300  }
0x337: {  	[tilespmem:s25], [sflag:$0x1] =	stream.indirect_vreg.gather [hbm4b:s4+s3], $0x80, v1, vm0, $0xb8;
	[tilespmem:$0x13600] =	vst v63  }
0x338: {  	s26 =	simm.s32 $0x1B00  }
0x339: {  	[tilespmem:s26], [sflag:$0x1] =	stream.indirect_vreg.gather [hbm4b:s4+s3], $0x80, v0, vm0, $0xb8;
	[tilespmem:$0x13600] =	vst v63  }
0x33a: {  	v0 =	vld [tilespmem:$0x220];
	_ =	sdelay $0x4  }
0x33b: {  	v1 =	vshll.u32 v0, $0x1  }
0x33c: {  	v0 =	vand.u32 $0x7, v0;
	v1 =	vand.u32 $0xFFFFFFF0, v1  }
0x33d: {  	v0 =	vor.u32 v0, v1  }
0x33e: {  	v1 =	vperm.xlane v0, v9;
	_ =	sdelay $0x1  }
0x33f: {  	v0 =	vperm.xlane v0, v36;
	v1 =	vadd.s32 v35, v1;
	_ =	sdelay $0x1  }
0x340: {  	v0 =	vadd.s32 v35, v0;
	_ =	sdelay $0x1  }
0x341: {  	s1 =	simm.s32 $0x2300  }
0x342: {  	[tilespmem:s1], [sflag:$0x1] =	stream.indirect_vreg.gather [hbm4b:s4+s3], $0x80, v1, vm0, $0xb8;
	[tilespmem:$0x13600] =	vst v63  }
0x343: {  	s2 =	simm.s32 $0x2B00  }
0x344: {  	[tilespmem:s2], [sflag:$0x1] =	stream.indirect_vreg.gather [hbm4b:s4+s3], $0x80, v0, vm0, $0xb8;
	[tilespmem:$0x13600] =	vst v63  }
0x345: {  	v0 =	vld [tilespmem:$0x230];
	_ =	sdelay $0x4  }
0x346: {  	v1 =	vshll.u32 v0, $0x1  }
0x347: {  	v0 =	vand.u32 $0x7, v0;
	v1 =	vand.u32 $0xFFFFFFF0, v1  }
0x348: {  	v0 =	vor.u32 v0, v1  }
0x349: {  	v1 =	vperm.xlane v0, v9;
	_ =	sdelay $0x1  }
0x34a: {  	v0 =	vperm.xlane v0, v36;
	v1 =	vadd.s32 v35, v1;
	_ =	sdelay $0x1  }
0x34b: {  	v0 =	vadd.s32 v35, v0;
	_ =	sdelay $0x1  }
0x34c: {  	s6 =	simm.s32 $0x3300  }
0x34d: {  	[tilespmem:s6], [sflag:$0x1] =	stream.indirect_vreg.gather [hbm4b:s4+s3], $0x80, v1, vm0, $0xb8;
	[tilespmem:$0x13600] =	vst v63  }
0x34e: {  	s7 =	simm.s32 $0x3B00  }
0x34f: {  	[tilespmem:s7], [sflag:$0x1] =	stream.indirect_vreg.gather [hbm4b:s4+s3], $0x80, v0, vm0, $0xb8;
	[tilespmem:$0x13600] =	vst v63  }
0x350: {  	v0 =	vld [tilespmem:$0x240];
	_ =	sdelay $0x4  }
0x351: {  	v1 =	vshll.u32 v0, $0x1  }
0x352: {  	v0 =	vand.u32 $0x7, v0;
	v1 =	vand.u32 $0xFFFFFFF0, v1  }
0x353: {  	v0 =	vor.u32 v0, v1  }
0x354: {  	v1 =	vperm.xlane v0, v9;
	_ =	sdelay $0x1  }
0x355: {  	v0 =	vperm.xlane v0, v36;
	v1 =	vadd.s32 v35, v1;
	_ =	sdelay $0x1  }
0x356: {  	v0 =	vadd.s32 v35, v0;
	_ =	sdelay $0x1  }
0x357: {  	s8 =	simm.s32 $0x4300  }
0x358: {  	[tilespmem:s8], [sflag:$0x1] =	stream.indirect_vreg.gather [hbm4b:s4+s3], $0x80, v1, vm0, $0xb8;
	[tilespmem:$0x13600] =	vst v63  }
0x359: {  	s9 =	simm.s32 $0x4B00  }
0x35a: {  	[tilespmem:s9], [sflag:$0x1] =	stream.indirect_vreg.gather [hbm4b:s4+s3], $0x80, v0, vm0, $0xb8;
	[tilespmem:$0x13600] =	vst v63  }
0x35b: {  	v0 =	vld [tilespmem:$0x250];
	_ =	sdelay $0x4  }
0x35c: {  	v1 =	vshll.u32 v0, $0x1  }
0x35d: {  	v0 =	vand.u32 $0x7, v0;
	v1 =	vand.u32 $0xFFFFFFF0, v1  }
0x35e: {  	v0 =	vor.u32 v0, v1  }
0x35f: {  	v1 =	vperm.xlane v0, v9;
	_ =	sdelay $0x1  }
0x360: {  	v0 =	vperm.xlane v0, v36;
	v1 =	vadd.s32 v35, v1;
	_ =	sdelay $0x1  }
0x361: {  	v0 =	vadd.s32 v35, v0;
	_ =	sdelay $0x1  }
0x362: {  	s10 =	simm.s32 $0x5300  }
0x363: {  	[tilespmem:s10], [sflag:$0x1] =	stream.indirect_vreg.gather [hbm4b:s4+s3], $0x80, v1, vm0, $0xb8;
	[tilespmem:$0x13600] =	vst v63  }
0x364: {  	s11 =	simm.s32 $0x5B00  }
0x365: {  	[tilespmem:s11], [sflag:$0x1] =	stream.indirect_vreg.gather [hbm4b:s4+s3], $0x80, v0, vm0, $0xb8;
	[tilespmem:$0x13600] =	vst v63  }
0x366: {  	v0 =	vld [tilespmem:$0x260];
	_ =	sdelay $0x4  }
0x367: {  	v1 =	vshll.u32 v0, $0x1  }
0x368: {  	v0 =	vand.u32 $0x7, v0;
	v1 =	vand.u32 $0xFFFFFFF0, v1  }
0x369: {  	v0 =	vor.u32 v0, v1  }
0x36a: {  	v1 =	vperm.xlane v0, v9;
	_ =	sdelay $0x1  }
0x36b: {  	v0 =	vperm.xlane v0, v36;
	v1 =	vadd.s32 v35, v1;
	_ =	sdelay $0x1  }
0x36c: {  	v0 =	vadd.s32 v35, v0;
	_ =	sdelay $0x1  }
0x36d: {  	s12 =	simm.s32 $0x6300  }
0x36e: {  	[tilespmem:s12], [sflag:$0x1] =	stream.indirect_vreg.gather [hbm4b:s4+s3], $0x80, v1, vm0, $0xb8;
	[tilespmem:$0x13600] =	vst v63  }
0x36f: {  	s13 =	simm.s32 $0x6B00  }
0x370: {  	[tilespmem:s13], [sflag:$0x1] =	stream.indirect_vreg.gather [hbm4b:s4+s3], $0x80, v0, vm0, $0xb8;
	[tilespmem:$0x13600] =	vst v63  }
0x371: {  	v0 =	vld [tilespmem:$0x270];
	_ =	sdelay $0x4  }
0x372: {  	v1 =	vshll.u32 v0, $0x1  }
0x373: {  	v0 =	vand.u32 $0x7, v0;
	v1 =	vand.u32 $0xFFFFFFF0, v1  }
0x374: {  	v0 =	vor.u32 v0, v1  }
0x375: {  	v1 =	vperm.xlane v0, v9;
	_ =	sdelay $0x1  }
0x376: {  	v0 =	vperm.xlane v0, v36;
	v1 =	vadd.s32 v35, v1;
	_ =	sdelay $0x1  }
0x377: {  	v0 =	vadd.s32 v35, v0;
	_ =	sdelay $0x1  }
0x378: {  	s19 =	simm.s32 $0x7300;
	s20 =	simm.s32 $0x7B00;
	s21 =	simm.s32 $0x4100  }
0x379: {  	[tilespmem:s19], [sflag:$0x1] =	stream.indirect_vreg.gather [hbm4b:s4+s3], $0x80, v1, vm0, $0xb8;
	[tilespmem:$0x13600] =	vst v63  }
0x37a: {  	s22 =	simm.s32 $0x2080;
	s0 =	sand.u32 $0x7800, s21;
	s23 =	simm.s32 $0x0  }
0x37b: {  	[tilespmem:s20], [sflag:$0x1] =	stream.indirect_vreg.gather [hbm4b:s4+s3], $0x80, v0, vm0, $0xb8;
	[tilespmem:$0x13600] =	vst v63  }
0x37c: {  	s24 =	simm.s32 $0x80;
	s1 =	sand.u32 $0x380, s22;
	_ =	swait.ge [sflag:s15], $0x8000  }
0x37d: {  	s0 =	sor.u32 s1, s0;
	s2 =	sand.u32 $0x3800, s23;
	[sflag:s15] =	ssyncset.done $0x0  }
0x37e: {  	s2 =	sor.u32 $0x8300, s2;
	s6 =	sand.u32 $0x380, s24;
	[sflag:s15] =	ssyncadd.s32 $0xFFFF8000  }
0x37f: {  	s9 =	sadd.s32 s6, s2;
	v0 =	vld [tilespmem:s0+$0x8300]  }
0x380: {  	s25 =	simm.s32 $0x0;
	v1 =	vld [tilespmem:s9+$0x0]  }
0x381: {  	s26 =	simm.s32 $0x10481;
	s1 =	sand.u32 $0x300, s25  }
0x382: {  	s29 =	sadd.s32 s1, s2;
	v38 =	vld.msk [tilespmem:s26+$0x0 ss:$0x0], $0xffff  }
0x383: {  	v2 =	vld [tilespmem:s29+$0x0]  }
0x384: {  	v3 =	vld [tilespmem:s29+$0x4000]  }
0x385: {  	s19 =	simm.s32 $0x10600;
	v12 =	vld.msk [tilespmem:s26+$0xFFFFFFFF ss:$0x0], $0xffff;
	v0 =	vsub.f32 v0, v1  }
0x386: {  	v4 =	vld [tilespmem:s19+$0x0]  }
0x387: {  	s6 =	simm.s32 $0x10401;
	v0 =	vmul.f32 v0, v38  }
0x388: {  	v36 =	vld.msk [tilespmem:s6+$0x0 ss:$0x0], $0xffff  }
0x389: {  	v3 =	vsub.f32 v3, v2;
	v0 =	vadd.f32 v0, v1  }
0x38a: {  	v1 =	vld [tilespmem:s19+$0xFFFFFF00]  }
0x38b: {  	v3 =	vmul.f32 v3, v12;
	v0 =	vsub.f32 v0, v4  }
0x38c: {  	v11 =	vld.msk [tilespmem:s6+$0xFFFFFFFF ss:$0x0], $0xffff  }
0x38d: {  	v2 =	vadd.f32 v3, v2;
	v0 =	vmul.f32 v0, v36;
	_ =	sdelay $0x1  }
0x38e: {  	v2 =	vsub.f32 v2, v1;
	v0 =	vadd.f32 v0, v4;
	_ =	sdelay $0x1  }
0x38f: {  	v2 =	vmul.f32 v2, v11;
	[tilespmem:s19+$0x0] =	vst v0  }
0x390: {  	v0 =	vld [tilespmem:s9+$0x10]  }
0x391: {  	v1 =	vadd.f32 v2, v1;
	v2 =	vld [tilespmem:s0+$0x8310];
	_ =	sdelay $0x4  }
0x392: {  	v2 =	vsub.f32 v2, v0  }
0x393: {  	v8 =	vld [tilespmem:s19+$0x10]  }
0x394: {  	v2 =	vmul.f32 v2, v38;
	_ =	sdelay $0x1  }
0x395: {  	v0 =	vadd.f32 v2, v0;
	_ =	sdelay $0x1  }
0x396: {  	v0 =	vsub.f32 v0, v8;
	_ =	sdelay $0x1  }
0x397: {  	v0 =	vmul.f32 v0, v36;
	_ =	sdelay $0x1  }
0x398: {  	v0 =	vadd.f32 v0, v8;
	_ =	sdelay $0x1  }
0x399: {  	[tilespmem:s19+$0x10] =	vst v0  }
0x39a: {  	v0 =	vld [tilespmem:s9+$0x20]  }
0x39b: {  	v2 =	vld [tilespmem:s0+$0x8320];
	_ =	sdelay $0x4  }
0x39c: {  	v2 =	vsub.f32 v2, v0  }
0x39d: {  	v8 =	vld [tilespmem:s19+$0x20]  }
0x39e: {  	v2 =	vmul.f32 v2, v38;
	_ =	sdelay $0x1  }
0x39f: {  	v0 =	vadd.f32 v2, v0;
	_ =	sdelay $0x1  }
0x3a0: {  	v0 =	vsub.f32 v0, v8;
	_ =	sdelay $0x1  }
0x3a1: {  	v0 =	vmul.f32 v0, v36;
	_ =	sdelay $0x1  }
0x3a2: {  	v0 =	vadd.f32 v0, v8;
	_ =	sdelay $0x1  }
0x3a3: {  	[tilespmem:s19+$0x20] =	vst v0  }
0x3a4: {  	v0 =	vld [tilespmem:s9+$0x30]  }
0x3a5: {  	v2 =	vld [tilespmem:s0+$0x8330];
	_ =	sdelay $0x4  }
0x3a6: {  	v2 =	vsub.f32 v2, v0  }
0x3a7: {  	v8 =	vld [tilespmem:s19+$0x30]  }
0x3a8: {  	v2 =	vmul.f32 v2, v38;
	_ =	sdelay $0x1  }
0x3a9: {  	v0 =	vadd.f32 v2, v0;
	_ =	sdelay $0x1  }
0x3aa: {  	v0 =	vsub.f32 v0, v8;
	_ =	sdelay $0x1  }
0x3ab: {  	[tilespmem:s19+$0xFFFFFF00] =	vst v1;
	v0 =	vmul.f32 v0, v36  }
0x3ac: {  	v5 =	vld [tilespmem:s29+$0x10]  }
0x3ad: {  	v7 =	vld [tilespmem:s29+$0x4010];
	v0 =	vadd.f32 v0, v8;
	_ =	sdelay $0x1  }
0x3ae: {  	[tilespmem:s19+$0x30] =	vst v0  }
0x3af: {  	v0 =	vld [tilespmem:s9+$0x40]  }
0x3b0: {  	v2 =	vld [tilespmem:s0+$0x8340]  }
0x3b1: {  	v7 =	vsub.f32 v7, v5  }
0x3b2: {  	v3 =	vld [tilespmem:s19+$0xFFFFFF10]  }
0x3b3: {  	v7 =	vmul.f32 v7, v12;
	_ =	sdelay $0x1  }
0x3b4: {  	v5 =	vadd.f32 v7, v5;
	v2 =	vsub.f32 v2, v0  }
0x3b5: {  	v7 =	vld [tilespmem:s19+$0x40]  }
0x3b6: {  	v8 =	vsub.f32 v5, v3;
	v2 =	vmul.f32 v2, v38;
	_ =	sdelay $0x1  }
0x3b7: {  	v6 =	vld [tilespmem:s19+$0xFFFFFF30];
	v8 =	vmul.f32 v8, v11;
	v10 =	vadd.f32 v2, v0  }
0x3b8: {  	v24 =	vld [tilespmem:s19+$0xFFFFFF80]  }
0x3b9: {  	v4 =	vld [tilespmem:s19+$0xFFFFFF20];
	v3 =	vadd.f32 v8, v3;
	v8 =	vsub.f32 v10, v7  }
0x3ba: {  	v1 =	vld [tilespmem:s19+$0xFFFFFF40]  }
0x3bb: {  	v5 =	vld [tilespmem:s19+$0xFFFFFF50];
	[tilespmem:s19+$0xFFFFFF10] =	vst v3;
	v3 =	vmul.f32 v8, v36  }
0x3bc: {  	v10 =	vld [tilespmem:s29+$0x4020]  }
0x3bd: {  	v8 =	vld [tilespmem:s29+$0x20];
	v3 =	vadd.f32 v3, v7  }
0x3be: {  	v2 =	vld [tilespmem:s19+$0xFFFFFF60]  }
0x3bf: {  	v0 =	vld [tilespmem:s19+$0xFFFFFF70];
	[tilespmem:s19+$0x40] =	vst v3  }
0x3c0: {  	s7 =	simm.s32 $0x4300;
	v3 =	vld [tilespmem:s9+$0x50]  }
0x3c1: {  	s1 =	sand.u32 $0x7800, s7;
	s8 =	simm.s32 $0x200;
	s10 =	simm.s32 $0x2180;
	v7 =	vld [tilespmem:s0+$0x8350]  }
0x3c2: {  	s2 =	sand.u32 $0x3800, s8;
	s11 =	simm.s32 $0x180;
	s6 =	sand.u32 $0x380, s10;
	v10 =	vsub.f32 v10, v8  }
0x3c3: {  	s2 =	sor.u32 $0x8300, s2;
	s7 =	sand.u32 $0x380, s11;
	s1 =	sor.u32 s6, s1  }
0x3c4: {  	s7 =	sadd.s32 s7, s2;
	v13 =	vld [tilespmem:s1+$0x8300];
	v10 =	vmul.f32 v10, v12  }
0x3c5: {  	s12 =	simm.s32 $0x10483;
	v14 =	vld [tilespmem:s7+$0x0]  }
0x3c6: {  	v45 =	vld.msk [tilespmem:s12+$0x0 ss:$0x0], $0xffff;
	v8 =	vadd.f32 v10, v8;
	v7 =	vsub.f32 v7, v3  }
0x3c7: {  	v10 =	vld [tilespmem:s19+$0x50]  }
0x3c8: {  	v8 =	vsub.f32 v8, v4;
	v7 =	vmul.f32 v7, v38;
	_ =	sdelay $0x1  }
0x3c9: {  	s20 =	simm.s32 $0x10800;
	v13 =	vsub.f32 v13, v14;
	v8 =	vmul.f32 v8, v11;
	v3 =	vadd.f32 v7, v3  }
0x3ca: {  	v7 =	vld [tilespmem:s20+$0x0]  }
0x3cb: {  	s13 =	simm.s32 $0x10403;
	v13 =	vmul.f32 v13, v45;
	v4 =	vadd.f32 v8, v4;
	v3 =	vsub.f32 v3, v10  }
0x3cc: {  	v48 =	vld.msk [tilespmem:s13+$0x0 ss:$0x0], $0xffff  }
0x3cd: {  	v8 =	vadd.f32 v13, v14;
	[tilespmem:s19+$0xFFFFFF20] =	vst v4;
	v3 =	vmul.f32 v3, v36  }
0x3ce: {  	v4 =	vld [tilespmem:s29+$0x30]  }
0x3cf: {  	v13 =	vld [tilespmem:s29+$0x4030];
	v8 =	vsub.f32 v8, v7;
	v3 =	vadd.f32 v3, v10;
	_ =	sdelay $0x1  }
0x3d0: {  	v8 =	vmul.f32 v8, v48;
	[tilespmem:s19+$0x50] =	vst v3  }
0x3d1: {  	v3 =	vld [tilespmem:s9+$0x60]  }
0x3d2: {  	v7 =	vadd.f32 v8, v7;
	v8 =	vld [tilespmem:s0+$0x8360]  }
0x3d3: {  	v22 =	vld [tilespmem:s19+$0xFFFFFF90];
	v10 =	vsub.f32 v13, v4  }
0x3d4: {  	v21 =	vld [tilespmem:s19+$0xFFFFFFA0];
	[tilespmem:s20+$0x0] =	vst v7  }
0x3d5: {  	v10 =	vmul.f32 v10, v12;
	v7 =	vld [tilespmem:s7+$0x10]  }
0x3d6: {  	v13 =	vld [tilespmem:s1+$0x8310]  }
0x3d7: {  	v9 =	vld [tilespmem:s19+$0xFFFFFFD0];
	v4 =	vadd.f32 v10, v4;
	v8 =	vsub.f32 v8, v3  }
0x3d8: {  	s11 =	simm.s32 $0x100;
	v10 =	vld [tilespmem:s19+$0x60]  }
0x3d9: {  	s11 =	sand.u32 $0x300, s11;
	v31 =	vld [tilespmem:s19+$0xFFFFFFB0];
	v4 =	vsub.f32 v4, v6;
	v8 =	vmul.f32 v8, v38  }
0x3da: {  	s21 =	sadd.s32 s11, s2;
	v30 =	vld [tilespmem:s19+$0xFFFFFFC0]  }
0x3db: {  	v15 =	vld [tilespmem:s21+$0x0];
	v13 =	vsub.f32 v13, v7;
	v4 =	vmul.f32 v4, v11;
	v3 =	vadd.f32 v8, v3  }
0x3dc: {  	v8 =	vld [tilespmem:s20+$0x10]  }
0x3dd: {  	v13 =	vmul.f32 v13, v45;
	v4 =	vadd.f32 v4, v6;
	v6 =	vld [tilespmem:s21+$0x4000];
	[tilespmem:$0x1FEA0] =	vst v9;
	v3 =	vsub.f32 v3, v10  }
0x3de: {  	v14 =	vld.msk [tilespmem:s12+$0xFFFFFFFF ss:$0x0], $0xffff  }
0x3df: {  	v9 =	vld [tilespmem:s19+$0xFFFFFFE0];
	v7 =	vadd.f32 v13, v7;
	[tilespmem:s19+$0xFFFFFF30] =	vst v4;
	v3 =	vmul.f32 v3, v36  }
0x3e0: {  	v4 =	vld [tilespmem:s29+$0x40]  }
0x3e1: {  	v16 =	vld [tilespmem:s29+$0x4040];
	v7 =	vsub.f32 v7, v8;
	v3 =	vadd.f32 v3, v10  }
0x3e2: {  	v13 =	vld.msk [tilespmem:s13+$0xFFFFFFFF ss:$0x0], $0xffff;
	v6 =	vsub.f32 v6, v15  }
0x3e3: {  	v10 =	vld [tilespmem:s20+$0xFFFFFF00];
	v7 =	vmul.f32 v7, v48;
	[tilespmem:s19+$0x60] =	vst v3  }
0x3e4: {  	v3 =	vmul.f32 v6, v14;
	v17 =	vld [tilespmem:s9+$0x70]  }
0x3e5: {  	v6 =	vadd.f32 v7, v8;
	v7 =	vld [tilespmem:s0+$0x8370]  }
0x3e6: {  	v8 =	vsub.f32 v16, v4;
	v3 =	vadd.f32 v3, v15  }
0x3e7: {  	[tilespmem:s20+$0x10] =	vst v6  }
0x3e8: {  	v6 =	vmul.f32 v8, v12;
	v16 =	vld [tilespmem:s7+$0x20];
	v3 =	vsub.f32 v3, v10  }
0x3e9: {  	v8 =	vld [tilespmem:s1+$0x8320]  }
0x3ea: {  	[tilespmem:$0x1FF30] =	vst v9;
	v4 =	vadd.f32 v6, v4;
	v3 =	vmul.f32 v3, v13;
	v6 =	vsub.f32 v7, v17  }
0x3eb: {  	v7 =	vld [tilespmem:s19+$0x70]  }
0x3ec: {  	v4 =	vsub.f32 v4, v1;
	v3 =	vadd.f32 v3, v10;
	v10 =	vmul.f32 v6, v38;
	_ =	sdelay $0x1  }
0x3ed: {  	v8 =	vsub.f32 v8, v16;
	v4 =	vmul.f32 v4, v11;
	[tilespmem:s20+$0xFFFFFF00] =	vst v3;
	v3 =	vadd.f32 v10, v17;
	v10 =	vld [tilespmem:s20+$0x20]  }
0x3ee: {  	v17 =	vld [tilespmem:s21+$0x10]  }
0x3ef: {  	v8 =	vmul.f32 v8, v45;
	v1 =	vadd.f32 v4, v1;
	v4 =	vld [tilespmem:s21+$0x4010];
	v3 =	vsub.f32 v3, v7;
	_ =	sdelay $0x1  }
0x3f0: {  	v8 =	vadd.f32 v8, v16;
	[tilespmem:s19+$0xFFFFFF40] =	vst v1;
	v1 =	vmul.f32 v3, v36  }
0x3f1: {  	v16 =	vld [tilespmem:s29+$0x50]  }
0x3f2: {  	v3 =	vsub.f32 v8, v10;
	v8 =	vld [tilespmem:s29+$0x4050];
	v1 =	vadd.f32 v1, v7  }
0x3f3: {  	v4 =	vsub.f32 v4, v17  }
0x3f4: {  	v18 =	vld [tilespmem:s20+$0xFFFFFF10];
	v3 =	vmul.f32 v3, v48;
	[tilespmem:s19+$0x70] =	vst v1  }
0x3f5: {  	v1 =	vmul.f32 v4, v14;
	v7 =	vld [tilespmem:s9+$0x400]  }
0x3f6: {  	v3 =	vadd.f32 v3, v10;
	v10 =	vld [tilespmem:s0+$0x8700]  }
0x3f7: {  	v8 =	vsub.f32 v8, v16;
	v1 =	vadd.f32 v1, v17  }
0x3f8: {  	[tilespmem:s20+$0x20] =	vst v3  }
0x3f9: {  	v17 =	vld [tilespmem:s7+$0x30];
	v8 =	vmul.f32 v8, v12;
	v20 =	vsub.f32 v1, v18  }
0x3fa: {  	v25 =	vld [tilespmem:s1+$0x8330]  }
0x3fb: {  	v8 =	vadd.f32 v8, v16;
	v16 =	vmul.f32 v20, v13;
	v10 =	vsub.f32 v10, v7  }
0x3fc: {  	v20 =	vld [tilespmem:s19+$0x80]  }
0x3fd: {  	v8 =	vsub.f32 v8, v5;
	v16 =	vadd.f32 v16, v18;
	v10 =	vmul.f32 v10, v38;
	_ =	sdelay $0x1  }
0x3fe: {  	v18 =	vsub.f32 v25, v17;
	v8 =	vmul.f32 v8, v11;
	[tilespmem:s20+$0xFFFFFF10] =	vst v16;
	v7 =	vadd.f32 v10, v7;
	v10 =	vld [tilespmem:s20+$0x30]  }
0x3ff: {  	v16 =	vld [tilespmem:s21+$0x20]  }
0x400: {  	v18 =	vmul.f32 v18, v45;
	v5 =	vadd.f32 v8, v5;
	v8 =	vld [tilespmem:s21+$0x4020];
	v7 =	vsub.f32 v7, v20;
	_ =	sdelay $0x1  }
0x401: {  	v19 =	vld [tilespmem:s20+$0xFFFFFF20];
	v17 =	vadd.f32 v18, v17;
	[tilespmem:s19+$0xFFFFFF50] =	vst v5;
	v5 =	vmul.f32 v7, v36  }
0x402: {  	v7 =	vld [tilespmem:s29+$0x60]  }
0x403: {  	v17 =	vsub.f32 v17, v10;
	v18 =	vld [tilespmem:s29+$0x4060];
	v5 =	vadd.f32 v5, v20  }
0x404: {  	v15 =	vld [tilespmem:s19+$0xFFFFFFF0];
	v8 =	vsub.f32 v8, v16  }
0x405: {  	v23 =	vld [tilespmem:s20+$0xFFFFFF70];
	v17 =	vmul.f32 v17, v48;
	[tilespmem:s19+$0x80] =	vst v5  }
0x406: {  	v5 =	vmul.f32 v8, v14;
	v8 =	vld [tilespmem:s9+$0x410]  }
0x407: {  	v10 =	vadd.f32 v17, v10;
	v17 =	vld [tilespmem:s0+$0x8710]  }
0x408: {  	v34 =	vld [tilespmem:s20+$0xFFFFFF80];
	v18 =	vsub.f32 v18, v7;
	v5 =	vadd.f32 v5, v16  }
0x409: {  	v33 =	vld [tilespmem:s20+$0xFFFFFF90];
	[tilespmem:s20+$0x30] =	vst v10  }
0x40a: {  	v10 =	vld [tilespmem:s7+$0x40];
	v16 =	vmul.f32 v18, v12;
	v5 =	vsub.f32 v5, v19  }
0x40b: {  	v18 =	vld [tilespmem:s1+$0x8340]  }
0x40c: {  	v32 =	vld [tilespmem:s20+$0xFFFFFFA0];
	v7 =	vadd.f32 v16, v7;
	v16 =	vsub.f32 v17, v8;
	v5 =	vmul.f32 v5, v13  }
0x40d: {  	v17 =	vld [tilespmem:s19+$0x90]  }
0x40e: {  	v51 =	vld [tilespmem:s20+$0xFFFFFFB0];
	v7 =	vsub.f32 v7, v2;
	v16 =	vmul.f32 v16, v38;
	v5 =	vadd.f32 v5, v19  }
0x40f: {  	v9 =	vld [tilespmem:s20+$0xFFFFFFC0]  }
0x410: {  	v18 =	vsub.f32 v18, v10;
	v7 =	vmul.f32 v7, v11;
	[tilespmem:s20+$0xFFFFFF20] =	vst v5;
	v5 =	vadd.f32 v16, v8;
	v8 =	vld [tilespmem:s20+$0x40]  }
0x411: {  	v16 =	vld [tilespmem:s21+$0x30]  }
0x412: {  	v18 =	vmul.f32 v18, v45;
	v2 =	vadd.f32 v7, v2;
	v7 =	vld [tilespmem:s21+$0x4030];
	v5 =	vsub.f32 v5, v17  }
0x413: {  	v6 =	vld [tilespmem:s20+$0xFFFFFF30]  }
0x414: {  	v4 =	vld [tilespmem:s20+$0xFFFFFF40];
	v10 =	vadd.f32 v18, v10;
	[tilespmem:s19+$0xFFFFFF60] =	vst v2;
	v2 =	vmul.f32 v5, v36  }
0x415: {  	v3 =	vld [tilespmem:s20+$0xFFFFFF50]  }
0x416: {  	v1 =	vld [tilespmem:s20+$0xFFFFFF60];
	v10 =	vsub.f32 v10, v8;
	v2 =	vadd.f32 v2, v17  }
0x417: {  	v5 =	vld [tilespmem:s29+$0x70];
	v7 =	vsub.f32 v7, v16  }
0x418: {  	v18 =	vld [tilespmem:s29+$0x4070];
	v10 =	vmul.f32 v10, v48;
	[tilespmem:s19+$0x90] =	vst v2  }
0x419: {  	v2 =	vmul.f32 v7, v14;
	v7 =	vld [tilespmem:s9+$0x420]  }
0x41a: {  	v8 =	vadd.f32 v10, v8;
	v10 =	vld [tilespmem:s0+$0x8720];
	[tilespmem:$0x1FEE0] =	vst v9  }
0x41b: {  	v9 =	vld [tilespmem:s20+$0xFFFFFFD0];
	_ =	sdelay $0x1  }
0x41c: {  	v2 =	vadd.f32 v2, v16;
	v16 =	vsub.f32 v18, v5;
	[tilespmem:s20+$0x40] =	vst v8  }
0x41d: {  	s22 =	simm.s32 $0x4500;
	v8 =	vld [tilespmem:s7+$0x50]  }
0x41e: {  	s25 =	simm.s32 $0x280;
	s23 =	simm.s32 $0x400;
	s24 =	simm.s32 $0x2280;
	v2 =	vsub.f32 v2, v6;
	v16 =	vmul.f32 v16, v12;
	v17 =	vld [tilespmem:s1+$0x8350]  }
0x41f: {  	s2 =	sand.u32 $0x7800, s22;
	s10 =	sand.u32 $0x380, s24;
	s6 =	sand.u32 $0x3800, s23;
	[tilespmem:$0x1FF40] =	vst v9  }
0x420: {  	s26 =	sand.u32 $0x380, s25;
	s2 =	sor.u32 s10, s2;
	s12 =	sor.u32 $0x8300, s6;
	v2 =	vmul.f32 v2, v13;
	v5 =	vadd.f32 v16, v5;
	v10 =	vsub.f32 v10, v7;
	v18 =	vld [tilespmem:s19+$0xA0]  }
0x421: {  	s6 =	sadd.s32 s26, s12;
	v16 =	vld [tilespmem:s2+$0x8300]  }
0x422: {  	v2 =	vadd.f32 v2, v6;
	v5 =	vsub.f32 v5, v0;
	v6 =	vmul.f32 v10, v38;
	v10 =	vld [tilespmem:s6+$0x0]  }
0x423: {  	s8 =	simm.s32 $0x10485;
	v19 =	vld [tilespmem:s20+$0x50];
	v17 =	vsub.f32 v17, v8  }
0x424: {  	v49 =	vld.msk [tilespmem:s8+$0x0 ss:$0x0], $0xffff;
	[tilespmem:s20+$0xFFFFFF30] =	vst v2;
	v2 =	vmul.f32 v5, v11;
	v5 =	vadd.f32 v6, v7  }
0x425: {  	v7 =	vmul.f32 v17, v45  }
0x426: {  	v0 =	vadd.f32 v2, v0;
	v2 =	vsub.f32 v5, v18  }
0x427: {  	s22 =	simm.s32 $0x10A00;
	v6 =	vld [tilespmem:s21+$0x40];
	v5 =	vadd.f32 v7, v8;
	v7 =	vsub.f32 v16, v10  }
0x428: {  	s23 =	simm.s32 $0x200;
	[tilespmem:s19+$0xFFFFFF70] =	vst v0;
	v0 =	vld [tilespmem:s22+$0x0]  }
0x429: {  	s11 =	sand.u32 $0x300, s23;
	s13 =	simm.s32 $0x10405;
	v17 =	vld [tilespmem:s21+$0x4040];
	v2 =	vmul.f32 v2, v36;
	v5 =	vsub.f32 v5, v19;
	v7 =	vmul.f32 v7, v49  }
0x42a: {  	s23 =	sadd.s32 s11, s12;
	v16 =	vld.msk [tilespmem:s13+$0x0 ss:$0x0], $0xffff  }
0x42b: {  	v25 =	vld [tilespmem:s23+$0x0];
	v2 =	vadd.f32 v2, v18;
	v5 =	vmul.f32 v5, v48;
	v7 =	vadd.f32 v7, v10  }
0x42c: {  	v10 =	vld [tilespmem:s23+$0x4000]  }
0x42d: {  	v18 =	vld.msk [tilespmem:s8+$0xFFFFFFFF ss:$0x0], $0xffff;
	[tilespmem:s19+$0xA0] =	vst v2;
	v2 =	vadd.f32 v5, v19;
	v5 =	vsub.f32 v7, v0  }
0x42e: {  	v7 =	vld [tilespmem:s9+$0x430]  }
0x42f: {  	v17 =	vsub.f32 v17, v6;
	v19 =	vld [tilespmem:s0+$0x8730];
	[tilespmem:s20+$0x50] =	vst v2;
	v2 =	vmul.f32 v5, v16  }
0x430: {  	v5 =	vld [tilespmem:s7+$0x60]  }
0x431: {  	v27 =	vmul.f32 v17, v14;
	v26 =	vld [tilespmem:s1+$0x8360];
	v0 =	vadd.f32 v2, v0  }
0x432: {  	v17 =	vld.msk [tilespmem:s13+$0xFFFFFFFF ss:$0x0], $0xffff;
	v2 =	vsub.f32 v10, v25  }
0x433: {  	v6 =	vadd.f32 v27, v6;
	v10 =	vld [tilespmem:s22+$0xFFFFFF00];
	[tilespmem:s22+$0x0] =	vst v0  }
0x434: {  	v0 =	vmul.f32 v2, v18;
	v2 =	vld [tilespmem:s6+$0x10]  }
0x435: {  	v6 =	vsub.f32 v6, v4;
	v19 =	vsub.f32 v19, v7;
	v27 =	vld [tilespmem:s2+$0x8310]  }
0x436: {  	v0 =	vadd.f32 v0, v25;
	v25 =	vld [tilespmem:s19+$0xB0];
	v26 =	vsub.f32 v26, v5  }
0x437: {  	v29 =	vld [tilespmem:s20+$0x60];
	v28 =	vmul.f32 v19, v38  }
0x438: {  	v20 =	vld [tilespmem:s20+$0xFFFFFFE0];
	v6 =	vmul.f32 v6, v13;
	v0 =	vsub.f32 v0, v10;
	v26 =	vmul.f32 v26, v45  }
0x439: {  	v37 =	vld [tilespmem:s22+$0xFFFFFF60];
	v7 =	vadd.f32 v28, v7  }
0x43a: {  	v35 =	vld [tilespmem:s22+$0xFFFFFF70];
	v4 =	vadd.f32 v6, v4;
	v0 =	vmul.f32 v0, v17;
	v5 =	vadd.f32 v26, v5  }
0x43b: {  	v8 =	vld [tilespmem:s29+$0x400];
	v26 =	vsub.f32 v27, v2;
	v6 =	vsub.f32 v7, v25  }
0x43c: {  	v7 =	vld [tilespmem:s22+$0x10];
	v0 =	vadd.f32 v0, v10;
	v5 =	vsub.f32 v5, v29  }
0x43d: {  	v60 =	vld [tilespmem:s29+$0x4400];
	[tilespmem:s20+$0xFFFFFF40] =	vst v4;
	v10 =	vmul.f32 v26, v49;
	v6 =	vmul.f32 v6, v36  }
0x43e: {  	v26 =	vld [tilespmem:s21+$0x50];
	[tilespmem:s22+$0xFFFFFF00] =	vst v0;
	v0 =	vmul.f32 v5, v48  }
0x43f: {  	v2 =	vadd.f32 v10, v2;
	v5 =	vld [tilespmem:s23+$0x10];
	v6 =	vadd.f32 v6, v25  }
0x440: {  	v10 =	vld [tilespmem:s23+$0x4010];
	v0 =	vadd.f32 v0, v29  }
0x441: {  	v25 =	vld [tilespmem:s21+$0x4050];
	v2 =	vsub.f32 v2, v7;
	[tilespmem:s19+$0xB0] =	vst v6  }
0x442: {  	v6 =	vsub.f32 v60, v8;
	v29 =	vld [tilespmem:s9+$0x440];
	[tilespmem:s20+$0x60] =	vst v0  }
0x443: {  	v0 =	vmul.f32 v2, v16;
	v39 =	vld [tilespmem:s7+$0x70]  }
0x444: {  	v2 =	vmul.f32 v6, v12;
	v6 =	vld [tilespmem:s1+$0x8370]  }
0x445: {  	v0 =	vadd.f32 v0, v7;
	v7 =	vsub.f32 v10, v5;
	v10 =	vld [tilespmem:s0+$0x8740]  }
0x446: {  	v28 =	vld [tilespmem:s22+$0xFFFFFF10];
	v25 =	vsub.f32 v25, v26;
	v8 =	vadd.f32 v2, v8  }
0x447: {  	v52 =	vld [tilespmem:s22+$0xFFFFFF80];
	[tilespmem:s22+$0x10] =	vst v0;
	v7 =	vmul.f32 v7, v18  }
0x448: {  	v25 =	vmul.f32 v25, v14;
	v40 =	vld [tilespmem:s6+$0x20];
	v8 =	vsub.f32 v8, v24  }
0x449: {  	v41 =	vld [tilespmem:s2+$0x8320];
	v5 =	vadd.f32 v7, v5;
	v6 =	vsub.f32 v6, v39  }
0x44a: {  	v7 =	vmul.f32 v8, v11;
	v8 =	vadd.f32 v25, v26;
	v10 =	vsub.f32 v10, v29;
	v25 =	vld [tilespmem:s20+$0x70]  }
0x44b: {  	v43 =	vld [tilespmem:s22+$0xFFFFFF90];
	v5 =	vsub.f32 v5, v28;
	v6 =	vmul.f32 v6, v45  }
0x44c: {  	v7 =	vadd.f32 v7, v24;
	v24 =	vld [tilespmem:s19+$0xC0];
	v10 =	vmul.f32 v10, v38  }
0x44d: {  	v61 =	vld [tilespmem:s19+$0xD0];
	v8 =	vsub.f32 v8, v3;
	v5 =	vmul.f32 v5, v17;
	v6 =	vadd.f32 v6, v39  }
0x44e: {  	v9 =	vld [tilespmem:s22+$0xFFFFFFA0];
	v26 =	vsub.f32 v41, v40;
	v10 =	vadd.f32 v10, v29  }
0x44f: {  	v8 =	vmul.f32 v8, v13;
	v29 =	vld [tilespmem:s22+$0x20];
	v5 =	vadd.f32 v5, v28;
	v6 =	vsub.f32 v6, v25  }
0x450: {  	v27 =	vld [tilespmem:s22+$0xFFFFFF20];
	[tilespmem:s19+$0xFFFFFF80] =	vst v7;
	v7 =	vmul.f32 v26, v49  }
0x451: {  	v26 =	vld [tilespmem:s29+$0x410];
	v3 =	vadd.f32 v8, v3;
	v10 =	vsub.f32 v10, v24;
	[tilespmem:s22+$0xFFFFFF10] =	vst v5;
	v5 =	vmul.f32 v6, v48  }
0x452: {  	v8 =	vld [tilespmem:s29+$0x4410];
	v6 =	vadd.f32 v7, v40  }
0x453: {  	v7 =	vld [tilespmem:s23+$0x20];
	[tilespmem:s20+$0xFFFFFF50] =	vst v3;
	v3 =	vmul.f32 v10, v36;
	v5 =	vadd.f32 v5, v25  }
0x454: {  	v10 =	vld [tilespmem:s23+$0x4020];
	v6 =	vsub.f32 v6, v29  }
0x455: {  	v25 =	vld [tilespmem:s21+$0x60];
	v3 =	vadd.f32 v3, v24;
	[tilespmem:s20+$0x70] =	vst v5  }
0x456: {  	v5 =	vmul.f32 v6, v16;
	v6 =	vld [tilespmem:s7+$0x400]  }
0x457: {  	v8 =	vsub.f32 v8, v26;
	[tilespmem:s19+$0xC0] =	vst v3;
	v3 =	vld [tilespmem:s1+$0x8700]  }
0x458: {  	v24 =	vld [tilespmem:s21+$0x4060];
	v5 =	vadd.f32 v5, v29  }
0x459: {  	v8 =	vmul.f32 v8, v12;
	v28 =	vld [tilespmem:s9+$0x450];
	v10 =	vsub.f32 v10, v7  }
0x45a: {  	v29 =	vld [tilespmem:s0+$0x8750];
	[tilespmem:s22+$0x20] =	vst v5  }
0x45b: {  	v8 =	vadd.f32 v8, v26;
	v5 =	vld [tilespmem:s6+$0x30];
	v10 =	vmul.f32 v10, v18  }
0x45c: {  	v26 =	vld [tilespmem:s2+$0x8330];
	v3 =	vsub.f32 v3, v6  }
0x45d: {  	v8 =	vsub.f32 v8, v22;
	v7 =	vadd.f32 v10, v7;
	v10 =	vld [tilespmem:s20+$0x80]  }
0x45e: {  	v19 =	vld [tilespmem:s20+$0xFFFFFFF0];
	v24 =	vsub.f32 v24, v25;
	v3 =	vmul.f32 v3, v45  }
0x45f: {  	v4 =	vld [tilespmem:s22+$0xFFFFFF30];
	v8 =	vmul.f32 v8, v11;
	v29 =	vsub.f32 v29, v28  }
0x460: {  	v2 =	vld [tilespmem:s22+$0xFFFFFF40];
	v24 =	vmul.f32 v24, v14;
	v7 =	vsub.f32 v7, v27;
	v3 =	vadd.f32 v3, v6  }
0x461: {  	v0 =	vld [tilespmem:s22+$0xFFFFFF50];
	v8 =	vadd.f32 v8, v22;
	v22 =	vmul.f32 v29, v38;
	v6 =	vsub.f32 v26, v5  }
0x462: {  	v24 =	vadd.f32 v24, v25;
	v7 =	vmul.f32 v7, v17;
	v26 =	vld [tilespmem:s22+$0x30];
	[tilespmem:$0x1FF00] =	vst v9;
	v3 =	vsub.f32 v3, v10  }
0x463: {  	[tilespmem:s19+$0xFFFFFF90] =	vst v8;
	v8 =	vadd.f32 v22, v28;
	v6 =	vmul.f32 v6, v49  }
0x464: {  	v24 =	vsub.f32 v24, v1;
	v7 =	vadd.f32 v7, v27;
	v3 =	vmul.f32 v3, v48  }
0x465: {  	v5 =	vadd.f32 v6, v5;
	v6 =	vsub.f32 v8, v61  }
0x466: {  	v22 =	vld [tilespmem:s29+$0x420];
	v8 =	vmul.f32 v24, v13;
	v3 =	vadd.f32 v3, v10  }
0x467: {  	[tilespmem:s22+$0xFFFFFF20] =	vst v7;
	v7 =	vld [tilespmem:s29+$0x4420];
	v5 =	vsub.f32 v5, v26;
	v6 =	vmul.f32 v6, v36  }
0x468: {  	v24 =	vld [tilespmem:s23+$0x30];
	v1 =	vadd.f32 v8, v1;
	[tilespmem:s20+$0x80] =	vst v3  }
0x469: {  	v3 =	vmul.f32 v5, v16;
	v5 =	vadd.f32 v6, v61;
	v6 =	vld [tilespmem:s7+$0x410]  }
0x46a: {  	[tilespmem:s20+$0xFFFFFF60] =	vst v1;
	v1 =	vld [tilespmem:s1+$0x8710]  }
0x46b: {  	v10 =	vld [tilespmem:s23+$0x4030];
	v3 =	vadd.f32 v3, v26;
	[tilespmem:s19+$0xD0] =	vst v5  }
0x46c: {  	v5 =	vsub.f32 v7, v22;
	v7 =	vld [tilespmem:s9+$0x460]  }
0x46d: {  	v26 =	vld [tilespmem:s0+$0x8760];
	[tilespmem:s22+$0x30] =	vst v3  }
0x46e: {  	v3 =	vld [tilespmem:s6+$0x40]  }
0x46f: {  	v25 =	vld [tilespmem:s2+$0x8340];
	v1 =	vsub.f32 v1, v6;
	_ =	sdelay $0x1  }
0x470: {  	v5 =	vmul.f32 v5, v12;
	v1 =	vmul.f32 v1, v45  }
0x471: {  	v10 =	vsub.f32 v10, v24  }
0x472: {  	v62 =	vld [tilespmem:s19+$0xE0];
	v5 =	vadd.f32 v5, v22;
	v1 =	vadd.f32 v1, v6  }
0x473: {  	v10 =	vmul.f32 v10, v18;
	v22 =	vld [tilespmem:s20+$0x90];
	v6 =	vsub.f32 v25, v3;
	v25 =	vsub.f32 v26, v7  }
0x474: {  	v8 =	vld [tilespmem:s21+$0x70]  }
0x475: {  	v10 =	vadd.f32 v10, v24;
	v24 =	vld [tilespmem:s21+$0x4070];
	v25 =	vmul.f32 v25, v38  }
0x476: {  	v5 =	vsub.f32 v5, v21  }
0x477: {  	v10 =	vsub.f32 v10, v4;
	v7 =	vadd.f32 v25, v7  }
0x478: {  	v5 =	vmul.f32 v5, v11;
	v26 =	vld [tilespmem:s22+$0x40];
	v1 =	vsub.f32 v1, v22  }
0x479: {  	v29 =	vld [tilespmem:s22+$0xFFFFFFB0];
	v10 =	vmul.f32 v10, v17;
	v6 =	vmul.f32 v6, v49;
	v7 =	vsub.f32 v7, v62  }
0x47a: {  	v28 =	vld [tilespmem:s22+$0xFFFFFFC0];
	v24 =	vsub.f32 v24, v8;
	v5 =	vadd.f32 v5, v21;
	v1 =	vmul.f32 v1, v48  }
0x47b: {  	v27 =	vld [tilespmem:s22+$0xFFFFFFD0];
	v4 =	vadd.f32 v10, v4;
	v6 =	vadd.f32 v6, v3;
	v7 =	vmul.f32 v7, v36  }
0x47c: {  	[tilespmem:s19+$0xFFFFFFA0] =	vst v5;
	v5 =	vmul.f32 v24, v14;
	v25 =	vld [tilespmem:s22+$0xFFFFFFE0];
	v1 =	vadd.f32 v1, v22  }
0x47d: {  	[tilespmem:s22+$0xFFFFFF30] =	vst v4;
	v3 =	vld [tilespmem:s29+$0x430];
	v4 =	vsub.f32 v6, v26;
	v7 =	vadd.f32 v7, v62  }
0x47e: {  	v6 =	vld [tilespmem:s23+$0x40];
	v5 =	vadd.f32 v5, v8;
	[tilespmem:s20+$0x90] =	vst v1  }
0x47f: {  	v8 =	vld [tilespmem:s23+$0x4040];
	v1 =	vmul.f32 v4, v16;
	[tilespmem:s19+$0xE0] =	vst v7  }
0x480: {  	v5 =	vsub.f32 v5, v23;
	v9 =	vld [tilespmem:s9+$0x470]  }
0x481: {  	v10 =	vld [tilespmem:s7+$0x420];
	v1 =	vadd.f32 v1, v26  }
0x482: {  	v21 =	vld [tilespmem:s1+$0x8720];
	v5 =	vmul.f32 v5, v13  }
0x483: {  	s24 =	simm.s32 $0x4700;
	v4 =	vld [tilespmem:s29+$0x4430];
	[tilespmem:s22+$0x40] =	vst v1  }
0x484: {  	s25 =	simm.s32 $0x600;
	s10 =	sand.u32 $0x7800, s24;
	s26 =	simm.s32 $0x2380;
	v5 =	vadd.f32 v5, v23;
	v1 =	vld [tilespmem:s6+$0x50]  }
0x485: {  	s11 =	sand.u32 $0x380, s26;
	s8 =	simm.s32 $0x380;
	v7 =	vld [tilespmem:s2+$0x8350];
	s9 =	sand.u32 $0x3800, s25;
	[tilespmem:$0x1FEC0] =	vst v9  }
0x486: {  	s26 =	sor.u32 s11, s10;
	s12 =	sand.u32 $0x380, s8;
	s9 =	sor.u32 $0x8300, s9;
	[tilespmem:s20+$0xFFFFFF70] =	vst v5;
	v5 =	vld [tilespmem:s20+$0xA0]  }
0x487: {  	v21 =	vsub.f32 v21, v10;
	s28 =	sadd.s32 s12, s9;
	v22 =	vld [tilespmem:s26+$0x8300]  }
0x488: {  	s12 =	simm.s32 $0x300;
	v26 =	vld [tilespmem:s28+$0x0]  }
0x489: {  	s13 =	simm.s32 $0x10487;
	v21 =	vmul.f32 v21, v45;
	s10 =	sand.u32 $0x300, s12;
	v63 =	vld [tilespmem:s22+$0x50]  }
0x48a: {  	s25 =	sadd.s32 s10, s9;
	v7 =	vsub.f32 v7, v1;
	v23 =	vld.msk [tilespmem:s13+$0x0 ss:$0x0], $0xffff  }
0x48b: {  	v10 =	vadd.f32 v21, v10;
	v42 =	vld [tilespmem:s25+$0x0]  }
0x48c: {  	s24 =	simm.s32 $0x10C00;
	v24 =	vld.msk [tilespmem:s13+$0xFFFFFFFF ss:$0x0], $0xffff;
	v7 =	vmul.f32 v7, v49  }
0x48d: {  	v47 =	vld [tilespmem:s24+$0xFFFFFF00];
	v10 =	vsub.f32 v10, v5  }
0x48e: {  	v50 =	vld [tilespmem:s22+$0x60];
	v1 =	vadd.f32 v7, v1  }
0x48f: {  	v58 =	vld [tilespmem:s24+$0xFFFFFF50];
	v10 =	vmul.f32 v10, v48  }
0x490: {  	v7 =	vld [tilespmem:s25+$0x4000];
	v21 =	vsub.f32 v22, v26;
	v1 =	vsub.f32 v1, v63  }
0x491: {  	v5 =	vadd.f32 v10, v5;
	v10 =	vld [tilespmem:s24+$0x0]  }
0x492: {  	s8 =	simm.s32 $0x10407;
	v9 =	vld [tilespmem:s24+$0xFFFFFF60];
	v22 =	vmul.f32 v21, v23;
	v1 =	vmul.f32 v1, v16  }
0x493: {  	v21 =	vld.msk [tilespmem:s8+$0x0 ss:$0x0], $0xffff  }
0x494: {  	v1 =	vadd.f32 v1, v63;
	[tilespmem:s20+$0xA0] =	vst v5;
	v5 =	vadd.f32 v22, v26;
	v22 =	vld.msk [tilespmem:s8+$0xFFFFFFFF ss:$0x0], $0xffff  }
0x495: {  	v7 =	vsub.f32 v7, v42;
	v44 =	vld [tilespmem:s7+$0x430]  }
0x496: {  	v8 =	vsub.f32 v8, v6;
	[tilespmem:s22+$0x50] =	vst v1;
	v26 =	vld [tilespmem:s1+$0x8730];
	v5 =	vsub.f32 v5, v10  }
0x497: {  	v7 =	vmul.f32 v7, v24;
	v53 =	vld [tilespmem:s6+$0x60]  }
0x498: {  	v1 =	vmul.f32 v5, v21;
	v5 =	vmul.f32 v8, v18;
	v8 =	vld [tilespmem:s2+$0x8360]  }
0x499: {  	v39 =	vld [tilespmem:s21+$0x400];
	v7 =	vadd.f32 v7, v42  }
0x49a: {  	v41 =	vld [tilespmem:s21+$0x4400];
	v1 =	vadd.f32 v1, v10;
	v6 =	vadd.f32 v5, v6  }
0x49b: {  	v42 =	vld [tilespmem:s24+$0xFFFFFF10];
	v7 =	vsub.f32 v7, v47;
	v26 =	vsub.f32 v26, v44  }
0x49c: {  	v10 =	vld [tilespmem:s20+$0xB0];
	[tilespmem:s24+$0x0] =	vst v1;
	v1 =	vsub.f32 v6, v2  }
0x49d: {  	v5 =	vld [tilespmem:s24+$0xFFFFFF20];
	v26 =	vmul.f32 v26, v45;
	v6 =	vmul.f32 v7, v22;
	v8 =	vsub.f32 v8, v53  }
0x49e: {  	v7 =	vld [tilespmem:s28+$0x10];
	v55 =	vmul.f32 v1, v17  }
0x49f: {  	v54 =	vld [tilespmem:s26+$0x8310];
	v44 =	vadd.f32 v26, v44;
	v6 =	vadd.f32 v6, v47;
	v8 =	vmul.f32 v8, v49  }
0x4a0: {  	v26 =	vld [tilespmem:s22+$0xFFFFFFF0];
	v2 =	vadd.f32 v55, v2  }
0x4a1: {  	v1 =	vld [tilespmem:s24+$0xFFFFFF30];
	[tilespmem:s24+$0xFFFFFF00] =	vst v6;
	v6 =	vsub.f32 v44, v10;
	v8 =	vadd.f32 v8, v53  }
0x4a2: {  	v60 =	vld [tilespmem:s25+$0x10]  }
0x4a3: {  	v61 =	vld [tilespmem:s25+$0x4010];
	[tilespmem:s22+$0xFFFFFF40] =	vst v2;
	v2 =	vmul.f32 v6, v48;
	v8 =	vsub.f32 v8, v50  }
0x4a4: {  	v53 =	vld [tilespmem:s24+$0xFFFFFF40]  }
0x4a5: {  	v6 =	vld [tilespmem:s24+$0x10];
	v2 =	vadd.f32 v2, v10;
	v8 =	vmul.f32 v8, v16  }
0x4a6: {  	v62 =	vsub.f32 v54, v7;
	v63 =	vld [tilespmem:s23+$0x50]  }
0x4a7: {  	v10 =	vld [tilespmem:s23+$0x4050];
	[tilespmem:s20+$0xB0] =	vst v2;
	v2 =	vadd.f32 v8, v50  }
0x4a8: {  	v57 =	vmul.f32 v62, v23;
	v8 =	vld [tilespmem:s7+$0x440]  }
0x4a9: {  	v41 =	vsub.f32 v41, v39;
	v47 =	vld [tilespmem:s1+$0x8740];
	[tilespmem:s22+$0x60] =	vst v2  }
0x4aa: {  	v7 =	vadd.f32 v57, v7;
	v40 =	vld [tilespmem:s6+$0x70]  }
0x4ab: {  	v41 =	vmul.f32 v41, v14;
	v50 =	vld [tilespmem:s2+$0x8370];
	[tilespmem:$0x1FEB0] =	vst v9  }
0x4ac: {  	v46 =	vsub.f32 v61, v60;
	v7 =	vsub.f32 v7, v6;
	v9 =	vld [tilespmem:s24+$0xFFFFFF70]  }
0x4ad: {  	v39 =	vadd.f32 v41, v39  }
0x4ae: {  	v2 =	vmul.f32 v46, v24;
	v7 =	vmul.f32 v7, v21  }
0x4af: {  	v39 =	vsub.f32 v39, v34;
	v10 =	vsub.f32 v10, v63  }
0x4b0: {  	v2 =	vadd.f32 v2, v60;
	v6 =	vadd.f32 v7, v6  }
0x4b1: {  	v10 =	vmul.f32 v10, v18;
	v7 =	vmul.f32 v39, v13;
	v57 =	vsub.f32 v47, v8;
	[tilespmem:$0x1FF20] =	vst v9  }
0x4b2: {  	v2 =	vsub.f32 v2, v42;
	v59 =	vld [tilespmem:s20+$0xC0];
	[tilespmem:s24+$0x10] =	vst v6  }
0x4b3: {  	v60 =	vmul.f32 v57, v45;
	v6 =	vadd.f32 v7, v34;
	v7 =	vadd.f32 v10, v63;
	v10 =	vld [tilespmem:s28+$0x20]  }
0x4b4: {  	v2 =	vmul.f32 v2, v22;
	v62 =	vsub.f32 v50, v40;
	v61 =	vld [tilespmem:s26+$0x8320]  }
0x4b5: {  	v63 =	vld [tilespmem:s22+$0x70];
	v7 =	vsub.f32 v7, v0;
	[tilespmem:s20+$0xFFFFFF80] =	vst v6;
	v6 =	vadd.f32 v60, v8  }
0x4b6: {  	v2 =	vadd.f32 v2, v42;
	v8 =	vmul.f32 v62, v49  }
0x4b7: {  	v46 =	vld [tilespmem:s21+$0x410];
	v7 =	vmul.f32 v7, v17;
	v6 =	vsub.f32 v6, v59  }
0x4b8: {  	[tilespmem:s24+$0xFFFFFF10] =	vst v2;
	v47 =	vld [tilespmem:s21+$0x4410];
	v2 =	vadd.f32 v8, v40  }
0x4b9: {  	v50 =	vld [tilespmem:s25+$0x4020];
	v39 =	vsub.f32 v61, v10;
	v0 =	vadd.f32 v7, v0;
	v6 =	vmul.f32 v6, v48  }
0x4ba: {  	v7 =	vld [tilespmem:s24+$0x20];
	v2 =	vsub.f32 v2, v63  }
0x4bb: {  	v4 =	vsub.f32 v4, v3;
	v8 =	vld [tilespmem:s25+$0x20];
	v39 =	vmul.f32 v39, v23;
	[tilespmem:s22+$0xFFFFFF50] =	vst v0;
	v0 =	vadd.f32 v6, v59  }
0x4bc: {  	v2 =	vmul.f32 v2, v16  }
0x4bd: {  	v4 =	vmul.f32 v4, v12;
	v57 =	vsub.f32 v47, v46;
	v10 =	vadd.f32 v39, v10;
	[tilespmem:s20+$0xC0] =	vst v0  }
0x4be: {  	v0 =	vadd.f32 v2, v63;
	v2 =	vld [tilespmem:s7+$0x450]  }
0x4bf: {  	v3 =	vadd.f32 v4, v3;
	v4 =	vmul.f32 v57, v14;
	v10 =	vsub.f32 v10, v7;
	v61 =	vld [tilespmem:s1+$0x8750]  }
0x4c0: {  	v44 =	vld [tilespmem:s24+$0xFFFFFF80];
	v60 =	vsub.f32 v50, v8  }
0x4c1: {  	v3 =	vsub.f32 v3, v31;
	v42 =	vld [tilespmem:s24+$0xFFFFFF90];
	v4 =	vadd.f32 v4, v46;
	[tilespmem:s22+$0x70] =	vst v0;
	v0 =	vmul.f32 v10, v21  }
0x4c2: {  	v41 =	vld [tilespmem:s24+$0xFFFFFFA0];
	v62 =	vmul.f32 v60, v24  }
0x4c3: {  	v3 =	vmul.f32 v3, v11;
	v6 =	vld [tilespmem:s23+$0x60];
	v4 =	vsub.f32 v4, v33;
	v0 =	vadd.f32 v0, v7  }
0x4c4: {  	v59 =	vld [tilespmem:s23+$0x4060];
	v7 =	vadd.f32 v62, v8;
	v8 =	vsub.f32 v61, v2  }
0x4c5: {  	v46 =	vld [tilespmem:s20+$0xD0];
	[tilespmem:s24+$0x20] =	vst v0;
	v0 =	vadd.f32 v3, v31  }
0x4c6: {  	v10 =	vld [tilespmem:s6+$0x400];
	v3 =	vmul.f32 v4, v13;
	v4 =	vsub.f32 v7, v5;
	v8 =	vmul.f32 v8, v45  }
0x4c7: {  	v63 =	vld [tilespmem:s2+$0x8700]  }
0x4c8: {  	v39 =	vld [tilespmem:s24+$0xFFFFFFB0];
	[tilespmem:s19+$0xFFFFFFB0] =	vst v0;
	v0 =	vadd.f32 v3, v33;
	v3 =	vmul.f32 v4, v22;
	v2 =	vadd.f32 v8, v2  }
0x4c9: {  	v7 =	vld [tilespmem:s28+$0x30]  }
0x4ca: {  	v31 =	vld [tilespmem:s26+$0x8330];
	[tilespmem:s20+$0xFFFFFF90] =	vst v0;
	v0 =	vadd.f32 v3, v5;
	v2 =	vsub.f32 v2, v46  }
0x4cb: {  	v4 =	vld [tilespmem:s22+$0x80]  }
0x4cc: {  	v47 =	vsub.f32 v63, v10;
	v57 =	vld [tilespmem:s29+$0x440];
	[tilespmem:s24+$0xFFFFFF20] =	vst v0;
	v0 =	vmul.f32 v2, v48  }
0x4cd: {  	v50 =	vsub.f32 v59, v6;
	v59 =	vld [tilespmem:s29+$0x4440]  }
0x4ce: {  	v8 =	vmul.f32 v47, v49;
	v34 =	vadd.f32 v0, v46;
	v0 =	vld [tilespmem:s0+$0x8770]  }
0x4cf: {  	v5 =	vld [tilespmem:s21+$0x420]  }
0x4d0: {  	v3 =	vmul.f32 v50, v18;
	v8 =	vadd.f32 v8, v10;
	v10 =	vld [tilespmem:s21+$0x4420]  }
0x4d1: {  	v2 =	vld [tilespmem:s24+$0x30]  }
0x4d2: {  	v3 =	vadd.f32 v3, v6;
	v6 =	vsub.f32 v8, v4;
	v8 =	vld [tilespmem:s25+$0x30]  }
0x4d3: {  	v60 =	vld [tilespmem:s25+$0x4030];
	[tilespmem:$0x1FED0] =	vst v0  }
0x4d4: {  	v31 =	vsub.f32 v31, v7;
	v0 =	vld [tilespmem:s19+$0xF0];
	_ =	sdelay $0x1  }
0x4d5: {  	v31 =	vmul.f32 v31, v23  }
0x4d6: {  	v3 =	vsub.f32 v3, v37;
	v6 =	vmul.f32 v6, v16  }
0x4d7: {  	v7 =	vadd.f32 v31, v7  }
0x4d8: {  	v3 =	vmul.f32 v3, v17;
	v31 =	vsub.f32 v59, v57;
	v4 =	vadd.f32 v6, v4;
	[tilespmem:$0x1FEF0] =	vst v0  }
0x4d9: {  	v10 =	vsub.f32 v10, v5;
	[tilespmem:s20+$0xD0] =	vst v34  }
0x4da: {  	v7 =	vsub.f32 v7, v2;
	v3 =	vadd.f32 v3, v37;
	v31 =	vmul.f32 v31, v12;
	[tilespmem:s22+$0x80] =	vst v4;
	v6 =	vld [tilespmem:s7+$0x460]  }
0x4db: {  	v10 =	vmul.f32 v10, v14;
	v4 =	vsub.f32 v60, v8;
	v61 =	vld [tilespmem:s6+$0x410]  }
0x4dc: {  	v7 =	vmul.f32 v7, v21;
	[tilespmem:s22+$0xFFFFFF60] =	vst v3;
	v3 =	vadd.f32 v31, v57;
	v31 =	vld [tilespmem:s2+$0x8710]  }
0x4dd: {  	v5 =	vadd.f32 v10, v5;
	v34 =	vld [tilespmem:s1+$0x8760];
	v4 =	vmul.f32 v4, v24  }
0x4de: {  	v2 =	vadd.f32 v7, v2;
	v62 =	vld [tilespmem:s23+$0x70];
	v3 =	vsub.f32 v3, v30  }
0x4df: {  	v7 =	vld [tilespmem:s23+$0x4070];
	v4 =	vadd.f32 v4, v8  }
0x4e0: {  	v10 =	vld [tilespmem:s20+$0xE0];
	[tilespmem:s24+$0x30] =	vst v2;
	v2 =	vmul.f32 v3, v11;
	v3 =	vsub.f32 v5, v32  }
0x4e1: {  	v63 =	vld [tilespmem:s28+$0x40];
	v4 =	vsub.f32 v4, v1;
	v31 =	vsub.f32 v31, v61  }
0x4e2: {  	v5 =	vsub.f32 v34, v6;
	v2 =	vadd.f32 v2, v30;
	v30 =	vld [tilespmem:s22+$0x90]  }
0x4e3: {  	v8 =	vld [tilespmem:s26+$0x8340];
	v4 =	vmul.f32 v4, v22;
	v31 =	vmul.f32 v31, v49  }
0x4e4: {  	v3 =	vmul.f32 v3, v13;
	v7 =	vsub.f32 v7, v62;
	v5 =	vmul.f32 v5, v45  }
0x4e5: {  	v1 =	vadd.f32 v4, v1;
	v4 =	vadd.f32 v31, v61  }
0x4e6: {  	v40 =	vld [tilespmem:s24+$0xFFFFFFC0];
	[tilespmem:s19+$0xFFFFFFC0] =	vst v2;
	v2 =	vadd.f32 v3, v32;
	v3 =	vadd.f32 v5, v6  }
0x4e7: {  	v34 =	vld [tilespmem:s24+$0xFFFFFFD0];
	v7 =	vmul.f32 v7, v18;
	v4 =	vsub.f32 v4, v30  }
0x4e8: {  	v47 =	vld [tilespmem:s29+$0x4450];
	v31 =	vsub.f32 v8, v63;
	v3 =	vsub.f32 v3, v10  }
0x4e9: {  	[tilespmem:s20+$0xFFFFFFA0] =	vst v2;
	v2 =	vadd.f32 v7, v62;
	v7 =	vld [tilespmem:s24+$0x40];
	v4 =	vmul.f32 v4, v16  }
0x4ea: {  	v6 =	vld [tilespmem:s29+$0x450];
	[tilespmem:s24+$0xFFFFFF30] =	vst v1;
	v1 =	vmul.f32 v3, v48;
	v3 =	vmul.f32 v31, v23  }
0x4eb: {  	v8 =	vld [tilespmem:s21+$0x430];
	v2 =	vsub.f32 v2, v35;
	v4 =	vadd.f32 v4, v30  }
0x4ec: {  	v57 =	vld [tilespmem:s21+$0x4430];
	v1 =	vadd.f32 v1, v10;
	v3 =	vadd.f32 v3, v63  }
0x4ed: {  	v55 =	vld [tilespmem:s25+$0x40];
	v10 =	vmul.f32 v2, v17;
	[tilespmem:s22+$0x90] =	vst v4  }
0x4ee: {  	[tilespmem:s20+$0xE0] =	vst v1;
	v1 =	vsub.f32 v3, v7;
	v4 =	vld [tilespmem:s6+$0x420]  }
0x4ef: {  	v3 =	vadd.f32 v10, v35;
	v10 =	vld [tilespmem:s2+$0x8720]  }
0x4f0: {  	v0 =	vld [tilespmem:s25+$0x4040];
	v1 =	vmul.f32 v1, v21  }
0x4f1: {  	v30 =	vld [tilespmem:s24+$0xFFFFFFE0]  }
0x4f2: {  	v63 =	vld [tilespmem:s7+$0x470];
	v1 =	vadd.f32 v1, v7  }
0x4f3: {  	v56 =	vld [tilespmem:s1+$0x8770]  }
0x4f4: {  	[tilespmem:s24+$0x40] =	vst v1;
	v1 =	vsub.f32 v10, v4;
	v10 =	vld [tilespmem:s22+$0xA0]  }
0x4f5: {  	s11 =	simm.s32 $0x800;
	v7 =	vld [tilespmem:s28+$0x50]  }
0x4f6: {  	s12 =	simm.s32 $0x480;
	s10 =	simm.s32 $0x4900;
	s7 =	simm.s32 $0x2480;
	v37 =	vmul.f32 v1, v49;
	v1 =	vld [tilespmem:s20+$0xF0]  }
0x4f7: {  	s0 =	sand.u32 $0x7800, s10;
	s1 =	sand.u32 $0x3800, s11;
	[tilespmem:s22+$0xFFFFFF70] =	vst v3;
	s13 =	sand.u32 $0x380, s7;
	v31 =	vld [tilespmem:s26+$0x8350]  }
0x4f8: {  	s12 =	sand.u32 $0x380, s12;
	s8 =	sor.u32 $0x8300, s1;
	v54 =	vld [tilespmem:s23+$0x400];
	s30 =	sor.u32 s13, s0  }
0x4f9: {  	s31 =	sadd.s32 s12, s8;
	v46 =	vld [tilespmem:s30+$0x8300]  }
0x4fa: {  	v50 =	vld [tilespmem:s31+$0x0];
	v4 =	vadd.f32 v37, v4  }
0x4fb: {  	s1 =	simm.s32 $0x10489;
	v9 =	vld [tilespmem:s23+$0x4400];
	s13 =	simm.s32 $0x400;
	[tilespmem:$0x1FF10] =	vst v1  }
0x4fc: {  	s0 =	sand.u32 $0x300, s13;
	v31 =	vsub.f32 v31, v7;
	v4 =	vsub.f32 v4, v10;
	v32 =	vld.msk [tilespmem:s1+$0x0 ss:$0x0], $0xffff  }
0x4fd: {  	s0 =	sadd.s32 s0, s8;
	v59 =	vld [tilespmem:s24+$0x50]  }
0x4fe: {  	v31 =	vmul.f32 v31, v23;
	v60 =	vld [tilespmem:s0+$0x0];
	v4 =	vmul.f32 v4, v16  }
0x4ff: {  	s9 =	simm.s32 $0x10E00;
	v33 =	vsub.f32 v46, v50;
	v61 =	vld [tilespmem:s0+$0x4000]  }
0x500: {  	v62 =	vld [tilespmem:s9+$0x0];
	v7 =	vadd.f32 v31, v7;
	v4 =	vadd.f32 v4, v10  }
0x501: {  	s10 =	simm.s32 $0x10409;
	v10 =	vmul.f32 v33, v32;
	v33 =	vld.msk [tilespmem:s1+$0xFFFFFFFF ss:$0x0], $0xffff  }
0x502: {  	v0 =	vsub.f32 v0, v55;
	v37 =	vld.msk [tilespmem:s10+$0x0 ss:$0x0], $0xffff;
	[tilespmem:s22+$0xA0] =	vst v4;
	v7 =	vsub.f32 v7, v59  }
0x503: {  	v1 =	vld [tilespmem:s6+$0x430];
	v4 =	vadd.f32 v10, v50  }
0x504: {  	v0 =	vmul.f32 v0, v24;
	v46 =	vld [tilespmem:s2+$0x8730];
	v7 =	vmul.f32 v7, v21;
	v10 =	vsub.f32 v61, v60  }
0x505: {  	v50 =	vld [tilespmem:s9+$0xFFFFFF00];
	v4 =	vsub.f32 v4, v62  }
0x506: {  	v0 =	vadd.f32 v0, v55;
	v7 =	vadd.f32 v7, v59;
	v10 =	vmul.f32 v10, v33  }
0x507: {  	v35 =	vld.msk [tilespmem:s10+$0xFFFFFFFF ss:$0x0], $0xffff;
	v4 =	vmul.f32 v4, v37  }
0x508: {  	v0 =	vsub.f32 v0, v53;
	v61 =	vld [tilespmem:s22+$0xB0];
	[tilespmem:s24+$0x50] =	vst v7;
	v7 =	vadd.f32 v10, v60  }
0x509: {  	v55 =	vld [tilespmem:s28+$0x60];
	v10 =	vsub.f32 v46, v1;
	v4 =	vadd.f32 v4, v62  }
0x50a: {  	v46 =	vld [tilespmem:s26+$0x8360];
	v7 =	vsub.f32 v7, v50  }
0x50b: {  	v0 =	vmul.f32 v0, v22;
	[tilespmem:s9+$0x0] =	vst v4;
	v4 =	vmul.f32 v10, v49  }
0x50c: {  	v7 =	vmul.f32 v7, v35;
	v62 =	vld [tilespmem:s31+$0x10]  }
0x50d: {  	v0 =	vadd.f32 v0, v53;
	v1 =	vadd.f32 v4, v1;
	v4 =	vld [tilespmem:s30+$0x8310]  }
0x50e: {  	v9 =	vsub.f32 v9, v54;
	v50 =	vadd.f32 v7, v50  }
0x50f: {  	[tilespmem:s24+$0xFFFFFF40] =	vst v0;
	v60 =	vsub.f32 v46, v55;
	v1 =	vsub.f32 v1, v61  }
0x510: {  	v9 =	vmul.f32 v9, v18;
	v0 =	vld [tilespmem:s24+$0x60];
	[tilespmem:s9+$0xFFFFFF00] =	vst v50  }
0x511: {  	v50 =	vmul.f32 v60, v23;
	v60 =	vld [tilespmem:s0+$0x10];
	v1 =	vmul.f32 v1, v16  }
0x512: {  	v9 =	vadd.f32 v9, v54;
	v3 =	vld [tilespmem:s0+$0x4010];
	v4 =	vsub.f32 v4, v62  }
0x513: {  	v2 =	vld [tilespmem:s9+$0x10];
	v53 =	vadd.f32 v50, v55;
	v1 =	vadd.f32 v1, v61  }
0x514: {  	v9 =	vsub.f32 v9, v52;
	v59 =	vld [tilespmem:s25+$0x50];
	v55 =	vmul.f32 v4, v32  }
0x515: {  	v61 =	vld [tilespmem:s25+$0x4050];
	v53 =	vsub.f32 v53, v0;
	[tilespmem:s22+$0xB0] =	vst v1  }
0x516: {  	v9 =	vmul.f32 v9, v17;
	v1 =	vadd.f32 v55, v62;
	v62 =	vld [tilespmem:s6+$0x440]  }
0x517: {  	v53 =	vmul.f32 v53, v21;
	v3 =	vsub.f32 v3, v60;
	v4 =	vld [tilespmem:s2+$0x8740]  }
0x518: {  	v5 =	vld [tilespmem:s9+$0xFFFFFF10];
	v9 =	vadd.f32 v9, v52  }
0x519: {  	v0 =	vadd.f32 v53, v0;
	v1 =	vsub.f32 v1, v2;
	v3 =	vmul.f32 v3, v33  }
0x51a: {  	[tilespmem:s22+$0xFFFFFF80] =	vst v9  }
0x51b: {  	v9 =	vld [tilespmem:s22+$0xC0];
	[tilespmem:s24+$0x60] =	vst v0;
	v0 =	vsub.f32 v61, v59;
	v1 =	vmul.f32 v1, v37;
	v3 =	vadd.f32 v3, v60  }
0x51c: {  	v61 =	vld [tilespmem:s23+$0x4410];
	v4 =	vsub.f32 v4, v62  }
0x51d: {  	v60 =	vld [tilespmem:s28+$0x70];
	v1 =	vadd.f32 v1, v2;
	v0 =	vmul.f32 v0, v24;
	v3 =	vsub.f32 v3, v5  }
0x51e: {  	v52 =	vld [tilespmem:s26+$0x8370];
	v4 =	vmul.f32 v4, v49  }
0x51f: {  	v0 =	vadd.f32 v0, v59;
	v59 =	vld [tilespmem:s23+$0x410];
	[tilespmem:s9+$0x10] =	vst v1;
	v3 =	vmul.f32 v3, v35  }
0x520: {  	v2 =	vld [tilespmem:s31+$0x20];
	v4 =	vadd.f32 v4, v62  }
0x521: {  	v0 =	vsub.f32 v0, v58;
	v3 =	vadd.f32 v3, v5;
	v5 =	vld [tilespmem:s30+$0x8320]  }
0x522: {  	v1 =	vsub.f32 v57, v8  }
0x523: {  	v0 =	vmul.f32 v0, v22;
	[tilespmem:s9+$0xFFFFFF10] =	vst v3;
	v3 =	vsub.f32 v4, v9  }
0x524: {  	v1 =	vmul.f32 v1, v14;
	v52 =	vsub.f32 v52, v60  }
0x525: {  	v4 =	vld [tilespmem:s24+$0x70];
	v0 =	vadd.f32 v0, v58;
	v58 =	vsub.f32 v61, v59;
	v3 =	vmul.f32 v3, v16  }
0x526: {  	v1 =	vadd.f32 v1, v8;
	v8 =	vmul.f32 v52, v23;
	v5 =	vsub.f32 v5, v2  }
0x527: {  	[tilespmem:s24+$0xFFFFFF50] =	vst v0;
	v0 =	vadd.f32 v3, v9;
	v3 =	vmul.f32 v58, v18;
	v9 =	vld [tilespmem:s9+$0x20]  }
0x528: {  	v8 =	vadd.f32 v8, v60;
	v5 =	vmul.f32 v5, v32  }
0x529: {  	v1 =	vsub.f32 v1, v51;
	v3 =	vadd.f32 v3, v59  }
0x52a: {  	v8 =	vsub.f32 v8, v4;
	v2 =	vadd.f32 v5, v2  }
0x52b: {  	v61 =	vld [tilespmem:s0+$0x20];
	v1 =	vmul.f32 v1, v13;
	v3 =	vsub.f32 v3, v43  }
0x52c: {  	v60 =	vld [tilespmem:s0+$0x4020];
	v8 =	vmul.f32 v8, v21;
	v2 =	vsub.f32 v2, v9  }
0x52d: {  	v62 =	vld [tilespmem:s25+$0x60];
	v1 =	vadd.f32 v1, v51;
	v3 =	vmul.f32 v3, v17  }
0x52e: {  	[tilespmem:s22+$0xC0] =	vst v0;
	v0 =	vld [tilespmem:s25+$0x4060];
	v4 =	vadd.f32 v8, v4;
	v2 =	vmul.f32 v2, v37  }
0x52f: {  	[tilespmem:s20+$0xFFFFFFB0] =	vst v1;
	v3 =	vadd.f32 v3, v43  }
0x530: {  	v5 =	vsub.f32 v47, v6;
	v47 =	vld [tilespmem:s6+$0x450];
	[tilespmem:s24+$0x70] =	vst v4;
	v2 =	vadd.f32 v2, v9  }
0x531: {  	v60 =	vsub.f32 v60, v61;
	v59 =	vld [tilespmem:s2+$0x8750];
	[tilespmem:s22+$0xFFFFFF90] =	vst v3  }
0x532: {  	v10 =	vld [tilespmem:s9+$0xFFFFFF20];
	[tilespmem:s9+$0x20] =	vst v2  }
0x533: {  	v1 =	vmul.f32 v60, v33;
	v0 =	vsub.f32 v0, v62;
	v8 =	vld [tilespmem:$0x1FEA0]  }
0x534: {  	v5 =	vmul.f32 v5, v12;
	v43 =	vld [tilespmem:$0x1FEB0]  }
0x535: {  	v1 =	vadd.f32 v1, v61;
	v0 =	vmul.f32 v0, v24  }
0x536: {  	v5 =	vadd.f32 v5, v6;
	v6 =	vld [tilespmem:s28+$0x400];
	v9 =	vsub.f32 v59, v47  }
0x537: {  	v61 =	vld [tilespmem:s26+$0x8700];
	v1 =	vsub.f32 v1, v10;
	v0 =	vadd.f32 v0, v62  }
0x538: {  	v59 =	vld [tilespmem:s22+$0xD0];
	v2 =	vsub.f32 v5, v8  }
0x539: {  	v1 =	vmul.f32 v1, v35;
	v5 =	vmul.f32 v9, v49;
	v0 =	vsub.f32 v0, v43  }
0x53a: {  	v54 =	vld [tilespmem:s9+$0xFFFFFF60];
	v2 =	vmul.f32 v2, v11  }
0x53b: {  	v7 =	vld [tilespmem:s21+$0x440];
	v1 =	vadd.f32 v1, v10;
	v5 =	vadd.f32 v5, v47;
	v0 =	vmul.f32 v0, v22  }
0x53c: {  	v3 =	vld [tilespmem:s21+$0x4440];
	v47 =	vsub.f32 v61, v6;
	v2 =	vadd.f32 v2, v8  }
0x53d: {  	v60 =	vld [tilespmem:s31+$0x30];
	[tilespmem:s9+$0xFFFFFF20] =	vst v1;
	v1 =	vsub.f32 v5, v59;
	v0 =	vadd.f32 v0, v43  }
0x53e: {  	v10 =	vld [tilespmem:s30+$0x8330];
	[tilespmem:s19+$0xFFFFFFD0] =	vst v2  }
0x53f: {  	v61 =	vld [tilespmem:s24+$0x80];
	v8 =	vmul.f32 v47, v23;
	v1 =	vmul.f32 v1, v16;
	[tilespmem:s24+$0xFFFFFF60] =	vst v0  }
0x540: {  	v0 =	vld [tilespmem:$0x1FED0]  }
0x541: {  	v6 =	vadd.f32 v8, v6;
	v8 =	vadd.f32 v1, v59;
	v1 =	vld [tilespmem:$0x1FEC0]  }
0x542: {  	v31 =	vld [tilespmem:s24+$0xFFFFFFF0]  }
0x543: {  	v62 =	vld [tilespmem:s0+$0x30];
	v2 =	vsub.f32 v3, v7  }
0x544: {  	v10 =	vsub.f32 v10, v60;
	v5 =	vld [tilespmem:s0+$0x4030]  }
0x545: {  	v46 =	vld [tilespmem:s9+$0xFFFFFF30];
	v2 =	vmul.f32 v2, v14  }
0x546: {  	v50 =	vld [tilespmem:s9+$0xFFFFFF40];
	v6 =	vsub.f32 v6, v61;
	v3 =	vsub.f32 v0, v1;
	v0 =	vmul.f32 v10, v32  }
0x547: {  	v55 =	vld [tilespmem:s9+$0xFFFFFF50];
	[tilespmem:s22+$0xD0] =	vst v8  }
0x548: {  	v2 =	vadd.f32 v2, v7;
	v6 =	vmul.f32 v6, v21;
	v7 =	vadd.f32 v0, v60;
	v0 =	vld [tilespmem:$0x1FEE0]  }
0x549: {  	v53 =	vld [tilespmem:s9+$0xFFFFFF70];
	v38 =	vmul.f32 v3, v38;
	v3 =	vsub.f32 v5, v62  }
0x54a: {  	v57 =	vld [tilespmem:s9+$0xFFFFFF80];
	v6 =	vadd.f32 v6, v61  }
0x54b: {  	v4 =	vld [tilespmem:s23+$0x4420];
	v3 =	vmul.f32 v3, v33  }
0x54c: {  	v9 =	vld [tilespmem:s23+$0x420];
	[tilespmem:s24+$0x80] =	vst v6  }
0x54d: {  	v3 =	vadd.f32 v3, v62;
	v62 =	vld [tilespmem:$0x1FEF0];
	v2 =	vsub.f32 v2, v0  }
0x54e: {  	v52 =	vld [tilespmem:s9+$0xFFFFFF90]  }
0x54f: {  	v59 =	vld [tilespmem:s9+$0x30];
	v2 =	vmul.f32 v2, v13  }
0x550: {  	v58 =	vld [tilespmem:s9+$0xFFFFFFB0];
	v5 =	vadd.f32 v38, v1  }
0x551: {  	v10 =	vld [tilespmem:s6+$0x460];
	v2 =	vadd.f32 v2, v0  }
0x552: {  	v4 =	vsub.f32 v4, v9;
	v60 =	vld [tilespmem:s2+$0x8760];
	v5 =	vsub.f32 v5, v62  }
0x553: {  	v51 =	vld [tilespmem:s9+$0xFFFFFFA0];
	[tilespmem:s20+$0xFFFFFFC0] =	vst v2  }
0x554: {  	v4 =	vmul.f32 v4, v18;
	v1 =	vsub.f32 v7, v59;
	v0 =	vmul.f32 v5, v36;
	v5 =	vld [tilespmem:$0x1FF00]  }
0x555: {  	v43 =	vld [tilespmem:s29+$0x460];
	v3 =	vsub.f32 v3, v46  }
0x556: {  	v4 =	vadd.f32 v4, v9;
	v9 =	vsub.f32 v56, v63;
	v56 =	vld [tilespmem:s28+$0x410];
	v1 =	vmul.f32 v1, v37  }
0x557: {  	v3 =	vmul.f32 v3, v35;
	v36 =	vsub.f32 v60, v10;
	v60 =	vld [tilespmem:s26+$0x8710]  }
0x558: {  	v6 =	vld [tilespmem:s29+$0x4460];
	v1 =	vadd.f32 v1, v59  }
0x559: {  	v8 =	vld [tilespmem:s25+$0x70];
	v3 =	vadd.f32 v3, v46;
	v2 =	vsub.f32 v4, v5  }
0x55a: {  	v61 =	vld [tilespmem:s25+$0x4070];
	[tilespmem:s9+$0x30] =	vst v1  }
0x55b: {  	[tilespmem:s9+$0xFFFFFF30] =	vst v3;
	v3 =	vld [tilespmem:s24+$0x90];
	v1 =	vmul.f32 v2, v17  }
0x55c: {  	v7 =	vld [tilespmem:s31+$0x40];
	v46 =	vsub.f32 v60, v56  }
0x55d: {  	v9 =	vmul.f32 v9, v45;
	v45 =	vld [tilespmem:s30+$0x8340];
	v2 =	vsub.f32 v6, v43;
	v1 =	vadd.f32 v1, v5  }
0x55e: {  	v36 =	vmul.f32 v36, v49;
	v60 =	vadd.f32 v0, v62;
	v62 =	vld [tilespmem:$0x1FF10]  }
0x55f: {  	v61 =	vsub.f32 v61, v8;
	v4 =	vld [tilespmem:s22+$0xE0];
	v0 =	vmul.f32 v46, v23;
	v2 =	vmul.f32 v2, v12;
	[tilespmem:s22+$0xFFFFFFA0] =	vst v1  }
0x560: {  	v9 =	vadd.f32 v9, v63;
	v10 =	vadd.f32 v36, v10;
	v36 =	vld [tilespmem:$0x1FF20]  }
0x561: {  	v63 =	vmul.f32 v61, v24;
	v0 =	vadd.f32 v0, v56;
	v2 =	vadd.f32 v2, v43;
	v43 =	vld [tilespmem:$0x1FF30]  }
0x562: {  	v47 =	vld [tilespmem:s9+$0xFFFFFFC0];
	v45 =	vsub.f32 v45, v7  }
0x563: {  	v38 =	vld [tilespmem:s9+$0xFFFFFFD0];
	v5 =	vadd.f32 v63, v8;
	v0 =	vsub.f32 v0, v3  }
0x564: {  	v59 =	vld [tilespmem:s21+$0x450];
	v10 =	vsub.f32 v10, v4  }
0x565: {  	v6 =	vld [tilespmem:s21+$0x4450];
	v45 =	vmul.f32 v45, v32;
	v0 =	vmul.f32 v0, v21;
	v1 =	vsub.f32 v5, v36  }
0x566: {  	v8 =	vld [tilespmem:s0+$0x40];
	v5 =	vmul.f32 v10, v16;
	v2 =	vsub.f32 v2, v43  }
0x567: {  	v7 =	vadd.f32 v45, v7;
	v45 =	vld [tilespmem:s22+$0xF0];
	v0 =	vadd.f32 v0, v3;
	v1 =	vmul.f32 v1, v22  }
0x568: {  	v10 =	vld [tilespmem:s0+$0x4040];
	v4 =	vadd.f32 v5, v4;
	v2 =	vmul.f32 v2, v11  }
0x569: {  	v9 =	vsub.f32 v9, v62;
	v61 =	vld [tilespmem:s23+$0x430];
	[tilespmem:s24+$0x90] =	vst v0;
	v1 =	vadd.f32 v1, v36  }
0x56a: {  	v63 =	vld [tilespmem:s23+$0x4430];
	v5 =	vsub.f32 v6, v59;
	[tilespmem:s22+$0xE0] =	vst v4;
	v56 =	vadd.f32 v2, v43  }
0x56b: {  	v9 =	vmul.f32 v9, v48;
	v6 =	vld [tilespmem:s9+$0x40];
	[tilespmem:s24+$0xFFFFFF70] =	vst v1  }
0x56c: {  	v4 =	vmul.f32 v5, v14;
	v5 =	vld [tilespmem:s6+$0x470];
	[tilespmem:s19+$0xFFFFFFE0] =	vst v56  }
0x56d: {  	v9 =	vadd.f32 v9, v62;
	v10 =	vsub.f32 v10, v8;
	v62 =	vld [tilespmem:$0x1FF40]  }
0x56e: {  	v1 =	vld [tilespmem:s2+$0x8770]  }
0x56f: {  	v4 =	vadd.f32 v4, v59;
	v2 =	vld [tilespmem:s25+$0x400];
	v3 =	vmul.f32 v10, v33  }
0x570: {  	v10 =	vsub.f32 v63, v61;
	v7 =	vsub.f32 v7, v6;
	v59 =	vld [tilespmem:s25+$0x4400]  }
0x571: {  	v0 =	vld [tilespmem:s28+$0x420];
	v3 =	vadd.f32 v3, v8  }
0x572: {  	v36 =	vld [tilespmem:s9+$0xFFFFFFE0];
	v8 =	vmul.f32 v10, v18;
	v7 =	vmul.f32 v7, v37;
	v4 =	vsub.f32 v4, v62  }
0x573: {  	v10 =	vld [tilespmem:s26+$0x8720];
	v1 =	vsub.f32 v1, v5;
	v3 =	vsub.f32 v3, v50  }
0x574: {  	v46 =	vld [tilespmem:s29+$0x470];
	v8 =	vadd.f32 v8, v61;
	v6 =	vadd.f32 v7, v6;
	v4 =	vmul.f32 v4, v13  }
0x575: {  	[tilespmem:s19+$0xF0] =	vst v60;
	v7 =	vsub.f32 v59, v2;
	v1 =	vmul.f32 v1, v49;
	v49 =	vld [tilespmem:s29+$0x4470]  }
0x576: {  	v43 =	vld [tilespmem:s9+$0xFFFFFFF0];
	v3 =	vmul.f32 v3, v35;
	[tilespmem:s9+$0x40] =	vst v6;
	v63 =	vsub.f32 v8, v29;
	v4 =	vadd.f32 v4, v62  }
0x577: {  	[tilespmem:s20+$0xF0] =	vst v9;
	v6 =	vmul.f32 v7, v24;
	v7 =	vld [tilespmem:s30+$0x8350];
	v48 =	vadd.f32 v1, v5  }
0x578: {  	s6 =	simm.s32 $0x8;
	s2 =	simm.s32 $0x10E00;
	s29 =	simm.s32 $0x4B00;
	v8 =	vadd.f32 v3, v50;
	v5 =	vld [tilespmem:s31+$0x50];
	v1 =	vmul.f32 v63, v17;
	[tilespmem:s20+$0xFFFFFFD0] =	vst v4;
	v4 =	vsub.f32 v10, v0  }
.LBB2_5:
0x579: {  	s11 =	sadd.s32 $0xFFFFBF00, s29;
	s12 =	sand.u32 $0x7800, s29;
	s7 =	sadd.s32 $0x100, s7;
	v2 =	vadd.f32 v6, v2;
	v3 =	vld [tilespmem:s24+$0xA0];
	v6 =	vsub.f32 v48, v45  }
0x57a: {  	v1 =	vadd.f32 v1, v29;
	s11 =	sand.u32 $0x3800, s11;
	s13 =	sadd.s32 $0xFFFFE000, s7;
	s8 =	sand.u32 $0x380, s7;
	[tilespmem:s9+$0xFFFFFF40] =	vst v8;
	v4 =	vmul.f32 v4, v23;
	v50 =	vld [tilespmem:s21+$0x460];
	v8 =	vsub.f32 v49, v46  }
0x57b: {  	v29 =	vmovc v39;
	s11 =	sor.u32 $0x8300, s11;
	s13 =	sand.u32 $0x380, s13;
	s12 =	sor.u32 s8, s12;
	v9 =	vld [tilespmem:s9+$0x50];
	v2 =	vsub.f32 v2, v44;
	v6 =	vmul.f32 v6, v16;
	v16 =	vmovc v21;
	v21 =	vmov v37  }
0x57c: {  	s8 =	sadd.s32 $0xFFFFDF80, s7;
	s13 =	sadd.s32 s13, s11;
	v10 =	vld [tilespmem:s12+$0x8300];
	v0 =	vadd.f32 v4, v0;
	[tilespmem:s22+$0xFFFFFFB0] =	vst v1;
	v1 =	vmul.f32 v8, v12;
	v12 =	vmovc v14;
	v14 =	vmov v18  }
0x57d: {  	s1 =	sadd.s32 $0x2, s1;
	s8 =	sand.u32 $0x300, s8;
	v18 =	vmovc v24;
	v4 =	vld [tilespmem:s13+$0x0];
	v7 =	vsub.f32 v7, v5;
	v2 =	vmul.f32 v2, v22;
	v6 =	vadd.f32 v6, v45  }
0x57e: {  	v39 =	vmovc v58;
	v24 =	vmov v33;
	s11 =	sadd.s32 s8, s11;
	v48 =	vld.msk [tilespmem:s1+$0x0 ss:$0x0], $0xffff;
	v0 =	vsub.f32 v0, v3;
	v1 =	vadd.f32 v1, v46  }
0x57f: {  	v8 =	vld [tilespmem:s11+$0x0];
	v7 =	vmul.f32 v7, v32;
	v2 =	vadd.f32 v2, v44;
	[tilespmem:s22+$0xF0] =	vst v6;
	v44 =	vmov v57  }
0x580: {  	v6 =	vld [tilespmem:s11+$0x4000];
	v0 =	vmul.f32 v0, v16;
	v1 =	vsub.f32 v1, v15  }
0x581: {  	v33 =	vld.msk [tilespmem:s1+$0xFFFFFFFF ss:$0x0], $0xffff;
	v5 =	vadd.f32 v7, v5;
	[tilespmem:s24+$0xFFFFFF80] =	vst v2  }
0x582: {  	s9 =	sadd.s32 $0x200, s9;
	v2 =	vsub.f32 v10, v4;
	v7 =	vld [tilespmem:s0+$0x50];
	v0 =	vadd.f32 v0, v3;
	v1 =	vmul.f32 v1, v11;
	v11 =	vmovc v13  }
0x583: {  	s10 =	sadd.s32 $0x2, s10;
	v13 =	vmovc v17;
	v17 =	vmov v22;
	v22 =	vmov v35;
	v3 =	vld [tilespmem:s9+$0x0];
	v5 =	vsub.f32 v5, v9  }
0x584: {  	v37 =	vld.msk [tilespmem:s10+$0x0 ss:$0x0], $0xffff;
	v2 =	vmul.f32 v2, v48;
	[tilespmem:s24+$0xA0] =	vst v0;
	v0 =	vadd.f32 v1, v15;
	v15 =	vmovc v19;
	v19 =	vmov v26  }
0x585: {  	v26 =	vmovc v31;
	v31 =	vmov v43;
	v1 =	vsub.f32 v6, v8;
	v5 =	vmul.f32 v5, v21;
	v6 =	vld [tilespmem:s28+$0x430]  }
0x586: {  	v2 =	vadd.f32 v2, v4;
	v4 =	vld [tilespmem:s26+$0x8730];
	[tilespmem:s19+$0xFFFFFFF0] =	vst v0;
	s19 =	smov.u32 s20;
	s20 =	smov.u32 s22;
	s22 =	smov.u32 s24  }
0x587: {  	s24 =	smov.u32 s2;
	s2 =	smov.u32 s9;
	v0 =	vmul.f32 v1, v33;
	v1 =	vld [tilespmem:s9+$0xFFFFFF00];
	v5 =	vadd.f32 v5, v9  }
0x588: {  	s6 =	sadd.s32 $0x2, s6;
	v35 =	vld.msk [tilespmem:s10+$0xFFFFFFFF ss:$0x0], $0xffff;
	v2 =	vsub.f32 v2, v3  }
0x589: {  	p0 =	slt.u32 s6, $0x2E;
	v0 =	vadd.f32 v0, v8;
	v8 =	vld [tilespmem:s9+$0xFFFFFF10];
	[tilespmem:s24+$0x50] =	vst v5  }
0x58a: {  	v2 =	vmul.f32 v2, v37;
	v5 =	vld [tilespmem:s31+$0x60]  }
0x58b: {  	v9 =	vld [tilespmem:s30+$0x8360];
	v4 =	vsub.f32 v4, v6  }
0x58c: {  	v0 =	vsub.f32 v0, v1;
	v3 =	vadd.f32 v2, v3;
	v10 =	vld [tilespmem:s22+$0xB0]  }
0x58d: {  	v2 =	vld [tilespmem:s9+$0xFFFFFF20];
	v4 =	vmul.f32 v4, v23  }
0x58e: {  	v43 =	vmul.f32 v0, v35;
	v0 =	vld [tilespmem:s9+$0xFFFFFF30];
	[tilespmem:s9+$0x0] =	vst v3  }
0x58f: {  	v3 =	vld [tilespmem:s13+$0x10];
	v4 =	vadd.f32 v4, v6  }
0x590: {  	v1 =	vadd.f32 v43, v1;
	v6 =	vld [tilespmem:s12+$0x8310];
	v9 =	vsub.f32 v9, v5  }
0x591: {  	v43 =	vld [tilespmem:s24+$0x60];
	v4 =	vsub.f32 v4, v10  }
0x592: {  	[tilespmem:s9+$0xFFFFFF00] =	vst v1;
	v56 =	vld [tilespmem:s9+$0xFFFFFF40];
	v1 =	vmul.f32 v9, v32  }
0x593: {  	v9 =	vld [tilespmem:s11+$0x10];
	v4 =	vmul.f32 v4, v16  }
0x594: {  	v45 =	vld [tilespmem:s11+$0x4010];
	v1 =	vadd.f32 v1, v5  }
0x595: {  	v5 =	vsub.f32 v6, v3;
	v6 =	vld [tilespmem:s0+$0x4050];
	v4 =	vadd.f32 v4, v10  }
0x596: {  	v10 =	vld [tilespmem:s9+$0x10];
	v1 =	vsub.f32 v1, v43  }
0x597: {  	v46 =	vld [tilespmem:s9+$0xFFFFFF50];
	v5 =	vmul.f32 v5, v48;
	[tilespmem:s22+$0xB0] =	vst v4  }
0x598: {  	v1 =	vmul.f32 v1, v21;
	v4 =	vld [tilespmem:s28+$0x440]  }
0x599: {  	v45 =	vsub.f32 v45, v9;
	v5 =	vadd.f32 v5, v3;
	v49 =	vld [tilespmem:s26+$0x8740]  }
0x59a: {  	v3 =	vld [tilespmem:s9+$0xFFFFFF60];
	v6 =	vsub.f32 v6, v7;
	v43 =	vadd.f32 v1, v43  }
0x59b: {  	v45 =	vmul.f32 v45, v33;
	v1 =	vld [tilespmem:s9+$0xFFFFFF70];
	v5 =	vsub.f32 v5, v10  }
0x59c: {  	v57 =	vld [tilespmem:s9+$0xFFFFFF80];
	v6 =	vmul.f32 v6, v24;
	[tilespmem:s24+$0x60] =	vst v43  }
0x59d: {  	v9 =	vadd.f32 v45, v9;
	v5 =	vmul.f32 v5, v37;
	v43 =	vld [tilespmem:s31+$0x70]  }
0x59e: {  	v6 =	vadd.f32 v6, v7;
	v7 =	vld [tilespmem:s30+$0x8370];
	v45 =	vsub.f32 v49, v4  }
0x59f: {  	v9 =	vsub.f32 v9, v8;
	v5 =	vadd.f32 v5, v10;
	v10 =	vld [tilespmem:s22+$0xC0]  }
0x5a0: {  	v6 =	vsub.f32 v6, v55;
	v49 =	vld [tilespmem:s25+$0x410];
	v45 =	vmul.f32 v45, v23  }
0x5a1: {  	v9 =	vmul.f32 v9, v35;
	[tilespmem:s9+$0x10] =	vst v5;
	v5 =	vld [tilespmem:s25+$0x4410]  }
0x5a2: {  	v58 =	vld [tilespmem:s13+$0x20];
	v6 =	vmul.f32 v6, v22;
	v4 =	vadd.f32 v45, v4  }
0x5a3: {  	v8 =	vadd.f32 v9, v8;
	v9 =	vld [tilespmem:s12+$0x8320];
	v7 =	vsub.f32 v7, v43  }
0x5a4: {  	v6 =	vadd.f32 v6, v55;
	v45 =	vld [tilespmem:s24+$0x70];
	v4 =	vsub.f32 v4, v10;
	v55 =	vmov v46  }
0x5a5: {  	[tilespmem:s9+$0xFFFFFF10] =	vst v8;
	v8 =	vld [tilespmem:s9+$0xFFFFFF90];
	v7 =	vmul.f32 v7, v32  }
0x5a6: {  	v46 =	vld [tilespmem:s11+$0x20];
	[tilespmem:s24+$0xFFFFFF50] =	vst v6;
	v5 =	vsub.f32 v5, v49;
	v4 =	vmul.f32 v4, v16  }
0x5a7: {  	v6 =	vld [tilespmem:s11+$0x4020];
	v7 =	vadd.f32 v7, v43  }
0x5a8: {  	v9 =	vsub.f32 v9, v58;
	v43 =	vld [tilespmem:s0+$0x60];
	v5 =	vmul.f32 v5, v18;
	v4 =	vadd.f32 v4, v10  }
0x5a9: {  	v10 =	vld [tilespmem:s9+$0x20];
	v7 =	vsub.f32 v7, v45  }
0x5aa: {  	v9 =	vmul.f32 v9, v48;
	v59 =	vld [tilespmem:s0+$0x4060];
	v5 =	vadd.f32 v5, v49;
	[tilespmem:s22+$0xC0] =	vst v4  }
0x5ab: {  	v7 =	vmul.f32 v7, v21;
	v49 =	vld [tilespmem:s28+$0x450]  }
0x5ac: {  	v6 =	vsub.f32 v6, v46;
	v9 =	vadd.f32 v9, v58;
	v60 =	vld [tilespmem:s26+$0x8750]  }
0x5ad: {  	v5 =	vsub.f32 v5, v42;
	v4 =	vld [tilespmem:s9+$0xFFFFFFA0];
	v7 =	vadd.f32 v7, v45  }
0x5ae: {  	v6 =	vmul.f32 v6, v33;
	v58 =	vld [tilespmem:s9+$0xFFFFFFB0];
	v9 =	vsub.f32 v9, v10  }
0x5af: {  	v5 =	vmul.f32 v5, v17;
	v45 =	vsub.f32 v59, v43;
	[tilespmem:s24+$0x70] =	vst v7;
	v7 =	vld [tilespmem:s23+$0x440]  }
0x5b0: {  	v6 =	vadd.f32 v6, v46;
	v9 =	vmul.f32 v9, v37;
	v46 =	vld [tilespmem:s31+$0x400]  }
0x5b1: {  	v5 =	vadd.f32 v5, v42;
	v42 =	vmovc v52;
	v45 =	vmul.f32 v45, v24;
	v59 =	vld [tilespmem:s30+$0x8700];
	v60 =	vsub.f32 v60, v49  }
0x5b2: {  	v52 =	vmov v8;
	v6 =	vsub.f32 v6, v2;
	v9 =	vadd.f32 v9, v10;
	v10 =	vld [tilespmem:s22+$0xD0]  }
0x5b3: {  	v8 =	vadd.f32 v45, v43;
	[tilespmem:s22+$0xFFFFFF90] =	vst v5;
	v5 =	vmul.f32 v60, v23;
	v43 =	vld [tilespmem:s23+$0x4440]  }
0x5b4: {  	v6 =	vmul.f32 v6, v35;
	[tilespmem:s9+$0x20] =	vst v9;
	v9 =	vld [tilespmem:s25+$0x420]  }
0x5b5: {  	v45 =	vld [tilespmem:s13+$0x30];
	v8 =	vsub.f32 v8, v54;
	v5 =	vadd.f32 v5, v49  }
0x5b6: {  	v2 =	vadd.f32 v6, v2;
	v6 =	vld [tilespmem:s12+$0x8330];
	v49 =	vsub.f32 v59, v46  }
0x5b7: {  	v8 =	vmul.f32 v8, v22;
	v59 =	vld [tilespmem:s24+$0x80];
	v5 =	vsub.f32 v5, v10  }
0x5b8: {  	[tilespmem:s9+$0xFFFFFF20] =	vst v2;
	v2 =	vmul.f32 v49, v32;
	v49 =	vld [tilespmem:s25+$0x4420];
	v43 =	vsub.f32 v43, v7  }
0x5b9: {  	v60 =	vld [tilespmem:s11+$0x30];
	v8 =	vadd.f32 v8, v54;
	v5 =	vmul.f32 v5, v16;
	v54 =	vmov v3  }
0x5ba: {  	v3 =	vld [tilespmem:s11+$0x4030];
	v2 =	vadd.f32 v2, v46;
	v43 =	vmul.f32 v43, v14  }
0x5bb: {  	v46 =	vld [tilespmem:s9+$0xFFFFFFC0];
	v6 =	vsub.f32 v6, v45;
	[tilespmem:s24+$0xFFFFFF60] =	vst v8;
	v5 =	vadd.f32 v5, v10  }
0x5bc: {  	v8 =	vld [tilespmem:s9+$0x30];
	v2 =	vsub.f32 v2, v59;
	v7 =	vadd.f32 v43, v7  }
0x5bd: {  	v6 =	vmul.f32 v6, v48;
	v10 =	vld [tilespmem:s0+$0x70];
	v43 =	vsub.f32 v49, v9;
	[tilespmem:s22+$0xD0] =	vst v5  }
0x5be: {  	v2 =	vmul.f32 v2, v21;
	v5 =	vld [tilespmem:s28+$0x460];
	v7 =	vsub.f32 v7, v28  }
0x5bf: {  	v3 =	vsub.f32 v3, v60;
	v6 =	vadd.f32 v6, v45;
	v43 =	vmul.f32 v43, v18;
	v45 =	vld [tilespmem:s26+$0x8760]  }
0x5c0: {  	v49 =	vld [tilespmem:s0+$0x4070];
	v2 =	vadd.f32 v2, v59;
	v7 =	vmul.f32 v7, v13  }
0x5c1: {  	v59 =	vmul.f32 v3, v33;
	v3 =	vld [tilespmem:s9+$0xFFFFFFD0];
	v6 =	vsub.f32 v6, v8;
	v9 =	vadd.f32 v43, v9  }
0x5c2: {  	[tilespmem:s24+$0x80] =	vst v2;
	v2 =	vadd.f32 v7, v28;
	v7 =	vld [tilespmem:s21+$0x4460];
	v28 =	vmovc v40;
	v40 =	vmov v47;
	v47 =	vmov v46  }
0x5c3: {  	v43 =	vadd.f32 v59, v60;
	v6 =	vmul.f32 v6, v37;
	v46 =	vld [tilespmem:s31+$0x410];
	v9 =	vsub.f32 v9, v41  }
0x5c4: {  	v59 =	vld [tilespmem:s30+$0x8710];
	v45 =	vsub.f32 v45, v5;
	[tilespmem:s20+$0xFFFFFFC0] =	vst v2  }
0x5c5: {  	v2 =	vsub.f32 v43, v0;
	v6 =	vadd.f32 v6, v8;
	v8 =	vmul.f32 v9, v17;
	v9 =	vld [tilespmem:s22+$0xE0]  }
0x5c6: {  	v43 =	vsub.f32 v49, v10;
	v45 =	vmul.f32 v45, v23;
	v49 =	vld [tilespmem:s23+$0x450]  }
0x5c7: {  	v2 =	vmul.f32 v2, v35;
	[tilespmem:s9+$0x30] =	vst v6;
	v6 =	vadd.f32 v8, v41;
	v8 =	vld [tilespmem:s23+$0x4450];
	v7 =	vsub.f32 v7, v50  }
0x5c8: {  	v43 =	vmul.f32 v43, v24;
	v41 =	vmovc v51;
	v51 =	vmov v4;
	v60 =	vld [tilespmem:s13+$0x40];
	v5 =	vadd.f32 v45, v5  }
0x5c9: {  	v0 =	vadd.f32 v2, v0;
	v2 =	vld [tilespmem:s12+$0x8340];
	v4 =	vsub.f32 v59, v46;
	[tilespmem:s22+$0xFFFFFFA0] =	vst v6;
	v6 =	vmul.f32 v7, v12  }
0x5ca: {  	v7 =	vadd.f32 v43, v10;
	v10 =	vld [tilespmem:s24+$0x90];
	v5 =	vsub.f32 v5, v9  }
0x5cb: {  	[tilespmem:s9+$0xFFFFFF30] =	vst v0;
	v0 =	vmul.f32 v4, v32;
	v4 =	vld [tilespmem:s25+$0x430];
	v6 =	vadd.f32 v6, v50  }
0x5cc: {  	v7 =	vsub.f32 v7, v53;
	v43 =	vld [tilespmem:s11+$0x40];
	v5 =	vmul.f32 v5, v16;
	v8 =	vsub.f32 v8, v49  }
0x5cd: {  	v45 =	vld [tilespmem:s11+$0x4040];
	v0 =	vadd.f32 v0, v46;
	v6 =	vsub.f32 v6, v20  }
0x5ce: {  	v7 =	vmul.f32 v7, v22;
	v2 =	vsub.f32 v2, v60;
	v46 =	vld [tilespmem:s25+$0x4430];
	v5 =	vadd.f32 v5, v9  }
0x5cf: {  	v8 =	vmul.f32 v8, v14;
	v9 =	vld [tilespmem:s9+$0x40];
	v0 =	vsub.f32 v0, v10;
	v6 =	vmul.f32 v6, v11  }
0x5d0: {  	v7 =	vadd.f32 v7, v53;
	v53 =	vmov v1;
	v50 =	vld [tilespmem:s9+$0xFFFFFFE0];
	v2 =	vmul.f32 v2, v48;
	[tilespmem:s22+$0xE0] =	vst v5  }
0x5d1: {  	v1 =	vadd.f32 v8, v49;
	v0 =	vmul.f32 v0, v21;
	v59 =	vld [tilespmem:s28+$0x470];
	v5 =	vadd.f32 v6, v20;
	v20 =	vmovc v25;
	s28 =	smov.u32 s31;
	s31 =	smov.u32 s13  }
0x5d2: {  	v25 =	vmovc v30;
	v30 =	vmov v36;
	v6 =	vsub.f32 v45, v43;
	v8 =	vadd.f32 v2, v60;
	[tilespmem:s24+$0xFFFFFF70] =	vst v7;
	v7 =	vld [tilespmem:s26+$0x8770];
	s26 =	smov.u32 s30;
	s30 =	smov.u32 s12  }
0x5d3: {  	v2 =	vld [tilespmem:s0+$0x400];
	v0 =	vadd.f32 v0, v10;
	v10 =	vsub.f32 v46, v4;
	[tilespmem:s19+$0xFFFFFFE0] =	vst v5  }
0x5d4: {  	v1 =	vsub.f32 v1, v27;
	v5 =	vmul.f32 v6, v33;
	v6 =	vsub.f32 v8, v9;
	v8 =	vld [tilespmem:s0+$0x4400]  }
0x5d5: {  	[tilespmem:s24+$0x90] =	vst v0;
	v10 =	vmul.f32 v10, v18;
	v46 =	vld [tilespmem:s21+$0x470];
	v36 =	vmov v50  }
0x5d6: {  	v1 =	vmul.f32 v1, v13;
	v5 =	vadd.f32 v5, v43;
	v6 =	vmul.f32 v6, v37;
	v0 =	vld [tilespmem:s28+$0x420]  }
0x5d7: {  	v50 =	vld [tilespmem:s26+$0x8720];
	v4 =	vadd.f32 v10, v4;
	v7 =	vsub.f32 v7, v59  }
.Ltmp1:
0x5d8: {  	v5 =	vsub.f32 v5, v56;
	v6 =	vadd.f32 v6, v9;
	v45 =	vld [tilespmem:s22+$0xF0];
	(pc) =	sbr.rel @p0 .LBB2_5-.Ltmp1, $4  }
0x5d9: {  	v8 =	vsub.f32 v8, v2;
	v4 =	vsub.f32 v4, v29;
	v7 =	vmul.f32 v7, v23;
	v49 =	vld [tilespmem:s21+$0x4470];
	v23 =	vmovc v32;
	s21 =	smov.u32 s23;
	s23 =	smov.u32 s25;
	s25 =	smov.u32 s0  }
0x5da: {  	v10 =	vadd.f32 v1, v27;
	v27 =	vmovc v34;
	v32 =	vmov v48;
	s0 =	smov.u32 s11;
	v9 =	vmul.f32 v5, v35;
	v43 =	vld [tilespmem:s9+$0xFFFFFFF0];
	[tilespmem:s9+$0x40] =	vst v6  }
0x5db: {  	v34 =	vmovc v38;
	v5 =	vld [tilespmem:s31+$0x50];
	v6 =	vmul.f32 v8, v24;
	v1 =	vmul.f32 v4, v17;
	v48 =	vadd.f32 v7, v59  }
0x5dc: {  	s29 =	sadd.s32 $0x200, s29;
	v38 =	vmov v3;
	v8 =	vadd.f32 v9, v56;
	v7 =	vld [tilespmem:s30+$0x8350];
	v4 =	vsub.f32 v50, v0;
	[tilespmem:s20+$0xFFFFFFD0] =	vst v10  }
0x5dd: {  	_ = 	snop  }
0x5de: {  	[tilespmem:s9+$0xFFFFFF40] =	vst v8  }
0x5df: {  	v3 =	vld [tilespmem:s0+$0x50]  }
0x5e0: {  	v8 =	vld [tilespmem:s0+$0x4050]  }
0x5e1: {  	v7 =	vsub.f32 v7, v5  }
0x5e2: {  	v9 =	vld [tilespmem:s9+$0x50]  }
0x5e3: {  	v7 =	vmul.f32 v7, v32;
	_ =	sdelay $0x1  }
0x5e4: {  	v63 =	vsub.f32 v8, v3;
	v62 =	vadd.f32 v7, v5;
	_ =	sdelay $0x1  }
0x5e5: {  	v7 =	vmul.f32 v63, v33;
	v5 =	vsub.f32 v62, v9;
	_ =	sdelay $0x1  }
0x5e6: {  	v3 =	vadd.f32 v7, v3;
	v5 =	vmul.f32 v5, v37;
	_ =	sdelay $0x1  }
0x5e7: {  	v3 =	vsub.f32 v3, v55;
	v5 =	vadd.f32 v5, v9;
	_ =	sdelay $0x1  }
0x5e8: {  	v3 =	vmul.f32 v3, v35;
	[tilespmem:s2+$0x50] =	vst v5  }
0x5e9: {  	v5 =	vld [tilespmem:s31+$0x60]  }
0x5ea: {  	v50 =	vld [tilespmem:s30+$0x8360];
	v3 =	vadd.f32 v3, v55;
	_ =	sdelay $0x1  }
0x5eb: {  	[tilespmem:s2+$0xFFFFFF50] =	vst v3  }
0x5ec: {  	v3 =	vld [tilespmem:s0+$0x60]  }
0x5ed: {  	v8 =	vld [tilespmem:s0+$0x4060]  }
0x5ee: {  	v7 =	vsub.f32 v50, v5  }
0x5ef: {  	v9 =	vld [tilespmem:s2+$0x60]  }
0x5f0: {  	v7 =	vmul.f32 v7, v32;
	_ =	sdelay $0x1  }
0x5f1: {  	v56 =	vsub.f32 v8, v3;
	v5 =	vadd.f32 v7, v5;
	_ =	sdelay $0x1  }
0x5f2: {  	v7 =	vmul.f32 v56, v33;
	v5 =	vsub.f32 v5, v9;
	_ =	sdelay $0x1  }
0x5f3: {  	v3 =	vadd.f32 v7, v3;
	v5 =	vmul.f32 v5, v37;
	_ =	sdelay $0x1  }
0x5f4: {  	v3 =	vsub.f32 v3, v54;
	v5 =	vadd.f32 v5, v9;
	_ =	sdelay $0x1  }
0x5f5: {  	v3 =	vmul.f32 v3, v35;
	[tilespmem:s2+$0x60] =	vst v5  }
0x5f6: {  	v5 =	vld [tilespmem:s31+$0x70]  }
0x5f7: {  	v59 =	vld [tilespmem:s30+$0x8370];
	v3 =	vadd.f32 v3, v54;
	_ =	sdelay $0x1  }
0x5f8: {  	[tilespmem:s2+$0xFFFFFF60] =	vst v3  }
0x5f9: {  	v3 =	vld [tilespmem:s0+$0x70]  }
0x5fa: {  	v8 =	vld [tilespmem:s0+$0x4070]  }
0x5fb: {  	v7 =	vsub.f32 v59, v5  }
0x5fc: {  	v9 =	vld [tilespmem:s2+$0x70]  }
0x5fd: {  	v7 =	vmul.f32 v7, v32;
	_ =	sdelay $0x1  }
0x5fe: {  	v60 =	vsub.f32 v8, v3;
	v5 =	vadd.f32 v7, v5;
	_ =	sdelay $0x1  }
0x5ff: {  	v7 =	vmul.f32 v60, v33;
	v5 =	vsub.f32 v5, v9;
	_ =	sdelay $0x1  }
0x600: {  	v3 =	vadd.f32 v7, v3;
	v5 =	vmul.f32 v5, v37;
	_ =	sdelay $0x1  }
0x601: {  	v3 =	vsub.f32 v3, v53;
	v5 =	vadd.f32 v5, v9;
	_ =	sdelay $0x1  }
0x602: {  	v3 =	vmul.f32 v3, v35;
	[tilespmem:s2+$0x70] =	vst v5  }
0x603: {  	v5 =	vld [tilespmem:s31+$0x400]  }
0x604: {  	v61 =	vld [tilespmem:s30+$0x8700];
	v3 =	vadd.f32 v3, v53;
	_ =	sdelay $0x1  }
0x605: {  	[tilespmem:s2+$0xFFFFFF70] =	vst v3  }
0x606: {  	v3 =	vld [tilespmem:s0+$0x400]  }
0x607: {  	v8 =	vld [tilespmem:s0+$0x4400]  }
0x608: {  	v7 =	vsub.f32 v61, v5  }
0x609: {  	v9 =	vld [tilespmem:s2+$0x80]  }
0x60a: {  	v7 =	vmul.f32 v7, v32;
	_ =	sdelay $0x1  }
0x60b: {  	v62 =	vsub.f32 v8, v3;
	v5 =	vadd.f32 v7, v5;
	_ =	sdelay $0x1  }
0x60c: {  	v2 =	vadd.f32 v6, v2;
	v63 =	vmul.f32 v62, v33;
	v5 =	vsub.f32 v5, v9;
	_ =	sdelay $0x1  }
0x60d: {  	v2 =	vsub.f32 v2, v44;
	v3 =	vadd.f32 v63, v3;
	v5 =	vmul.f32 v5, v37;
	_ =	sdelay $0x1  }
0x60e: {  	v2 =	vmul.f32 v2, v22;
	v3 =	vsub.f32 v3, v57;
	v5 =	vadd.f32 v5, v9;
	_ =	sdelay $0x1  }
0x60f: {  	v2 =	vadd.f32 v2, v44;
	v3 =	vmul.f32 v3, v35;
	[tilespmem:s2+$0x80] =	vst v5  }
0x610: {  	v5 =	vld [tilespmem:s31+$0x410]  }
0x611: {  	[tilespmem:s24+$0xFFFFFF80] =	vst v2;
	v44 =	vld [tilespmem:s30+$0x8710];
	v3 =	vadd.f32 v3, v57  }
0x612: {  	v50 =	vld [tilespmem:s25+$0x410]  }
0x613: {  	v53 =	vld [tilespmem:s25+$0x4410];
	[tilespmem:s2+$0xFFFFFF80] =	vst v3  }
0x614: {  	v3 =	vld [tilespmem:s0+$0x410]  }
0x615: {  	v8 =	vld [tilespmem:s0+$0x4410]  }
0x616: {  	v2 =	vsub.f32 v44, v5  }
0x617: {  	v9 =	vld [tilespmem:s2+$0x90]  }
0x618: {  	v7 =	vsub.f32 v53, v50;
	v2 =	vmul.f32 v2, v32;
	_ =	sdelay $0x1  }
0x619: {  	v54 =	vmul.f32 v7, v24;
	v55 =	vsub.f32 v8, v3;
	v2 =	vadd.f32 v2, v5;
	_ =	sdelay $0x1  }
0x61a: {  	v5 =	vadd.f32 v54, v50;
	v56 =	vmul.f32 v55, v33;
	v2 =	vsub.f32 v2, v9;
	_ =	sdelay $0x1  }
0x61b: {  	v5 =	vsub.f32 v5, v42;
	v3 =	vadd.f32 v56, v3;
	v2 =	vmul.f32 v2, v37;
	_ =	sdelay $0x1  }
0x61c: {  	v57 =	vld [tilespmem:s24+$0xA0];
	v5 =	vmul.f32 v5, v22;
	v3 =	vsub.f32 v3, v52;
	v2 =	vadd.f32 v2, v9  }
0x61d: {  	v4 =	vmul.f32 v4, v23  }
0x61e: {  	v5 =	vadd.f32 v5, v42;
	v59 =	vmul.f32 v3, v35;
	[tilespmem:s2+$0x90] =	vst v2  }
0x61f: {  	v0 =	vadd.f32 v4, v0;
	v60 =	vld [tilespmem:s31+$0x420]  }
0x620: {  	[tilespmem:s24+$0xFFFFFF90] =	vst v5;
	v61 =	vld [tilespmem:s30+$0x8720];
	v2 =	vadd.f32 v59, v52  }
0x621: {  	v0 =	vsub.f32 v0, v57;
	v62 =	vld [tilespmem:s25+$0x420]  }
0x622: {  	v63 =	vld [tilespmem:s25+$0x4420];
	[tilespmem:s2+$0xFFFFFF90] =	vst v2  }
0x623: {  	v0 =	vmul.f32 v0, v21;
	v2 =	vld [tilespmem:s0+$0x420]  }
0x624: {  	v8 =	vld [tilespmem:s0+$0x4420]  }
0x625: {  	v0 =	vadd.f32 v0, v57;
	v5 =	vsub.f32 v61, v60  }
0x626: {  	v9 =	vld [tilespmem:s2+$0xA0]  }
0x627: {  	[tilespmem:s24+$0xA0] =	vst v0;
	v4 =	vsub.f32 v63, v62;
	v5 =	vmul.f32 v5, v32  }
0x628: {  	v0 =	vld [tilespmem:s28+$0x430]  }
0x629: {  	v44 =	vld [tilespmem:s26+$0x8730];
	v4 =	vmul.f32 v4, v24;
	v42 =	vsub.f32 v8, v2;
	v3 =	vadd.f32 v5, v60;
	_ =	sdelay $0x1  }
0x62a: {  	v4 =	vadd.f32 v4, v62;
	v5 =	vmul.f32 v42, v33;
	v3 =	vsub.f32 v3, v9;
	_ =	sdelay $0x1  }
0x62b: {  	v4 =	vsub.f32 v4, v41;
	v2 =	vadd.f32 v5, v2;
	v3 =	vmul.f32 v3, v37  }
0x62c: {  	v50 =	vsub.f32 v44, v0  }
0x62d: {  	v52 =	vld [tilespmem:s24+$0xB0];
	v4 =	vmul.f32 v4, v22;
	v2 =	vsub.f32 v2, v51;
	v3 =	vadd.f32 v3, v9  }
0x62e: {  	v5 =	vmul.f32 v50, v23  }
0x62f: {  	v4 =	vadd.f32 v4, v41;
	v2 =	vmul.f32 v2, v35;
	[tilespmem:s2+$0xA0] =	vst v3  }
0x630: {  	v0 =	vadd.f32 v5, v0;
	v3 =	vld [tilespmem:s31+$0x430]  }
0x631: {  	[tilespmem:s24+$0xFFFFFFA0] =	vst v4;
	v53 =	vld [tilespmem:s30+$0x8730];
	v2 =	vadd.f32 v2, v51  }
0x632: {  	v0 =	vsub.f32 v0, v52;
	v54 =	vld [tilespmem:s25+$0x430]  }
0x633: {  	v55 =	vld [tilespmem:s25+$0x4430];
	[tilespmem:s2+$0xFFFFFFA0] =	vst v2  }
0x634: {  	v0 =	vmul.f32 v0, v21;
	v2 =	vld [tilespmem:s0+$0x430]  }
0x635: {  	v8 =	vld [tilespmem:s0+$0x4430]  }
0x636: {  	v0 =	vadd.f32 v0, v52;
	v4 =	vsub.f32 v53, v3  }
0x637: {  	v9 =	vld [tilespmem:s2+$0xB0]  }
0x638: {  	[tilespmem:s24+$0xB0] =	vst v0;
	v5 =	vsub.f32 v55, v54;
	v4 =	vmul.f32 v4, v32  }
0x639: {  	v1 =	vadd.f32 v1, v29;
	v60 =	vld [tilespmem:s28+$0x440]  }
0x63a: {  	v61 =	vld [tilespmem:s26+$0x8740];
	v56 =	vmul.f32 v5, v24;
	v57 =	vsub.f32 v8, v2;
	v3 =	vadd.f32 v4, v3  }
0x63b: {  	[tilespmem:s22+$0xFFFFFFB0] =	vst v1  }
0x63c: {  	v1 =	vld [tilespmem:s23+$0x440];
	v59 =	vadd.f32 v56, v54;
	v5 =	vmul.f32 v57, v33;
	v3 =	vsub.f32 v3, v9  }
0x63d: {  	v62 =	vld [tilespmem:s23+$0x4440]  }
0x63e: {  	v0 =	vsub.f32 v59, v39;
	v2 =	vadd.f32 v5, v2;
	v3 =	vmul.f32 v3, v37  }
0x63f: {  	v6 =	vsub.f32 v61, v60  }
0x640: {  	v0 =	vmul.f32 v0, v22;
	v2 =	vsub.f32 v2, v58;
	v3 =	vadd.f32 v3, v9  }
0x641: {  	v63 =	vld [tilespmem:s24+$0xC0];
	v6 =	vmul.f32 v6, v23  }
0x642: {  	v5 =	vsub.f32 v62, v1;
	v0 =	vadd.f32 v0, v39;
	v2 =	vmul.f32 v2, v35;
	[tilespmem:s2+$0xB0] =	vst v3  }
0x643: {  	v3 =	vld [tilespmem:s31+$0x440]  }
0x644: {  	v4 =	vadd.f32 v6, v60;
	v5 =	vmul.f32 v5, v18;
	[tilespmem:s24+$0xFFFFFFB0] =	vst v0;
	v41 =	vld [tilespmem:s30+$0x8740];
	v2 =	vadd.f32 v2, v58  }
0x645: {  	v8 =	vld [tilespmem:s25+$0x440]  }
0x646: {  	v4 =	vsub.f32 v4, v63;
	v1 =	vadd.f32 v5, v1;
	v42 =	vld [tilespmem:s25+$0x4440];
	[tilespmem:s2+$0xFFFFFFB0] =	vst v2  }
0x647: {  	v2 =	vld [tilespmem:s0+$0x440]  }
0x648: {  	v4 =	vmul.f32 v4, v21;
	v1 =	vsub.f32 v1, v28;
	v9 =	vld [tilespmem:s0+$0x4440]  }
0x649: {  	v0 =	vsub.f32 v41, v3  }
0x64a: {  	v44 =	vld [tilespmem:s2+$0xC0];
	v4 =	vadd.f32 v4, v63;
	v1 =	vmul.f32 v1, v17  }
0x64b: {  	v6 =	vsub.f32 v42, v8;
	v0 =	vmul.f32 v0, v32  }
0x64c: {  	[tilespmem:s24+$0xC0] =	vst v4;
	v1 =	vadd.f32 v1, v28  }
0x64d: {  	v4 =	vld [tilespmem:s28+$0x450];
	v50 =	vmul.f32 v6, v24;
	v51 =	vsub.f32 v9, v2;
	v0 =	vadd.f32 v0, v3  }
0x64e: {  	v52 =	vld [tilespmem:s26+$0x8750];
	[tilespmem:s22+$0xFFFFFFC0] =	vst v1  }
0x64f: {  	v1 =	vld [tilespmem:s23+$0x450];
	v3 =	vadd.f32 v50, v8;
	v6 =	vmul.f32 v51, v33;
	v0 =	vsub.f32 v0, v44  }
0x650: {  	v53 =	vld [tilespmem:s23+$0x4450]  }
0x651: {  	v3 =	vsub.f32 v3, v40;
	v2 =	vadd.f32 v6, v2;
	v0 =	vmul.f32 v0, v37;
	_ =	sdelay $0x1  }
0x652: {  	v3 =	vmul.f32 v3, v22;
	v2 =	vsub.f32 v2, v47;
	v0 =	vadd.f32 v0, v44  }
0x653: {  	v54 =	vsub.f32 v52, v4  }
0x654: {  	v55 =	vld [tilespmem:s24+$0xD0];
	v5 =	vsub.f32 v53, v1;
	v56 =	vadd.f32 v3, v40;
	v2 =	vmul.f32 v2, v35;
	[tilespmem:s2+$0xC0] =	vst v0  }
0x655: {  	v6 =	vmul.f32 v54, v23;
	v57 =	vld [tilespmem:s31+$0x450]  }
0x656: {  	v5 =	vmul.f32 v5, v18;
	[tilespmem:s24+$0xFFFFFFC0] =	vst v56;
	v8 =	vld [tilespmem:s30+$0x8750];
	v58 =	vadd.f32 v2, v47  }
0x657: {  	v4 =	vadd.f32 v6, v4;
	v59 =	vld [tilespmem:s25+$0x450]  }
0x658: {  	v1 =	vadd.f32 v5, v1;
	v60 =	vld [tilespmem:s25+$0x4450];
	[tilespmem:s2+$0xFFFFFFC0] =	vst v58  }
0x659: {  	v4 =	vsub.f32 v4, v55;
	v0 =	vld [tilespmem:s0+$0x450]  }
0x65a: {  	v1 =	vsub.f32 v1, v27;
	v9 =	vld [tilespmem:s0+$0x4450]  }
0x65b: {  	v4 =	vmul.f32 v4, v21;
	v8 =	vsub.f32 v8, v57  }
0x65c: {  	v61 =	vld [tilespmem:s2+$0xD0];
	v1 =	vmul.f32 v1, v17  }
0x65d: {  	v4 =	vadd.f32 v4, v55;
	v6 =	vsub.f32 v60, v59;
	v8 =	vmul.f32 v8, v32  }
0x65e: {  	v1 =	vadd.f32 v1, v27  }
0x65f: {  	v40 =	vld [tilespmem:s21+$0x4460];
	[tilespmem:s24+$0xD0] =	vst v4;
	v6 =	vmul.f32 v6, v24;
	v62 =	vsub.f32 v9, v0;
	v3 =	vadd.f32 v8, v57  }
0x660: {  	v4 =	vld [tilespmem:s28+$0x460]  }
0x661: {  	v39 =	vld [tilespmem:s26+$0x8760];
	[tilespmem:s22+$0xFFFFFFD0] =	vst v1;
	v2 =	vadd.f32 v6, v59;
	v63 =	vmul.f32 v62, v33;
	v3 =	vsub.f32 v3, v61  }
0x662: {  	v1 =	vld [tilespmem:s23+$0x460]  }
0x663: {  	v41 =	vld [tilespmem:s23+$0x4460];
	v2 =	vsub.f32 v2, v34;
	v0 =	vadd.f32 v63, v0;
	v3 =	vmul.f32 v3, v37  }
0x664: {  	v8 =	vld [tilespmem:s21+$0x460]  }
0x665: {  	v2 =	vmul.f32 v2, v22;
	v0 =	vsub.f32 v0, v38;
	v3 =	vadd.f32 v3, v61  }
0x666: {  	v7 =	vsub.f32 v39, v4  }
0x667: {  	v42 =	vld [tilespmem:s24+$0xE0];
	v2 =	vadd.f32 v2, v34;
	v0 =	vmul.f32 v0, v35;
	[tilespmem:s2+$0xD0] =	vst v3  }
0x668: {  	v7 =	vmul.f32 v7, v23;
	v5 =	vsub.f32 v41, v1;
	v9 =	vld [tilespmem:s31+$0x460]  }
0x669: {  	v6 =	vsub.f32 v40, v8;
	[tilespmem:s24+$0xFFFFFFD0] =	vst v2;
	v44 =	vld [tilespmem:s30+$0x8760];
	v0 =	vadd.f32 v0, v38  }
0x66a: {  	v4 =	vadd.f32 v7, v4;
	v10 =	vld [tilespmem:s25+$0x460]  }
0x66b: {  	v5 =	vmul.f32 v5, v18;
	v6 =	vmul.f32 v6, v14;
	v47 =	vld [tilespmem:s25+$0x4460];
	[tilespmem:s2+$0xFFFFFFD0] =	vst v0  }
0x66c: {  	v4 =	vsub.f32 v4, v42;
	v0 =	vld [tilespmem:s0+$0x460]  }
0x66d: {  	v1 =	vadd.f32 v5, v1;
	v6 =	vadd.f32 v6, v8;
	v8 =	vld [tilespmem:s0+$0x4460]  }
0x66e: {  	v2 =	vsub.f32 v44, v9  }
0x66f: {  	v50 =	vld [tilespmem:s2+$0xE0];
	v4 =	vmul.f32 v4, v21;
	v1 =	vsub.f32 v1, v25  }
0x670: {  	v7 =	vsub.f32 v47, v10;
	v2 =	vmul.f32 v2, v32  }
0x671: {  	v6 =	vsub.f32 v6, v20;
	v3 =	vadd.f32 v4, v42;
	v1 =	vmul.f32 v1, v17  }
0x672: {  	v52 =	vmul.f32 v7, v24;
	v53 =	vsub.f32 v8, v0;
	v2 =	vadd.f32 v2, v9  }
0x673: {  	v51 =	vmul.f32 v6, v13;
	v1 =	vadd.f32 v1, v25  }
0x674: {  	v40 =	vld [tilespmem:s24+$0xF0];
	[tilespmem:s24+$0xE0] =	vst v3;
	v54 =	vadd.f32 v52, v10;
	v55 =	vmul.f32 v53, v33;
	v2 =	vsub.f32 v2, v50  }
0x675: {  	v56 =	vld [tilespmem:s28+$0x470];
	v4 =	vadd.f32 v51, v20;
	[tilespmem:s22+$0xFFFFFFE0] =	vst v1  }
0x676: {  	v61 =	vld [tilespmem:s23+$0x470];
	v3 =	vsub.f32 v54, v30;
	v0 =	vadd.f32 v55, v0;
	v2 =	vmul.f32 v2, v37  }
0x677: {  	v57 =	vsub.f32 v49, v46;
	v8 =	vld [tilespmem:s26+$0x8770];
	[tilespmem:s20+$0xFFFFFFE0] =	vst v4  }
0x678: {  	v58 =	vld [tilespmem:s21+$0x470];
	v59 =	vmul.f32 v3, v22;
	v0 =	vsub.f32 v0, v36;
	v2 =	vadd.f32 v2, v50  }
0x679: {  	v9 =	vld [tilespmem:s21+$0x4470]  }
0x67a: {  	v60 =	vmul.f32 v57, v12;
	v62 =	vld [tilespmem:s23+$0x4470];
	v1 =	vadd.f32 v59, v30;
	v0 =	vmul.f32 v0, v35;
	[tilespmem:s2+$0xE0] =	vst v2  }
0x67b: {  	v2 =	vld [tilespmem:s31+$0x470]  }
0x67c: {  	v3 =	vadd.f32 v60, v46;
	[tilespmem:s24+$0xFFFFFFE0] =	vst v1;
	v10 =	vld [tilespmem:s30+$0x8770];
	v0 =	vadd.f32 v0, v36  }
0x67d: {  	v8 =	vsub.f32 v8, v56;
	v20 =	vld [tilespmem:s25+$0x470]  }
0x67e: {  	v9 =	vsub.f32 v9, v58;
	v63 =	vsub.f32 v3, v15;
	v34 =	vld [tilespmem:s25+$0x4470];
	[tilespmem:s2+$0xFFFFFFE0] =	vst v0  }
0x67f: {  	v38 =	vsub.f32 v62, v61;
	v8 =	vmul.f32 v8, v23;
	v39 =	vld [tilespmem:s0+$0x470]  }
0x680: {  	v9 =	vmul.f32 v9, v14;
	v36 =	vmul.f32 v63, v11;
	v11 =	vld [tilespmem:s0+$0x4470]  }
0x681: {  	v1 =	vmul.f32 v38, v18;
	v7 =	vadd.f32 v8, v56  }
0x682: {  	v6 =	vadd.f32 v9, v58;
	v9 =	vsub.f32 v48, v45  }
0x683: {  	v1 =	vadd.f32 v1, v61;
	v41 =	vsub.f32 v34, v20  }
0x684: {  	v7 =	vsub.f32 v7, v40;
	v8 =	vsub.f32 v10, v2  }
0x685: {  	v0 =	vadd.f32 v36, v15;
	v10 =	vld [tilespmem:s2+$0xF0];
	v4 =	vmul.f32 v41, v24;
	v11 =	vsub.f32 v11, v39  }
0x686: {  	v6 =	vsub.f32 v6, v19;
	v9 =	vmul.f32 v9, v16;
	v8 =	vmul.f32 v8, v32  }
0x687: {  	v1 =	vsub.f32 v1, v26;
	v3 =	vadd.f32 v4, v20;
	v42 =	vmul.f32 v11, v33  }
0x688: {  	v6 =	vmul.f32 v6, v13;
	v44 =	vadd.f32 v9, v45;
	v2 =	vadd.f32 v8, v2  }
0x689: {  	v45 =	vmul.f32 v7, v21;
	v3 =	vsub.f32 v3, v31;
	v4 =	vadd.f32 v42, v39  }
0x68a: {  	[tilespmem:s19+$0xFFFFFFF0] =	vst v0;
	v1 =	vmul.f32 v1, v17;
	v6 =	vadd.f32 v6, v19;
	v2 =	vsub.f32 v2, v10  }
0x68b: {  	[tilespmem:s22+$0xF0] =	vst v44;
	v46 =	vadd.f32 v45, v40;
	v3 =	vmul.f32 v3, v22;
	v4 =	vsub.f32 v4, v43  }
0x68c: {  	v1 =	vadd.f32 v1, v26;
	[tilespmem:s20+$0xFFFFFFF0] =	vst v6;
	v2 =	vmul.f32 v2, v37  }
0x68d: {  	[tilespmem:s24+$0xF0] =	vst v46;
	v47 =	vadd.f32 v3, v31;
	v48 =	vmul.f32 v4, v35  }
0x68e: {  	[tilespmem:s22+$0xFFFFFFF0] =	vst v1;
	v49 =	vadd.f32 v2, v10  }
0x68f: {  	[tilespmem:s24+$0xFFFFFFF0] =	vst v47;
	v50 =	vadd.f32 v48, v43  }
0x690: {  	[tilespmem:s2+$0xF0] =	vst v49  }
0x691: {  	[tilespmem:s2+$0xFFFFFFF0] =	vst v50  }
0x692: {  	v1 =	vld.msk [tilespmem:$0x104B0 ss:$0x0], $0xffff  }
0x693: {  	v0 =	vld.msk [tilespmem:$0x10430 ss:$0x0], $0xffff  }
0x694: {  	v51 =	vld [tilespmem:$0xB300]  }
0x695: {  	v52 =	vld [tilespmem:$0xF300]  }
0x696: {  	v53 =	vld [tilespmem:$0x13500]  }
0x697: {  	v54 =	vld [tilespmem:$0xB310]  }
0x698: {  	v6 =	vld [tilespmem:$0xF310]  }
0x699: {  	v55 =	vld [tilespmem:$0x13510]  }
0x69a: {  	v8 =	vld [tilespmem:$0xB320]  }
0x69b: {  	v9 =	vld [tilespmem:$0xF320]  }
0x69c: {  	v10 =	vld [tilespmem:$0x13520]  }
0x69d: {  	v11 =	vld [tilespmem:$0xB330]  }
0x69e: {  	v56 =	vld [tilespmem:$0xF330]  }
0x69f: {  	v57 =	vld [tilespmem:$0x13530]  }
0x6a0: {  	v58 =	vld [tilespmem:$0xB340]  }
0x6a1: {  	v59 =	vld [tilespmem:$0xF340]  }
0x6a2: {  	v60 =	vld [tilespmem:$0x13540]  }
0x6a3: {  	v61 =	vld [tilespmem:$0xB350]  }
0x6a4: {  	v62 =	vld [tilespmem:$0xF350]  }
0x6a5: {  	v35 =	vld [tilespmem:$0xB370]  }
0x6a6: {  	v24 =	vld [tilespmem:$0xF370]  }
0x6a7: {  	v25 =	vld [tilespmem:$0xB710]  }
0x6a8: {  	v26 =	vld [tilespmem:$0xF710]  }
0x6a9: {  	v42 =	vld [tilespmem:$0xB720]  }
0x6aa: {  	v43 =	vld [tilespmem:$0xF720]  }
0x6ab: {  	v48 =	vld [tilespmem:$0xB750];
	v3 =	vsub.f32 v52, v51  }
0x6ac: {  	v49 =	vld [tilespmem:$0xF750];
	v6 =	vsub.f32 v6, v54;
	v9 =	vsub.f32 v9, v8  }
0x6ad: {  	v63 =	vld [tilespmem:$0x13550];
	v12 =	vsub.f32 v56, v11;
	v39 =	vsub.f32 v59, v58  }
0x6ae: {  	v45 =	vld [tilespmem:$0xF730];
	v41 =	vsub.f32 v62, v61;
	v44 =	vsub.f32 v24, v35;
	v3 =	vmul.f32 v3, v1  }
0x6af: {  	v47 =	vld [tilespmem:$0xF740];
	v46 =	vsub.f32 v26, v25;
	v6 =	vmul.f32 v6, v1;
	v36 =	vmul.f32 v9, v1  }
0x6b0: {  	v24 =	vld [tilespmem:$0xB730];
	v21 =	vsub.f32 v43, v42;
	v37 =	vmul.f32 v12, v1;
	v4 =	vmul.f32 v39, v1  }
0x6b1: {  	v26 =	vld [tilespmem:$0xB740];
	v7 =	vmul.f32 v41, v1;
	v12 =	vsub.f32 v49, v48;
	v2 =	vadd.f32 v3, v51  }
0x6b2: {  	v38 =	vld [tilespmem:$0xB700];
	v13 =	vmul.f32 v44, v1;
	v5 =	vadd.f32 v6, v54;
	v3 =	vadd.f32 v36, v8  }
0x6b3: {  	v17 =	vmul.f32 v46, v1;
	v8 =	vld [tilespmem:$0xF700];
	v6 =	vadd.f32 v37, v11;
	v4 =	vadd.f32 v4, v58  }
0x6b4: {  	v32 =	vld [tilespmem:$0xB360];
	v7 =	vadd.f32 v7, v61;
	v13 =	vadd.f32 v13, v35  }
0x6b5: {  	v40 =	vld [tilespmem:$0x13590];
	v17 =	vadd.f32 v17, v25;
	v14 =	vsub.f32 v45, v24  }
0x6b6: {  	v9 =	vld [tilespmem:$0x13570];
	v20 =	vsub.f32 v47, v26;
	v2 =	vsub.f32 v2, v53  }
0x6b7: {  	v50 =	vld [tilespmem:$0xF760];
	v5 =	vsub.f32 v5, v55;
	v3 =	vsub.f32 v3, v10  }
0x6b8: {  	v25 =	vld [tilespmem:$0xB760];
	v12 =	vmul.f32 v12, v1;
	v6 =	vsub.f32 v6, v57;
	v8 =	vsub.f32 v8, v38  }
0x6b9: {  	v11 =	vld [tilespmem:$0x13580];
	v4 =	vsub.f32 v4, v60;
	v7 =	vsub.f32 v7, v63  }
0x6ba: {  	v33 =	vld [tilespmem:$0xF360];
	v17 =	vsub.f32 v17, v40;
	v22 =	vadd.f32 v12, v48;
	v8 =	vmul.f32 v8, v1  }
0x6bb: {  	v52 =	vld [tilespmem:$0xF770];
	v13 =	vsub.f32 v13, v9;
	v2 =	vmul.f32 v2, v0;
	v5 =	vmul.f32 v5, v0  }
0x6bc: {  	v51 =	vld [tilespmem:$0xB770];
	v3 =	vmul.f32 v3, v0;
	v4 =	vmul.f32 v4, v0;
	v8 =	vadd.f32 v8, v38  }
0x6bd: {  	v6 =	vmul.f32 v6, v0;
	v16 =	vsub.f32 v50, v25;
	v2 =	vadd.f32 v2, v53  }
0x6be: {  	v7 =	vmul.f32 v7, v0;
	v4 =	vadd.f32 v4, v60;
	v60 =	vld [tilespmem:$0x135D0];
	v8 =	vsub.f32 v8, v11  }
0x6bf: {  	v13 =	vmul.f32 v13, v0;
	v5 =	vadd.f32 v5, v55;
	v3 =	vadd.f32 v3, v10  }
0x6c0: {  	v10 =	vsub.f32 v33, v32;
	v6 =	vadd.f32 v6, v57;
	v8 =	vmul.f32 v8, v0  }
0x6c1: {  	v34 =	vld [tilespmem:$0x13560];
	v7 =	vadd.f32 v7, v63;
	v53 =	vmul.f32 v17, v0;
	v63 =	vsub.f32 v52, v51  }
0x6c2: {  	v54 =	vld [tilespmem:$0x135A0];
	v10 =	vmul.f32 v10, v1;
	[tilespmem:$0x13500] =	vst v2;
	v55 =	vadd.f32 v8, v11;
	v8 =	vmul.f32 v21, v1  }
0x6c3: {  	v57 =	vmul.f32 v14, v1;
	v9 =	vadd.f32 v13, v9;
	[tilespmem:$0x13550] =	vst v7;
	v7 =	vsub.f32 v22, v60;
	v11 =	vld [tilespmem:$0x135B0]  }
0x6c4: {  	v58 =	vld [tilespmem:$0x135C0];
	[tilespmem:$0x13510] =	vst v5;
	v10 =	vadd.f32 v10, v32;
	v59 =	vadd.f32 v8, v42;
	v8 =	vmul.f32 v20, v1  }
0x6c5: {  	v62 =	vld [tilespmem:$0x135E0];
	v56 =	vadd.f32 v53, v40;
	[tilespmem:$0x13520] =	vst v3;
	v61 =	vadd.f32 v57, v24;
	v35 =	vmul.f32 v7, v0  }
0x6c6: {  	[tilespmem:$0x13530] =	vst v6;
	v10 =	vsub.f32 v10, v34;
	v21 =	vld [tilespmem:$0x135F0];
	v20 =	vadd.f32 v8, v26;
	v8 =	vmul.f32 v16, v1  }
0x6c7: {  	[tilespmem:$0x13540] =	vst v4;
	v38 =	vadd.f32 v35, v60;
	v3 =	vsub.f32 v59, v54;
	v1 =	vmul.f32 v63, v1  }
0x6c8: {  	[tilespmem:$0x13570] =	vst v9;
	v10 =	vmul.f32 v10, v0;
	v6 =	vsub.f32 v61, v11;
	v8 =	vadd.f32 v8, v25  }
0x6c9: {  	[tilespmem:$0x13590] =	vst v56;
	v3 =	vmul.f32 v3, v0;
	v4 =	vsub.f32 v20, v58;
	v1 =	vadd.f32 v1, v51  }
0x6ca: {  	v10 =	vadd.f32 v10, v34;
	[tilespmem:$0x13580] =	vst v55;
	v6 =	vmul.f32 v6, v0;
	v33 =	vsub.f32 v8, v62  }
0x6cb: {  	[tilespmem:$0x135D0] =	vst v38;
	v23 =	vadd.f32 v3, v54;
	v32 =	vmul.f32 v4, v0;
	v1 =	vsub.f32 v1, v21  }
0x6cc: {  	[tilespmem:$0x13560] =	vst v10;
	v34 =	vadd.f32 v6, v11;
	v37 =	vmul.f32 v33, v0  }
0x6cd: {  	[tilespmem:$0x135A0] =	vst v23;
	v36 =	vadd.f32 v32, v58;
	v0 =	vmul.f32 v1, v0  }
0x6ce: {  	[tilespmem:$0x135B0] =	vst v34;
	v39 =	vadd.f32 v37, v62  }
0x6cf: {  	[tilespmem:$0x135C0] =	vst v36;
	v0 =	vadd.f32 v0, v21  }
0x6d0: {  	[tilespmem:$0x135E0] =	vst v39  }
0x6d1: {  	[tilespmem:$0x135F0] =	vst v0  }
0x6d2: {  	v0 =	vld [tilespmem:s18+$0x0];
	_ =	sdelay $0x4  }
0x6d3: {  	v0 =	vmul.f32 $6.250000000e-02, v0;
	_ =	sdelay $0x1  }
0x6d4: {  	v40 =	vbroadcast v0, $0x0;
	v41 =	vbroadcast v0, $0x2  }
0x6d5: {  	v27 =	vld [tilespmem:$0x1FF50]  }
0x6d6: {  	v2 =	vsub.f32 v41, v40  }
0x6d7: {  	v42 =	vbroadcast v0, $0x1;
	v0 =	vbroadcast v0, $0x3  }
0x6d8: {  	v28 =	vld [tilespmem:$0x1FF60];
	v2 =	vmul.f32 $1.428571490e-01, v2  }
0x6d9: {  	v29 =	vld [tilespmem:$0x1FF70];
	v0 =	vsub.f32 v0, v42  }
0x6da: {  	v30 =	vld [tilespmem:$0x1FF80];
	v43 =	vmul.f32 v27, v2  }
0x6db: {  	v31 =	vld [tilespmem:$0x1FF90];
	v0 =	vmul.f32 $1.428571490e-01, v0  }
0x6dc: {  	v33 =	vld [tilespmem:$0x1FFB0];
	v4 =	vadd.f32 v43, v40  }
0x6dd: {  	v44 =	vmul.f32 v28, v0  }
0x6de: {  	v45 =	vmul.f32 v29, v2;
	v4 =	vmax.f32 v4, $0.0e+00  }
0x6df: {  	v46 =	vmul.f32 v30, v0;
	v5 =	vadd.f32 v44, v42;
	v4 =	vmin.f32 v4, $4.900000000e+01  }
0x6e0: {  	v9 =	vmul.f32 v31, v2;
	v4 =	vtrunc.f32 v4  }
0x6e1: {  	v2 =	vmul.f32 v33, v2;
	v5 =	vmax.f32 v5, $0.0e+00;
	v4 =	vcvt.f32.s32 v4  }
0x6e2: {  	v6 =	vadd.f32 v45, v40;
	v7 =	vadd.f32 v46, v42;
	v5 =	vmin.f32 v5, $4.900000000e+01  }
0x6e3: {  	v1 =	vadd.f32 v2, v40;
	v5 =	vtrunc.f32 v5;
	v4 =	vadd.s32 $0x1, v4  }
0x6e4: {  	v32 =	vld [tilespmem:$0x1FFA0];
	v6 =	vmax.f32 v6, $0.0e+00;
	v5 =	vcvt.f32.s32 v5;
	vm1 =	vlt.s32 v4, $0x31  }
0x6e5: {  	v7 =	vmax.f32 v7, $0.0e+00;
	v6 =	vmin.f32 v6, $4.900000000e+01;
	v4 =	vnsel vm1, $0x31, v4  }
0x6e6: {  	v7 =	vmin.f32 v7, $4.900000000e+01;
	v8 =	vadd.s32 $0x1, v5;
	v4 =	vmul.u32 $0x32, v4  }
0x6e7: {  	v6 =	vtrunc.f32 v6;
	v7 =	vtrunc.f32 v7;
	vm1 =	vlt.s32 v8, $0x31  }
0x6e8: {  	v6 =	vcvt.f32.s32 v6;
	v8 =	vnsel vm1, $0x31, v8;
	v5 =	vadd.s32 v5, v4  }
0x6e9: {  	v4 =	vadd.s32 v8, v4;
	v8 =	vadd.f32 v9, v40;
	v9 =	vmul.f32 v32, v0  }
0x6ea: {  	v1 =	vmax.f32 v1, $0.0e+00;
	v7 =	vcvt.f32.s32 v7  }
0x6eb: {  	v34 =	vld [tilespmem:$0x1FFC0];
	v1 =	vmin.f32 v1, $4.900000000e+01;
	v6 =	vadd.s32 $0x1, v6;
	v9 =	vadd.f32 v9, v42  }
0x6ec: {  	v47 =	vadd.s32 $0x1, v7;
	vm1 =	vlt.s32 v6, $0x31;
	v8 =	vmax.f32 v8, $0.0e+00  }
0x6ed: {  	v6 =	vnsel vm1, $0x31, v6;
	v8 =	vmin.f32 v8, $4.900000000e+01;
	v9 =	vmax.f32 v9, $0.0e+00  }
0x6ee: {  	vm1 =	vlt.s32 v47, $0x31;
	v8 =	vtrunc.f32 v8;
	v9 =	vmin.f32 v9, $4.900000000e+01  }
0x6ef: {  	v2 =	vnsel vm1, $0x31, v47;
	v8 =	vcvt.f32.s32 v8;
	v9 =	vtrunc.f32 v9  }
0x6f0: {  	v0 =	vmul.f32 v34, v0;
	v49 =	vshll.u32 v5, $0x1;
	v48 =	vcvt.f32.s32 v9  }
0x6f1: {  	v3 =	vand.u32 $0xFFFFFFF0, v49;
	v8 =	vadd.s32 $0x1, v8;
	v9 =	vand.u32 $0x7, v5  }
0x6f2: {  	vm1 =	vlt.s32 v8, $0x31;
	v3 =	vor.u32 v9, v3;
	v9 =	vadd.s32 $0x1, v48  }
0x6f3: {  	v0 =	vadd.f32 v0, v42;
	v8 =	vnsel vm1, $0x31, v8;
	vm1 =	vlt.s32 v9, $0x31  }
0x6f4: {  	v1 =	vtrunc.f32 v1;
	v51 =	vnsel vm1, $0x31, v9;
	v9 =	vld [tilespmem:$0x1FFD0]  }
0x6f5: {  	v35 =	vld [tilespmem:$0x1FFE0];
	v1 =	vcvt.f32.s32 v1;
	v0 =	vmax.f32 v0, $0.0e+00  }
0x6f6: {  	v36 =	vld [tilespmem:$0x1FFF0];
	v6 =	vmul.u32 $0x32, v6;
	v0 =	vmin.f32 v0, $4.900000000e+01  }
0x6f7: {  	v1 =	vadd.s32 $0x1, v1;
	v0 =	vtrunc.f32 v0  }
0x6f8: {  	[tilespmem:$0x280] =	vst v5;
	v7 =	vadd.s32 v7, v6;
	v0 =	vcvt.f32.s32 v0;
	v50 =	vmul.u32 $0x32, v8  }
0x6f9: {  	[tilespmem:$0x2C0] =	vst v4;
	v2 =	vadd.s32 v2, v6;
	vm1 =	vlt.s32 v1, $0x31;
	v8 =	vperm.xlane v3, v9  }
0x6fa: {  	[tilespmem:$0x290] =	vst v7;
	v52 =	vadd.s32 $0x1, v0;
	v6 =	vadd.s32 v48, v50;
	v1 =	vnsel vm1, $0x31, v1  }
0x6fb: {  	[tilespmem:$0x2D0] =	vst v2;
	v1 =	vmul.u32 $0x32, v1;
	v3 =	vperm.xlane v3, v36;
	v53 =	vadd.s32 v35, v8  }
0x6fc: {  	v4 =	vadd.s32 v51, v50;
	vm1 =	vlt.s32 v52, $0x31;
	[tilespmem:$0x2A0] =	vst v6  }
0x6fd: {  	[tilespmem:$0x2E0] =	vst v4;
	v54 =	vnsel vm1, $0x31, v52;
	v0 =	vadd.s32 v0, v1;
	v3 =	vadd.s32 v35, v3  }
0x6fe: {  	v55 =	vadd.s32 v54, v1;
	[tilespmem:$0x2B0] =	vst v0  }
0x6ff: {  	s7 =	simm.s32 $0x8300;
	[tilespmem:$0x2F0] =	vst v55  }
0x700: {  	[tilespmem:s7], [sflag:$0x2] =	stream.indirect_vreg.gather [hbm4b:s4+s3], $0x80, v53, vm0, $0xb8;
	[tilespmem:$0x13600] =	vst v63  }
0x701: {  	s8 =	simm.s32 $0x8B00  }
0x702: {  	[tilespmem:s8], [sflag:$0x2] =	stream.indirect_vreg.gather [hbm4b:s4+s3], $0x80, v3, vm0, $0xb8;
	[tilespmem:$0x13600] =	vst v63  }
0x703: {  	v56 =	vld [tilespmem:$0x290];
	_ =	sdelay $0x4  }
0x704: {  	v57 =	vshll.u32 v56, $0x1  }
0x705: {  	v0 =	vand.u32 $0x7, v56;
	v1 =	vand.u32 $0xFFFFFFF0, v57  }
0x706: {  	v0 =	vor.u32 v0, v1  }
0x707: {  	v1 =	vperm.xlane v0, v9;
	_ =	sdelay $0x1  }
0x708: {  	v0 =	vperm.xlane v0, v36;
	v1 =	vadd.s32 v35, v1;
	_ =	sdelay $0x1  }
0x709: {  	v0 =	vadd.s32 v35, v0;
	_ =	sdelay $0x1  }
0x70a: {  	s9 =	simm.s32 $0x9300  }
0x70b: {  	[tilespmem:s9], [sflag:$0x2] =	stream.indirect_vreg.gather [hbm4b:s4+s3], $0x80, v1, vm0, $0xb8;
	[tilespmem:$0x13600] =	vst v63  }
0x70c: {  	s10 =	simm.s32 $0x9B00  }
0x70d: {  	[tilespmem:s10], [sflag:$0x2] =	stream.indirect_vreg.gather [hbm4b:s4+s3], $0x80, v0, vm0, $0xb8;
	[tilespmem:$0x13600] =	vst v63  }
0x70e: {  	v0 =	vld [tilespmem:$0x2A0];
	_ =	sdelay $0x4  }
0x70f: {  	v58 =	vshll.u32 v0, $0x1  }
0x710: {  	v0 =	vand.u32 $0x7, v0;
	v1 =	vand.u32 $0xFFFFFFF0, v58  }
0x711: {  	v0 =	vor.u32 v0, v1  }
0x712: {  	v1 =	vperm.xlane v0, v9;
	_ =	sdelay $0x1  }
0x713: {  	v0 =	vperm.xlane v0, v36;
	v1 =	vadd.s32 v35, v1;
	_ =	sdelay $0x1  }
0x714: {  	v0 =	vadd.s32 v35, v0;
	_ =	sdelay $0x1  }
0x715: {  	s11 =	simm.s32 $0xA300  }
0x716: {  	[tilespmem:s11], [sflag:$0x2] =	stream.indirect_vreg.gather [hbm4b:s4+s3], $0x80, v1, vm0, $0xb8;
	[tilespmem:$0x13600] =	vst v63  }
0x717: {  	s12 =	simm.s32 $0xAB00  }
0x718: {  	[tilespmem:s12], [sflag:$0x2] =	stream.indirect_vreg.gather [hbm4b:s4+s3], $0x80, v0, vm0, $0xb8;
	[tilespmem:$0x13600] =	vst v63  }
0x719: {  	v0 =	vld [tilespmem:$0x2B0];
	_ =	sdelay $0x4  }
0x71a: {  	v59 =	vshll.u32 v0, $0x1  }
0x71b: {  	v0 =	vand.u32 $0x7, v0;
	v1 =	vand.u32 $0xFFFFFFF0, v59  }
0x71c: {  	v0 =	vor.u32 v0, v1  }
0x71d: {  	v1 =	vperm.xlane v0, v9;
	_ =	sdelay $0x1  }
0x71e: {  	v0 =	vperm.xlane v0, v36;
	v1 =	vadd.s32 v35, v1;
	_ =	sdelay $0x1  }
0x71f: {  	v0 =	vadd.s32 v35, v0;
	_ =	sdelay $0x1  }
0x720: {  	s13 =	simm.s32 $0xB300  }
0x721: {  	[tilespmem:s13], [sflag:$0x2] =	stream.indirect_vreg.gather [hbm4b:s4+s3], $0x80, v1, vm0, $0xb8;
	[tilespmem:$0x13600] =	vst v63  }
0x722: {  	s18 =	simm.s32 $0xBB00  }
0x723: {  	[tilespmem:s18], [sflag:$0x2] =	stream.indirect_vreg.gather [hbm4b:s4+s3], $0x80, v0, vm0, $0xb8;
	[tilespmem:$0x13600] =	vst v63  }
0x724: {  	v0 =	vld [tilespmem:$0x2C0];
	_ =	sdelay $0x4  }
0x725: {  	v60 =	vshll.u32 v0, $0x1  }
0x726: {  	v0 =	vand.u32 $0x7, v0;
	v1 =	vand.u32 $0xFFFFFFF0, v60  }
0x727: {  	v0 =	vor.u32 v0, v1  }
0x728: {  	v1 =	vperm.xlane v0, v9;
	_ =	sdelay $0x1  }
0x729: {  	v0 =	vperm.xlane v0, v36;
	v1 =	vadd.s32 v35, v1;
	_ =	sdelay $0x1  }
0x72a: {  	v0 =	vadd.s32 v35, v0;
	_ =	sdelay $0x1  }
0x72b: {  	s19 =	simm.s32 $0xC300  }
0x72c: {  	[tilespmem:s19], [sflag:$0x2] =	stream.indirect_vreg.gather [hbm4b:s4+s3], $0x80, v1, vm0, $0xb8;
	[tilespmem:$0x13600] =	vst v63  }
0x72d: {  	s20 =	simm.s32 $0xCB00  }
0x72e: {  	[tilespmem:s20], [sflag:$0x2] =	stream.indirect_vreg.gather [hbm4b:s4+s3], $0x80, v0, vm0, $0xb8;
	[tilespmem:$0x13600] =	vst v63  }
0x72f: {  	v0 =	vld [tilespmem:$0x2D0];
	_ =	sdelay $0x4  }
0x730: {  	v61 =	vshll.u32 v0, $0x1  }
0x731: {  	v0 =	vand.u32 $0x7, v0;
	v1 =	vand.u32 $0xFFFFFFF0, v61  }
0x732: {  	v0 =	vor.u32 v0, v1  }
0x733: {  	v1 =	vperm.xlane v0, v9;
	_ =	sdelay $0x1  }
0x734: {  	v0 =	vperm.xlane v0, v36;
	v1 =	vadd.s32 v35, v1;
	_ =	sdelay $0x1  }
0x735: {  	v0 =	vadd.s32 v35, v0;
	_ =	sdelay $0x1  }
0x736: {  	s21 =	simm.s32 $0xD300  }
0x737: {  	[tilespmem:s21], [sflag:$0x2] =	stream.indirect_vreg.gather [hbm4b:s4+s3], $0x80, v1, vm0, $0xb8;
	[tilespmem:$0x13600] =	vst v63  }
0x738: {  	s22 =	simm.s32 $0xDB00  }
0x739: {  	[tilespmem:s22], [sflag:$0x2] =	stream.indirect_vreg.gather [hbm4b:s4+s3], $0x80, v0, vm0, $0xb8;
	[tilespmem:$0x13600] =	vst v63  }
0x73a: {  	v0 =	vld [tilespmem:$0x2E0];
	_ =	sdelay $0x4  }
0x73b: {  	v62 =	vshll.u32 v0, $0x1  }
0x73c: {  	v0 =	vand.u32 $0x7, v0;
	v1 =	vand.u32 $0xFFFFFFF0, v62  }
0x73d: {  	v0 =	vor.u32 v0, v1  }
0x73e: {  	v1 =	vperm.xlane v0, v9;
	_ =	sdelay $0x1  }
0x73f: {  	v0 =	vperm.xlane v0, v36;
	v1 =	vadd.s32 v35, v1;
	_ =	sdelay $0x1  }
0x740: {  	v0 =	vadd.s32 v35, v0;
	_ =	sdelay $0x1  }
0x741: {  	s23 =	simm.s32 $0xE300  }
0x742: {  	[tilespmem:s23], [sflag:$0x2] =	stream.indirect_vreg.gather [hbm4b:s4+s3], $0x80, v1, vm0, $0xb8;
	[tilespmem:$0x13600] =	vst v63  }
0x743: {  	s24 =	simm.s32 $0xEB00  }
0x744: {  	[tilespmem:s24], [sflag:$0x2] =	stream.indirect_vreg.gather [hbm4b:s4+s3], $0x80, v0, vm0, $0xb8;
	[tilespmem:$0x13600] =	vst v63  }
0x745: {  	v0 =	vld [tilespmem:$0x2F0];
	_ =	sdelay $0x4  }
0x746: {  	v63 =	vshll.u32 v0, $0x1  }
0x747: {  	v0 =	vand.u32 $0x7, v0;
	v1 =	vand.u32 $0xFFFFFFF0, v63  }
0x748: {  	v0 =	vor.u32 v0, v1  }
0x749: {  	s0 =	sor.u32 s5, s17;
	v1 =	vperm.xlane v0, v9  }
0x74a: {  	p0 =	slt.s32 s0, $0x3E7  }
0x74b: {  	s0 =	simm.s32 @!p0 $0x3E7;
	v0 =	vperm.xlane v0, v36;
	v1 =	vadd.s32 v35, v1  }
0x74c: {  	s1 =	sshrl.u32 s0, $0x3  }
0x74d: {  	s29 =	simm.s32 $0x80;
	s0 =	sshll.u32 s0, $0x7;
	s1 =	smul.u32 $0x18800, s1;
	v0 =	vadd.s32 v35, v0  }
0x74e: {  	s6 =	simm.s32 $0x10500;
	s28 =	rddreg [dreg:$0x1];
	s0 =	sand.u32 $0x380, s0  }
0x74f: {  	s26 =	simm.s32 $0xFB00;
	s25 =	simm.s32 $0xF300;
	s0 =	sor.u32 s0, s1  }
0x750: {  	[tilespmem:s25], [sflag:$0x2] =	stream.indirect_vreg.gather [hbm4b:s4+s3], $0x80, v1, vm0, $0xb8;
	[tilespmem:$0x13600] =	vst v63  }
0x751: {  	s30 =	simm.s32 $0x400;
	p0 =	sne.s32 s16, $0x20;
	s0 =	sshrl.u32 s0, $0x3  }
0x752: {  	[tilespmem:s26], [sflag:$0x2] =	stream.indirect_vreg.gather [hbm4b:s4+s3], $0x80, v0, vm0, $0xb8;
	[tilespmem:$0x13600] =	vst v63  }
.Ltmp2:
0x753: {  	s31 =	simm.s32 $0x3;
	s0 =	sadd.s32 s28, s0;
	(pc) =	sbr.rel @p0 .LBB2_2-.Ltmp2, $4  }
0x754: {  	[hbm4b:s0+s29] =	stream.strided.scatter [tilespmem:s6], [sflag:$0x3], $0x3100, s30, s29, $0x38;
	[tilespmem:$0x13600] =	vst v63  }
0x755: {  	_ =	swait.ge [sflag:s31], $0x3100  }
0x756: {  	[sflag:s31] =	ssyncset.done $0x0  }
0x757: {  	s17 =	smov.u32 s16;
	[sflag:s31] =	ssyncadd.s32 $0xFFFFCF00  }
0x758: {  	_ =	swait.ge [sflag:s14], $0x8000  }
0x759: {  	[sflag:s14] =	ssyncset.done $0x0  }
0x75a: {  	[sflag:s14] =	ssyncadd.s32 $0xFFFF8000  }
0x75b: {  	_ =	swait.ge [sflag:s15], $0x8000  }
0x75c: {  	s1 =	rddreg [dreg:$0x5]  }
0x75d: {  	s0 =	rddreg [dreg:$0x4];
	s1 =	sadd.s32 $0x1, s1  }
0x75e: {  	p0 =	sne.s32 s1, s0  }
.Ltmp3:
0x75f: {  	_ = 	snop;
	(pc) =	sbr.rel @p0 .LBB2_1-.Ltmp3, $3  }
0x760: {  	_ =	sdelay $0x1  }
0x761: {  	[sflag:s15] =	ssyncset.done $0x0  }
0x762: {  	[sflag:s15] =	ssyncadd.s32 $0xFFFF8000  }
0x763: {  	_ =	sfence.sel $0x180000  }
0x764: {  	[bflag:$0x0] =	sbarrier.arrive $0xFFFF  }
0x765: {  	_ =	strace $0x90000047  }
0x766: {  	s0 =	stileid.u32;
	[bflag:$0x2] =	sbarrier.arrive $0xFFFF  }
0x767: {  	p0 =	sne.s32 s0, $0x0;
	s0 =	rddreg [dreg:$0x2]  }
0x768: {  	s0 =	sadd.s32 @!p0 $0x100000, s0  }
0x769: {  	[sflag:s0] =	ssyncadd.tile.s32 @!p0 $0x1;
	_ =	shalt  }
.Lfunc_end2:
_tile_overlayer_lowered:
.L_overlay_start_2:
0x76a: {  	(tag) =	ssettag $0x2  }
0x76b: {  	s0 =	rddreg [dreg:$0x0];
	s2 =	stileid.u32  }
0x76c: {  	s1 =	rddreg [dreg:$0x1];
	p0 =	sne.s32 s2, $0x0  }
0x76d: {  	s3 =	rddreg [dreg:$0x2];
	[bflag:$0x3] =	sbarrier.arrive $0xFFFF;
	s2 =	simm.s32 @!p0 $0x1C03  }
0x76e: {  	[timem:s3], [sflag:s2] =	dma.local @!p0 [hbm:s0], s1  }
0x76f: {  	s0 =	simm.s32 @!p0 $0x3  }
0x770: {  	_ =	swait.ge @!p0 [sflag:s0], s1  }
0x771: {  	s1 =	ssub.s32 @!p0 $0x0, s1;
	[sflag:s0] =	ssyncset.done @!p0 $0x0  }
0x772: {  	[sflag:s0] =	ssyncadd.s32 @!p0 s1  }
0x773: {  	[bflag:$0x3] =	sbarrier.arrive $0xFFFF  }
0x774: {  	_ =	shalt  }

</sc_bundles>
